<compile_context>
chip_gen: v7x
topology: tpu7x:2x2x1
jax: 0.10.2.dev20260603
libtpu: 0.0.44.dev20260713+nightly
codegen_flags: <defaults>
</compile_context>

<pallas_src>
import functools
import math

import jax
import jax.numpy as jnp
from jax import lax
from jax.experimental import pallas as pl
from jax.experimental.pallas import tpu as pltpu
from jax.experimental.pallas import tpu_sc as plsc

N_TOK = 131072
TDIM = 32
TABLE_FEAT = 16
NUM_TABLES = 6
NUM_GEO = 8
NUM_RENDER = 8
SCENE_TILE = 24
RENDER_OUT = 8

BLK_A = 2048
BLK_C = 2048

SC_NC, SC_NS = 2, 16
NW = SC_NC * SC_NS
CH = 256
NBUF = 3


def _rank_topk_weights_t(logits, k, nrows):
    in_top_list = []
    for j in range(nrows):
        lj = logits[j:j + 1, :]
        gt = jnp.sum((logits > lj).astype(jnp.float32), axis=0, keepdims=True)
        if j > 0:
            gt = gt + jnp.sum((logits[:j, :] == lj).astype(jnp.float32),
                              axis=0, keepdims=True)
        in_top_list.append((gt < k).astype(jnp.float32))
    in_top = jnp.concatenate(in_top_list, axis=0)
    m = jnp.max(logits, axis=0, keepdims=True)
    e = jnp.exp(logits - m) * in_top
    denom = jnp.sum(e, axis=0, keepdims=True)
    return e / denom


def _seg_t(xt, WpT, bp, W1T, b1, g, W2T, b2):
    xp = jnp.dot(WpT, xt, preferred_element_type=jnp.float32) + bp
    s = jnp.sin(xp)
    c = jnp.cos(xp)
    h = jnp.concatenate([s, s * jax.nn.sigmoid(s), c, c * jax.nn.sigmoid(c)],
                        axis=0)
    h = jnp.dot(W1T, h, preferred_element_type=jnp.float32) + b1
    rms = jnp.sqrt(jnp.sum(h * h, axis=0, keepdims=True)) / math.sqrt(h.shape[0])
    h = g * h / (rms + 1e-8)
    return jnp.dot(W2T, h, preferred_element_type=jnp.float32) + b2


def _kernel_a(xt_ref,
              gWp, gbp, gW1, gb1, gg, gW2, gb2,
              o_ref, r1W, r1b, r2W, r2b, f1W, f2W, f2b, fg, f3W, f3b,
              lin_ref, wt_ref, wr_ref):
    xt = xt_ref[...]
    x = xt[0:3, :]
    t2 = xt[3:4, :]

    logits = []
    for gi, nout in ((0, NUM_GEO), (1, NUM_TABLES), (2, NUM_RENDER)):
        logits.append(_seg_t(xt, gWp[gi], gbp[gi][:, None], gW1[gi],
                             gb1[gi][:, None], gg[gi][:, None],
                             gW2[gi][:nout], gb2[gi][:nout, None]))
    geo_logits, table_logits, render_logits = logits

    wg = _rank_topk_weights_t(geo_logits, 1, NUM_GEO)
    coords3 = jnp.zeros((3, xt.shape[1]), jnp.float32)
    for e in range(NUM_GEO):
        diff = x - o_ref[e][:, None]
        dist = jnp.sqrt(jnp.sum(diff * diff, axis=0, keepdims=True))
        alpha = jnp.arctan2(diff[1:2, :], diff[0:1, :])
        zr = jnp.clip(diff[2:3, :] / jnp.maximum(dist, 1e-8), -1.0, 1.0)
        beta = jnp.arctan2(jnp.sqrt(jnp.maximum(1.0 - zr * zr, 0.0)), zr)
        sph = jnp.concatenate([alpha, beta, dist, t2], axis=0)
        r = jnp.dot(r1W[e], sph, preferred_element_type=jnp.float32) \
            + r1b[e][:, None]
        r = jnp.dot(r2W[e], r, preferred_element_type=jnp.float32) \
            + r2b[e][:, None]
        f = jnp.dot(f1W[e], xt, preferred_element_type=jnp.float32)
        a = f[:14, :]
        gate = f[14:, :]
        f = gate * jax.nn.sigmoid(gate) * a
        f = jnp.dot(f2W[e], f, preferred_element_type=jnp.float32) \
            + f2b[e][:, None]
        rms = jnp.sqrt(jnp.sum(f * f, axis=0, keepdims=True)) / math.sqrt(14.0)
        f = fg[e][:, None] * f / (rms + 1e-8)
        f = jnp.dot(f3W[e], f, preferred_element_type=jnp.float32) \
            + f3b[e][:, None]
        ge_out = jax.nn.sigmoid(r + f)
        if e == 0:
            coords3 = coords3 + ge_out
        else:
            coords3 = coords3 + wg[e - 1:e, :] * ge_out
    coords3 = jnp.clip(coords3, 0.0, 1.0)

    coords4 = jnp.concatenate([coords3, jnp.clip(t2, 0.0, 1.0)], axis=0)
    idxf = jnp.floor(coords4 * (TDIM - 1.0))
    idx = jnp.clip(idxf.astype(jnp.int32), 0, TDIM - 1)
    lin = ((idx[0:1, :] * TDIM + idx[1:2, :]) * TDIM + idx[2:3, :]) * TDIM \
        + idx[3:4, :]
    lin_ref[...] = lin

    smt = _rank_topk_weights_t(table_logits, 4, NUM_TABLES)
    ones = jnp.ones((2, xt.shape[1]), jnp.float32)
    wt_ref[...] = jnp.concatenate([ones, smt[0:4, :], ones * 0.0], axis=0)

    smr = _rank_topk_weights_t(render_logits, 2, NUM_RENDER)
    wr_ref[...] = jnp.concatenate(
        [jnp.ones((1, xt.shape[1]), jnp.float32), smr[0:7, :]], axis=0)


def _sc_gather_body(t0, t1, t2, t3, t4, t5, lin_hbm, out_hbm,
                    idx_all, rows, gsem, osem):
    tables = (t0, t1, t2, t3, t4, t5)
    wid = lax.axis_index("s") * SC_NC + lax.axis_index("c")
    tpw = N_TOK // NW
    g_cnt = tpw // CH
    wbase = wid * tpw
    pltpu.sync_copy(lin_hbm.at[pl.ds(wbase, tpw)], idx_all)

    def fire(g, b):
        for st in range(CH // 128):
            idx = idx_all.at[pl.ds(g * CH + st * 128, 128)]
            for e in range(NUM_TABLES):
                pltpu.make_async_copy(
                    tables[e].at[idx],
                    rows.at[b, e, pl.ds(st * 128, 128)],
                    gsem.at[b]).start()

    def wait_gathers(b):
        for st in range(CH // 128):
            idx = idx_all.at[pl.ds(0, 128)]
            for e in range(NUM_TABLES):
                pltpu.make_async_copy(
                    tables[e].at[idx],
                    rows.at[b, e, pl.ds(st * 128, 128)],
                    gsem.at[b]).wait()

    def copyout_start(g, b):
        for e in range(NUM_TABLES):
            pltpu.make_async_copy(
                rows.at[b, e],
                out_hbm.at[e, pl.ds(wbase + g * CH, CH)],
                osem.at[b]).start()

    def copyout_wait(g, b):
        for e in range(NUM_TABLES):
            pltpu.make_async_copy(
                rows.at[b, e],
                out_hbm.at[e, pl.ds(wbase + g * CH, CH)],
                osem.at[b]).wait()

    fire(0, 0)
    fire(1, 1)

    def body(g, carry):
        b = g % NBUF
        bn = (g + 2) % NBUF

        @pl.when(g >= 1)
        def _():
            copyout_wait(g - 1, bn)

        @pl.when(g + 2 < g_cnt)
        def _():
            fire(g + 2, bn)

        wait_gathers(b)
        copyout_start(g, b)
        return carry

    lax.fori_loop(0, g_cnt, body, 0)
    copyout_wait(g_cnt - 1, (g_cnt - 1) % NBUF)


def _kernel_c(g6_ref, wt_ref, wr_ref, Wp_ref, bp_ref, W1_ref, b1_ref, g_ref,
              W2_ref, b2_ref, out_ref):
    g6 = g6_ref[...]
    wt = wt_ref[...]
    feat = g6[0] + g6[1]
    for j in range(4):
        feat = feat + wt[2 + j:3 + j, :] * g6[2 + j]
    wr = wr_ref[...]
    xp = jnp.dot(Wp_ref[...], feat, preferred_element_type=jnp.float32) \
        + bp_ref[...][:, None]
    s = jnp.sin(xp)
    c = jnp.cos(xp)
    out = jnp.zeros((RENDER_OUT, feat.shape[1]), jnp.float32)
    for e in range(NUM_RENDER):
        se = s[16 * e:16 * e + 16, :]
        ce = c[16 * e:16 * e + 16, :]
        h = jnp.concatenate([se, se * jax.nn.sigmoid(se),
                             ce, ce * jax.nn.sigmoid(ce)], axis=0)
        h = jnp.dot(W1_ref[e], h, preferred_element_type=jnp.float32) \
            + b1_ref[e][:, None]
        rms = jnp.sqrt(jnp.sum(h * h, axis=0, keepdims=True)) / 8.0
        h = g_ref[e][:, None] * h / (rms + 1e-8)
        o = jnp.dot(W2_ref[e], h, preferred_element_type=jnp.float32) \
            + b2_ref[e][:, None]
        out = out + wr[e:e + 1, :] * o
    out_ref[...] = out


def _stack_gate(params_list, key):
    segs = [p[key] for p in params_list]
    return segs


def kernel(x, t, params):
    n = x.shape[0]
    xtT = jnp.concatenate([x.T, t[None, :]], axis=0)

    gates = [params["geo_gate"], params["table_gate"], params["render_gate"]]
    gWp = jnp.stack([g["proj"]["W"].T for g in gates])
    gbp = jnp.stack([g["proj"]["b"] for g in gates])
    gW1 = jnp.stack([g["lin1"]["W"].T for g in gates])
    gb1 = jnp.stack([g["lin1"]["b"] for g in gates])
    gg = jnp.stack([g["g"] for g in gates])
    gW2 = jnp.stack([jnp.pad(g["lin2"]["W"].T,
                             ((0, 8 - g["lin2"]["W"].shape[1]), (0, 0)))
                     for g in gates])
    gb2 = jnp.stack([jnp.pad(g["lin2"]["b"], (0, 8 - g["lin2"]["b"].shape[0]))
                     for g in gates])

    ge = params["geo_experts"]
    o_st = jnp.stack([p["origin"] for p in ge])
    r1W = jnp.stack([p["res1"]["W"].T for p in ge])
    r1b = jnp.stack([p["res1"]["b"] for p in ge])
    r2W = jnp.stack([p["res2"]["W"].T for p in ge])
    r2b = jnp.stack([p["res2"]["b"] for p in ge])
    f1W = jnp.stack([p["feat1"]["W"].T for p in ge])
    f2W = jnp.stack([p["feat2"]["W"].T for p in ge])
    f2b = jnp.stack([p["feat2"]["b"] for p in ge])
    fg = jnp.stack([p["fg"] for p in ge])
    f3W = jnp.stack([p["feat3"]["W"].T for p in ge])
    f3b = jnp.stack([p["feat3"]["b"] for p in ge])

    grid_a = n // BLK_A
    full = lambda shp: pl.BlockSpec(shp, lambda i: (0,) * len(shp))
    lin, wt, wr = pl.pallas_call(
        _kernel_a,
        grid=(grid_a,),
        in_specs=[
            pl.BlockSpec((4, BLK_A), lambda i: (0, i)),
            full((3, 4, 4)), full((3, 4)), full((3, 16, 16)), full((3, 16)),
            full((3, 16)), full((3, 8, 16)), full((3, 8)),
            full((8, 3)), full((8, 14, 4)), full((8, 14)), full((8, 3, 14)),
            full((8, 3)), full((8, 28, 4)), full((8, 14, 14)), full((8, 14)),
            full((8, 14)), full((8, 3, 14)), full((8, 3)),
        ],
        out_specs=[
            pl.BlockSpec((1, BLK_A), lambda i: (0, i)),
            pl.BlockSpec((8, BLK_A), lambda i: (0, i)),
            pl.BlockSpec((8, BLK_A), lambda i: (0, i)),
        ],
        out_shape=[
            jax.ShapeDtypeStruct((1, n), jnp.int32),
            jax.ShapeDtypeStruct((8, n), jnp.float32),
            jax.ShapeDtypeStruct((8, n), jnp.float32),
        ],
    )(xtT, gWp, gbp, gW1, gb1, gg, gW2, gb2,
      o_st, r1W, r1b, r2W, r2b, f1W, f2W, f2b, fg, f3W, f3b)

    lin1d = lin[0, :]
    tbl = [params["tables"][e].reshape(-1, TABLE_FEAT)
           for e in range(NUM_TABLES)]
    mesh = plsc.VectorSubcoreMesh(core_axis_name="c", subcore_axis_name="s")
    g6 = pl.kernel(
        _sc_gather_body,
        out_type=jax.ShapeDtypeStruct((NUM_TABLES, n, TABLE_FEAT),
                                      jnp.float32),
        mesh=mesh,
        compiler_params=pltpu.CompilerParams(use_tc_tiling_on_sc=False),
        scratch_types=[
            pltpu.VMEM((n // NW,), jnp.int32),
            pltpu.VMEM((NBUF, NUM_TABLES, CH, TABLE_FEAT), jnp.float32),
            pltpu.SemaphoreType.DMA((NBUF,)),
            pltpu.SemaphoreType.DMA((NBUF,)),
        ],
    )(*tbl, lin1d)

    re = params["render_experts"]
    WpT_eff = jnp.concatenate(
        [p["proj"]["W"].reshape(SCENE_TILE, TABLE_FEAT, 16).sum(0)
         for p in re], axis=1).T
    bp_eff = jnp.concatenate([p["proj"]["b"] for p in re])
    W1 = jnp.stack([p["lin1"]["W"].T for p in re])
    b1 = jnp.stack([p["lin1"]["b"] for p in re])
    gR = jnp.stack([p["g"] for p in re])
    W2 = jnp.stack([p["lin2"]["W"].T for p in re])
    b2 = jnp.stack([p["lin2"]["b"] for p in re])

    g6t = jnp.swapaxes(g6, 1, 2)
    grid_c = n // BLK_C
    out = pl.pallas_call(
        _kernel_c,
        grid=(grid_c,),
        in_specs=[
            pl.BlockSpec((NUM_TABLES, 16, BLK_C), lambda i: (0, 0, i)),
            pl.BlockSpec((8, BLK_C), lambda i: (0, i)),
            pl.BlockSpec((8, BLK_C), lambda i: (0, i)),
            full((128, 16)), full((128,)), full((8, 64, 64)), full((8, 64)),
            full((8, 64)), full((8, 8, 64)), full((8, 8)),
        ],
        out_specs=pl.BlockSpec((8, BLK_C), lambda i: (0, i)),
        out_shape=jax.ShapeDtypeStruct((RENDER_OUT, n), jnp.float32),
    )(g6t, wt, wr, WpT_eff, bp_eff, W1, b1, gR, W2, b2)
    return out.T

# --- scband reference (transcript-rebuilt; emitter-appended) ---
"""Pipeline reference for scband-moe-space-time-model-89498528514777 (READ-ONLY COPY).

The authoritative reference and input builder live on the scoring server;
editing this copy changes nothing except your own understanding.
"""

import jax, jax.numpy as jnp
import numpy as np

N = 131072
TABLE_DIMS = (32, 32, 32, 32)
TABLE_FEAT = 16
NUM_TABLE_EXPERTS = 6
TABLE_TOPK = 4
TABLE_DEFAULT = 2
NUM_GEO = 8
GEO_TOPK = 1
GEO_DEFAULT = 1
NUM_RENDER = 8
RENDER_TOPK = 2
RENDER_DEFAULT = 1
SCENE_TILE = 24
SCENE_FEAT = SCENE_TILE * TABLE_FEAT
RENDER_OUT = 8


def _lin(key, din, dout, bias=True):
    k1, k2 = jax.random.split(key)
    s = 1.0 / np.sqrt(din)
    p = {"W": jax.random.uniform(k1, (din, dout), jnp.float32, -s, s)}
    if bias:
        p["b"] = jax.random.uniform(k2, (dout,), jnp.float32, -s, s)
    return p


def _seg_init(key, din, inner, dout):
    ks = jax.random.split(key, 3)
    return {"proj": _lin(ks[0], din, inner // 4),
            "lin1": _lin(ks[1], inner, inner),
            "g": jnp.ones((inner,), jnp.float32),
            "lin2": _lin(ks[2], inner, dout)}


def _geo_init(key):
    ks = jax.random.split(key, 5)
    return {"origin": jnp.zeros((3,), jnp.float32),
            "res1": _lin(ks[0], 4, 14),
            "res2": _lin(ks[1], 14, 3),
            "feat1": _lin(ks[2], 4, 28, bias=False),
            "feat2": _lin(ks[3], 14, 14),
            "fg": jnp.ones((14,), jnp.float32),
            "feat3": _lin(ks[4], 14, 3)}


def setup_inputs(seed: int = 0):
    key = jax.random.key(seed)
    ks = jax.random.split(key, 8)
    x = jax.random.normal(ks[0], (N, 3), jnp.float32)
    t = jax.random.uniform(ks[1], (N,), jnp.float32)
    gk = jax.random.split(ks[2], NUM_GEO)
    tk = jax.random.split(ks[3], NUM_TABLE_EXPERTS)
    rk = jax.random.split(ks[4], NUM_RENDER)
    params = {
        "geo_gate": _seg_init(ks[5], 4, 16, NUM_GEO),
        "geo_experts": [_geo_init(k) for k in gk],
        "table_gate": _seg_init(ks[6], 4, 16, NUM_TABLE_EXPERTS),
        "tables": [jax.random.normal(k, TABLE_DIMS + (TABLE_FEAT,), jnp.float32) for k in tk],
        "render_gate": _seg_init(ks[7], 4, 16, NUM_RENDER),
        "render_experts": [_seg_init(k, SCENE_FEAT, 64, RENDER_OUT) for k in rk],
    }
    return {"x": x, "t": t, "params": params}


def _rmsnorm(h, g, eps=1e-8):
    d = h.shape[-1]
    rms = jnp.linalg.norm(h, axis=-1, keepdims=True) / np.sqrt(d)
    return g * h / (rms + eps)


def _seg_fwd(p, x):
    xp = x @ p["proj"]["W"] + p["proj"]["b"]
    s = jnp.sin(xp)
    c = jnp.cos(xp)
    h = jnp.concatenate([s, jax.nn.silu(s), c, jax.nn.silu(c)], axis=-1)
    h = h @ p["lin1"]["W"] + p["lin1"]["b"]
    h = _rmsnorm(h, p["g"])
    return h @ p["lin2"]["W"] + p["lin2"]["b"]


def _geo_fwd(p, x, t2):
    diff = x - p["origin"]
    dist = jnp.sqrt(jnp.sum(diff ** 2, axis=1, keepdims=True))
    alpha = jnp.arctan2(diff[:, 1], diff[:, 0])[:, None]
    beta = jnp.arccos(jnp.clip(diff[:, 2:3] / jnp.maximum(dist, 1e-8), -1.0, 1.0))
    sph = jnp.concatenate([alpha, beta, dist, t2], axis=1)
    r = sph @ p["res1"]["W"] + p["res1"]["b"]
    r = r @ p["res2"]["W"] + p["res2"]["b"]
    f = jnp.concatenate([x, t2], axis=1) @ p["feat1"]["W"]
    a, g = jnp.split(f, 2, axis=-1)
    f = jax.nn.silu(g) * a
    f = f @ p["feat2"]["W"] + p["feat2"]["b"]
    f = _rmsnorm(f, p["fg"])
    f = f @ p["feat3"]["W"] + p["feat3"]["b"]
    return jax.nn.sigmoid(r + f)


def _table_lookup(table, idx):
    return table[idx[:, 0], idx[:, 1], idx[:, 2], idx[:, 3]]


def _moe(gate_logits, expert_outs, top_k, n_default):
    w, sel = jax.lax.top_k(gate_logits, top_k)
    w = jax.nn.softmax(w, axis=1)
    out = jnp.zeros_like(expert_outs[0])
    for i in range(n_default):
        out = out + expert_outs[i]
    for i in range(n_default, len(expert_outs)):
        wi = jnp.sum(w * (sel == (i - n_default)).astype(w.dtype), axis=1, keepdims=True)
        out = out + wi * expert_outs[i]
    return out


def reference(x, t, params):
    t2 = t[:, None]
    inp4 = jnp.concatenate([x, t2], axis=1)
    geo_logits = _seg_fwd(params["geo_gate"], inp4)
    geo_outs = [_geo_fwd(p, x, t2) for p in params["geo_experts"]]
    coords3 = jnp.clip(_moe(geo_logits, geo_outs, GEO_TOPK, GEO_DEFAULT), 0.0, 1.0)
    coords4 = jnp.concatenate([coords3, jnp.clip(t2, 0.0, 1.0)], axis=1)
    scale = jnp.asarray(TABLE_DIMS, jnp.float32) - 1.0
    idx = jnp.clip((coords4 * scale).astype(jnp.int32), 0, jnp.asarray(TABLE_DIMS, jnp.int32) - 1)
    table_logits = _seg_fwd(params["table_gate"], inp4)
    table_outs = [_table_lookup(tb, idx) for tb in params["tables"]]
    feat = _moe(table_logits, table_outs, TABLE_TOPK, TABLE_DEFAULT)
    scene = jnp.tile(feat, (1, SCENE_TILE))
    render_logits = _seg_fwd(params["render_gate"], inp4)
    render_outs = [_seg_fwd(p, scene) for p in params["render_experts"]]
    return _moe(render_logits, render_outs, RENDER_TOPK, RENDER_DEFAULT)

if __name__ == "__main__":
    import jax
    _d = setup_inputs()
    print(jax.jit(kernel)(*tuple(_d.values())))

</pallas_src>

<mosaic_0001>
#map = affine_map<(d0, d1) -> (0, 0)>
#map1 = affine_map<(d0, d1) -> (0)>
#map2 = affine_map<(d0, d1) -> (0, 0, 0)>
module attributes {stable_mosaic.version = 14 : i64} {
  func.func @_sc_gather_body(%arg0: i32, %arg1: i32, %arg2: memref<1048576x16xf32, #tpu.memory_space<hbm>>, %arg3: memref<1048576x16xf32, #tpu.memory_space<hbm>>, %arg4: memref<1048576x16xf32, #tpu.memory_space<hbm>>, %arg5: memref<1048576x16xf32, #tpu.memory_space<hbm>>, %arg6: memref<1048576x16xf32, #tpu.memory_space<hbm>>, %arg7: memref<1048576x16xf32, #tpu.memory_space<hbm>>, %arg8: memref<131072xi32, #tpu.memory_space<hbm>>, %arg9: memref<6x131072x16xf32, #tpu.memory_space<hbm>>, %arg10: memref<4096xi32, #tpu.memory_space<vmem>>, %arg11: memref<3x6x256x16xf32, #tpu.memory_space<vmem>>, %arg12: memref<3x!tpu.dma_semaphore, #tpu.memory_space<semaphore_mem>>, %arg13: memref<3x!tpu.dma_semaphore, #tpu.memory_space<semaphore_mem>>) attributes {dimension_semantics = [#tpu.dimension_semantics<core_parallel>, #tpu.dimension_semantics<subcore_parallel>], iteration_bounds = array<i64: 2, 16>, scalar_prefetch = 0 : i64, scratch_operands = 4 : i64, tpu.core_type = #tpu.core_type<sc_vector_subcore>, window_params = [{transform_indices = #map}, {transform_indices = #map}, {transform_indices = #map}, {transform_indices = #map}, {transform_indices = #map}, {transform_indices = #map}, {transform_indices = #map1}, {transform_indices = #map2}]} {
    %mul3A = arith.constant 2 : i32
    %mul3A_0 = arith.muli %arg1, %mul3A : i32
    %add3A = arith.addi %mul3A_0, %arg0 : i32
    %mul3A_1 = arith.constant 4096 : i32
    %mul3A_2 = arith.muli %add3A, %mul3A_1 : i32
    "tpu.region"() ({
      %run_scoped3A = tpu.sem_alloc : memref<!tpu.dma_semaphore, #tpu.memory_space<semaphore_mem>>
      %dma_start3A_474 = tpu.memref_slice %arg8[%mul3A_2] : memref<131072xi32, #tpu.memory_space<hbm>> -> memref<4096xi32, #tpu.memory_space<hbm>>
      %dma_start3A_475 = tpu.memref_slice %arg8[%mul3A_2] : memref<131072xi32, #tpu.memory_space<hbm>> -> memref<4096xi32, #tpu.memory_space<hbm>>
      tpu.enqueue_dma source(%dma_start3A_475 : memref<4096xi32, #tpu.memory_space<hbm>>) target(%arg10 : memref<4096xi32, #tpu.memory_space<vmem>>) target_semaphore(%run_scoped3A : memref<!tpu.dma_semaphore, #tpu.memory_space<semaphore_mem>>)
      %dma_wait3A_476 = tpu.memref_slice %arg8[%mul3A_2] : memref<131072xi32, #tpu.memory_space<hbm>> -> memref<4096xi32, #tpu.memory_space<hbm>>
      %dma_wait3A_477 = tpu.memref_slice %arg8[%mul3A_2] : memref<131072xi32, #tpu.memory_space<hbm>> -> memref<4096xi32, #tpu.memory_space<hbm>>
      tpu.wait_dma2 semaphore(%run_scoped3A : memref<!tpu.dma_semaphore, #tpu.memory_space<semaphore_mem>>) src(%dma_wait3A_477 : memref<4096xi32, #tpu.memory_space<hbm>>) dst(%arg10 : memref<4096xi32, #tpu.memory_space<vmem>>)
      tpu.yield
    }) : () -> ()
    %dma_start3A = arith.constant 0 : i32
    %dma_start3A_3 = arith.constant 0 : i32
    %dma_start3A_4 = arith.constant 0 : i32
    %dma_start3A_5 = arith.constant 0 : i32
    %dma_start3A_6 = arith.constant 0 : i32
    %dma_start3A_7 = tpu.memref_slice %arg11[%dma_start3A, %dma_start3A_3, %dma_start3A_5, %dma_start3A_6] : memref<3x6x256x16xf32, #tpu.memory_space<vmem>> -> memref<1x1x128x16xf32, #tpu.memory_space<vmem>>
    %dma_start3A_8 = tpu.memref_squeeze %dma_start3A_7 : memref<1x1x128x16xf32, #tpu.memory_space<vmem>> -> memref<128x16xf32, #tpu.memory_space<vmem>>
    %dma_start3A_9 = arith.constant 0 : i32
    %dma_start3A_10 = tpu.memref_slice %arg10[%dma_start3A_9] : memref<4096xi32, #tpu.memory_space<vmem>> -> memref<128xi32, #tpu.memory_space<vmem>>
    %dma_start3A_11 = arith.constant 0 : i32
    %dma_start3A_12 = arith.constant 0 : i32
    %dma_start3A_13 = tpu.memref_slice %arg2[%dma_start3A_11, %dma_start3A_12] : memref<1048576x16xf32, #tpu.memory_space<hbm>> -> memref<1048576x16xf32, #tpu.memory_space<hbm>>
    %dma_start3A_14 = tpu.memref_slice %arg12[%dma_start3A_4] : memref<3x!tpu.dma_semaphore, #tpu.memory_space<semaphore_mem>> -> memref<1x!tpu.dma_semaphore, #tpu.memory_space<semaphore_mem>>
    %dma_start3A_15 = tpu.memref_squeeze %dma_start3A_14 : memref<1x!tpu.dma_semaphore, #tpu.memory_space<semaphore_mem>> -> memref<!tpu.dma_semaphore, #tpu.memory_space<semaphore_mem>>
    tpu.enqueue_indirect_dma source(%dma_start3A_13 : memref<1048576x16xf32, #tpu.memory_space<hbm>>) target(%dma_start3A_8 : memref<128x16xf32, #tpu.memory_space<vmem>>) offsets(%dma_start3A_10 : memref<128xi32, #tpu.memory_space<vmem>>) semaphore(%dma_start3A_15 : memref<!tpu.dma_semaphore, #tpu.memory_space<semaphore_mem>>)
    %dma_start3A_16 = arith.constant 0 : i32
    %dma_start3A_17 = arith.constant 1 : i32
    %dma_start3A_18 = arith.constant 0 : i32
    %dma_start3A_19 = arith.constant 0 : i32
    %dma_start3A_20 = arith.constant 0 : i32
    %dma_start3A_21 = tpu.memref_slice %arg11[%dma_start3A_16, %dma_start3A_17, %dma_start3A_19, %dma_start3A_20] : memref<3x6x256x16xf32, #tpu.memory_space<vmem>> -> memref<1x1x128x16xf32, #tpu.memory_space<vmem>>
    %dma_start3A_22 = tpu.memref_squeeze %dma_start3A_21 : memref<1x1x128x16xf32, #tpu.memory_space<vmem>> -> memref<128x16xf32, #tpu.memory_space<vmem>>
    %dma_start3A_23 = arith.constant 0 : i32
    %dma_start3A_24 = tpu.memref_slice %arg10[%dma_start3A_23] : memref<4096xi32, #tpu.memory_space<vmem>> -> memref<128xi32, #tpu.memory_space<vmem>>
    %dma_start3A_25 = arith.constant 0 : i32
    %dma_start3A_26 = arith.constant 0 : i32
    %dma_start3A_27 = tpu.memref_slice %arg3[%dma_start3A_25, %dma_start3A_26] : memref<1048576x16xf32, #tpu.memory_space<hbm>> -> memref<1048576x16xf32, #tpu.memory_space<hbm>>
    %dma_start3A_28 = tpu.memref_slice %arg12[%dma_start3A_18] : memref<3x!tpu.dma_semaphore, #tpu.memory_space<semaphore_mem>> -> memref<1x!tpu.dma_semaphore, #tpu.memory_space<semaphore_mem>>
    %dma_start3A_29 = tpu.memref_squeeze %dma_start3A_28 : memref<1x!tpu.dma_semaphore, #tpu.memory_space<semaphore_mem>> -> memref<!tpu.dma_semaphore, #tpu.memory_space<semaphore_mem>>
    tpu.enqueue_indirect_dma source(%dma_start3A_27 : memref<1048576x16xf32, #tpu.memory_space<hbm>>) target(%dma_start3A_22 : memref<128x16xf32, #tpu.memory_space<vmem>>) offsets(%dma_start3A_24 : memref<128xi32, #tpu.memory_space<vmem>>) semaphore(%dma_start3A_29 : memref<!tpu.dma_semaphore, #tpu.memory_space<semaphore_mem>>)
    %dma_start3A_30 = arith.constant 0 : i32
    %dma_start3A_31 = arith.constant 2 : i32
    %dma_start3A_32 = arith.constant 0 : i32
    %dma_start3A_33 = arith.constant 0 : i32
    %dma_start3A_34 = arith.constant 0 : i32
    %dma_start3A_35 = tpu.memref_slice %arg11[%dma_start3A_30, %dma_start3A_31, %dma_start3A_33, %dma_start3A_34] : memref<3x6x256x16xf32, #tpu.memory_space<vmem>> -> memref<1x1x128x16xf32, #tpu.memory_space<vmem>>
    %dma_start3A_36 = tpu.memref_squeeze %dma_start3A_35 : memref<1x1x128x16xf32, #tpu.memory_space<vmem>> -> memref<128x16xf32, #tpu.memory_space<vmem>>
    %dma_start3A_37 = arith.constant 0 : i32
    %dma_start3A_38 = tpu.memref_slice %arg10[%dma_start3A_37] : memref<4096xi32, #tpu.memory_space<vmem>> -> memref<128xi32, #tpu.memory_space<vmem>>
    %dma_start3A_39 = arith.constant 0 : i32
    %dma_start3A_40 = arith.constant 0 : i32
    %dma_start3A_41 = tpu.memref_slice %arg4[%dma_start3A_39, %dma_start3A_40] : memref<1048576x16xf32, #tpu.memory_space<hbm>> -> memref<1048576x16xf32, #tpu.memory_space<hbm>>
    %dma_start3A_42 = tpu.memref_slice %arg12[%dma_start3A_32] : memref<3x!tpu.dma_semaphore, #tpu.memory_space<semaphore_mem>> -> memref<1x!tpu.dma_semaphore, #tpu.memory_space<semaphore_mem>>
    %dma_start3A_43 = tpu.memref_squeeze %dma_start3A_42 : memref<1x!tpu.dma_semaphore, #tpu.memory_space<semaphore_mem>> -> memref<!tpu.dma_semaphore, #tpu.memory_space<semaphore_mem>>
    tpu.enqueue_indirect_dma source(%dma_start3A_41 : memref<1048576x16xf32, #tpu.memory_space<hbm>>) target(%dma_start3A_36 : memref<128x16xf32, #tpu.memory_space<vmem>>) offsets(%dma_start3A_38 : memref<128xi32, #tpu.memory_space<vmem>>) semaphore(%dma_start3A_43 : memref<!tpu.dma_semaphore, #tpu.memory_space<semaphore_mem>>)
    %dma_start3A_44 = arith.constant 0 : i32
    %dma_start3A_45 = arith.constant 3 : i32
    %dma_start3A_46 = arith.constant 0 : i32
    %dma_start3A_47 = arith.constant 0 : i32
    %dma_start3A_48 = arith.constant 0 : i32
    %dma_start3A_49 = tpu.memref_slice %arg11[%dma_start3A_44, %dma_start3A_45, %dma_start3A_47, %dma_start3A_48] : memref<3x6x256x16xf32, #tpu.memory_space<vmem>> -> memref<1x1x128x16xf32, #tpu.memory_space<vmem>>
    %dma_start3A_50 = tpu.memref_squeeze %dma_start3A_49 : memref<1x1x128x16xf32, #tpu.memory_space<vmem>> -> memref<128x16xf32, #tpu.memory_space<vmem>>
    %dma_start3A_51 = arith.constant 0 : i32
    %dma_start3A_52 = tpu.memref_slice %arg10[%dma_start3A_51] : memref<4096xi32, #tpu.memory_space<vmem>> -> memref<128xi32, #tpu.memory_space<vmem>>
    %dma_start3A_53 = arith.constant 0 : i32
    %dma_start3A_54 = arith.constant 0 : i32
    %dma_start3A_55 = tpu.memref_slice %arg5[%dma_start3A_53, %dma_start3A_54] : memref<1048576x16xf32, #tpu.memory_space<hbm>> -> memref<1048576x16xf32, #tpu.memory_space<hbm>>
    %dma_start3A_56 = tpu.memref_slice %arg12[%dma_start3A_46] : memref<3x!tpu.dma_semaphore, #tpu.memory_space<semaphore_mem>> -> memref<1x!tpu.dma_semaphore, #tpu.memory_space<semaphore_mem>>
    %dma_start3A_57 = tpu.memref_squeeze %dma_start3A_56 : memref<1x!tpu.dma_semaphore, #tpu.memory_space<semaphore_mem>> -> memref<!tpu.dma_semaphore, #tpu.memory_space<semaphore_mem>>
    tpu.enqueue_indirect_dma source(%dma_start3A_55 : memref<1048576x16xf32, #tpu.memory_space<hbm>>) target(%dma_start3A_50 : memref<128x16xf32, #tpu.memory_space<vmem>>) offsets(%dma_start3A_52 : memref<128xi32, #tpu.memory_space<vmem>>) semaphore(%dma_start3A_57 : memref<!tpu.dma_semaphore, #tpu.memory_space<semaphore_mem>>)
    %dma_start3A_58 = arith.constant 0 : i32
    %dma_start3A_59 = arith.constant 4 : i32
    %dma_start3A_60 = arith.constant 0 : i32
    %dma_start3A_61 = arith.constant 0 : i32
    %dma_start3A_62 = arith.constant 0 : i32
    %dma_start3A_63 = tpu.memref_slice %arg11[%dma_start3A_58, %dma_start3A_59, %dma_start3A_61, %dma_start3A_62] : memref<3x6x256x16xf32, #tpu.memory_space<vmem>> -> memref<1x1x128x16xf32, #tpu.memory_space<vmem>>
    %dma_start3A_64 = tpu.memref_squeeze %dma_start3A_63 : memref<1x1x128x16xf32, #tpu.memory_space<vmem>> -> memref<128x16xf32, #tpu.memory_space<vmem>>
    %dma_start3A_65 = arith.constant 0 : i32
    %dma_start3A_66 = tpu.memref_slice %arg10[%dma_start3A_65] : memref<4096xi32, #tpu.memory_space<vmem>> -> memref<128xi32, #tpu.memory_space<vmem>>
    %dma_start3A_67 = arith.constant 0 : i32
    %dma_start3A_68 = arith.constant 0 : i32
    %dma_start3A_69 = tpu.memref_slice %arg6[%dma_start3A_67, %dma_start3A_68] : memref<1048576x16xf32, #tpu.memory_space<hbm>> -> memref<1048576x16xf32, #tpu.memory_space<hbm>>
    %dma_start3A_70 = tpu.memref_slice %arg12[%dma_start3A_60] : memref<3x!tpu.dma_semaphore, #tpu.memory_space<semaphore_mem>> -> memref<1x!tpu.dma_semaphore, #tpu.memory_space<semaphore_mem>>
    %dma_start3A_71 = tpu.memref_squeeze %dma_start3A_70 : memref<1x!tpu.dma_semaphore, #tpu.memory_space<semaphore_mem>> -> memref<!tpu.dma_semaphore, #tpu.memory_space<semaphore_mem>>
    tpu.enqueue_indirect_dma source(%dma_start3A_69 : memref<1048576x16xf32, #tpu.memory_space<hbm>>) target(%dma_start3A_64 : memref<128x16xf32, #tpu.memory_space<vmem>>) offsets(%dma_start3A_66 : memref<128xi32, #tpu.memory_space<vmem>>) semaphore(%dma_start3A_71 : memref<!tpu.dma_semaphore, #tpu.memory_space<semaphore_mem>>)
    %dma_start3A_72 = arith.constant 0 : i32
    %dma_start3A_73 = arith.constant 5 : i32
    %dma_start3A_74 = arith.constant 0 : i32
    %dma_start3A_75 = arith.constant 0 : i32
    %dma_start3A_76 = arith.constant 0 : i32
    %dma_start3A_77 = tpu.memref_slice %arg11[%dma_start3A_72, %dma_start3A_73, %dma_start3A_75, %dma_start3A_76] : memref<3x6x256x16xf32, #tpu.memory_space<vmem>> -> memref<1x1x128x16xf32, #tpu.memory_space<vmem>>
    %dma_start3A_78 = tpu.memref_squeeze %dma_start3A_77 : memref<1x1x128x16xf32, #tpu.memory_space<vmem>> -> memref<128x16xf32, #tpu.memory_space<vmem>>
    %dma_start3A_79 = arith.constant 0 : i32
    %dma_start3A_80 = tpu.memref_slice %arg10[%dma_start3A_79] : memref<4096xi32, #tpu.memory_space<vmem>> -> memref<128xi32, #tpu.memory_space<vmem>>
    %dma_start3A_81 = arith.constant 0 : i32
    %dma_start3A_82 = arith.constant 0 : i32
    %dma_start3A_83 = tpu.memref_slice %arg7[%dma_start3A_81, %dma_start3A_82] : memref<1048576x16xf32, #tpu.memory_space<hbm>> -> memref<1048576x16xf32, #tpu.memory_space<hbm>>
    %dma_start3A_84 = tpu.memref_slice %arg12[%dma_start3A_74] : memref<3x!tpu.dma_semaphore, #tpu.memory_space<semaphore_mem>> -> memref<1x!tpu.dma_semaphore, #tpu.memory_space<semaphore_mem>>
    %dma_start3A_85 = tpu.memref_squeeze %dma_start3A_84 : memref<1x!tpu.dma_semaphore, #tpu.memory_space<semaphore_mem>> -> memref<!tpu.dma_semaphore, #tpu.memory_space<semaphore_mem>>
    tpu.enqueue_indirect_dma source(%dma_start3A_83 : memref<1048576x16xf32, #tpu.memory_space<hbm>>) target(%dma_start3A_78 : memref<128x16xf32, #tpu.memory_space<vmem>>) offsets(%dma_start3A_80 : memref<128xi32, #tpu.memory_space<vmem>>) semaphore(%dma_start3A_85 : memref<!tpu.dma_semaphore, #tpu.memory_space<semaphore_mem>>)
    %dma_start3A_86 = arith.constant 0 : i32
    %dma_start3A_87 = arith.constant 0 : i32
    %dma_start3A_88 = arith.constant 0 : i32
    %dma_start3A_89 = arith.constant 128 : i32
    %dma_start3A_90 = arith.constant 0 : i32
    %dma_start3A_91 = tpu.memref_slice %arg11[%dma_start3A_86, %dma_start3A_87, %dma_start3A_89, %dma_start3A_90] : memref<3x6x256x16xf32, #tpu.memory_space<vmem>> -> memref<1x1x128x16xf32, #tpu.memory_space<vmem>>
    %dma_start3A_92 = tpu.memref_squeeze %dma_start3A_91 : memref<1x1x128x16xf32, #tpu.memory_space<vmem>> -> memref<128x16xf32, #tpu.memory_space<vmem>>
    %dma_start3A_93 = arith.constant 128 : i32
    %dma_start3A_94 = tpu.memref_slice %arg10[%dma_start3A_93] : memref<4096xi32, #tpu.memory_space<vmem>> -> memref<128xi32, #tpu.memory_space<vmem>>
    %dma_start3A_95 = arith.constant 0 : i32
    %dma_start3A_96 = arith.constant 0 : i32
    %dma_start3A_97 = tpu.memref_slice %arg2[%dma_start3A_95, %dma_start3A_96] : memref<1048576x16xf32, #tpu.memory_space<hbm>> -> memref<1048576x16xf32, #tpu.memory_space<hbm>>
    %dma_start3A_98 = tpu.memref_slice %arg12[%dma_start3A_88] : memref<3x!tpu.dma_semaphore, #tpu.memory_space<semaphore_mem>> -> memref<1x!tpu.dma_semaphore, #tpu.memory_space<semaphore_mem>>
    %dma_start3A_99 = tpu.memref_squeeze %dma_start3A_98 : memref<1x!tpu.dma_semaphore, #tpu.memory_space<semaphore_mem>> -> memref<!tpu.dma_semaphore, #tpu.memory_space<semaphore_mem>>
    tpu.enqueue_indirect_dma source(%dma_start3A_97 : memref<1048576x16xf32, #tpu.memory_space<hbm>>) target(%dma_start3A_92 : memref<128x16xf32, #tpu.memory_space<vmem>>) offsets(%dma_start3A_94 : memref<128xi32, #tpu.memory_space<vmem>>) semaphore(%dma_start3A_99 : memref<!tpu.dma_semaphore, #tpu.memory_space<semaphore_mem>>)
    %dma_start3A_100 = arith.constant 0 : i32
    %dma_start3A_101 = arith.constant 1 : i32
    %dma_start3A_102 = arith.constant 0 : i32
    %dma_start3A_103 = arith.constant 128 : i32
    %dma_start3A_104 = arith.constant 0 : i32
    %dma_start3A_105 = tpu.memref_slice %arg11[%dma_start3A_100, %dma_start3A_101, %dma_start3A_103, %dma_start3A_104] : memref<3x6x256x16xf32, #tpu.memory_space<vmem>> -> memref<1x1x128x16xf32, #tpu.memory_space<vmem>>
    %dma_start3A_106 = tpu.memref_squeeze %dma_start3A_105 : memref<1x1x128x16xf32, #tpu.memory_space<vmem>> -> memref<128x16xf32, #tpu.memory_space<vmem>>
    %dma_start3A_107 = arith.constant 128 : i32
    %dma_start3A_108 = tpu.memref_slice %arg10[%dma_start3A_107] : memref<4096xi32, #tpu.memory_space<vmem>> -> memref<128xi32, #tpu.memory_space<vmem>>
    %dma_start3A_109 = arith.constant 0 : i32
    %dma_start3A_110 = arith.constant 0 : i32
    %dma_start3A_111 = tpu.memref_slice %arg3[%dma_start3A_109, %dma_start3A_110] : memref<1048576x16xf32, #tpu.memory_space<hbm>> -> memref<1048576x16xf32, #tpu.memory_space<hbm>>
    %dma_start3A_112 = tpu.memref_slice %arg12[%dma_start3A_102] : memref<3x!tpu.dma_semaphore, #tpu.memory_space<semaphore_mem>> -> memref<1x!tpu.dma_semaphore, #tpu.memory_space<semaphore_mem>>
    %dma_start3A_113 = tpu.memref_squeeze %dma_start3A_112 : memref<1x!tpu.dma_semaphore, #tpu.memory_space<semaphore_mem>> -> memref<!tpu.dma_semaphore, #tpu.memory_space<semaphore_mem>>
    tpu.enqueue_indirect_dma source(%dma_start3A_111 : memref<1048576x16xf32, #tpu.memory_space<hbm>>) target(%dma_start3A_106 : memref<128x16xf32, #tpu.memory_space<vmem>>) offsets(%dma_start3A_108 : memref<128xi32, #tpu.memory_space<vmem>>) semaphore(%dma_start3A_113 : memref<!tpu.dma_semaphore, #tpu.memory_space<semaphore_mem>>)
    %dma_start3A_114 = arith.constant 0 : i32
    %dma_start3A_115 = arith.constant 2 : i32
    %dma_start3A_116 = arith.constant 0 : i32
    %dma_start3A_117 = arith.constant 128 : i32
    %dma_start3A_118 = arith.constant 0 : i32
    %dma_start3A_119 = tpu.memref_slice %arg11[%dma_start3A_114, %dma_start3A_115, %dma_start3A_117, %dma_start3A_118] : memref<3x6x256x16xf32, #tpu.memory_space<vmem>> -> memref<1x1x128x16xf32, #tpu.memory_space<vmem>>
    %dma_start3A_120 = tpu.memref_squeeze %dma_start3A_119 : memref<1x1x128x16xf32, #tpu.memory_space<vmem>> -> memref<128x16xf32, #tpu.memory_space<vmem>>
    %dma_start3A_121 = arith.constant 128 : i32
    %dma_start3A_122 = tpu.memref_slice %arg10[%dma_start3A_121] : memref<4096xi32, #tpu.memory_space<vmem>> -> memref<128xi32, #tpu.memory_space<vmem>>
    %dma_start3A_123 = arith.constant 0 : i32
    %dma_start3A_124 = arith.constant 0 : i32
    %dma_start3A_125 = tpu.memref_slice %arg4[%dma_start3A_123, %dma_start3A_124] : memref<1048576x16xf32, #tpu.memory_space<hbm>> -> memref<1048576x16xf32, #tpu.memory_space<hbm>>
    %dma_start3A_126 = tpu.memref_slice %arg12[%dma_start3A_116] : memref<3x!tpu.dma_semaphore, #tpu.memory_space<semaphore_mem>> -> memref<1x!tpu.dma_semaphore, #tpu.memory_space<semaphore_mem>>
    %dma_start3A_127 = tpu.memref_squeeze %dma_start3A_126 : memref<1x!tpu.dma_semaphore, #tpu.memory_space<semaphore_mem>> -> memref<!tpu.dma_semaphore, #tpu.memory_space<semaphore_mem>>
    tpu.enqueue_indirect_dma source(%dma_start3A_125 : memref<1048576x16xf32, #tpu.memory_space<hbm>>) target(%dma_start3A_120 : memref<128x16xf32, #tpu.memory_space<vmem>>) offsets(%dma_start3A_122 : memref<128xi32, #tpu.memory_space<vmem>>) semaphore(%dma_start3A_127 : memref<!tpu.dma_semaphore, #tpu.memory_space<semaphore_mem>>)
    %dma_start3A_128 = arith.constant 0 : i32
    %dma_start3A_129 = arith.constant 3 : i32
    %dma_start3A_130 = arith.constant 0 : i32
    %dma_start3A_131 = arith.constant 128 : i32
    %dma_start3A_132 = arith.constant 0 : i32
    %dma_start3A_133 = tpu.memref_slice %arg11[%dma_start3A_128, %dma_start3A_129, %dma_start3A_131, %dma_start3A_132] : memref<3x6x256x16xf32, #tpu.memory_space<vmem>> -> memref<1x1x128x16xf32, #tpu.memory_space<vmem>>
    %dma_start3A_134 = tpu.memref_squeeze %dma_start3A_133 : memref<1x1x128x16xf32, #tpu.memory_space<vmem>> -> memref<128x16xf32, #tpu.memory_space<vmem>>
    %dma_start3A_135 = arith.constant 128 : i32
    %dma_start3A_136 = tpu.memref_slice %arg10[%dma_start3A_135] : memref<4096xi32, #tpu.memory_space<vmem>> -> memref<128xi32, #tpu.memory_space<vmem>>
    %dma_start3A_137 = arith.constant 0 : i32
    %dma_start3A_138 = arith.constant 0 : i32
    %dma_start3A_139 = tpu.memref_slice %arg5[%dma_start3A_137, %dma_start3A_138] : memref<1048576x16xf32, #tpu.memory_space<hbm>> -> memref<1048576x16xf32, #tpu.memory_space<hbm>>
    %dma_start3A_140 = tpu.memref_slice %arg12[%dma_start3A_130] : memref<3x!tpu.dma_semaphore, #tpu.memory_space<semaphore_mem>> -> memref<1x!tpu.dma_semaphore, #tpu.memory_space<semaphore_mem>>
    %dma_start3A_141 = tpu.memref_squeeze %dma_start3A_140 : memref<1x!tpu.dma_semaphore, #tpu.memory_space<semaphore_mem>> -> memref<!tpu.dma_semaphore, #tpu.memory_space<semaphore_mem>>
    tpu.enqueue_indirect_dma source(%dma_start3A_139 : memref<1048576x16xf32, #tpu.memory_space<hbm>>) target(%dma_start3A_134 : memref<128x16xf32, #tpu.memory_space<vmem>>) offsets(%dma_start3A_136 : memref<128xi32, #tpu.memory_space<vmem>>) semaphore(%dma_start3A_141 : memref<!tpu.dma_semaphore, #tpu.memory_space<semaphore_mem>>)
    %dma_start3A_142 = arith.constant 0 : i32
    %dma_start3A_143 = arith.constant 4 : i32
    %dma_start3A_144 = arith.constant 0 : i32
    %dma_start3A_145 = arith.constant 128 : i32
    %dma_start3A_146 = arith.constant 0 : i32
    %dma_start3A_147 = tpu.memref_slice %arg11[%dma_start3A_142, %dma_start3A_143, %dma_start3A_145, %dma_start3A_146] : memref<3x6x256x16xf32, #tpu.memory_space<vmem>> -> memref<1x1x128x16xf32, #tpu.memory_space<vmem>>
    %dma_start3A_148 = tpu.memref_squeeze %dma_start3A_147 : memref<1x1x128x16xf32, #tpu.memory_space<vmem>> -> memref<128x16xf32, #tpu.memory_space<vmem>>
    %dma_start3A_149 = arith.constant 128 : i32
    %dma_start3A_150 = tpu.memref_slice %arg10[%dma_start3A_149] : memref<4096xi32, #tpu.memory_space<vmem>> -> memref<128xi32, #tpu.memory_space<vmem>>
    %dma_start3A_151 = arith.constant 0 : i32
    %dma_start3A_152 = arith.constant 0 : i32
    %dma_start3A_153 = tpu.memref_slice %arg6[%dma_start3A_151, %dma_start3A_152] : memref<1048576x16xf32, #tpu.memory_space<hbm>> -> memref<1048576x16xf32, #tpu.memory_space<hbm>>
    %dma_start3A_154 = tpu.memref_slice %arg12[%dma_start3A_144] : memref<3x!tpu.dma_semaphore, #tpu.memory_space<semaphore_mem>> -> memref<1x!tpu.dma_semaphore, #tpu.memory_space<semaphore_mem>>
    %dma_start3A_155 = tpu.memref_squeeze %dma_start3A_154 : memref<1x!tpu.dma_semaphore, #tpu.memory_space<semaphore_mem>> -> memref<!tpu.dma_semaphore, #tpu.memory_space<semaphore_mem>>
    tpu.enqueue_indirect_dma source(%dma_start3A_153 : memref<1048576x16xf32, #tpu.memory_space<hbm>>) target(%dma_start3A_148 : memref<128x16xf32, #tpu.memory_space<vmem>>) offsets(%dma_start3A_150 : memref<128xi32, #tpu.memory_space<vmem>>) semaphore(%dma_start3A_155 : memref<!tpu.dma_semaphore, #tpu.memory_space<semaphore_mem>>)
    %dma_start3A_156 = arith.constant 0 : i32
    %dma_start3A_157 = arith.constant 5 : i32
    %dma_start3A_158 = arith.constant 0 : i32
    %dma_start3A_159 = arith.constant 128 : i32
    %dma_start3A_160 = arith.constant 0 : i32
    %dma_start3A_161 = tpu.memref_slice %arg11[%dma_start3A_156, %dma_start3A_157, %dma_start3A_159, %dma_start3A_160] : memref<3x6x256x16xf32, #tpu.memory_space<vmem>> -> memref<1x1x128x16xf32, #tpu.memory_space<vmem>>
    %dma_start3A_162 = tpu.memref_squeeze %dma_start3A_161 : memref<1x1x128x16xf32, #tpu.memory_space<vmem>> -> memref<128x16xf32, #tpu.memory_space<vmem>>
    %dma_start3A_163 = arith.constant 128 : i32
    %dma_start3A_164 = tpu.memref_slice %arg10[%dma_start3A_163] : memref<4096xi32, #tpu.memory_space<vmem>> -> memref<128xi32, #tpu.memory_space<vmem>>
    %dma_start3A_165 = arith.constant 0 : i32
    %dma_start3A_166 = arith.constant 0 : i32
    %dma_start3A_167 = tpu.memref_slice %arg7[%dma_start3A_165, %dma_start3A_166] : memref<1048576x16xf32, #tpu.memory_space<hbm>> -> memref<1048576x16xf32, #tpu.memory_space<hbm>>
    %dma_start3A_168 = tpu.memref_slice %arg12[%dma_start3A_158] : memref<3x!tpu.dma_semaphore, #tpu.memory_space<semaphore_mem>> -> memref<1x!tpu.dma_semaphore, #tpu.memory_space<semaphore_mem>>
    %dma_start3A_169 = tpu.memref_squeeze %dma_start3A_168 : memref<1x!tpu.dma_semaphore, #tpu.memory_space<semaphore_mem>> -> memref<!tpu.dma_semaphore, #tpu.memory_space<semaphore_mem>>
    tpu.enqueue_indirect_dma source(%dma_start3A_167 : memref<1048576x16xf32, #tpu.memory_space<hbm>>) target(%dma_start3A_162 : memref<128x16xf32, #tpu.memory_space<vmem>>) offsets(%dma_start3A_164 : memref<128xi32, #tpu.memory_space<vmem>>) semaphore(%dma_start3A_169 : memref<!tpu.dma_semaphore, #tpu.memory_space<semaphore_mem>>)
    %dma_start3A_170 = arith.constant 1 : i32
    %dma_start3A_171 = arith.constant 0 : i32
    %dma_start3A_172 = arith.constant 1 : i32
    %dma_start3A_173 = arith.constant 0 : i32
    %dma_start3A_174 = arith.constant 0 : i32
    %dma_start3A_175 = tpu.memref_slice %arg11[%dma_start3A_170, %dma_start3A_171, %dma_start3A_173, %dma_start3A_174] : memref<3x6x256x16xf32, #tpu.memory_space<vmem>> -> memref<1x1x128x16xf32, #tpu.memory_space<vmem>>
    %dma_start3A_176 = tpu.memref_squeeze %dma_start3A_175 : memref<1x1x128x16xf32, #tpu.memory_space<vmem>> -> memref<128x16xf32, #tpu.memory_space<vmem>>
    %dma_start3A_177 = arith.constant 256 : i32
    %dma_start3A_178 = tpu.memref_slice %arg10[%dma_start3A_177] : memref<4096xi32, #tpu.memory_space<vmem>> -> memref<128xi32, #tpu.memory_space<vmem>>
    %dma_start3A_179 = arith.constant 0 : i32
    %dma_start3A_180 = arith.constant 0 : i32
    %dma_start3A_181 = tpu.memref_slice %arg2[%dma_start3A_179, %dma_start3A_180] : memref<1048576x16xf32, #tpu.memory_space<hbm>> -> memref<1048576x16xf32, #tpu.memory_space<hbm>>
    %dma_start3A_182 = tpu.memref_slice %arg12[%dma_start3A_172] : memref<3x!tpu.dma_semaphore, #tpu.memory_space<semaphore_mem>> -> memref<1x!tpu.dma_semaphore, #tpu.memory_space<semaphore_mem>>
    %dma_start3A_183 = tpu.memref_squeeze %dma_start3A_182 : memref<1x!tpu.dma_semaphore, #tpu.memory_space<semaphore_mem>> -> memref<!tpu.dma_semaphore, #tpu.memory_space<semaphore_mem>>
    tpu.enqueue_indirect_dma source(%dma_start3A_181 : memref<1048576x16xf32, #tpu.memory_space<hbm>>) target(%dma_start3A_176 : memref<128x16xf32, #tpu.memory_space<vmem>>) offsets(%dma_start3A_178 : memref<128xi32, #tpu.memory_space<vmem>>) semaphore(%dma_start3A_183 : memref<!tpu.dma_semaphore, #tpu.memory_space<semaphore_mem>>)
    %dma_start3A_184 = arith.constant 1 : i32
    %dma_start3A_185 = arith.constant 1 : i32
    %dma_start3A_186 = arith.constant 1 : i32
    %dma_start3A_187 = arith.constant 0 : i32
    %dma_start3A_188 = arith.constant 0 : i32
    %dma_start3A_189 = tpu.memref_slice %arg11[%dma_start3A_184, %dma_start3A_185, %dma_start3A_187, %dma_start3A_188] : memref<3x6x256x16xf32, #tpu.memory_space<vmem>> -> memref<1x1x128x16xf32, #tpu.memory_space<vmem>>
    %dma_start3A_190 = tpu.memref_squeeze %dma_start3A_189 : memref<1x1x128x16xf32, #tpu.memory_space<vmem>> -> memref<128x16xf32, #tpu.memory_space<vmem>>
    %dma_start3A_191 = arith.constant 256 : i32
    %dma_start3A_192 = tpu.memref_slice %arg10[%dma_start3A_191] : memref<4096xi32, #tpu.memory_space<vmem>> -> memref<128xi32, #tpu.memory_space<vmem>>
    %dma_start3A_193 = arith.constant 0 : i32
    %dma_start3A_194 = arith.constant 0 : i32
    %dma_start3A_195 = tpu.memref_slice %arg3[%dma_start3A_193, %dma_start3A_194] : memref<1048576x16xf32, #tpu.memory_space<hbm>> -> memref<1048576x16xf32, #tpu.memory_space<hbm>>
    %dma_start3A_196 = tpu.memref_slice %arg12[%dma_start3A_186] : memref<3x!tpu.dma_semaphore, #tpu.memory_space<semaphore_mem>> -> memref<1x!tpu.dma_semaphore, #tpu.memory_space<semaphore_mem>>
    %dma_start3A_197 = tpu.memref_squeeze %dma_start3A_196 : memref<1x!tpu.dma_semaphore, #tpu.memory_space<semaphore_mem>> -> memref<!tpu.dma_semaphore, #tpu.memory_space<semaphore_mem>>
    tpu.enqueue_indirect_dma source(%dma_start3A_195 : memref<1048576x16xf32, #tpu.memory_space<hbm>>) target(%dma_start3A_190 : memref<128x16xf32, #tpu.memory_space<vmem>>) offsets(%dma_start3A_192 : memref<128xi32, #tpu.memory_space<vmem>>) semaphore(%dma_start3A_197 : memref<!tpu.dma_semaphore, #tpu.memory_space<semaphore_mem>>)
    %dma_start3A_198 = arith.constant 1 : i32
    %dma_start3A_199 = arith.constant 2 : i32
    %dma_start3A_200 = arith.constant 1 : i32
    %dma_start3A_201 = arith.constant 0 : i32
    %dma_start3A_202 = arith.constant 0 : i32
    %dma_start3A_203 = tpu.memref_slice %arg11[%dma_start3A_198, %dma_start3A_199, %dma_start3A_201, %dma_start3A_202] : memref<3x6x256x16xf32, #tpu.memory_space<vmem>> -> memref<1x1x128x16xf32, #tpu.memory_space<vmem>>
    %dma_start3A_204 = tpu.memref_squeeze %dma_start3A_203 : memref<1x1x128x16xf32, #tpu.memory_space<vmem>> -> memref<128x16xf32, #tpu.memory_space<vmem>>
    %dma_start3A_205 = arith.constant 256 : i32
    %dma_start3A_206 = tpu.memref_slice %arg10[%dma_start3A_205] : memref<4096xi32, #tpu.memory_space<vmem>> -> memref<128xi32, #tpu.memory_space<vmem>>
    %dma_start3A_207 = arith.constant 0 : i32
    %dma_start3A_208 = arith.constant 0 : i32
    %dma_start3A_209 = tpu.memref_slice %arg4[%dma_start3A_207, %dma_start3A_208] : memref<1048576x16xf32, #tpu.memory_space<hbm>> -> memref<1048576x16xf32, #tpu.memory_space<hbm>>
    %dma_start3A_210 = tpu.memref_slice %arg12[%dma_start3A_200] : memref<3x!tpu.dma_semaphore, #tpu.memory_space<semaphore_mem>> -> memref<1x!tpu.dma_semaphore, #tpu.memory_space<semaphore_mem>>
    %dma_start3A_211 = tpu.memref_squeeze %dma_start3A_210 : memref<1x!tpu.dma_semaphore, #tpu.memory_space<semaphore_mem>> -> memref<!tpu.dma_semaphore, #tpu.memory_space<semaphore_mem>>
    tpu.enqueue_indirect_dma source(%dma_start3A_209 : memref<1048576x16xf32, #tpu.memory_space<hbm>>) target(%dma_start3A_204 : memref<128x16xf32, #tpu.memory_space<vmem>>) offsets(%dma_start3A_206 : memref<128xi32, #tpu.memory_space<vmem>>) semaphore(%dma_start3A_211 : memref<!tpu.dma_semaphore, #tpu.memory_space<semaphore_mem>>)
    %dma_start3A_212 = arith.constant 1 : i32
    %dma_start3A_213 = arith.constant 3 : i32
    %dma_start3A_214 = arith.constant 1 : i32
    %dma_start3A_215 = arith.constant 0 : i32
    %dma_start3A_216 = arith.constant 0 : i32
    %dma_start3A_217 = tpu.memref_slice %arg11[%dma_start3A_212, %dma_start3A_213, %dma_start3A_215, %dma_start3A_216] : memref<3x6x256x16xf32, #tpu.memory_space<vmem>> -> memref<1x1x128x16xf32, #tpu.memory_space<vmem>>
    %dma_start3A_218 = tpu.memref_squeeze %dma_start3A_217 : memref<1x1x128x16xf32, #tpu.memory_space<vmem>> -> memref<128x16xf32, #tpu.memory_space<vmem>>
    %dma_start3A_219 = arith.constant 256 : i32
    %dma_start3A_220 = tpu.memref_slice %arg10[%dma_start3A_219] : memref<4096xi32, #tpu.memory_space<vmem>> -> memref<128xi32, #tpu.memory_space<vmem>>
    %dma_start3A_221 = arith.constant 0 : i32
    %dma_start3A_222 = arith.constant 0 : i32
    %dma_start3A_223 = tpu.memref_slice %arg5[%dma_start3A_221, %dma_start3A_222] : memref<1048576x16xf32, #tpu.memory_space<hbm>> -> memref<1048576x16xf32, #tpu.memory_space<hbm>>
    %dma_start3A_224 = tpu.memref_slice %arg12[%dma_start3A_214] : memref<3x!tpu.dma_semaphore, #tpu.memory_space<semaphore_mem>> -> memref<1x!tpu.dma_semaphore, #tpu.memory_space<semaphore_mem>>
    %dma_start3A_225 = tpu.memref_squeeze %dma_start3A_224 : memref<1x!tpu.dma_semaphore, #tpu.memory_space<semaphore_mem>> -> memref<!tpu.dma_semaphore, #tpu.memory_space<semaphore_mem>>
    tpu.enqueue_indirect_dma source(%dma_start3A_223 : memref<1048576x16xf32, #tpu.memory_space<hbm>>) target(%dma_start3A_218 : memref<128x16xf32, #tpu.memory_space<vmem>>) offsets(%dma_start3A_220 : memref<128xi32, #tpu.memory_space<vmem>>) semaphore(%dma_start3A_225 : memref<!tpu.dma_semaphore, #tpu.memory_space<semaphore_mem>>)
    %dma_start3A_226 = arith.constant 1 : i32
    %dma_start3A_227 = arith.constant 4 : i32
    %dma_start3A_228 = arith.constant 1 : i32
    %dma_start3A_229 = arith.constant 0 : i32
    %dma_start3A_230 = arith.constant 0 : i32
    %dma_start3A_231 = tpu.memref_slice %arg11[%dma_start3A_226, %dma_start3A_227, %dma_start3A_229, %dma_start3A_230] : memref<3x6x256x16xf32, #tpu.memory_space<vmem>> -> memref<1x1x128x16xf32, #tpu.memory_space<vmem>>
    %dma_start3A_232 = tpu.memref_squeeze %dma_start3A_231 : memref<1x1x128x16xf32, #tpu.memory_space<vmem>> -> memref<128x16xf32, #tpu.memory_space<vmem>>
    %dma_start3A_233 = arith.constant 256 : i32
    %dma_start3A_234 = tpu.memref_slice %arg10[%dma_start3A_233] : memref<4096xi32, #tpu.memory_space<vmem>> -> memref<128xi32, #tpu.memory_space<vmem>>
    %dma_start3A_235 = arith.constant 0 : i32
    %dma_start3A_236 = arith.constant 0 : i32
    %dma_start3A_237 = tpu.memref_slice %arg6[%dma_start3A_235, %dma_start3A_236] : memref<1048576x16xf32, #tpu.memory_space<hbm>> -> memref<1048576x16xf32, #tpu.memory_space<hbm>>
    %dma_start3A_238 = tpu.memref_slice %arg12[%dma_start3A_228] : memref<3x!tpu.dma_semaphore, #tpu.memory_space<semaphore_mem>> -> memref<1x!tpu.dma_semaphore, #tpu.memory_space<semaphore_mem>>
    %dma_start3A_239 = tpu.memref_squeeze %dma_start3A_238 : memref<1x!tpu.dma_semaphore, #tpu.memory_space<semaphore_mem>> -> memref<!tpu.dma_semaphore, #tpu.memory_space<semaphore_mem>>
    tpu.enqueue_indirect_dma source(%dma_start3A_237 : memref<1048576x16xf32, #tpu.memory_space<hbm>>) target(%dma_start3A_232 : memref<128x16xf32, #tpu.memory_space<vmem>>) offsets(%dma_start3A_234 : memref<128xi32, #tpu.memory_space<vmem>>) semaphore(%dma_start3A_239 : memref<!tpu.dma_semaphore, #tpu.memory_space<semaphore_mem>>)
    %dma_start3A_240 = arith.constant 1 : i32
    %dma_start3A_241 = arith.constant 5 : i32
    %dma_start3A_242 = arith.constant 1 : i32
    %dma_start3A_243 = arith.constant 0 : i32
    %dma_start3A_244 = arith.constant 0 : i32
    %dma_start3A_245 = tpu.memref_slice %arg11[%dma_start3A_240, %dma_start3A_241, %dma_start3A_243, %dma_start3A_244] : memref<3x6x256x16xf32, #tpu.memory_space<vmem>> -> memref<1x1x128x16xf32, #tpu.memory_space<vmem>>
    %dma_start3A_246 = tpu.memref_squeeze %dma_start3A_245 : memref<1x1x128x16xf32, #tpu.memory_space<vmem>> -> memref<128x16xf32, #tpu.memory_space<vmem>>
    %dma_start3A_247 = arith.constant 256 : i32
    %dma_start3A_248 = tpu.memref_slice %arg10[%dma_start3A_247] : memref<4096xi32, #tpu.memory_space<vmem>> -> memref<128xi32, #tpu.memory_space<vmem>>
    %dma_start3A_249 = arith.constant 0 : i32
    %dma_start3A_250 = arith.constant 0 : i32
    %dma_start3A_251 = tpu.memref_slice %arg7[%dma_start3A_249, %dma_start3A_250] : memref<1048576x16xf32, #tpu.memory_space<hbm>> -> memref<1048576x16xf32, #tpu.memory_space<hbm>>
    %dma_start3A_252 = tpu.memref_slice %arg12[%dma_start3A_242] : memref<3x!tpu.dma_semaphore, #tpu.memory_space<semaphore_mem>> -> memref<1x!tpu.dma_semaphore, #tpu.memory_space<semaphore_mem>>
    %dma_start3A_253 = tpu.memref_squeeze %dma_start3A_252 : memref<1x!tpu.dma_semaphore, #tpu.memory_space<semaphore_mem>> -> memref<!tpu.dma_semaphore, #tpu.memory_space<semaphore_mem>>
    tpu.enqueue_indirect_dma source(%dma_start3A_251 : memref<1048576x16xf32, #tpu.memory_space<hbm>>) target(%dma_start3A_246 : memref<128x16xf32, #tpu.memory_space<vmem>>) offsets(%dma_start3A_248 : memref<128xi32, #tpu.memory_space<vmem>>) semaphore(%dma_start3A_253 : memref<!tpu.dma_semaphore, #tpu.memory_space<semaphore_mem>>)
    %dma_start3A_254 = arith.constant 1 : i32
    %dma_start3A_255 = arith.constant 0 : i32
    %dma_start3A_256 = arith.constant 1 : i32
    %dma_start3A_257 = arith.constant 128 : i32
    %dma_start3A_258 = arith.constant 0 : i32
    %dma_start3A_259 = tpu.memref_slice %arg11[%dma_start3A_254, %dma_start3A_255, %dma_start3A_257, %dma_start3A_258] : memref<3x6x256x16xf32, #tpu.memory_space<vmem>> -> memref<1x1x128x16xf32, #tpu.memory_space<vmem>>
    %dma_start3A_260 = tpu.memref_squeeze %dma_start3A_259 : memref<1x1x128x16xf32, #tpu.memory_space<vmem>> -> memref<128x16xf32, #tpu.memory_space<vmem>>
    %dma_start3A_261 = arith.constant 384 : i32
    %dma_start3A_262 = tpu.memref_slice %arg10[%dma_start3A_261] : memref<4096xi32, #tpu.memory_space<vmem>> -> memref<128xi32, #tpu.memory_space<vmem>>
    %dma_start3A_263 = arith.constant 0 : i32
    %dma_start3A_264 = arith.constant 0 : i32
    %dma_start3A_265 = tpu.memref_slice %arg2[%dma_start3A_263, %dma_start3A_264] : memref<1048576x16xf32, #tpu.memory_space<hbm>> -> memref<1048576x16xf32, #tpu.memory_space<hbm>>
    %dma_start3A_266 = tpu.memref_slice %arg12[%dma_start3A_256] : memref<3x!tpu.dma_semaphore, #tpu.memory_space<semaphore_mem>> -> memref<1x!tpu.dma_semaphore, #tpu.memory_space<semaphore_mem>>
    %dma_start3A_267 = tpu.memref_squeeze %dma_start3A_266 : memref<1x!tpu.dma_semaphore, #tpu.memory_space<semaphore_mem>> -> memref<!tpu.dma_semaphore, #tpu.memory_space<semaphore_mem>>
    tpu.enqueue_indirect_dma source(%dma_start3A_265 : memref<1048576x16xf32, #tpu.memory_space<hbm>>) target(%dma_start3A_260 : memref<128x16xf32, #tpu.memory_space<vmem>>) offsets(%dma_start3A_262 : memref<128xi32, #tpu.memory_space<vmem>>) semaphore(%dma_start3A_267 : memref<!tpu.dma_semaphore, #tpu.memory_space<semaphore_mem>>)
    %dma_start3A_268 = arith.constant 1 : i32
    %dma_start3A_269 = arith.constant 1 : i32
    %dma_start3A_270 = arith.constant 1 : i32
    %dma_start3A_271 = arith.constant 128 : i32
    %dma_start3A_272 = arith.constant 0 : i32
    %dma_start3A_273 = tpu.memref_slice %arg11[%dma_start3A_268, %dma_start3A_269, %dma_start3A_271, %dma_start3A_272] : memref<3x6x256x16xf32, #tpu.memory_space<vmem>> -> memref<1x1x128x16xf32, #tpu.memory_space<vmem>>
    %dma_start3A_274 = tpu.memref_squeeze %dma_start3A_273 : memref<1x1x128x16xf32, #tpu.memory_space<vmem>> -> memref<128x16xf32, #tpu.memory_space<vmem>>
    %dma_start3A_275 = arith.constant 384 : i32
    %dma_start3A_276 = tpu.memref_slice %arg10[%dma_start3A_275] : memref<4096xi32, #tpu.memory_space<vmem>> -> memref<128xi32, #tpu.memory_space<vmem>>
    %dma_start3A_277 = arith.constant 0 : i32
    %dma_start3A_278 = arith.constant 0 : i32
    %dma_start3A_279 = tpu.memref_slice %arg3[%dma_start3A_277, %dma_start3A_278] : memref<1048576x16xf32, #tpu.memory_space<hbm>> -> memref<1048576x16xf32, #tpu.memory_space<hbm>>
    %dma_start3A_280 = tpu.memref_slice %arg12[%dma_start3A_270] : memref<3x!tpu.dma_semaphore, #tpu.memory_space<semaphore_mem>> -> memref<1x!tpu.dma_semaphore, #tpu.memory_space<semaphore_mem>>
    %dma_start3A_281 = tpu.memref_squeeze %dma_start3A_280 : memref<1x!tpu.dma_semaphore, #tpu.memory_space<semaphore_mem>> -> memref<!tpu.dma_semaphore, #tpu.memory_space<semaphore_mem>>
    tpu.enqueue_indirect_dma source(%dma_start3A_279 : memref<1048576x16xf32, #tpu.memory_space<hbm>>) target(%dma_start3A_274 : memref<128x16xf32, #tpu.memory_space<vmem>>) offsets(%dma_start3A_276 : memref<128xi32, #tpu.memory_space<vmem>>) semaphore(%dma_start3A_281 : memref<!tpu.dma_semaphore, #tpu.memory_space<semaphore_mem>>)
    %dma_start3A_282 = arith.constant 1 : i32
    %dma_start3A_283 = arith.constant 2 : i32
    %dma_start3A_284 = arith.constant 1 : i32
    %dma_start3A_285 = arith.constant 128 : i32
    %dma_start3A_286 = arith.constant 0 : i32
    %dma_start3A_287 = tpu.memref_slice %arg11[%dma_start3A_282, %dma_start3A_283, %dma_start3A_285, %dma_start3A_286] : memref<3x6x256x16xf32, #tpu.memory_space<vmem>> -> memref<1x1x128x16xf32, #tpu.memory_space<vmem>>
    %dma_start3A_288 = tpu.memref_squeeze %dma_start3A_287 : memref<1x1x128x16xf32, #tpu.memory_space<vmem>> -> memref<128x16xf32, #tpu.memory_space<vmem>>
    %dma_start3A_289 = arith.constant 384 : i32
    %dma_start3A_290 = tpu.memref_slice %arg10[%dma_start3A_289] : memref<4096xi32, #tpu.memory_space<vmem>> -> memref<128xi32, #tpu.memory_space<vmem>>
    %dma_start3A_291 = arith.constant 0 : i32
    %dma_start3A_292 = arith.constant 0 : i32
    %dma_start3A_293 = tpu.memref_slice %arg4[%dma_start3A_291, %dma_start3A_292] : memref<1048576x16xf32, #tpu.memory_space<hbm>> -> memref<1048576x16xf32, #tpu.memory_space<hbm>>
    %dma_start3A_294 = tpu.memref_slice %arg12[%dma_start3A_284] : memref<3x!tpu.dma_semaphore, #tpu.memory_space<semaphore_mem>> -> memref<1x!tpu.dma_semaphore, #tpu.memory_space<semaphore_mem>>
    %dma_start3A_295 = tpu.memref_squeeze %dma_start3A_294 : memref<1x!tpu.dma_semaphore, #tpu.memory_space<semaphore_mem>> -> memref<!tpu.dma_semaphore, #tpu.memory_space<semaphore_mem>>
    tpu.enqueue_indirect_dma source(%dma_start3A_293 : memref<1048576x16xf32, #tpu.memory_space<hbm>>) target(%dma_start3A_288 : memref<128x16xf32, #tpu.memory_space<vmem>>) offsets(%dma_start3A_290 : memref<128xi32, #tpu.memory_space<vmem>>) semaphore(%dma_start3A_295 : memref<!tpu.dma_semaphore, #tpu.memory_space<semaphore_mem>>)
    %dma_start3A_296 = arith.constant 1 : i32
    %dma_start3A_297 = arith.constant 3 : i32
    %dma_start3A_298 = arith.constant 1 : i32
    %dma_start3A_299 = arith.constant 128 : i32
    %dma_start3A_300 = arith.constant 0 : i32
    %dma_start3A_301 = tpu.memref_slice %arg11[%dma_start3A_296, %dma_start3A_297, %dma_start3A_299, %dma_start3A_300] : memref<3x6x256x16xf32, #tpu.memory_space<vmem>> -> memref<1x1x128x16xf32, #tpu.memory_space<vmem>>
    %dma_start3A_302 = tpu.memref_squeeze %dma_start3A_301 : memref<1x1x128x16xf32, #tpu.memory_space<vmem>> -> memref<128x16xf32, #tpu.memory_space<vmem>>
    %dma_start3A_303 = arith.constant 384 : i32
    %dma_start3A_304 = tpu.memref_slice %arg10[%dma_start3A_303] : memref<4096xi32, #tpu.memory_space<vmem>> -> memref<128xi32, #tpu.memory_space<vmem>>
    %dma_start3A_305 = arith.constant 0 : i32
    %dma_start3A_306 = arith.constant 0 : i32
    %dma_start3A_307 = tpu.memref_slice %arg5[%dma_start3A_305, %dma_start3A_306] : memref<1048576x16xf32, #tpu.memory_space<hbm>> -> memref<1048576x16xf32, #tpu.memory_space<hbm>>
    %dma_start3A_308 = tpu.memref_slice %arg12[%dma_start3A_298] : memref<3x!tpu.dma_semaphore, #tpu.memory_space<semaphore_mem>> -> memref<1x!tpu.dma_semaphore, #tpu.memory_space<semaphore_mem>>
    %dma_start3A_309 = tpu.memref_squeeze %dma_start3A_308 : memref<1x!tpu.dma_semaphore, #tpu.memory_space<semaphore_mem>> -> memref<!tpu.dma_semaphore, #tpu.memory_space<semaphore_mem>>
    tpu.enqueue_indirect_dma source(%dma_start3A_307 : memref<1048576x16xf32, #tpu.memory_space<hbm>>) target(%dma_start3A_302 : memref<128x16xf32, #tpu.memory_space<vmem>>) offsets(%dma_start3A_304 : memref<128xi32, #tpu.memory_space<vmem>>) semaphore(%dma_start3A_309 : memref<!tpu.dma_semaphore, #tpu.memory_space<semaphore_mem>>)
    %dma_start3A_310 = arith.constant 1 : i32
    %dma_start3A_311 = arith.constant 4 : i32
    %dma_start3A_312 = arith.constant 1 : i32
    %dma_start3A_313 = arith.constant 128 : i32
    %dma_start3A_314 = arith.constant 0 : i32
    %dma_start3A_315 = tpu.memref_slice %arg11[%dma_start3A_310, %dma_start3A_311, %dma_start3A_313, %dma_start3A_314] : memref<3x6x256x16xf32, #tpu.memory_space<vmem>> -> memref<1x1x128x16xf32, #tpu.memory_space<vmem>>
    %dma_start3A_316 = tpu.memref_squeeze %dma_start3A_315 : memref<1x1x128x16xf32, #tpu.memory_space<vmem>> -> memref<128x16xf32, #tpu.memory_space<vmem>>
    %dma_start3A_317 = arith.constant 384 : i32
    %dma_start3A_318 = tpu.memref_slice %arg10[%dma_start3A_317] : memref<4096xi32, #tpu.memory_space<vmem>> -> memref<128xi32, #tpu.memory_space<vmem>>
    %dma_start3A_319 = arith.constant 0 : i32
    %dma_start3A_320 = arith.constant 0 : i32
    %dma_start3A_321 = tpu.memref_slice %arg6[%dma_start3A_319, %dma_start3A_320] : memref<1048576x16xf32, #tpu.memory_space<hbm>> -> memref<1048576x16xf32, #tpu.memory_space<hbm>>
    %dma_start3A_322 = tpu.memref_slice %arg12[%dma_start3A_312] : memref<3x!tpu.dma_semaphore, #tpu.memory_space<semaphore_mem>> -> memref<1x!tpu.dma_semaphore, #tpu.memory_space<semaphore_mem>>
    %dma_start3A_323 = tpu.memref_squeeze %dma_start3A_322 : memref<1x!tpu.dma_semaphore, #tpu.memory_space<semaphore_mem>> -> memref<!tpu.dma_semaphore, #tpu.memory_space<semaphore_mem>>
    tpu.enqueue_indirect_dma source(%dma_start3A_321 : memref<1048576x16xf32, #tpu.memory_space<hbm>>) target(%dma_start3A_316 : memref<128x16xf32, #tpu.memory_space<vmem>>) offsets(%dma_start3A_318 : memref<128xi32, #tpu.memory_space<vmem>>) semaphore(%dma_start3A_323 : memref<!tpu.dma_semaphore, #tpu.memory_space<semaphore_mem>>)
    %dma_start3A_324 = arith.constant 1 : i32
    %dma_start3A_325 = arith.constant 5 : i32
    %dma_start3A_326 = arith.constant 1 : i32
    %dma_start3A_327 = arith.constant 128 : i32
    %dma_start3A_328 = arith.constant 0 : i32
    %dma_start3A_329 = tpu.memref_slice %arg11[%dma_start3A_324, %dma_start3A_325, %dma_start3A_327, %dma_start3A_328] : memref<3x6x256x16xf32, #tpu.memory_space<vmem>> -> memref<1x1x128x16xf32, #tpu.memory_space<vmem>>
    %dma_start3A_330 = tpu.memref_squeeze %dma_start3A_329 : memref<1x1x128x16xf32, #tpu.memory_space<vmem>> -> memref<128x16xf32, #tpu.memory_space<vmem>>
    %dma_start3A_331 = arith.constant 384 : i32
    %dma_start3A_332 = tpu.memref_slice %arg10[%dma_start3A_331] : memref<4096xi32, #tpu.memory_space<vmem>> -> memref<128xi32, #tpu.memory_space<vmem>>
    %dma_start3A_333 = arith.constant 0 : i32
    %dma_start3A_334 = arith.constant 0 : i32
    %dma_start3A_335 = tpu.memref_slice %arg7[%dma_start3A_333, %dma_start3A_334] : memref<1048576x16xf32, #tpu.memory_space<hbm>> -> memref<1048576x16xf32, #tpu.memory_space<hbm>>
    %dma_start3A_336 = tpu.memref_slice %arg12[%dma_start3A_326] : memref<3x!tpu.dma_semaphore, #tpu.memory_space<semaphore_mem>> -> memref<1x!tpu.dma_semaphore, #tpu.memory_space<semaphore_mem>>
    %dma_start3A_337 = tpu.memref_squeeze %dma_start3A_336 : memref<1x!tpu.dma_semaphore, #tpu.memory_space<semaphore_mem>> -> memref<!tpu.dma_semaphore, #tpu.memory_space<semaphore_mem>>
    tpu.enqueue_indirect_dma source(%dma_start3A_335 : memref<1048576x16xf32, #tpu.memory_space<hbm>>) target(%dma_start3A_330 : memref<128x16xf32, #tpu.memory_space<vmem>>) offsets(%dma_start3A_332 : memref<128xi32, #tpu.memory_space<vmem>>) semaphore(%dma_start3A_337 : memref<!tpu.dma_semaphore, #tpu.memory_space<semaphore_mem>>)
    %scan3A = arith.constant 0 : i32
    %scan3A_338 = arith.constant 0 : i32
    %scan3A_339 = arith.constant 16 : i32
    %scan3A_340 = arith.addi %scan3A_338, %scan3A_339 : i32
    %scan3A_341 = arith.constant 1 : i32
    scf.for %scan3A_474 = %scan3A_338 to %scan3A_340 step %scan3A_341  : i32 {
      %jit3A = arith.constant 3 : i32
      %eq3A = arith.constant 0 : i32
      %eq3A_475 = arith.cmpi eq, %jit3A, %eq3A : i32
      %jit3A_476 = arith.constant 1 : i32
      %select_n3A = arith.select %eq3A_475, %jit3A_476, %jit3A : i32
      %rem3A = arith.remsi %scan3A_474, %select_n3A : i32
      %ne3A = arith.constant 0 : i32
      %ne3A_477 = arith.cmpi ne, %rem3A, %ne3A : i32
      %lt3A = arith.constant 0 : i32
      %lt3A_478 = arith.cmpi slt, %rem3A, %lt3A : i32
      %lt3A_479 = arith.constant 0 : i32
      %lt3A_480 = arith.cmpi slt, %select_n3A, %lt3A_479 : i32
      %ne3A_481 = arith.xori %lt3A_478, %lt3A_480 : i1
      %and3A = arith.andi %ne3A_481, %ne3A_477 : i1
      %add3A_482 = arith.addi %rem3A, %select_n3A : i32
      %select_n3A_483 = arith.select %and3A, %add3A_482, %rem3A : i32
      %add3A_484 = arith.constant 2 : i32
      %add3A_485 = arith.addi %scan3A_474, %add3A_484 : i32
      %jit3A_486 = arith.constant 3 : i32
      %eq3A_487 = arith.constant 0 : i32
      %eq3A_488 = arith.cmpi eq, %jit3A_486, %eq3A_487 : i32
      %jit3A_489 = arith.constant 1 : i32
      %select_n3A_490 = arith.select %eq3A_488, %jit3A_489, %jit3A_486 : i32
      %rem3A_491 = arith.remsi %add3A_485, %select_n3A_490 : i32
      %ne3A_492 = arith.constant 0 : i32
      %ne3A_493 = arith.cmpi ne, %rem3A_491, %ne3A_492 : i32
      %lt3A_494 = arith.constant 0 : i32
      %lt3A_495 = arith.cmpi slt, %rem3A_491, %lt3A_494 : i32
      %lt3A_496 = arith.constant 0 : i32
      %lt3A_497 = arith.cmpi slt, %select_n3A_490, %lt3A_496 : i32
      %ne3A_498 = arith.xori %lt3A_495, %lt3A_497 : i1
      %and3A_499 = arith.andi %ne3A_498, %ne3A_493 : i1
      %add3A_500 = arith.addi %rem3A_491, %select_n3A_490 : i32
      %select_n3A_501 = arith.select %and3A_499, %add3A_500, %rem3A_491 : i32
      %ge3A = arith.constant 1 : i32
      %ge3A_502 = arith.cmpi sge, %scan3A_474, %ge3A : i32
      %convert_element_type3A = arith.extui %ge3A_502 : i1 to i32
      %cond3A = arith.constant 0 : i32
      %cond3A_503 = arith.cmpi ne, %convert_element_type3A, %cond3A : i32
      scf.if %cond3A_503 {
        %sub3A = arith.constant 1 : i32
        %sub3A_781 = arith.subi %scan3A_474, %sub3A : i32
        %mul3A_782 = arith.constant 256 : i32
        %mul3A_783 = arith.muli %sub3A_781, %mul3A_782 : i32
        %add3A_784 = arith.addi %mul3A_2, %mul3A_783 : i32
        %dma_wait3A_785 = arith.constant 0 : i32
        %dma_wait3A_786 = arith.constant 0 : i32
        %dma_wait3A_787 = arith.constant 0 : i32
        %dma_wait3A_788 = arith.constant 0 : i32
        %dma_wait3A_789 = tpu.memref_slice %arg11[%select_n3A_501, %dma_wait3A_785, %dma_wait3A_787, %dma_wait3A_788] : memref<3x6x256x16xf32, #tpu.memory_space<vmem>> -> memref<1x1x256x16xf32, #tpu.memory_space<vmem>>
        %dma_wait3A_790 = tpu.memref_squeeze %dma_wait3A_789 : memref<1x1x256x16xf32, #tpu.memory_space<vmem>> -> memref<256x16xf32, #tpu.memory_space<vmem>>
        %dma_wait3A_791 = arith.constant 0 : i32
        %dma_wait3A_792 = tpu.memref_slice %arg9[%dma_wait3A_786, %add3A_784, %dma_wait3A_791] : memref<6x131072x16xf32, #tpu.memory_space<hbm>> -> memref<1x256x16xf32, #tpu.memory_space<hbm>>
        %dma_wait3A_793 = tpu.memref_squeeze %dma_wait3A_792 : memref<1x256x16xf32, #tpu.memory_space<hbm>> -> memref<256x16xf32, #tpu.memory_space<hbm>>
        %dma_wait3A_794 = tpu.memref_slice %arg13[%select_n3A_501] : memref<3x!tpu.dma_semaphore, #tpu.memory_space<semaphore_mem>> -> memref<1x!tpu.dma_semaphore, #tpu.memory_space<semaphore_mem>>
        %dma_wait3A_795 = tpu.memref_squeeze %dma_wait3A_794 : memref<1x!tpu.dma_semaphore, #tpu.memory_space<semaphore_mem>> -> memref<!tpu.dma_semaphore, #tpu.memory_space<semaphore_mem>>
        %dma_wait3A_796 = arith.constant 0 : i32
        %dma_wait3A_797 = tpu.memref_slice %arg9[%dma_wait3A_786, %add3A_784, %dma_wait3A_796] : memref<6x131072x16xf32, #tpu.memory_space<hbm>> -> memref<1x256x16xf32, #tpu.memory_space<hbm>>
        %dma_wait3A_798 = tpu.memref_squeeze %dma_wait3A_797 : memref<1x256x16xf32, #tpu.memory_space<hbm>> -> memref<256x16xf32, #tpu.memory_space<hbm>>
        %dma_wait3A_799 = arith.constant 0 : i32
        %dma_wait3A_800 = arith.constant 0 : i32
        %dma_wait3A_801 = tpu.memref_slice %arg11[%select_n3A_501, %dma_wait3A_785, %dma_wait3A_799, %dma_wait3A_800] : memref<3x6x256x16xf32, #tpu.memory_space<vmem>> -> memref<1x1x256x16xf32, #tpu.memory_space<vmem>>
        %dma_wait3A_802 = tpu.memref_squeeze %dma_wait3A_801 : memref<1x1x256x16xf32, #tpu.memory_space<vmem>> -> memref<256x16xf32, #tpu.memory_space<vmem>>
        tpu.wait_dma2 semaphore(%dma_wait3A_795 : memref<!tpu.dma_semaphore, #tpu.memory_space<semaphore_mem>>) src(%dma_wait3A_802 : memref<256x16xf32, #tpu.memory_space<vmem>>) dst(%dma_wait3A_798 : memref<256x16xf32, #tpu.memory_space<hbm>>)
        %mul3A_803 = arith.constant 256 : i32
        %mul3A_804 = arith.muli %sub3A_781, %mul3A_803 : i32
        %add3A_805 = arith.addi %mul3A_2, %mul3A_804 : i32
        %dma_wait3A_806 = arith.constant 1 : i32
        %dma_wait3A_807 = arith.constant 1 : i32
        %dma_wait3A_808 = arith.constant 0 : i32
        %dma_wait3A_809 = arith.constant 0 : i32
        %dma_wait3A_810 = tpu.memref_slice %arg11[%select_n3A_501, %dma_wait3A_806, %dma_wait3A_808, %dma_wait3A_809] : memref<3x6x256x16xf32, #tpu.memory_space<vmem>> -> memref<1x1x256x16xf32, #tpu.memory_space<vmem>>
        %dma_wait3A_811 = tpu.memref_squeeze %dma_wait3A_810 : memref<1x1x256x16xf32, #tpu.memory_space<vmem>> -> memref<256x16xf32, #tpu.memory_space<vmem>>
        %dma_wait3A_812 = arith.constant 0 : i32
        %dma_wait3A_813 = tpu.memref_slice %arg9[%dma_wait3A_807, %add3A_805, %dma_wait3A_812] : memref<6x131072x16xf32, #tpu.memory_space<hbm>> -> memref<1x256x16xf32, #tpu.memory_space<hbm>>
        %dma_wait3A_814 = tpu.memref_squeeze %dma_wait3A_813 : memref<1x256x16xf32, #tpu.memory_space<hbm>> -> memref<256x16xf32, #tpu.memory_space<hbm>>
        %dma_wait3A_815 = tpu.memref_slice %arg13[%select_n3A_501] : memref<3x!tpu.dma_semaphore, #tpu.memory_space<semaphore_mem>> -> memref<1x!tpu.dma_semaphore, #tpu.memory_space<semaphore_mem>>
        %dma_wait3A_816 = tpu.memref_squeeze %dma_wait3A_815 : memref<1x!tpu.dma_semaphore, #tpu.memory_space<semaphore_mem>> -> memref<!tpu.dma_semaphore, #tpu.memory_space<semaphore_mem>>
        %dma_wait3A_817 = arith.constant 0 : i32
        %dma_wait3A_818 = tpu.memref_slice %arg9[%dma_wait3A_807, %add3A_805, %dma_wait3A_817] : memref<6x131072x16xf32, #tpu.memory_space<hbm>> -> memref<1x256x16xf32, #tpu.memory_space<hbm>>
        %dma_wait3A_819 = tpu.memref_squeeze %dma_wait3A_818 : memref<1x256x16xf32, #tpu.memory_space<hbm>> -> memref<256x16xf32, #tpu.memory_space<hbm>>
        %dma_wait3A_820 = arith.constant 0 : i32
        %dma_wait3A_821 = arith.constant 0 : i32
        %dma_wait3A_822 = tpu.memref_slice %arg11[%select_n3A_501, %dma_wait3A_806, %dma_wait3A_820, %dma_wait3A_821] : memref<3x6x256x16xf32, #tpu.memory_space<vmem>> -> memref<1x1x256x16xf32, #tpu.memory_space<vmem>>
        %dma_wait3A_823 = tpu.memref_squeeze %dma_wait3A_822 : memref<1x1x256x16xf32, #tpu.memory_space<vmem>> -> memref<256x16xf32, #tpu.memory_space<vmem>>
        tpu.wait_dma2 semaphore(%dma_wait3A_816 : memref<!tpu.dma_semaphore, #tpu.memory_space<semaphore_mem>>) src(%dma_wait3A_823 : memref<256x16xf32, #tpu.memory_space<vmem>>) dst(%dma_wait3A_819 : memref<256x16xf32, #tpu.memory_space<hbm>>)
        %mul3A_824 = arith.constant 256 : i32
        %mul3A_825 = arith.muli %sub3A_781, %mul3A_824 : i32
        %add3A_826 = arith.addi %mul3A_2, %mul3A_825 : i32
        %dma_wait3A_827 = arith.constant 2 : i32
        %dma_wait3A_828 = arith.constant 2 : i32
        %dma_wait3A_829 = arith.constant 0 : i32
        %dma_wait3A_830 = arith.constant 0 : i32
        %dma_wait3A_831 = tpu.memref_slice %arg11[%select_n3A_501, %dma_wait3A_827, %dma_wait3A_829, %dma_wait3A_830] : memref<3x6x256x16xf32, #tpu.memory_space<vmem>> -> memref<1x1x256x16xf32, #tpu.memory_space<vmem>>
        %dma_wait3A_832 = tpu.memref_squeeze %dma_wait3A_831 : memref<1x1x256x16xf32, #tpu.memory_space<vmem>> -> memref<256x16xf32, #tpu.memory_space<vmem>>
        %dma_wait3A_833 = arith.constant 0 : i32
        %dma_wait3A_834 = tpu.memref_slice %arg9[%dma_wait3A_828, %add3A_826, %dma_wait3A_833] : memref<6x131072x16xf32, #tpu.memory_space<hbm>> -> memref<1x256x16xf32, #tpu.memory_space<hbm>>
        %dma_wait3A_835 = tpu.memref_squeeze %dma_wait3A_834 : memref<1x256x16xf32, #tpu.memory_space<hbm>> -> memref<256x16xf32, #tpu.memory_space<hbm>>
        %dma_wait3A_836 = tpu.memref_slice %arg13[%select_n3A_501] : memref<3x!tpu.dma_semaphore, #tpu.memory_space<semaphore_mem>> -> memref<1x!tpu.dma_semaphore, #tpu.memory_space<semaphore_mem>>
        %dma_wait3A_837 = tpu.memref_squeeze %dma_wait3A_836 : memref<1x!tpu.dma_semaphore, #tpu.memory_space<semaphore_mem>> -> memref<!tpu.dma_semaphore, #tpu.memory_space<semaphore_mem>>
        %dma_wait3A_838 = arith.constant 0 : i32
        %dma_wait3A_839 = tpu.memref_slice %arg9[%dma_wait3A_828, %add3A_826, %dma_wait3A_838] : memref<6x131072x16xf32, #tpu.memory_space<hbm>> -> memref<1x256x16xf32, #tpu.memory_space<hbm>>
        %dma_wait3A_840 = tpu.memref_squeeze %dma_wait3A_839 : memref<1x256x16xf32, #tpu.memory_space<hbm>> -> memref<256x16xf32, #tpu.memory_space<hbm>>
        %dma_wait3A_841 = arith.constant 0 : i32
        %dma_wait3A_842 = arith.constant 0 : i32
        %dma_wait3A_843 = tpu.memref_slice %arg11[%select_n3A_501, %dma_wait3A_827, %dma_wait3A_841, %dma_wait3A_842] : memref<3x6x256x16xf32, #tpu.memory_space<vmem>> -> memref<1x1x256x16xf32, #tpu.memory_space<vmem>>
        %dma_wait3A_844 = tpu.memref_squeeze %dma_wait3A_843 : memref<1x1x256x16xf32, #tpu.memory_space<vmem>> -> memref<256x16xf32, #tpu.memory_space<vmem>>
        tpu.wait_dma2 semaphore(%dma_wait3A_837 : memref<!tpu.dma_semaphore, #tpu.memory_space<semaphore_mem>>) src(%dma_wait3A_844 : memref<256x16xf32, #tpu.memory_space<vmem>>) dst(%dma_wait3A_840 : memref<256x16xf32, #tpu.memory_space<hbm>>)
        %mul3A_845 = arith.constant 256 : i32
        %mul3A_846 = arith.muli %sub3A_781, %mul3A_845 : i32
        %add3A_847 = arith.addi %mul3A_2, %mul3A_846 : i32
        %dma_wait3A_848 = arith.constant 3 : i32
        %dma_wait3A_849 = arith.constant 3 : i32
        %dma_wait3A_850 = arith.constant 0 : i32
        %dma_wait3A_851 = arith.constant 0 : i32
        %dma_wait3A_852 = tpu.memref_slice %arg11[%select_n3A_501, %dma_wait3A_848, %dma_wait3A_850, %dma_wait3A_851] : memref<3x6x256x16xf32, #tpu.memory_space<vmem>> -> memref<1x1x256x16xf32, #tpu.memory_space<vmem>>
        %dma_wait3A_853 = tpu.memref_squeeze %dma_wait3A_852 : memref<1x1x256x16xf32, #tpu.memory_space<vmem>> -> memref<256x16xf32, #tpu.memory_space<vmem>>
        %dma_wait3A_854 = arith.constant 0 : i32
        %dma_wait3A_855 = tpu.memref_slice %arg9[%dma_wait3A_849, %add3A_847, %dma_wait3A_854] : memref<6x131072x16xf32, #tpu.memory_space<hbm>> -> memref<1x256x16xf32, #tpu.memory_space<hbm>>
        %dma_wait3A_856 = tpu.memref_squeeze %dma_wait3A_855 : memref<1x256x16xf32, #tpu.memory_space<hbm>> -> memref<256x16xf32, #tpu.memory_space<hbm>>
        %dma_wait3A_857 = tpu.memref_slice %arg13[%select_n3A_501] : memref<3x!tpu.dma_semaphore, #tpu.memory_space<semaphore_mem>> -> memref<1x!tpu.dma_semaphore, #tpu.memory_space<semaphore_mem>>
        %dma_wait3A_858 = tpu.memref_squeeze %dma_wait3A_857 : memref<1x!tpu.dma_semaphore, #tpu.memory_space<semaphore_mem>> -> memref<!tpu.dma_semaphore, #tpu.memory_space<semaphore_mem>>
        %dma_wait3A_859 = arith.constant 0 : i32
        %dma_wait3A_860 = tpu.memref_slice %arg9[%dma_wait3A_849, %add3A_847, %dma_wait3A_859] : memref<6x131072x16xf32, #tpu.memory_space<hbm>> -> memref<1x256x16xf32, #tpu.memory_space<hbm>>
        %dma_wait3A_861 = tpu.memref_squeeze %dma_wait3A_860 : memref<1x256x16xf32, #tpu.memory_space<hbm>> -> memref<256x16xf32, #tpu.memory_space<hbm>>
        %dma_wait3A_862 = arith.constant 0 : i32
        %dma_wait3A_863 = arith.constant 0 : i32
        %dma_wait3A_864 = tpu.memref_slice %arg11[%select_n3A_501, %dma_wait3A_848, %dma_wait3A_862, %dma_wait3A_863] : memref<3x6x256x16xf32, #tpu.memory_space<vmem>> -> memref<1x1x256x16xf32, #tpu.memory_space<vmem>>
        %dma_wait3A_865 = tpu.memref_squeeze %dma_wait3A_864 : memref<1x1x256x16xf32, #tpu.memory_space<vmem>> -> memref<256x16xf32, #tpu.memory_space<vmem>>
        tpu.wait_dma2 semaphore(%dma_wait3A_858 : memref<!tpu.dma_semaphore, #tpu.memory_space<semaphore_mem>>) src(%dma_wait3A_865 : memref<256x16xf32, #tpu.memory_space<vmem>>) dst(%dma_wait3A_861 : memref<256x16xf32, #tpu.memory_space<hbm>>)
        %mul3A_866 = arith.constant 256 : i32
        %mul3A_867 = arith.muli %sub3A_781, %mul3A_866 : i32
        %add3A_868 = arith.addi %mul3A_2, %mul3A_867 : i32
        %dma_wait3A_869 = arith.constant 4 : i32
        %dma_wait3A_870 = arith.constant 4 : i32
        %dma_wait3A_871 = arith.constant 0 : i32
        %dma_wait3A_872 = arith.constant 0 : i32
        %dma_wait3A_873 = tpu.memref_slice %arg11[%select_n3A_501, %dma_wait3A_869, %dma_wait3A_871, %dma_wait3A_872] : memref<3x6x256x16xf32, #tpu.memory_space<vmem>> -> memref<1x1x256x16xf32, #tpu.memory_space<vmem>>
        %dma_wait3A_874 = tpu.memref_squeeze %dma_wait3A_873 : memref<1x1x256x16xf32, #tpu.memory_space<vmem>> -> memref<256x16xf32, #tpu.memory_space<vmem>>
        %dma_wait3A_875 = arith.constant 0 : i32
        %dma_wait3A_876 = tpu.memref_slice %arg9[%dma_wait3A_870, %add3A_868, %dma_wait3A_875] : memref<6x131072x16xf32, #tpu.memory_space<hbm>> -> memref<1x256x16xf32, #tpu.memory_space<hbm>>
        %dma_wait3A_877 = tpu.memref_squeeze %dma_wait3A_876 : memref<1x256x16xf32, #tpu.memory_space<hbm>> -> memref<256x16xf32, #tpu.memory_space<hbm>>
        %dma_wait3A_878 = tpu.memref_slice %arg13[%select_n3A_501] : memref<3x!tpu.dma_semaphore, #tpu.memory_space<semaphore_mem>> -> memref<1x!tpu.dma_semaphore, #tpu.memory_space<semaphore_mem>>
        %dma_wait3A_879 = tpu.memref_squeeze %dma_wait3A_878 : memref<1x!tpu.dma_semaphore, #tpu.memory_space<semaphore_mem>> -> memref<!tpu.dma_semaphore, #tpu.memory_space<semaphore_mem>>
        %dma_wait3A_880 = arith.constant 0 : i32
        %dma_wait3A_881 = tpu.memref_slice %arg9[%dma_wait3A_870, %add3A_868, %dma_wait3A_880] : memref<6x131072x16xf32, #tpu.memory_space<hbm>> -> memref<1x256x16xf32, #tpu.memory_space<hbm>>
        %dma_wait3A_882 = tpu.memref_squeeze %dma_wait3A_881 : memref<1x256x16xf32, #tpu.memory_space<hbm>> -> memref<256x16xf32, #tpu.memory_space<hbm>>
        %dma_wait3A_883 = arith.constant 0 : i32
        %dma_wait3A_884 = arith.constant 0 : i32
        %dma_wait3A_885 = tpu.memref_slice %arg11[%select_n3A_501, %dma_wait3A_869, %dma_wait3A_883, %dma_wait3A_884] : memref<3x6x256x16xf32, #tpu.memory_space<vmem>> -> memref<1x1x256x16xf32, #tpu.memory_space<vmem>>
        %dma_wait3A_886 = tpu.memref_squeeze %dma_wait3A_885 : memref<1x1x256x16xf32, #tpu.memory_space<vmem>> -> memref<256x16xf32, #tpu.memory_space<vmem>>
        tpu.wait_dma2 semaphore(%dma_wait3A_879 : memref<!tpu.dma_semaphore, #tpu.memory_space<semaphore_mem>>) src(%dma_wait3A_886 : memref<256x16xf32, #tpu.memory_space<vmem>>) dst(%dma_wait3A_882 : memref<256x16xf32, #tpu.memory_space<hbm>>)
        %mul3A_887 = arith.constant 256 : i32
        %mul3A_888 = arith.muli %sub3A_781, %mul3A_887 : i32
        %add3A_889 = arith.addi %mul3A_2, %mul3A_888 : i32
        %dma_wait3A_890 = arith.constant 5 : i32
        %dma_wait3A_891 = arith.constant 5 : i32
        %dma_wait3A_892 = arith.constant 0 : i32
        %dma_wait3A_893 = arith.constant 0 : i32
        %dma_wait3A_894 = tpu.memref_slice %arg11[%select_n3A_501, %dma_wait3A_890, %dma_wait3A_892, %dma_wait3A_893] : memref<3x6x256x16xf32, #tpu.memory_space<vmem>> -> memref<1x1x256x16xf32, #tpu.memory_space<vmem>>
        %dma_wait3A_895 = tpu.memref_squeeze %dma_wait3A_894 : memref<1x1x256x16xf32, #tpu.memory_space<vmem>> -> memref<256x16xf32, #tpu.memory_space<vmem>>
        %dma_wait3A_896 = arith.constant 0 : i32
        %dma_wait3A_897 = tpu.memref_slice %arg9[%dma_wait3A_891, %add3A_889, %dma_wait3A_896] : memref<6x131072x16xf32, #tpu.memory_space<hbm>> -> memref<1x256x16xf32, #tpu.memory_space<hbm>>
        %dma_wait3A_898 = tpu.memref_squeeze %dma_wait3A_897 : memref<1x256x16xf32, #tpu.memory_space<hbm>> -> memref<256x16xf32, #tpu.memory_space<hbm>>
        %dma_wait3A_899 = tpu.memref_slice %arg13[%select_n3A_501] : memref<3x!tpu.dma_semaphore, #tpu.memory_space<semaphore_mem>> -> memref<1x!tpu.dma_semaphore, #tpu.memory_space<semaphore_mem>>
        %dma_wait3A_900 = tpu.memref_squeeze %dma_wait3A_899 : memref<1x!tpu.dma_semaphore, #tpu.memory_space<semaphore_mem>> -> memref<!tpu.dma_semaphore, #tpu.memory_space<semaphore_mem>>
        %dma_wait3A_901 = arith.constant 0 : i32
        %dma_wait3A_902 = tpu.memref_slice %arg9[%dma_wait3A_891, %add3A_889, %dma_wait3A_901] : memref<6x131072x16xf32, #tpu.memory_space<hbm>> -> memref<1x256x16xf32, #tpu.memory_space<hbm>>
        %dma_wait3A_903 = tpu.memref_squeeze %dma_wait3A_902 : memref<1x256x16xf32, #tpu.memory_space<hbm>> -> memref<256x16xf32, #tpu.memory_space<hbm>>
        %dma_wait3A_904 = arith.constant 0 : i32
        %dma_wait3A_905 = arith.constant 0 : i32
        %dma_wait3A_906 = tpu.memref_slice %arg11[%select_n3A_501, %dma_wait3A_890, %dma_wait3A_904, %dma_wait3A_905] : memref<3x6x256x16xf32, #tpu.memory_space<vmem>> -> memref<1x1x256x16xf32, #tpu.memory_space<vmem>>
        %dma_wait3A_907 = tpu.memref_squeeze %dma_wait3A_906 : memref<1x1x256x16xf32, #tpu.memory_space<vmem>> -> memref<256x16xf32, #tpu.memory_space<vmem>>
        tpu.wait_dma2 semaphore(%dma_wait3A_900 : memref<!tpu.dma_semaphore, #tpu.memory_space<semaphore_mem>>) src(%dma_wait3A_907 : memref<256x16xf32, #tpu.memory_space<vmem>>) dst(%dma_wait3A_903 : memref<256x16xf32, #tpu.memory_space<hbm>>)
      } else {
      }
      %add3A_504 = arith.constant 2 : i32
      %add3A_505 = arith.addi %scan3A_474, %add3A_504 : i32
      %lt3A_506 = arith.constant 16 : i32
      %lt3A_507 = arith.cmpi slt, %add3A_505, %lt3A_506 : i32
      %convert_element_type3A_508 = arith.extui %lt3A_507 : i1 to i32
      %cond3A_509 = arith.constant 0 : i32
      %cond3A_510 = arith.cmpi ne, %convert_element_type3A_508, %cond3A_509 : i32
      scf.if %cond3A_510 {
        %add3A_781 = arith.constant 2 : i32
        %add3A_782 = arith.addi %scan3A_474, %add3A_781 : i32
        %mul3A_783 = arith.constant 256 : i32
        %mul3A_784 = arith.muli %add3A_782, %mul3A_783 : i32
        %add3A_785 = arith.constant 0 : i32
        %add3A_786 = arith.addi %mul3A_784, %add3A_785 : i32
        %dma_start3A_787 = arith.constant 0 : i32
        %dma_start3A_788 = arith.constant 0 : i32
        %dma_start3A_789 = arith.constant 0 : i32
        %dma_start3A_790 = tpu.memref_slice %arg11[%select_n3A_501, %dma_start3A_787, %dma_start3A_788, %dma_start3A_789] : memref<3x6x256x16xf32, #tpu.memory_space<vmem>> -> memref<1x1x128x16xf32, #tpu.memory_space<vmem>>
        %dma_start3A_791 = tpu.memref_squeeze %dma_start3A_790 : memref<1x1x128x16xf32, #tpu.memory_space<vmem>> -> memref<128x16xf32, #tpu.memory_space<vmem>>
        %dma_start3A_792 = tpu.memref_slice %arg10[%add3A_786] : memref<4096xi32, #tpu.memory_space<vmem>> -> memref<128xi32, #tpu.memory_space<vmem>>
        %dma_start3A_793 = arith.constant 0 : i32
        %dma_start3A_794 = arith.constant 0 : i32
        %dma_start3A_795 = tpu.memref_slice %arg2[%dma_start3A_793, %dma_start3A_794] : memref<1048576x16xf32, #tpu.memory_space<hbm>> -> memref<1048576x16xf32, #tpu.memory_space<hbm>>
        %dma_start3A_796 = tpu.memref_slice %arg12[%select_n3A_501] : memref<3x!tpu.dma_semaphore, #tpu.memory_space<semaphore_mem>> -> memref<1x!tpu.dma_semaphore, #tpu.memory_space<semaphore_mem>>
        %dma_start3A_797 = tpu.memref_squeeze %dma_start3A_796 : memref<1x!tpu.dma_semaphore, #tpu.memory_space<semaphore_mem>> -> memref<!tpu.dma_semaphore, #tpu.memory_space<semaphore_mem>>
        tpu.enqueue_indirect_dma source(%dma_start3A_795 : memref<1048576x16xf32, #tpu.memory_space<hbm>>) target(%dma_start3A_791 : memref<128x16xf32, #tpu.memory_space<vmem>>) offsets(%dma_start3A_792 : memref<128xi32, #tpu.memory_space<vmem>>) semaphore(%dma_start3A_797 : memref<!tpu.dma_semaphore, #tpu.memory_space<semaphore_mem>>)
        %dma_start3A_798 = arith.constant 1 : i32
        %dma_start3A_799 = arith.constant 0 : i32
        %dma_start3A_800 = arith.constant 0 : i32
        %dma_start3A_801 = tpu.memref_slice %arg11[%select_n3A_501, %dma_start3A_798, %dma_start3A_799, %dma_start3A_800] : memref<3x6x256x16xf32, #tpu.memory_space<vmem>> -> memref<1x1x128x16xf32, #tpu.memory_space<vmem>>
        %dma_start3A_802 = tpu.memref_squeeze %dma_start3A_801 : memref<1x1x128x16xf32, #tpu.memory_space<vmem>> -> memref<128x16xf32, #tpu.memory_space<vmem>>
        %dma_start3A_803 = tpu.memref_slice %arg10[%add3A_786] : memref<4096xi32, #tpu.memory_space<vmem>> -> memref<128xi32, #tpu.memory_space<vmem>>
        %dma_start3A_804 = arith.constant 0 : i32
        %dma_start3A_805 = arith.constant 0 : i32
        %dma_start3A_806 = tpu.memref_slice %arg3[%dma_start3A_804, %dma_start3A_805] : memref<1048576x16xf32, #tpu.memory_space<hbm>> -> memref<1048576x16xf32, #tpu.memory_space<hbm>>
        %dma_start3A_807 = tpu.memref_slice %arg12[%select_n3A_501] : memref<3x!tpu.dma_semaphore, #tpu.memory_space<semaphore_mem>> -> memref<1x!tpu.dma_semaphore, #tpu.memory_space<semaphore_mem>>
        %dma_start3A_808 = tpu.memref_squeeze %dma_start3A_807 : memref<1x!tpu.dma_semaphore, #tpu.memory_space<semaphore_mem>> -> memref<!tpu.dma_semaphore, #tpu.memory_space<semaphore_mem>>
        tpu.enqueue_indirect_dma source(%dma_start3A_806 : memref<1048576x16xf32, #tpu.memory_space<hbm>>) target(%dma_start3A_802 : memref<128x16xf32, #tpu.memory_space<vmem>>) offsets(%dma_start3A_803 : memref<128xi32, #tpu.memory_space<vmem>>) semaphore(%dma_start3A_808 : memref<!tpu.dma_semaphore, #tpu.memory_space<semaphore_mem>>)
        %dma_start3A_809 = arith.constant 2 : i32
        %dma_start3A_810 = arith.constant 0 : i32
        %dma_start3A_811 = arith.constant 0 : i32
        %dma_start3A_812 = tpu.memref_slice %arg11[%select_n3A_501, %dma_start3A_809, %dma_start3A_810, %dma_start3A_811] : memref<3x6x256x16xf32, #tpu.memory_space<vmem>> -> memref<1x1x128x16xf32, #tpu.memory_space<vmem>>
        %dma_start3A_813 = tpu.memref_squeeze %dma_start3A_812 : memref<1x1x128x16xf32, #tpu.memory_space<vmem>> -> memref<128x16xf32, #tpu.memory_space<vmem>>
        %dma_start3A_814 = tpu.memref_slice %arg10[%add3A_786] : memref<4096xi32, #tpu.memory_space<vmem>> -> memref<128xi32, #tpu.memory_space<vmem>>
        %dma_start3A_815 = arith.constant 0 : i32
        %dma_start3A_816 = arith.constant 0 : i32
        %dma_start3A_817 = tpu.memref_slice %arg4[%dma_start3A_815, %dma_start3A_816] : memref<1048576x16xf32, #tpu.memory_space<hbm>> -> memref<1048576x16xf32, #tpu.memory_space<hbm>>
        %dma_start3A_818 = tpu.memref_slice %arg12[%select_n3A_501] : memref<3x!tpu.dma_semaphore, #tpu.memory_space<semaphore_mem>> -> memref<1x!tpu.dma_semaphore, #tpu.memory_space<semaphore_mem>>
        %dma_start3A_819 = tpu.memref_squeeze %dma_start3A_818 : memref<1x!tpu.dma_semaphore, #tpu.memory_space<semaphore_mem>> -> memref<!tpu.dma_semaphore, #tpu.memory_space<semaphore_mem>>
        tpu.enqueue_indirect_dma source(%dma_start3A_817 : memref<1048576x16xf32, #tpu.memory_space<hbm>>) target(%dma_start3A_813 : memref<128x16xf32, #tpu.memory_space<vmem>>) offsets(%dma_start3A_814 : memref<128xi32, #tpu.memory_space<vmem>>) semaphore(%dma_start3A_819 : memref<!tpu.dma_semaphore, #tpu.memory_space<semaphore_mem>>)
        %dma_start3A_820 = arith.constant 3 : i32
        %dma_start3A_821 = arith.constant 0 : i32
        %dma_start3A_822 = arith.constant 0 : i32
        %dma_start3A_823 = tpu.memref_slice %arg11[%select_n3A_501, %dma_start3A_820, %dma_start3A_821, %dma_start3A_822] : memref<3x6x256x16xf32, #tpu.memory_space<vmem>> -> memref<1x1x128x16xf32, #tpu.memory_space<vmem>>
        %dma_start3A_824 = tpu.memref_squeeze %dma_start3A_823 : memref<1x1x128x16xf32, #tpu.memory_space<vmem>> -> memref<128x16xf32, #tpu.memory_space<vmem>>
        %dma_start3A_825 = tpu.memref_slice %arg10[%add3A_786] : memref<4096xi32, #tpu.memory_space<vmem>> -> memref<128xi32, #tpu.memory_space<vmem>>
        %dma_start3A_826 = arith.constant 0 : i32
        %dma_start3A_827 = arith.constant 0 : i32
        %dma_start3A_828 = tpu.memref_slice %arg5[%dma_start3A_826, %dma_start3A_827] : memref<1048576x16xf32, #tpu.memory_space<hbm>> -> memref<1048576x16xf32, #tpu.memory_space<hbm>>
        %dma_start3A_829 = tpu.memref_slice %arg12[%select_n3A_501] : memref<3x!tpu.dma_semaphore, #tpu.memory_space<semaphore_mem>> -> memref<1x!tpu.dma_semaphore, #tpu.memory_space<semaphore_mem>>
        %dma_start3A_830 = tpu.memref_squeeze %dma_start3A_829 : memref<1x!tpu.dma_semaphore, #tpu.memory_space<semaphore_mem>> -> memref<!tpu.dma_semaphore, #tpu.memory_space<semaphore_mem>>
        tpu.enqueue_indirect_dma source(%dma_start3A_828 : memref<1048576x16xf32, #tpu.memory_space<hbm>>) target(%dma_start3A_824 : memref<128x16xf32, #tpu.memory_space<vmem>>) offsets(%dma_start3A_825 : memref<128xi32, #tpu.memory_space<vmem>>) semaphore(%dma_start3A_830 : memref<!tpu.dma_semaphore, #tpu.memory_space<semaphore_mem>>)
        %dma_start3A_831 = arith.constant 4 : i32
        %dma_start3A_832 = arith.constant 0 : i32
        %dma_start3A_833 = arith.constant 0 : i32
        %dma_start3A_834 = tpu.memref_slice %arg11[%select_n3A_501, %dma_start3A_831, %dma_start3A_832, %dma_start3A_833] : memref<3x6x256x16xf32, #tpu.memory_space<vmem>> -> memref<1x1x128x16xf32, #tpu.memory_space<vmem>>
        %dma_start3A_835 = tpu.memref_squeeze %dma_start3A_834 : memref<1x1x128x16xf32, #tpu.memory_space<vmem>> -> memref<128x16xf32, #tpu.memory_space<vmem>>
        %dma_start3A_836 = tpu.memref_slice %arg10[%add3A_786] : memref<4096xi32, #tpu.memory_space<vmem>> -> memref<128xi32, #tpu.memory_space<vmem>>
        %dma_start3A_837 = arith.constant 0 : i32
        %dma_start3A_838 = arith.constant 0 : i32
        %dma_start3A_839 = tpu.memref_slice %arg6[%dma_start3A_837, %dma_start3A_838] : memref<1048576x16xf32, #tpu.memory_space<hbm>> -> memref<1048576x16xf32, #tpu.memory_space<hbm>>
        %dma_start3A_840 = tpu.memref_slice %arg12[%select_n3A_501] : memref<3x!tpu.dma_semaphore, #tpu.memory_space<semaphore_mem>> -> memref<1x!tpu.dma_semaphore, #tpu.memory_space<semaphore_mem>>
        %dma_start3A_841 = tpu.memref_squeeze %dma_start3A_840 : memref<1x!tpu.dma_semaphore, #tpu.memory_space<semaphore_mem>> -> memref<!tpu.dma_semaphore, #tpu.memory_space<semaphore_mem>>
        tpu.enqueue_indirect_dma source(%dma_start3A_839 : memref<1048576x16xf32, #tpu.memory_space<hbm>>) target(%dma_start3A_835 : memref<128x16xf32, #tpu.memory_space<vmem>>) offsets(%dma_start3A_836 : memref<128xi32, #tpu.memory_space<vmem>>) semaphore(%dma_start3A_841 : memref<!tpu.dma_semaphore, #tpu.memory_space<semaphore_mem>>)
        %dma_start3A_842 = arith.constant 5 : i32
        %dma_start3A_843 = arith.constant 0 : i32
        %dma_start3A_844 = arith.constant 0 : i32
        %dma_start3A_845 = tpu.memref_slice %arg11[%select_n3A_501, %dma_start3A_842, %dma_start3A_843, %dma_start3A_844] : memref<3x6x256x16xf32, #tpu.memory_space<vmem>> -> memref<1x1x128x16xf32, #tpu.memory_space<vmem>>
        %dma_start3A_846 = tpu.memref_squeeze %dma_start3A_845 : memref<1x1x128x16xf32, #tpu.memory_space<vmem>> -> memref<128x16xf32, #tpu.memory_space<vmem>>
        %dma_start3A_847 = tpu.memref_slice %arg10[%add3A_786] : memref<4096xi32, #tpu.memory_space<vmem>> -> memref<128xi32, #tpu.memory_space<vmem>>
        %dma_start3A_848 = arith.constant 0 : i32
        %dma_start3A_849 = arith.constant 0 : i32
        %dma_start3A_850 = tpu.memref_slice %arg7[%dma_start3A_848, %dma_start3A_849] : memref<1048576x16xf32, #tpu.memory_space<hbm>> -> memref<1048576x16xf32, #tpu.memory_space<hbm>>
        %dma_start3A_851 = tpu.memref_slice %arg12[%select_n3A_501] : memref<3x!tpu.dma_semaphore, #tpu.memory_space<semaphore_mem>> -> memref<1x!tpu.dma_semaphore, #tpu.memory_space<semaphore_mem>>
        %dma_start3A_852 = tpu.memref_squeeze %dma_start3A_851 : memref<1x!tpu.dma_semaphore, #tpu.memory_space<semaphore_mem>> -> memref<!tpu.dma_semaphore, #tpu.memory_space<semaphore_mem>>
        tpu.enqueue_indirect_dma source(%dma_start3A_850 : memref<1048576x16xf32, #tpu.memory_space<hbm>>) target(%dma_start3A_846 : memref<128x16xf32, #tpu.memory_space<vmem>>) offsets(%dma_start3A_847 : memref<128xi32, #tpu.memory_space<vmem>>) semaphore(%dma_start3A_852 : memref<!tpu.dma_semaphore, #tpu.memory_space<semaphore_mem>>)
        %mul3A_853 = arith.constant 256 : i32
        %mul3A_854 = arith.muli %add3A_782, %mul3A_853 : i32
        %add3A_855 = arith.constant 128 : i32
        %add3A_856 = arith.addi %mul3A_854, %add3A_855 : i32
        %dma_start3A_857 = arith.constant 0 : i32
        %dma_start3A_858 = arith.constant 128 : i32
        %dma_start3A_859 = arith.constant 0 : i32
        %dma_start3A_860 = tpu.memref_slice %arg11[%select_n3A_501, %dma_start3A_857, %dma_start3A_858, %dma_start3A_859] : memref<3x6x256x16xf32, #tpu.memory_space<vmem>> -> memref<1x1x128x16xf32, #tpu.memory_space<vmem>>
        %dma_start3A_861 = tpu.memref_squeeze %dma_start3A_860 : memref<1x1x128x16xf32, #tpu.memory_space<vmem>> -> memref<128x16xf32, #tpu.memory_space<vmem>>
        %dma_start3A_862 = tpu.memref_slice %arg10[%add3A_856] : memref<4096xi32, #tpu.memory_space<vmem>> -> memref<128xi32, #tpu.memory_space<vmem>>
        %dma_start3A_863 = arith.constant 0 : i32
        %dma_start3A_864 = arith.constant 0 : i32
        %dma_start3A_865 = tpu.memref_slice %arg2[%dma_start3A_863, %dma_start3A_864] : memref<1048576x16xf32, #tpu.memory_space<hbm>> -> memref<1048576x16xf32, #tpu.memory_space<hbm>>
        %dma_start3A_866 = tpu.memref_slice %arg12[%select_n3A_501] : memref<3x!tpu.dma_semaphore, #tpu.memory_space<semaphore_mem>> -> memref<1x!tpu.dma_semaphore, #tpu.memory_space<semaphore_mem>>
        %dma_start3A_867 = tpu.memref_squeeze %dma_start3A_866 : memref<1x!tpu.dma_semaphore, #tpu.memory_space<semaphore_mem>> -> memref<!tpu.dma_semaphore, #tpu.memory_space<semaphore_mem>>
        tpu.enqueue_indirect_dma source(%dma_start3A_865 : memref<1048576x16xf32, #tpu.memory_space<hbm>>) target(%dma_start3A_861 : memref<128x16xf32, #tpu.memory_space<vmem>>) offsets(%dma_start3A_862 : memref<128xi32, #tpu.memory_space<vmem>>) semaphore(%dma_start3A_867 : memref<!tpu.dma_semaphore, #tpu.memory_space<semaphore_mem>>)
        %dma_start3A_868 = arith.constant 1 : i32
        %dma_start3A_869 = arith.constant 128 : i32
        %dma_start3A_870 = arith.constant 0 : i32
        %dma_start3A_871 = tpu.memref_slice %arg11[%select_n3A_501, %dma_start3A_868, %dma_start3A_869, %dma_start3A_870] : memref<3x6x256x16xf32, #tpu.memory_space<vmem>> -> memref<1x1x128x16xf32, #tpu.memory_space<vmem>>
        %dma_start3A_872 = tpu.memref_squeeze %dma_start3A_871 : memref<1x1x128x16xf32, #tpu.memory_space<vmem>> -> memref<128x16xf32, #tpu.memory_space<vmem>>
        %dma_start3A_873 = tpu.memref_slice %arg10[%add3A_856] : memref<4096xi32, #tpu.memory_space<vmem>> -> memref<128xi32, #tpu.memory_space<vmem>>
        %dma_start3A_874 = arith.constant 0 : i32
        %dma_start3A_875 = arith.constant 0 : i32
        %dma_start3A_876 = tpu.memref_slice %arg3[%dma_start3A_874, %dma_start3A_875] : memref<1048576x16xf32, #tpu.memory_space<hbm>> -> memref<1048576x16xf32, #tpu.memory_space<hbm>>
        %dma_start3A_877 = tpu.memref_slice %arg12[%select_n3A_501] : memref<3x!tpu.dma_semaphore, #tpu.memory_space<semaphore_mem>> -> memref<1x!tpu.dma_semaphore, #tpu.memory_space<semaphore_mem>>
        %dma_start3A_878 = tpu.memref_squeeze %dma_start3A_877 : memref<1x!tpu.dma_semaphore, #tpu.memory_space<semaphore_mem>> -> memref<!tpu.dma_semaphore, #tpu.memory_space<semaphore_mem>>
        tpu.enqueue_indirect_dma source(%dma_start3A_876 : memref<1048576x16xf32, #tpu.memory_space<hbm>>) target(%dma_start3A_872 : memref<128x16xf32, #tpu.memory_space<vmem>>) offsets(%dma_start3A_873 : memref<128xi32, #tpu.memory_space<vmem>>) semaphore(%dma_start3A_878 : memref<!tpu.dma_semaphore, #tpu.memory_space<semaphore_mem>>)
        %dma_start3A_879 = arith.constant 2 : i32
        %dma_start3A_880 = arith.constant 128 : i32
        %dma_start3A_881 = arith.constant 0 : i32
        %dma_start3A_882 = tpu.memref_slice %arg11[%select_n3A_501, %dma_start3A_879, %dma_start3A_880, %dma_start3A_881] : memref<3x6x256x16xf32, #tpu.memory_space<vmem>> -> memref<1x1x128x16xf32, #tpu.memory_space<vmem>>
        %dma_start3A_883 = tpu.memref_squeeze %dma_start3A_882 : memref<1x1x128x16xf32, #tpu.memory_space<vmem>> -> memref<128x16xf32, #tpu.memory_space<vmem>>
        %dma_start3A_884 = tpu.memref_slice %arg10[%add3A_856] : memref<4096xi32, #tpu.memory_space<vmem>> -> memref<128xi32, #tpu.memory_space<vmem>>
        %dma_start3A_885 = arith.constant 0 : i32
        %dma_start3A_886 = arith.constant 0 : i32
        %dma_start3A_887 = tpu.memref_slice %arg4[%dma_start3A_885, %dma_start3A_886] : memref<1048576x16xf32, #tpu.memory_space<hbm>> -> memref<1048576x16xf32, #tpu.memory_space<hbm>>
        %dma_start3A_888 = tpu.memref_slice %arg12[%select_n3A_501] : memref<3x!tpu.dma_semaphore, #tpu.memory_space<semaphore_mem>> -> memref<1x!tpu.dma_semaphore, #tpu.memory_space<semaphore_mem>>
        %dma_start3A_889 = tpu.memref_squeeze %dma_start3A_888 : memref<1x!tpu.dma_semaphore, #tpu.memory_space<semaphore_mem>> -> memref<!tpu.dma_semaphore, #tpu.memory_space<semaphore_mem>>
        tpu.enqueue_indirect_dma source(%dma_start3A_887 : memref<1048576x16xf32, #tpu.memory_space<hbm>>) target(%dma_start3A_883 : memref<128x16xf32, #tpu.memory_space<vmem>>) offsets(%dma_start3A_884 : memref<128xi32, #tpu.memory_space<vmem>>) semaphore(%dma_start3A_889 : memref<!tpu.dma_semaphore, #tpu.memory_space<semaphore_mem>>)
        %dma_start3A_890 = arith.constant 3 : i32
        %dma_start3A_891 = arith.constant 128 : i32
        %dma_start3A_892 = arith.constant 0 : i32
        %dma_start3A_893 = tpu.memref_slice %arg11[%select_n3A_501, %dma_start3A_890, %dma_start3A_891, %dma_start3A_892] : memref<3x6x256x16xf32, #tpu.memory_space<vmem>> -> memref<1x1x128x16xf32, #tpu.memory_space<vmem>>
        %dma_start3A_894 = tpu.memref_squeeze %dma_start3A_893 : memref<1x1x128x16xf32, #tpu.memory_space<vmem>> -> memref<128x16xf32, #tpu.memory_space<vmem>>
        %dma_start3A_895 = tpu.memref_slice %arg10[%add3A_856] : memref<4096xi32, #tpu.memory_space<vmem>> -> memref<128xi32, #tpu.memory_space<vmem>>
        %dma_start3A_896 = arith.constant 0 : i32
        %dma_start3A_897 = arith.constant 0 : i32
        %dma_start3A_898 = tpu.memref_slice %arg5[%dma_start3A_896, %dma_start3A_897] : memref<1048576x16xf32, #tpu.memory_space<hbm>> -> memref<1048576x16xf32, #tpu.memory_space<hbm>>
        %dma_start3A_899 = tpu.memref_slice %arg12[%select_n3A_501] : memref<3x!tpu.dma_semaphore, #tpu.memory_space<semaphore_mem>> -> memref<1x!tpu.dma_semaphore, #tpu.memory_space<semaphore_mem>>
        %dma_start3A_900 = tpu.memref_squeeze %dma_start3A_899 : memref<1x!tpu.dma_semaphore, #tpu.memory_space<semaphore_mem>> -> memref<!tpu.dma_semaphore, #tpu.memory_space<semaphore_mem>>
        tpu.enqueue_indirect_dma source(%dma_start3A_898 : memref<1048576x16xf32, #tpu.memory_space<hbm>>) target(%dma_start3A_894 : memref<128x16xf32, #tpu.memory_space<vmem>>) offsets(%dma_start3A_895 : memref<128xi32, #tpu.memory_space<vmem>>) semaphore(%dma_start3A_900 : memref<!tpu.dma_semaphore, #tpu.memory_space<semaphore_mem>>)
        %dma_start3A_901 = arith.constant 4 : i32
        %dma_start3A_902 = arith.constant 128 : i32
        %dma_start3A_903 = arith.constant 0 : i32
        %dma_start3A_904 = tpu.memref_slice %arg11[%select_n3A_501, %dma_start3A_901, %dma_start3A_902, %dma_start3A_903] : memref<3x6x256x16xf32, #tpu.memory_space<vmem>> -> memref<1x1x128x16xf32, #tpu.memory_space<vmem>>
        %dma_start3A_905 = tpu.memref_squeeze %dma_start3A_904 : memref<1x1x128x16xf32, #tpu.memory_space<vmem>> -> memref<128x16xf32, #tpu.memory_space<vmem>>
        %dma_start3A_906 = tpu.memref_slice %arg10[%add3A_856] : memref<4096xi32, #tpu.memory_space<vmem>> -> memref<128xi32, #tpu.memory_space<vmem>>
        %dma_start3A_907 = arith.constant 0 : i32
        %dma_start3A_908 = arith.constant 0 : i32
        %dma_start3A_909 = tpu.memref_slice %arg6[%dma_start3A_907, %dma_start3A_908] : memref<1048576x16xf32, #tpu.memory_space<hbm>> -> memref<1048576x16xf32, #tpu.memory_space<hbm>>
        %dma_start3A_910 = tpu.memref_slice %arg12[%select_n3A_501] : memref<3x!tpu.dma_semaphore, #tpu.memory_space<semaphore_mem>> -> memref<1x!tpu.dma_semaphore, #tpu.memory_space<semaphore_mem>>
        %dma_start3A_911 = tpu.memref_squeeze %dma_start3A_910 : memref<1x!tpu.dma_semaphore, #tpu.memory_space<semaphore_mem>> -> memref<!tpu.dma_semaphore, #tpu.memory_space<semaphore_mem>>
        tpu.enqueue_indirect_dma source(%dma_start3A_909 : memref<1048576x16xf32, #tpu.memory_space<hbm>>) target(%dma_start3A_905 : memref<128x16xf32, #tpu.memory_space<vmem>>) offsets(%dma_start3A_906 : memref<128xi32, #tpu.memory_space<vmem>>) semaphore(%dma_start3A_911 : memref<!tpu.dma_semaphore, #tpu.memory_space<semaphore_mem>>)
        %dma_start3A_912 = arith.constant 5 : i32
        %dma_start3A_913 = arith.constant 128 : i32
        %dma_start3A_914 = arith.constant 0 : i32
        %dma_start3A_915 = tpu.memref_slice %arg11[%select_n3A_501, %dma_start3A_912, %dma_start3A_913, %dma_start3A_914] : memref<3x6x256x16xf32, #tpu.memory_space<vmem>> -> memref<1x1x128x16xf32, #tpu.memory_space<vmem>>
        %dma_start3A_916 = tpu.memref_squeeze %dma_start3A_915 : memref<1x1x128x16xf32, #tpu.memory_space<vmem>> -> memref<128x16xf32, #tpu.memory_space<vmem>>
        %dma_start3A_917 = tpu.memref_slice %arg10[%add3A_856] : memref<4096xi32, #tpu.memory_space<vmem>> -> memref<128xi32, #tpu.memory_space<vmem>>
        %dma_start3A_918 = arith.constant 0 : i32
        %dma_start3A_919 = arith.constant 0 : i32
        %dma_start3A_920 = tpu.memref_slice %arg7[%dma_start3A_918, %dma_start3A_919] : memref<1048576x16xf32, #tpu.memory_space<hbm>> -> memref<1048576x16xf32, #tpu.memory_space<hbm>>
        %dma_start3A_921 = tpu.memref_slice %arg12[%select_n3A_501] : memref<3x!tpu.dma_semaphore, #tpu.memory_space<semaphore_mem>> -> memref<1x!tpu.dma_semaphore, #tpu.memory_space<semaphore_mem>>
        %dma_start3A_922 = tpu.memref_squeeze %dma_start3A_921 : memref<1x!tpu.dma_semaphore, #tpu.memory_space<semaphore_mem>> -> memref<!tpu.dma_semaphore, #tpu.memory_space<semaphore_mem>>
        tpu.enqueue_indirect_dma source(%dma_start3A_920 : memref<1048576x16xf32, #tpu.memory_space<hbm>>) target(%dma_start3A_916 : memref<128x16xf32, #tpu.memory_space<vmem>>) offsets(%dma_start3A_917 : memref<128xi32, #tpu.memory_space<vmem>>) semaphore(%dma_start3A_922 : memref<!tpu.dma_semaphore, #tpu.memory_space<semaphore_mem>>)
      } else {
      }
      %dma_wait3A_511 = arith.constant 0 : i32
      %dma_wait3A_512 = arith.constant 0 : i32
      %dma_wait3A_513 = arith.constant 0 : i32
      %dma_wait3A_514 = tpu.memref_slice %arg11[%select_n3A_483, %dma_wait3A_511, %dma_wait3A_512, %dma_wait3A_513] : memref<3x6x256x16xf32, #tpu.memory_space<vmem>> -> memref<1x1x128x16xf32, #tpu.memory_space<vmem>>
      %dma_wait3A_515 = tpu.memref_squeeze %dma_wait3A_514 : memref<1x1x128x16xf32, #tpu.memory_space<vmem>> -> memref<128x16xf32, #tpu.memory_space<vmem>>
      %dma_wait3A_516 = arith.constant 0 : i32
      %dma_wait3A_517 = tpu.memref_slice %arg10[%dma_wait3A_516] : memref<4096xi32, #tpu.memory_space<vmem>> -> memref<128xi32, #tpu.memory_space<vmem>>
      %dma_wait3A_518 = arith.constant 0 : i32
      %dma_wait3A_519 = arith.constant 0 : i32
      %dma_wait3A_520 = tpu.memref_slice %arg2[%dma_wait3A_518, %dma_wait3A_519] : memref<1048576x16xf32, #tpu.memory_space<hbm>> -> memref<1048576x16xf32, #tpu.memory_space<hbm>>
      %dma_wait3A_521 = tpu.memref_slice %arg12[%select_n3A_483] : memref<3x!tpu.dma_semaphore, #tpu.memory_space<semaphore_mem>> -> memref<1x!tpu.dma_semaphore, #tpu.memory_space<semaphore_mem>>
      %dma_wait3A_522 = tpu.memref_squeeze %dma_wait3A_521 : memref<1x!tpu.dma_semaphore, #tpu.memory_space<semaphore_mem>> -> memref<!tpu.dma_semaphore, #tpu.memory_space<semaphore_mem>>
      tpu.wait_indirect_dma semaphore(%dma_wait3A_522 : memref<!tpu.dma_semaphore, #tpu.memory_space<semaphore_mem>>) src(%dma_wait3A_520 : memref<1048576x16xf32, #tpu.memory_space<hbm>>) dst(%dma_wait3A_515 : memref<128x16xf32, #tpu.memory_space<vmem>>)
      %dma_wait3A_523 = arith.constant 1 : i32
      %dma_wait3A_524 = arith.constant 0 : i32
      %dma_wait3A_525 = arith.constant 0 : i32
      %dma_wait3A_526 = tpu.memref_slice %arg11[%select_n3A_483, %dma_wait3A_523, %dma_wait3A_524, %dma_wait3A_525] : memref<3x6x256x16xf32, #tpu.memory_space<vmem>> -> memref<1x1x128x16xf32, #tpu.memory_space<vmem>>
      %dma_wait3A_527 = tpu.memref_squeeze %dma_wait3A_526 : memref<1x1x128x16xf32, #tpu.memory_space<vmem>> -> memref<128x16xf32, #tpu.memory_space<vmem>>
      %dma_wait3A_528 = arith.constant 0 : i32
      %dma_wait3A_529 = tpu.memref_slice %arg10[%dma_wait3A_528] : memref<4096xi32, #tpu.memory_space<vmem>> -> memref<128xi32, #tpu.memory_space<vmem>>
      %dma_wait3A_530 = arith.constant 0 : i32
      %dma_wait3A_531 = arith.constant 0 : i32
      %dma_wait3A_532 = tpu.memref_slice %arg3[%dma_wait3A_530, %dma_wait3A_531] : memref<1048576x16xf32, #tpu.memory_space<hbm>> -> memref<1048576x16xf32, #tpu.memory_space<hbm>>
      %dma_wait3A_533 = tpu.memref_slice %arg12[%select_n3A_483] : memref<3x!tpu.dma_semaphore, #tpu.memory_space<semaphore_mem>> -> memref<1x!tpu.dma_semaphore, #tpu.memory_space<semaphore_mem>>
      %dma_wait3A_534 = tpu.memref_squeeze %dma_wait3A_533 : memref<1x!tpu.dma_semaphore, #tpu.memory_space<semaphore_mem>> -> memref<!tpu.dma_semaphore, #tpu.memory_space<semaphore_mem>>
      tpu.wait_indirect_dma semaphore(%dma_wait3A_534 : memref<!tpu.dma_semaphore, #tpu.memory_space<semaphore_mem>>) src(%dma_wait3A_532 : memref<1048576x16xf32, #tpu.memory_space<hbm>>) dst(%dma_wait3A_527 : memref<128x16xf32, #tpu.memory_space<vmem>>)
      %dma_wait3A_535 = arith.constant 2 : i32
      %dma_wait3A_536 = arith.constant 0 : i32
      %dma_wait3A_537 = arith.constant 0 : i32
      %dma_wait3A_538 = tpu.memref_slice %arg11[%select_n3A_483, %dma_wait3A_535, %dma_wait3A_536, %dma_wait3A_537] : memref<3x6x256x16xf32, #tpu.memory_space<vmem>> -> memref<1x1x128x16xf32, #tpu.memory_space<vmem>>
      %dma_wait3A_539 = tpu.memref_squeeze %dma_wait3A_538 : memref<1x1x128x16xf32, #tpu.memory_space<vmem>> -> memref<128x16xf32, #tpu.memory_space<vmem>>
      %dma_wait3A_540 = arith.constant 0 : i32
      %dma_wait3A_541 = tpu.memref_slice %arg10[%dma_wait3A_540] : memref<4096xi32, #tpu.memory_space<vmem>> -> memref<128xi32, #tpu.memory_space<vmem>>
      %dma_wait3A_542 = arith.constant 0 : i32
      %dma_wait3A_543 = arith.constant 0 : i32
      %dma_wait3A_544 = tpu.memref_slice %arg4[%dma_wait3A_542, %dma_wait3A_543] : memref<1048576x16xf32, #tpu.memory_space<hbm>> -> memref<1048576x16xf32, #tpu.memory_space<hbm>>
      %dma_wait3A_545 = tpu.memref_slice %arg12[%select_n3A_483] : memref<3x!tpu.dma_semaphore, #tpu.memory_space<semaphore_mem>> -> memref<1x!tpu.dma_semaphore, #tpu.memory_space<semaphore_mem>>
      %dma_wait3A_546 = tpu.memref_squeeze %dma_wait3A_545 : memref<1x!tpu.dma_semaphore, #tpu.memory_space<semaphore_mem>> -> memref<!tpu.dma_semaphore, #tpu.memory_space<semaphore_mem>>
      tpu.wait_indirect_dma semaphore(%dma_wait3A_546 : memref<!tpu.dma_semaphore, #tpu.memory_space<semaphore_mem>>) src(%dma_wait3A_544 : memref<1048576x16xf32, #tpu.memory_space<hbm>>) dst(%dma_wait3A_539 : memref<128x16xf32, #tpu.memory_space<vmem>>)
      %dma_wait3A_547 = arith.constant 3 : i32
      %dma_wait3A_548 = arith.constant 0 : i32
      %dma_wait3A_549 = arith.constant 0 : i32
      %dma_wait3A_550 = tpu.memref_slice %arg11[%select_n3A_483, %dma_wait3A_547, %dma_wait3A_548, %dma_wait3A_549] : memref<3x6x256x16xf32, #tpu.memory_space<vmem>> -> memref<1x1x128x16xf32, #tpu.memory_space<vmem>>
      %dma_wait3A_551 = tpu.memref_squeeze %dma_wait3A_550 : memref<1x1x128x16xf32, #tpu.memory_space<vmem>> -> memref<128x16xf32, #tpu.memory_space<vmem>>
      %dma_wait3A_552 = arith.constant 0 : i32
      %dma_wait3A_553 = tpu.memref_slice %arg10[%dma_wait3A_552] : memref<4096xi32, #tpu.memory_space<vmem>> -> memref<128xi32, #tpu.memory_space<vmem>>
      %dma_wait3A_554 = arith.constant 0 : i32
      %dma_wait3A_555 = arith.constant 0 : i32
      %dma_wait3A_556 = tpu.memref_slice %arg5[%dma_wait3A_554, %dma_wait3A_555] : memref<1048576x16xf32, #tpu.memory_space<hbm>> -> memref<1048576x16xf32, #tpu.memory_space<hbm>>
      %dma_wait3A_557 = tpu.memref_slice %arg12[%select_n3A_483] : memref<3x!tpu.dma_semaphore, #tpu.memory_space<semaphore_mem>> -> memref<1x!tpu.dma_semaphore, #tpu.memory_space<semaphore_mem>>
      %dma_wait3A_558 = tpu.memref_squeeze %dma_wait3A_557 : memref<1x!tpu.dma_semaphore, #tpu.memory_space<semaphore_mem>> -> memref<!tpu.dma_semaphore, #tpu.memory_space<semaphore_mem>>
      tpu.wait_indirect_dma semaphore(%dma_wait3A_558 : memref<!tpu.dma_semaphore, #tpu.memory_space<semaphore_mem>>) src(%dma_wait3A_556 : memref<1048576x16xf32, #tpu.memory_space<hbm>>) dst(%dma_wait3A_551 : memref<128x16xf32, #tpu.memory_space<vmem>>)
      %dma_wait3A_559 = arith.constant 4 : i32
      %dma_wait3A_560 = arith.constant 0 : i32
      %dma_wait3A_561 = arith.constant 0 : i32
      %dma_wait3A_562 = tpu.memref_slice %arg11[%select_n3A_483, %dma_wait3A_559, %dma_wait3A_560, %dma_wait3A_561] : memref<3x6x256x16xf32, #tpu.memory_space<vmem>> -> memref<1x1x128x16xf32, #tpu.memory_space<vmem>>
      %dma_wait3A_563 = tpu.memref_squeeze %dma_wait3A_562 : memref<1x1x128x16xf32, #tpu.memory_space<vmem>> -> memref<128x16xf32, #tpu.memory_space<vmem>>
      %dma_wait3A_564 = arith.constant 0 : i32
      %dma_wait3A_565 = tpu.memref_slice %arg10[%dma_wait3A_564] : memref<4096xi32, #tpu.memory_space<vmem>> -> memref<128xi32, #tpu.memory_space<vmem>>
      %dma_wait3A_566 = arith.constant 0 : i32
      %dma_wait3A_567 = arith.constant 0 : i32
      %dma_wait3A_568 = tpu.memref_slice %arg6[%dma_wait3A_566, %dma_wait3A_567] : memref<1048576x16xf32, #tpu.memory_space<hbm>> -> memref<1048576x16xf32, #tpu.memory_space<hbm>>
      %dma_wait3A_569 = tpu.memref_slice %arg12[%select_n3A_483] : memref<3x!tpu.dma_semaphore, #tpu.memory_space<semaphore_mem>> -> memref<1x!tpu.dma_semaphore, #tpu.memory_space<semaphore_mem>>
      %dma_wait3A_570 = tpu.memref_squeeze %dma_wait3A_569 : memref<1x!tpu.dma_semaphore, #tpu.memory_space<semaphore_mem>> -> memref<!tpu.dma_semaphore, #tpu.memory_space<semaphore_mem>>
      tpu.wait_indirect_dma semaphore(%dma_wait3A_570 : memref<!tpu.dma_semaphore, #tpu.memory_space<semaphore_mem>>) src(%dma_wait3A_568 : memref<1048576x16xf32, #tpu.memory_space<hbm>>) dst(%dma_wait3A_563 : memref<128x16xf32, #tpu.memory_space<vmem>>)
      %dma_wait3A_571 = arith.constant 5 : i32
      %dma_wait3A_572 = arith.constant 0 : i32
      %dma_wait3A_573 = arith.constant 0 : i32
      %dma_wait3A_574 = tpu.memref_slice %arg11[%select_n3A_483, %dma_wait3A_571, %dma_wait3A_572, %dma_wait3A_573] : memref<3x6x256x16xf32, #tpu.memory_space<vmem>> -> memref<1x1x128x16xf32, #tpu.memory_space<vmem>>
      %dma_wait3A_575 = tpu.memref_squeeze %dma_wait3A_574 : memref<1x1x128x16xf32, #tpu.memory_space<vmem>> -> memref<128x16xf32, #tpu.memory_space<vmem>>
      %dma_wait3A_576 = arith.constant 0 : i32
      %dma_wait3A_577 = tpu.memref_slice %arg10[%dma_wait3A_576] : memref<4096xi32, #tpu.memory_space<vmem>> -> memref<128xi32, #tpu.memory_space<vmem>>
      %dma_wait3A_578 = arith.constant 0 : i32
      %dma_wait3A_579 = arith.constant 0 : i32
      %dma_wait3A_580 = tpu.memref_slice %arg7[%dma_wait3A_578, %dma_wait3A_579] : memref<1048576x16xf32, #tpu.memory_space<hbm>> -> memref<1048576x16xf32, #tpu.memory_space<hbm>>
      %dma_wait3A_581 = tpu.memref_slice %arg12[%select_n3A_483] : memref<3x!tpu.dma_semaphore, #tpu.memory_space<semaphore_mem>> -> memref<1x!tpu.dma_semaphore, #tpu.memory_space<semaphore_mem>>
      %dma_wait3A_582 = tpu.memref_squeeze %dma_wait3A_581 : memref<1x!tpu.dma_semaphore, #tpu.memory_space<semaphore_mem>> -> memref<!tpu.dma_semaphore, #tpu.memory_space<semaphore_mem>>
      tpu.wait_indirect_dma semaphore(%dma_wait3A_582 : memref<!tpu.dma_semaphore, #tpu.memory_space<semaphore_mem>>) src(%dma_wait3A_580 : memref<1048576x16xf32, #tpu.memory_space<hbm>>) dst(%dma_wait3A_575 : memref<128x16xf32, #tpu.memory_space<vmem>>)
      %dma_wait3A_583 = arith.constant 0 : i32
      %dma_wait3A_584 = arith.constant 128 : i32
      %dma_wait3A_585 = arith.constant 0 : i32
      %dma_wait3A_586 = tpu.memref_slice %arg11[%select_n3A_483, %dma_wait3A_583, %dma_wait3A_584, %dma_wait3A_585] : memref<3x6x256x16xf32, #tpu.memory_space<vmem>> -> memref<1x1x128x16xf32, #tpu.memory_space<vmem>>
      %dma_wait3A_587 = tpu.memref_squeeze %dma_wait3A_586 : memref<1x1x128x16xf32, #tpu.memory_space<vmem>> -> memref<128x16xf32, #tpu.memory_space<vmem>>
      %dma_wait3A_588 = arith.constant 0 : i32
      %dma_wait3A_589 = tpu.memref_slice %arg10[%dma_wait3A_588] : memref<4096xi32, #tpu.memory_space<vmem>> -> memref<128xi32, #tpu.memory_space<vmem>>
      %dma_wait3A_590 = arith.constant 0 : i32
      %dma_wait3A_591 = arith.constant 0 : i32
      %dma_wait3A_592 = tpu.memref_slice %arg2[%dma_wait3A_590, %dma_wait3A_591] : memref<1048576x16xf32, #tpu.memory_space<hbm>> -> memref<1048576x16xf32, #tpu.memory_space<hbm>>
      %dma_wait3A_593 = tpu.memref_slice %arg12[%select_n3A_483] : memref<3x!tpu.dma_semaphore, #tpu.memory_space<semaphore_mem>> -> memref<1x!tpu.dma_semaphore, #tpu.memory_space<semaphore_mem>>
      %dma_wait3A_594 = tpu.memref_squeeze %dma_wait3A_593 : memref<1x!tpu.dma_semaphore, #tpu.memory_space<semaphore_mem>> -> memref<!tpu.dma_semaphore, #tpu.memory_space<semaphore_mem>>
      tpu.wait_indirect_dma semaphore(%dma_wait3A_594 : memref<!tpu.dma_semaphore, #tpu.memory_space<semaphore_mem>>) src(%dma_wait3A_592 : memref<1048576x16xf32, #tpu.memory_space<hbm>>) dst(%dma_wait3A_587 : memref<128x16xf32, #tpu.memory_space<vmem>>)
      %dma_wait3A_595 = arith.constant 1 : i32
      %dma_wait3A_596 = arith.constant 128 : i32
      %dma_wait3A_597 = arith.constant 0 : i32
      %dma_wait3A_598 = tpu.memref_slice %arg11[%select_n3A_483, %dma_wait3A_595, %dma_wait3A_596, %dma_wait3A_597] : memref<3x6x256x16xf32, #tpu.memory_space<vmem>> -> memref<1x1x128x16xf32, #tpu.memory_space<vmem>>
      %dma_wait3A_599 = tpu.memref_squeeze %dma_wait3A_598 : memref<1x1x128x16xf32, #tpu.memory_space<vmem>> -> memref<128x16xf32, #tpu.memory_space<vmem>>
      %dma_wait3A_600 = arith.constant 0 : i32
      %dma_wait3A_601 = tpu.memref_slice %arg10[%dma_wait3A_600] : memref<4096xi32, #tpu.memory_space<vmem>> -> memref<128xi32, #tpu.memory_space<vmem>>
      %dma_wait3A_602 = arith.constant 0 : i32
      %dma_wait3A_603 = arith.constant 0 : i32
      %dma_wait3A_604 = tpu.memref_slice %arg3[%dma_wait3A_602, %dma_wait3A_603] : memref<1048576x16xf32, #tpu.memory_space<hbm>> -> memref<1048576x16xf32, #tpu.memory_space<hbm>>
      %dma_wait3A_605 = tpu.memref_slice %arg12[%select_n3A_483] : memref<3x!tpu.dma_semaphore, #tpu.memory_space<semaphore_mem>> -> memref<1x!tpu.dma_semaphore, #tpu.memory_space<semaphore_mem>>
      %dma_wait3A_606 = tpu.memref_squeeze %dma_wait3A_605 : memref<1x!tpu.dma_semaphore, #tpu.memory_space<semaphore_mem>> -> memref<!tpu.dma_semaphore, #tpu.memory_space<semaphore_mem>>
      tpu.wait_indirect_dma semaphore(%dma_wait3A_606 : memref<!tpu.dma_semaphore, #tpu.memory_space<semaphore_mem>>) src(%dma_wait3A_604 : memref<1048576x16xf32, #tpu.memory_space<hbm>>) dst(%dma_wait3A_599 : memref<128x16xf32, #tpu.memory_space<vmem>>)
      %dma_wait3A_607 = arith.constant 2 : i32
      %dma_wait3A_608 = arith.constant 128 : i32
      %dma_wait3A_609 = arith.constant 0 : i32
      %dma_wait3A_610 = tpu.memref_slice %arg11[%select_n3A_483, %dma_wait3A_607, %dma_wait3A_608, %dma_wait3A_609] : memref<3x6x256x16xf32, #tpu.memory_space<vmem>> -> memref<1x1x128x16xf32, #tpu.memory_space<vmem>>
      %dma_wait3A_611 = tpu.memref_squeeze %dma_wait3A_610 : memref<1x1x128x16xf32, #tpu.memory_space<vmem>> -> memref<128x16xf32, #tpu.memory_space<vmem>>
      %dma_wait3A_612 = arith.constant 0 : i32
      %dma_wait3A_613 = tpu.memref_slice %arg10[%dma_wait3A_612] : memref<4096xi32, #tpu.memory_space<vmem>> -> memref<128xi32, #tpu.memory_space<vmem>>
      %dma_wait3A_614 = arith.constant 0 : i32
      %dma_wait3A_615 = arith.constant 0 : i32
      %dma_wait3A_616 = tpu.memref_slice %arg4[%dma_wait3A_614, %dma_wait3A_615] : memref<1048576x16xf32, #tpu.memory_space<hbm>> -> memref<1048576x16xf32, #tpu.memory_space<hbm>>
      %dma_wait3A_617 = tpu.memref_slice %arg12[%select_n3A_483] : memref<3x!tpu.dma_semaphore, #tpu.memory_space<semaphore_mem>> -> memref<1x!tpu.dma_semaphore, #tpu.memory_space<semaphore_mem>>
      %dma_wait3A_618 = tpu.memref_squeeze %dma_wait3A_617 : memref<1x!tpu.dma_semaphore, #tpu.memory_space<semaphore_mem>> -> memref<!tpu.dma_semaphore, #tpu.memory_space<semaphore_mem>>
      tpu.wait_indirect_dma semaphore(%dma_wait3A_618 : memref<!tpu.dma_semaphore, #tpu.memory_space<semaphore_mem>>) src(%dma_wait3A_616 : memref<1048576x16xf32, #tpu.memory_space<hbm>>) dst(%dma_wait3A_611 : memref<128x16xf32, #tpu.memory_space<vmem>>)
      %dma_wait3A_619 = arith.constant 3 : i32
      %dma_wait3A_620 = arith.constant 128 : i32
      %dma_wait3A_621 = arith.constant 0 : i32
      %dma_wait3A_622 = tpu.memref_slice %arg11[%select_n3A_483, %dma_wait3A_619, %dma_wait3A_620, %dma_wait3A_621] : memref<3x6x256x16xf32, #tpu.memory_space<vmem>> -> memref<1x1x128x16xf32, #tpu.memory_space<vmem>>
      %dma_wait3A_623 = tpu.memref_squeeze %dma_wait3A_622 : memref<1x1x128x16xf32, #tpu.memory_space<vmem>> -> memref<128x16xf32, #tpu.memory_space<vmem>>
      %dma_wait3A_624 = arith.constant 0 : i32
      %dma_wait3A_625 = tpu.memref_slice %arg10[%dma_wait3A_624] : memref<4096xi32, #tpu.memory_space<vmem>> -> memref<128xi32, #tpu.memory_space<vmem>>
      %dma_wait3A_626 = arith.constant 0 : i32
      %dma_wait3A_627 = arith.constant 0 : i32
      %dma_wait3A_628 = tpu.memref_slice %arg5[%dma_wait3A_626, %dma_wait3A_627] : memref<1048576x16xf32, #tpu.memory_space<hbm>> -> memref<1048576x16xf32, #tpu.memory_space<hbm>>
      %dma_wait3A_629 = tpu.memref_slice %arg12[%select_n3A_483] : memref<3x!tpu.dma_semaphore, #tpu.memory_space<semaphore_mem>> -> memref<1x!tpu.dma_semaphore, #tpu.memory_space<semaphore_mem>>
      %dma_wait3A_630 = tpu.memref_squeeze %dma_wait3A_629 : memref<1x!tpu.dma_semaphore, #tpu.memory_space<semaphore_mem>> -> memref<!tpu.dma_semaphore, #tpu.memory_space<semaphore_mem>>
      tpu.wait_indirect_dma semaphore(%dma_wait3A_630 : memref<!tpu.dma_semaphore, #tpu.memory_space<semaphore_mem>>) src(%dma_wait3A_628 : memref<1048576x16xf32, #tpu.memory_space<hbm>>) dst(%dma_wait3A_623 : memref<128x16xf32, #tpu.memory_space<vmem>>)
      %dma_wait3A_631 = arith.constant 4 : i32
      %dma_wait3A_632 = arith.constant 128 : i32
      %dma_wait3A_633 = arith.constant 0 : i32
      %dma_wait3A_634 = tpu.memref_slice %arg11[%select_n3A_483, %dma_wait3A_631, %dma_wait3A_632, %dma_wait3A_633] : memref<3x6x256x16xf32, #tpu.memory_space<vmem>> -> memref<1x1x128x16xf32, #tpu.memory_space<vmem>>
      %dma_wait3A_635 = tpu.memref_squeeze %dma_wait3A_634 : memref<1x1x128x16xf32, #tpu.memory_space<vmem>> -> memref<128x16xf32, #tpu.memory_space<vmem>>
      %dma_wait3A_636 = arith.constant 0 : i32
      %dma_wait3A_637 = tpu.memref_slice %arg10[%dma_wait3A_636] : memref<4096xi32, #tpu.memory_space<vmem>> -> memref<128xi32, #tpu.memory_space<vmem>>
      %dma_wait3A_638 = arith.constant 0 : i32
      %dma_wait3A_639 = arith.constant 0 : i32
      %dma_wait3A_640 = tpu.memref_slice %arg6[%dma_wait3A_638, %dma_wait3A_639] : memref<1048576x16xf32, #tpu.memory_space<hbm>> -> memref<1048576x16xf32, #tpu.memory_space<hbm>>
      %dma_wait3A_641 = tpu.memref_slice %arg12[%select_n3A_483] : memref<3x!tpu.dma_semaphore, #tpu.memory_space<semaphore_mem>> -> memref<1x!tpu.dma_semaphore, #tpu.memory_space<semaphore_mem>>
      %dma_wait3A_642 = tpu.memref_squeeze %dma_wait3A_641 : memref<1x!tpu.dma_semaphore, #tpu.memory_space<semaphore_mem>> -> memref<!tpu.dma_semaphore, #tpu.memory_space<semaphore_mem>>
      tpu.wait_indirect_dma semaphore(%dma_wait3A_642 : memref<!tpu.dma_semaphore, #tpu.memory_space<semaphore_mem>>) src(%dma_wait3A_640 : memref<1048576x16xf32, #tpu.memory_space<hbm>>) dst(%dma_wait3A_635 : memref<128x16xf32, #tpu.memory_space<vmem>>)
      %dma_wait3A_643 = arith.constant 5 : i32
      %dma_wait3A_644 = arith.constant 128 : i32
      %dma_wait3A_645 = arith.constant 0 : i32
      %dma_wait3A_646 = tpu.memref_slice %arg11[%select_n3A_483, %dma_wait3A_643, %dma_wait3A_644, %dma_wait3A_645] : memref<3x6x256x16xf32, #tpu.memory_space<vmem>> -> memref<1x1x128x16xf32, #tpu.memory_space<vmem>>
      %dma_wait3A_647 = tpu.memref_squeeze %dma_wait3A_646 : memref<1x1x128x16xf32, #tpu.memory_space<vmem>> -> memref<128x16xf32, #tpu.memory_space<vmem>>
      %dma_wait3A_648 = arith.constant 0 : i32
      %dma_wait3A_649 = tpu.memref_slice %arg10[%dma_wait3A_648] : memref<4096xi32, #tpu.memory_space<vmem>> -> memref<128xi32, #tpu.memory_space<vmem>>
      %dma_wait3A_650 = arith.constant 0 : i32
      %dma_wait3A_651 = arith.constant 0 : i32
      %dma_wait3A_652 = tpu.memref_slice %arg7[%dma_wait3A_650, %dma_wait3A_651] : memref<1048576x16xf32, #tpu.memory_space<hbm>> -> memref<1048576x16xf32, #tpu.memory_space<hbm>>
      %dma_wait3A_653 = tpu.memref_slice %arg12[%select_n3A_483] : memref<3x!tpu.dma_semaphore, #tpu.memory_space<semaphore_mem>> -> memref<1x!tpu.dma_semaphore, #tpu.memory_space<semaphore_mem>>
      %dma_wait3A_654 = tpu.memref_squeeze %dma_wait3A_653 : memref<1x!tpu.dma_semaphore, #tpu.memory_space<semaphore_mem>> -> memref<!tpu.dma_semaphore, #tpu.memory_space<semaphore_mem>>
      tpu.wait_indirect_dma semaphore(%dma_wait3A_654 : memref<!tpu.dma_semaphore, #tpu.memory_space<semaphore_mem>>) src(%dma_wait3A_652 : memref<1048576x16xf32, #tpu.memory_space<hbm>>) dst(%dma_wait3A_647 : memref<128x16xf32, #tpu.memory_space<vmem>>)
      %mul3A_655 = arith.constant 256 : i32
      %mul3A_656 = arith.muli %scan3A_474, %mul3A_655 : i32
      %add3A_657 = arith.addi %mul3A_2, %mul3A_656 : i32
      %dma_start3A_658 = arith.constant 0 : i32
      %dma_start3A_659 = arith.constant 0 : i32
      %dma_start3A_660 = arith.constant 0 : i32
      %dma_start3A_661 = arith.constant 0 : i32
      %dma_start3A_662 = tpu.memref_slice %arg11[%select_n3A_483, %dma_start3A_658, %dma_start3A_660, %dma_start3A_661] : memref<3x6x256x16xf32, #tpu.memory_space<vmem>> -> memref<1x1x256x16xf32, #tpu.memory_space<vmem>>
      %dma_start3A_663 = tpu.memref_squeeze %dma_start3A_662 : memref<1x1x256x16xf32, #tpu.memory_space<vmem>> -> memref<256x16xf32, #tpu.memory_space<vmem>>
      %dma_start3A_664 = arith.constant 0 : i32
      %dma_start3A_665 = tpu.memref_slice %arg9[%dma_start3A_659, %add3A_657, %dma_start3A_664] : memref<6x131072x16xf32, #tpu.memory_space<hbm>> -> memref<1x256x16xf32, #tpu.memory_space<hbm>>
      %dma_start3A_666 = tpu.memref_squeeze %dma_start3A_665 : memref<1x256x16xf32, #tpu.memory_space<hbm>> -> memref<256x16xf32, #tpu.memory_space<hbm>>
      %dma_start3A_667 = tpu.memref_slice %arg13[%select_n3A_483] : memref<3x!tpu.dma_semaphore, #tpu.memory_space<semaphore_mem>> -> memref<1x!tpu.dma_semaphore, #tpu.memory_space<semaphore_mem>>
      %dma_start3A_668 = tpu.memref_squeeze %dma_start3A_667 : memref<1x!tpu.dma_semaphore, #tpu.memory_space<semaphore_mem>> -> memref<!tpu.dma_semaphore, #tpu.memory_space<semaphore_mem>>
      %dma_start3A_669 = arith.constant 0 : i32
      %dma_start3A_670 = tpu.memref_slice %arg9[%dma_start3A_659, %add3A_657, %dma_start3A_669] : memref<6x131072x16xf32, #tpu.memory_space<hbm>> -> memref<1x256x16xf32, #tpu.memory_space<hbm>>
      %dma_start3A_671 = tpu.memref_squeeze %dma_start3A_670 : memref<1x256x16xf32, #tpu.memory_space<hbm>> -> memref<256x16xf32, #tpu.memory_space<hbm>>
      %dma_start3A_672 = arith.constant 0 : i32
      %dma_start3A_673 = arith.constant 0 : i32
      %dma_start3A_674 = tpu.memref_slice %arg11[%select_n3A_483, %dma_start3A_658, %dma_start3A_672, %dma_start3A_673] : memref<3x6x256x16xf32, #tpu.memory_space<vmem>> -> memref<1x1x256x16xf32, #tpu.memory_space<vmem>>
      %dma_start3A_675 = tpu.memref_squeeze %dma_start3A_674 : memref<1x1x256x16xf32, #tpu.memory_space<vmem>> -> memref<256x16xf32, #tpu.memory_space<vmem>>
      tpu.enqueue_dma source(%dma_start3A_675 : memref<256x16xf32, #tpu.memory_space<vmem>>) target(%dma_start3A_671 : memref<256x16xf32, #tpu.memory_space<hbm>>) target_semaphore(%dma_start3A_668 : memref<!tpu.dma_semaphore, #tpu.memory_space<semaphore_mem>>)
      %mul3A_676 = arith.constant 256 : i32
      %mul3A_677 = arith.muli %scan3A_474, %mul3A_676 : i32
      %add3A_678 = arith.addi %mul3A_2, %mul3A_677 : i32
      %dma_start3A_679 = arith.constant 1 : i32
      %dma_start3A_680 = arith.constant 1 : i32
      %dma_start3A_681 = arith.constant 0 : i32
      %dma_start3A_682 = arith.constant 0 : i32
      %dma_start3A_683 = tpu.memref_slice %arg11[%select_n3A_483, %dma_start3A_679, %dma_start3A_681, %dma_start3A_682] : memref<3x6x256x16xf32, #tpu.memory_space<vmem>> -> memref<1x1x256x16xf32, #tpu.memory_space<vmem>>
      %dma_start3A_684 = tpu.memref_squeeze %dma_start3A_683 : memref<1x1x256x16xf32, #tpu.memory_space<vmem>> -> memref<256x16xf32, #tpu.memory_space<vmem>>
      %dma_start3A_685 = arith.constant 0 : i32
      %dma_start3A_686 = tpu.memref_slice %arg9[%dma_start3A_680, %add3A_678, %dma_start3A_685] : memref<6x131072x16xf32, #tpu.memory_space<hbm>> -> memref<1x256x16xf32, #tpu.memory_space<hbm>>
      %dma_start3A_687 = tpu.memref_squeeze %dma_start3A_686 : memref<1x256x16xf32, #tpu.memory_space<hbm>> -> memref<256x16xf32, #tpu.memory_space<hbm>>
      %dma_start3A_688 = tpu.memref_slice %arg13[%select_n3A_483] : memref<3x!tpu.dma_semaphore, #tpu.memory_space<semaphore_mem>> -> memref<1x!tpu.dma_semaphore, #tpu.memory_space<semaphore_mem>>
      %dma_start3A_689 = tpu.memref_squeeze %dma_start3A_688 : memref<1x!tpu.dma_semaphore, #tpu.memory_space<semaphore_mem>> -> memref<!tpu.dma_semaphore, #tpu.memory_space<semaphore_mem>>
      %dma_start3A_690 = arith.constant 0 : i32
      %dma_start3A_691 = tpu.memref_slice %arg9[%dma_start3A_680, %add3A_678, %dma_start3A_690] : memref<6x131072x16xf32, #tpu.memory_space<hbm>> -> memref<1x256x16xf32, #tpu.memory_space<hbm>>
      %dma_start3A_692 = tpu.memref_squeeze %dma_start3A_691 : memref<1x256x16xf32, #tpu.memory_space<hbm>> -> memref<256x16xf32, #tpu.memory_space<hbm>>
      %dma_start3A_693 = arith.constant 0 : i32
      %dma_start3A_694 = arith.constant 0 : i32
      %dma_start3A_695 = tpu.memref_slice %arg11[%select_n3A_483, %dma_start3A_679, %dma_start3A_693, %dma_start3A_694] : memref<3x6x256x16xf32, #tpu.memory_space<vmem>> -> memref<1x1x256x16xf32, #tpu.memory_space<vmem>>
      %dma_start3A_696 = tpu.memref_squeeze %dma_start3A_695 : memref<1x1x256x16xf32, #tpu.memory_space<vmem>> -> memref<256x16xf32, #tpu.memory_space<vmem>>
      tpu.enqueue_dma source(%dma_start3A_696 : memref<256x16xf32, #tpu.memory_space<vmem>>) target(%dma_start3A_692 : memref<256x16xf32, #tpu.memory_space<hbm>>) target_semaphore(%dma_start3A_689 : memref<!tpu.dma_semaphore, #tpu.memory_space<semaphore_mem>>)
      %mul3A_697 = arith.constant 256 : i32
      %mul3A_698 = arith.muli %scan3A_474, %mul3A_697 : i32
      %add3A_699 = arith.addi %mul3A_2, %mul3A_698 : i32
      %dma_start3A_700 = arith.constant 2 : i32
      %dma_start3A_701 = arith.constant 2 : i32
      %dma_start3A_702 = arith.constant 0 : i32
      %dma_start3A_703 = arith.constant 0 : i32
      %dma_start3A_704 = tpu.memref_slice %arg11[%select_n3A_483, %dma_start3A_700, %dma_start3A_702, %dma_start3A_703] : memref<3x6x256x16xf32, #tpu.memory_space<vmem>> -> memref<1x1x256x16xf32, #tpu.memory_space<vmem>>
      %dma_start3A_705 = tpu.memref_squeeze %dma_start3A_704 : memref<1x1x256x16xf32, #tpu.memory_space<vmem>> -> memref<256x16xf32, #tpu.memory_space<vmem>>
      %dma_start3A_706 = arith.constant 0 : i32
      %dma_start3A_707 = tpu.memref_slice %arg9[%dma_start3A_701, %add3A_699, %dma_start3A_706] : memref<6x131072x16xf32, #tpu.memory_space<hbm>> -> memref<1x256x16xf32, #tpu.memory_space<hbm>>
      %dma_start3A_708 = tpu.memref_squeeze %dma_start3A_707 : memref<1x256x16xf32, #tpu.memory_space<hbm>> -> memref<256x16xf32, #tpu.memory_space<hbm>>
      %dma_start3A_709 = tpu.memref_slice %arg13[%select_n3A_483] : memref<3x!tpu.dma_semaphore, #tpu.memory_space<semaphore_mem>> -> memref<1x!tpu.dma_semaphore, #tpu.memory_space<semaphore_mem>>
      %dma_start3A_710 = tpu.memref_squeeze %dma_start3A_709 : memref<1x!tpu.dma_semaphore, #tpu.memory_space<semaphore_mem>> -> memref<!tpu.dma_semaphore, #tpu.memory_space<semaphore_mem>>
      %dma_start3A_711 = arith.constant 0 : i32
      %dma_start3A_712 = tpu.memref_slice %arg9[%dma_start3A_701, %add3A_699, %dma_start3A_711] : memref<6x131072x16xf32, #tpu.memory_space<hbm>> -> memref<1x256x16xf32, #tpu.memory_space<hbm>>
      %dma_start3A_713 = tpu.memref_squeeze %dma_start3A_712 : memref<1x256x16xf32, #tpu.memory_space<hbm>> -> memref<256x16xf32, #tpu.memory_space<hbm>>
      %dma_start3A_714 = arith.constant 0 : i32
      %dma_start3A_715 = arith.constant 0 : i32
      %dma_start3A_716 = tpu.memref_slice %arg11[%select_n3A_483, %dma_start3A_700, %dma_start3A_714, %dma_start3A_715] : memref<3x6x256x16xf32, #tpu.memory_space<vmem>> -> memref<1x1x256x16xf32, #tpu.memory_space<vmem>>
      %dma_start3A_717 = tpu.memref_squeeze %dma_start3A_716 : memref<1x1x256x16xf32, #tpu.memory_space<vmem>> -> memref<256x16xf32, #tpu.memory_space<vmem>>
      tpu.enqueue_dma source(%dma_start3A_717 : memref<256x16xf32, #tpu.memory_space<vmem>>) target(%dma_start3A_713 : memref<256x16xf32, #tpu.memory_space<hbm>>) target_semaphore(%dma_start3A_710 : memref<!tpu.dma_semaphore, #tpu.memory_space<semaphore_mem>>)
      %mul3A_718 = arith.constant 256 : i32
      %mul3A_719 = arith.muli %scan3A_474, %mul3A_718 : i32
      %add3A_720 = arith.addi %mul3A_2, %mul3A_719 : i32
      %dma_start3A_721 = arith.constant 3 : i32
      %dma_start3A_722 = arith.constant 3 : i32
      %dma_start3A_723 = arith.constant 0 : i32
      %dma_start3A_724 = arith.constant 0 : i32
      %dma_start3A_725 = tpu.memref_slice %arg11[%select_n3A_483, %dma_start3A_721, %dma_start3A_723, %dma_start3A_724] : memref<3x6x256x16xf32, #tpu.memory_space<vmem>> -> memref<1x1x256x16xf32, #tpu.memory_space<vmem>>
      %dma_start3A_726 = tpu.memref_squeeze %dma_start3A_725 : memref<1x1x256x16xf32, #tpu.memory_space<vmem>> -> memref<256x16xf32, #tpu.memory_space<vmem>>
      %dma_start3A_727 = arith.constant 0 : i32
      %dma_start3A_728 = tpu.memref_slice %arg9[%dma_start3A_722, %add3A_720, %dma_start3A_727] : memref<6x131072x16xf32, #tpu.memory_space<hbm>> -> memref<1x256x16xf32, #tpu.memory_space<hbm>>
      %dma_start3A_729 = tpu.memref_squeeze %dma_start3A_728 : memref<1x256x16xf32, #tpu.memory_space<hbm>> -> memref<256x16xf32, #tpu.memory_space<hbm>>
      %dma_start3A_730 = tpu.memref_slice %arg13[%select_n3A_483] : memref<3x!tpu.dma_semaphore, #tpu.memory_space<semaphore_mem>> -> memref<1x!tpu.dma_semaphore, #tpu.memory_space<semaphore_mem>>
      %dma_start3A_731 = tpu.memref_squeeze %dma_start3A_730 : memref<1x!tpu.dma_semaphore, #tpu.memory_space<semaphore_mem>> -> memref<!tpu.dma_semaphore, #tpu.memory_space<semaphore_mem>>
      %dma_start3A_732 = arith.constant 0 : i32
      %dma_start3A_733 = tpu.memref_slice %arg9[%dma_start3A_722, %add3A_720, %dma_start3A_732] : memref<6x131072x16xf32, #tpu.memory_space<hbm>> -> memref<1x256x16xf32, #tpu.memory_space<hbm>>
      %dma_start3A_734 = tpu.memref_squeeze %dma_start3A_733 : memref<1x256x16xf32, #tpu.memory_space<hbm>> -> memref<256x16xf32, #tpu.memory_space<hbm>>
      %dma_start3A_735 = arith.constant 0 : i32
      %dma_start3A_736 = arith.constant 0 : i32
      %dma_start3A_737 = tpu.memref_slice %arg11[%select_n3A_483, %dma_start3A_721, %dma_start3A_735, %dma_start3A_736] : memref<3x6x256x16xf32, #tpu.memory_space<vmem>> -> memref<1x1x256x16xf32, #tpu.memory_space<vmem>>
      %dma_start3A_738 = tpu.memref_squeeze %dma_start3A_737 : memref<1x1x256x16xf32, #tpu.memory_space<vmem>> -> memref<256x16xf32, #tpu.memory_space<vmem>>
      tpu.enqueue_dma source(%dma_start3A_738 : memref<256x16xf32, #tpu.memory_space<vmem>>) target(%dma_start3A_734 : memref<256x16xf32, #tpu.memory_space<hbm>>) target_semaphore(%dma_start3A_731 : memref<!tpu.dma_semaphore, #tpu.memory_space<semaphore_mem>>)
      %mul3A_739 = arith.constant 256 : i32
      %mul3A_740 = arith.muli %scan3A_474, %mul3A_739 : i32
      %add3A_741 = arith.addi %mul3A_2, %mul3A_740 : i32
      %dma_start3A_742 = arith.constant 4 : i32
      %dma_start3A_743 = arith.constant 4 : i32
      %dma_start3A_744 = arith.constant 0 : i32
      %dma_start3A_745 = arith.constant 0 : i32
      %dma_start3A_746 = tpu.memref_slice %arg11[%select_n3A_483, %dma_start3A_742, %dma_start3A_744, %dma_start3A_745] : memref<3x6x256x16xf32, #tpu.memory_space<vmem>> -> memref<1x1x256x16xf32, #tpu.memory_space<vmem>>
      %dma_start3A_747 = tpu.memref_squeeze %dma_start3A_746 : memref<1x1x256x16xf32, #tpu.memory_space<vmem>> -> memref<256x16xf32, #tpu.memory_space<vmem>>
      %dma_start3A_748 = arith.constant 0 : i32
      %dma_start3A_749 = tpu.memref_slice %arg9[%dma_start3A_743, %add3A_741, %dma_start3A_748] : memref<6x131072x16xf32, #tpu.memory_space<hbm>> -> memref<1x256x16xf32, #tpu.memory_space<hbm>>
      %dma_start3A_750 = tpu.memref_squeeze %dma_start3A_749 : memref<1x256x16xf32, #tpu.memory_space<hbm>> -> memref<256x16xf32, #tpu.memory_space<hbm>>
      %dma_start3A_751 = tpu.memref_slice %arg13[%select_n3A_483] : memref<3x!tpu.dma_semaphore, #tpu.memory_space<semaphore_mem>> -> memref<1x!tpu.dma_semaphore, #tpu.memory_space<semaphore_mem>>
      %dma_start3A_752 = tpu.memref_squeeze %dma_start3A_751 : memref<1x!tpu.dma_semaphore, #tpu.memory_space<semaphore_mem>> -> memref<!tpu.dma_semaphore, #tpu.memory_space<semaphore_mem>>
      %dma_start3A_753 = arith.constant 0 : i32
      %dma_start3A_754 = tpu.memref_slice %arg9[%dma_start3A_743, %add3A_741, %dma_start3A_753] : memref<6x131072x16xf32, #tpu.memory_space<hbm>> -> memref<1x256x16xf32, #tpu.memory_space<hbm>>
      %dma_start3A_755 = tpu.memref_squeeze %dma_start3A_754 : memref<1x256x16xf32, #tpu.memory_space<hbm>> -> memref<256x16xf32, #tpu.memory_space<hbm>>
      %dma_start3A_756 = arith.constant 0 : i32
      %dma_start3A_757 = arith.constant 0 : i32
      %dma_start3A_758 = tpu.memref_slice %arg11[%select_n3A_483, %dma_start3A_742, %dma_start3A_756, %dma_start3A_757] : memref<3x6x256x16xf32, #tpu.memory_space<vmem>> -> memref<1x1x256x16xf32, #tpu.memory_space<vmem>>
      %dma_start3A_759 = tpu.memref_squeeze %dma_start3A_758 : memref<1x1x256x16xf32, #tpu.memory_space<vmem>> -> memref<256x16xf32, #tpu.memory_space<vmem>>
      tpu.enqueue_dma source(%dma_start3A_759 : memref<256x16xf32, #tpu.memory_space<vmem>>) target(%dma_start3A_755 : memref<256x16xf32, #tpu.memory_space<hbm>>) target_semaphore(%dma_start3A_752 : memref<!tpu.dma_semaphore, #tpu.memory_space<semaphore_mem>>)
      %mul3A_760 = arith.constant 256 : i32
      %mul3A_761 = arith.muli %scan3A_474, %mul3A_760 : i32
      %add3A_762 = arith.addi %mul3A_2, %mul3A_761 : i32
      %dma_start3A_763 = arith.constant 5 : i32
      %dma_start3A_764 = arith.constant 5 : i32
      %dma_start3A_765 = arith.constant 0 : i32
      %dma_start3A_766 = arith.constant 0 : i32
      %dma_start3A_767 = tpu.memref_slice %arg11[%select_n3A_483, %dma_start3A_763, %dma_start3A_765, %dma_start3A_766] : memref<3x6x256x16xf32, #tpu.memory_space<vmem>> -> memref<1x1x256x16xf32, #tpu.memory_space<vmem>>
      %dma_start3A_768 = tpu.memref_squeeze %dma_start3A_767 : memref<1x1x256x16xf32, #tpu.memory_space<vmem>> -> memref<256x16xf32, #tpu.memory_space<vmem>>
      %dma_start3A_769 = arith.constant 0 : i32
      %dma_start3A_770 = tpu.memref_slice %arg9[%dma_start3A_764, %add3A_762, %dma_start3A_769] : memref<6x131072x16xf32, #tpu.memory_space<hbm>> -> memref<1x256x16xf32, #tpu.memory_space<hbm>>
      %dma_start3A_771 = tpu.memref_squeeze %dma_start3A_770 : memref<1x256x16xf32, #tpu.memory_space<hbm>> -> memref<256x16xf32, #tpu.memory_space<hbm>>
      %dma_start3A_772 = tpu.memref_slice %arg13[%select_n3A_483] : memref<3x!tpu.dma_semaphore, #tpu.memory_space<semaphore_mem>> -> memref<1x!tpu.dma_semaphore, #tpu.memory_space<semaphore_mem>>
      %dma_start3A_773 = tpu.memref_squeeze %dma_start3A_772 : memref<1x!tpu.dma_semaphore, #tpu.memory_space<semaphore_mem>> -> memref<!tpu.dma_semaphore, #tpu.memory_space<semaphore_mem>>
      %dma_start3A_774 = arith.constant 0 : i32
      %dma_start3A_775 = tpu.memref_slice %arg9[%dma_start3A_764, %add3A_762, %dma_start3A_774] : memref<6x131072x16xf32, #tpu.memory_space<hbm>> -> memref<1x256x16xf32, #tpu.memory_space<hbm>>
      %dma_start3A_776 = tpu.memref_squeeze %dma_start3A_775 : memref<1x256x16xf32, #tpu.memory_space<hbm>> -> memref<256x16xf32, #tpu.memory_space<hbm>>
      %dma_start3A_777 = arith.constant 0 : i32
      %dma_start3A_778 = arith.constant 0 : i32
      %dma_start3A_779 = tpu.memref_slice %arg11[%select_n3A_483, %dma_start3A_763, %dma_start3A_777, %dma_start3A_778] : memref<3x6x256x16xf32, #tpu.memory_space<vmem>> -> memref<1x1x256x16xf32, #tpu.memory_space<vmem>>
      %dma_start3A_780 = tpu.memref_squeeze %dma_start3A_779 : memref<1x1x256x16xf32, #tpu.memory_space<vmem>> -> memref<256x16xf32, #tpu.memory_space<vmem>>
      tpu.enqueue_dma source(%dma_start3A_780 : memref<256x16xf32, #tpu.memory_space<vmem>>) target(%dma_start3A_776 : memref<256x16xf32, #tpu.memory_space<hbm>>) target_semaphore(%dma_start3A_773 : memref<!tpu.dma_semaphore, #tpu.memory_space<semaphore_mem>>)
    }
    %scan3A_342 = arith.constant 16 : i32
    %add3A_343 = arith.constant 3840 : i32
    %add3A_344 = arith.addi %mul3A_2, %add3A_343 : i32
    %dma_wait3A = arith.constant 0 : i32
    %dma_wait3A_345 = arith.constant 0 : i32
    %dma_wait3A_346 = arith.constant 0 : i32
    %dma_wait3A_347 = arith.constant 0 : i32
    %dma_wait3A_348 = arith.constant 0 : i32
    %dma_wait3A_349 = arith.constant 0 : i32
    %dma_wait3A_350 = tpu.memref_slice %arg11[%dma_wait3A, %dma_wait3A_345, %dma_wait3A_348, %dma_wait3A_349] : memref<3x6x256x16xf32, #tpu.memory_space<vmem>> -> memref<1x1x256x16xf32, #tpu.memory_space<vmem>>
    %dma_wait3A_351 = tpu.memref_squeeze %dma_wait3A_350 : memref<1x1x256x16xf32, #tpu.memory_space<vmem>> -> memref<256x16xf32, #tpu.memory_space<vmem>>
    %dma_wait3A_352 = arith.constant 0 : i32
    %dma_wait3A_353 = tpu.memref_slice %arg9[%dma_wait3A_346, %add3A_344, %dma_wait3A_352] : memref<6x131072x16xf32, #tpu.memory_space<hbm>> -> memref<1x256x16xf32, #tpu.memory_space<hbm>>
    %dma_wait3A_354 = tpu.memref_squeeze %dma_wait3A_353 : memref<1x256x16xf32, #tpu.memory_space<hbm>> -> memref<256x16xf32, #tpu.memory_space<hbm>>
    %dma_wait3A_355 = tpu.memref_slice %arg13[%dma_wait3A_347] : memref<3x!tpu.dma_semaphore, #tpu.memory_space<semaphore_mem>> -> memref<1x!tpu.dma_semaphore, #tpu.memory_space<semaphore_mem>>
    %dma_wait3A_356 = tpu.memref_squeeze %dma_wait3A_355 : memref<1x!tpu.dma_semaphore, #tpu.memory_space<semaphore_mem>> -> memref<!tpu.dma_semaphore, #tpu.memory_space<semaphore_mem>>
    %dma_wait3A_357 = arith.constant 0 : i32
    %dma_wait3A_358 = tpu.memref_slice %arg9[%dma_wait3A_346, %add3A_344, %dma_wait3A_357] : memref<6x131072x16xf32, #tpu.memory_space<hbm>> -> memref<1x256x16xf32, #tpu.memory_space<hbm>>
    %dma_wait3A_359 = tpu.memref_squeeze %dma_wait3A_358 : memref<1x256x16xf32, #tpu.memory_space<hbm>> -> memref<256x16xf32, #tpu.memory_space<hbm>>
    %dma_wait3A_360 = arith.constant 0 : i32
    %dma_wait3A_361 = arith.constant 0 : i32
    %dma_wait3A_362 = tpu.memref_slice %arg11[%dma_wait3A, %dma_wait3A_345, %dma_wait3A_360, %dma_wait3A_361] : memref<3x6x256x16xf32, #tpu.memory_space<vmem>> -> memref<1x1x256x16xf32, #tpu.memory_space<vmem>>
    %dma_wait3A_363 = tpu.memref_squeeze %dma_wait3A_362 : memref<1x1x256x16xf32, #tpu.memory_space<vmem>> -> memref<256x16xf32, #tpu.memory_space<vmem>>
    tpu.wait_dma2 semaphore(%dma_wait3A_356 : memref<!tpu.dma_semaphore, #tpu.memory_space<semaphore_mem>>) src(%dma_wait3A_363 : memref<256x16xf32, #tpu.memory_space<vmem>>) dst(%dma_wait3A_359 : memref<256x16xf32, #tpu.memory_space<hbm>>)
    %add3A_364 = arith.constant 3840 : i32
    %add3A_365 = arith.addi %mul3A_2, %add3A_364 : i32
    %dma_wait3A_366 = arith.constant 0 : i32
    %dma_wait3A_367 = arith.constant 1 : i32
    %dma_wait3A_368 = arith.constant 1 : i32
    %dma_wait3A_369 = arith.constant 0 : i32
    %dma_wait3A_370 = arith.constant 0 : i32
    %dma_wait3A_371 = arith.constant 0 : i32
    %dma_wait3A_372 = tpu.memref_slice %arg11[%dma_wait3A_366, %dma_wait3A_367, %dma_wait3A_370, %dma_wait3A_371] : memref<3x6x256x16xf32, #tpu.memory_space<vmem>> -> memref<1x1x256x16xf32, #tpu.memory_space<vmem>>
    %dma_wait3A_373 = tpu.memref_squeeze %dma_wait3A_372 : memref<1x1x256x16xf32, #tpu.memory_space<vmem>> -> memref<256x16xf32, #tpu.memory_space<vmem>>
    %dma_wait3A_374 = arith.constant 0 : i32
    %dma_wait3A_375 = tpu.memref_slice %arg9[%dma_wait3A_368, %add3A_365, %dma_wait3A_374] : memref<6x131072x16xf32, #tpu.memory_space<hbm>> -> memref<1x256x16xf32, #tpu.memory_space<hbm>>
    %dma_wait3A_376 = tpu.memref_squeeze %dma_wait3A_375 : memref<1x256x16xf32, #tpu.memory_space<hbm>> -> memref<256x16xf32, #tpu.memory_space<hbm>>
    %dma_wait3A_377 = tpu.memref_slice %arg13[%dma_wait3A_369] : memref<3x!tpu.dma_semaphore, #tpu.memory_space<semaphore_mem>> -> memref<1x!tpu.dma_semaphore, #tpu.memory_space<semaphore_mem>>
    %dma_wait3A_378 = tpu.memref_squeeze %dma_wait3A_377 : memref<1x!tpu.dma_semaphore, #tpu.memory_space<semaphore_mem>> -> memref<!tpu.dma_semaphore, #tpu.memory_space<semaphore_mem>>
    %dma_wait3A_379 = arith.constant 0 : i32
    %dma_wait3A_380 = tpu.memref_slice %arg9[%dma_wait3A_368, %add3A_365, %dma_wait3A_379] : memref<6x131072x16xf32, #tpu.memory_space<hbm>> -> memref<1x256x16xf32, #tpu.memory_space<hbm>>
    %dma_wait3A_381 = tpu.memref_squeeze %dma_wait3A_380 : memref<1x256x16xf32, #tpu.memory_space<hbm>> -> memref<256x16xf32, #tpu.memory_space<hbm>>
    %dma_wait3A_382 = arith.constant 0 : i32
    %dma_wait3A_383 = arith.constant 0 : i32
    %dma_wait3A_384 = tpu.memref_slice %arg11[%dma_wait3A_366, %dma_wait3A_367, %dma_wait3A_382, %dma_wait3A_383] : memref<3x6x256x16xf32, #tpu.memory_space<vmem>> -> memref<1x1x256x16xf32, #tpu.memory_space<vmem>>
    %dma_wait3A_385 = tpu.memref_squeeze %dma_wait3A_384 : memref<1x1x256x16xf32, #tpu.memory_space<vmem>> -> memref<256x16xf32, #tpu.memory_space<vmem>>
    tpu.wait_dma2 semaphore(%dma_wait3A_378 : memref<!tpu.dma_semaphore, #tpu.memory_space<semaphore_mem>>) src(%dma_wait3A_385 : memref<256x16xf32, #tpu.memory_space<vmem>>) dst(%dma_wait3A_381 : memref<256x16xf32, #tpu.memory_space<hbm>>)
    %add3A_386 = arith.constant 3840 : i32
    %add3A_387 = arith.addi %mul3A_2, %add3A_386 : i32
    %dma_wait3A_388 = arith.constant 0 : i32
    %dma_wait3A_389 = arith.constant 2 : i32
    %dma_wait3A_390 = arith.constant 2 : i32
    %dma_wait3A_391 = arith.constant 0 : i32
    %dma_wait3A_392 = arith.constant 0 : i32
    %dma_wait3A_393 = arith.constant 0 : i32
    %dma_wait3A_394 = tpu.memref_slice %arg11[%dma_wait3A_388, %dma_wait3A_389, %dma_wait3A_392, %dma_wait3A_393] : memref<3x6x256x16xf32, #tpu.memory_space<vmem>> -> memref<1x1x256x16xf32, #tpu.memory_space<vmem>>
    %dma_wait3A_395 = tpu.memref_squeeze %dma_wait3A_394 : memref<1x1x256x16xf32, #tpu.memory_space<vmem>> -> memref<256x16xf32, #tpu.memory_space<vmem>>
    %dma_wait3A_396 = arith.constant 0 : i32
    %dma_wait3A_397 = tpu.memref_slice %arg9[%dma_wait3A_390, %add3A_387, %dma_wait3A_396] : memref<6x131072x16xf32, #tpu.memory_space<hbm>> -> memref<1x256x16xf32, #tpu.memory_space<hbm>>
    %dma_wait3A_398 = tpu.memref_squeeze %dma_wait3A_397 : memref<1x256x16xf32, #tpu.memory_space<hbm>> -> memref<256x16xf32, #tpu.memory_space<hbm>>
    %dma_wait3A_399 = tpu.memref_slice %arg13[%dma_wait3A_391] : memref<3x!tpu.dma_semaphore, #tpu.memory_space<semaphore_mem>> -> memref<1x!tpu.dma_semaphore, #tpu.memory_space<semaphore_mem>>
    %dma_wait3A_400 = tpu.memref_squeeze %dma_wait3A_399 : memref<1x!tpu.dma_semaphore, #tpu.memory_space<semaphore_mem>> -> memref<!tpu.dma_semaphore, #tpu.memory_space<semaphore_mem>>
    %dma_wait3A_401 = arith.constant 0 : i32
    %dma_wait3A_402 = tpu.memref_slice %arg9[%dma_wait3A_390, %add3A_387, %dma_wait3A_401] : memref<6x131072x16xf32, #tpu.memory_space<hbm>> -> memref<1x256x16xf32, #tpu.memory_space<hbm>>
    %dma_wait3A_403 = tpu.memref_squeeze %dma_wait3A_402 : memref<1x256x16xf32, #tpu.memory_space<hbm>> -> memref<256x16xf32, #tpu.memory_space<hbm>>
    %dma_wait3A_404 = arith.constant 0 : i32
    %dma_wait3A_405 = arith.constant 0 : i32
    %dma_wait3A_406 = tpu.memref_slice %arg11[%dma_wait3A_388, %dma_wait3A_389, %dma_wait3A_404, %dma_wait3A_405] : memref<3x6x256x16xf32, #tpu.memory_space<vmem>> -> memref<1x1x256x16xf32, #tpu.memory_space<vmem>>
    %dma_wait3A_407 = tpu.memref_squeeze %dma_wait3A_406 : memref<1x1x256x16xf32, #tpu.memory_space<vmem>> -> memref<256x16xf32, #tpu.memory_space<vmem>>
    tpu.wait_dma2 semaphore(%dma_wait3A_400 : memref<!tpu.dma_semaphore, #tpu.memory_space<semaphore_mem>>) src(%dma_wait3A_407 : memref<256x16xf32, #tpu.memory_space<vmem>>) dst(%dma_wait3A_403 : memref<256x16xf32, #tpu.memory_space<hbm>>)
    %add3A_408 = arith.constant 3840 : i32
    %add3A_409 = arith.addi %mul3A_2, %add3A_408 : i32
    %dma_wait3A_410 = arith.constant 0 : i32
    %dma_wait3A_411 = arith.constant 3 : i32
    %dma_wait3A_412 = arith.constant 3 : i32
    %dma_wait3A_413 = arith.constant 0 : i32
    %dma_wait3A_414 = arith.constant 0 : i32
    %dma_wait3A_415 = arith.constant 0 : i32
    %dma_wait3A_416 = tpu.memref_slice %arg11[%dma_wait3A_410, %dma_wait3A_411, %dma_wait3A_414, %dma_wait3A_415] : memref<3x6x256x16xf32, #tpu.memory_space<vmem>> -> memref<1x1x256x16xf32, #tpu.memory_space<vmem>>
    %dma_wait3A_417 = tpu.memref_squeeze %dma_wait3A_416 : memref<1x1x256x16xf32, #tpu.memory_space<vmem>> -> memref<256x16xf32, #tpu.memory_space<vmem>>
    %dma_wait3A_418 = arith.constant 0 : i32
    %dma_wait3A_419 = tpu.memref_slice %arg9[%dma_wait3A_412, %add3A_409, %dma_wait3A_418] : memref<6x131072x16xf32, #tpu.memory_space<hbm>> -> memref<1x256x16xf32, #tpu.memory_space<hbm>>
    %dma_wait3A_420 = tpu.memref_squeeze %dma_wait3A_419 : memref<1x256x16xf32, #tpu.memory_space<hbm>> -> memref<256x16xf32, #tpu.memory_space<hbm>>
    %dma_wait3A_421 = tpu.memref_slice %arg13[%dma_wait3A_413] : memref<3x!tpu.dma_semaphore, #tpu.memory_space<semaphore_mem>> -> memref<1x!tpu.dma_semaphore, #tpu.memory_space<semaphore_mem>>
    %dma_wait3A_422 = tpu.memref_squeeze %dma_wait3A_421 : memref<1x!tpu.dma_semaphore, #tpu.memory_space<semaphore_mem>> -> memref<!tpu.dma_semaphore, #tpu.memory_space<semaphore_mem>>
    %dma_wait3A_423 = arith.constant 0 : i32
    %dma_wait3A_424 = tpu.memref_slice %arg9[%dma_wait3A_412, %add3A_409, %dma_wait3A_423] : memref<6x131072x16xf32, #tpu.memory_space<hbm>> -> memref<1x256x16xf32, #tpu.memory_space<hbm>>
    %dma_wait3A_425 = tpu.memref_squeeze %dma_wait3A_424 : memref<1x256x16xf32, #tpu.memory_space<hbm>> -> memref<256x16xf32, #tpu.memory_space<hbm>>
    %dma_wait3A_426 = arith.constant 0 : i32
    %dma_wait3A_427 = arith.constant 0 : i32
    %dma_wait3A_428 = tpu.memref_slice %arg11[%dma_wait3A_410, %dma_wait3A_411, %dma_wait3A_426, %dma_wait3A_427] : memref<3x6x256x16xf32, #tpu.memory_space<vmem>> -> memref<1x1x256x16xf32, #tpu.memory_space<vmem>>
    %dma_wait3A_429 = tpu.memref_squeeze %dma_wait3A_428 : memref<1x1x256x16xf32, #tpu.memory_space<vmem>> -> memref<256x16xf32, #tpu.memory_space<vmem>>
    tpu.wait_dma2 semaphore(%dma_wait3A_422 : memref<!tpu.dma_semaphore, #tpu.memory_space<semaphore_mem>>) src(%dma_wait3A_429 : memref<256x16xf32, #tpu.memory_space<vmem>>) dst(%dma_wait3A_425 : memref<256x16xf32, #tpu.memory_space<hbm>>)
    %add3A_430 = arith.constant 3840 : i32
    %add3A_431 = arith.addi %mul3A_2, %add3A_430 : i32
    %dma_wait3A_432 = arith.constant 0 : i32
    %dma_wait3A_433 = arith.constant 4 : i32
    %dma_wait3A_434 = arith.constant 4 : i32
    %dma_wait3A_435 = arith.constant 0 : i32
    %dma_wait3A_436 = arith.constant 0 : i32
    %dma_wait3A_437 = arith.constant 0 : i32
    %dma_wait3A_438 = tpu.memref_slice %arg11[%dma_wait3A_432, %dma_wait3A_433, %dma_wait3A_436, %dma_wait3A_437] : memref<3x6x256x16xf32, #tpu.memory_space<vmem>> -> memref<1x1x256x16xf32, #tpu.memory_space<vmem>>
    %dma_wait3A_439 = tpu.memref_squeeze %dma_wait3A_438 : memref<1x1x256x16xf32, #tpu.memory_space<vmem>> -> memref<256x16xf32, #tpu.memory_space<vmem>>
    %dma_wait3A_440 = arith.constant 0 : i32
    %dma_wait3A_441 = tpu.memref_slice %arg9[%dma_wait3A_434, %add3A_431, %dma_wait3A_440] : memref<6x131072x16xf32, #tpu.memory_space<hbm>> -> memref<1x256x16xf32, #tpu.memory_space<hbm>>
    %dma_wait3A_442 = tpu.memref_squeeze %dma_wait3A_441 : memref<1x256x16xf32, #tpu.memory_space<hbm>> -> memref<256x16xf32, #tpu.memory_space<hbm>>
    %dma_wait3A_443 = tpu.memref_slice %arg13[%dma_wait3A_435] : memref<3x!tpu.dma_semaphore, #tpu.memory_space<semaphore_mem>> -> memref<1x!tpu.dma_semaphore, #tpu.memory_space<semaphore_mem>>
    %dma_wait3A_444 = tpu.memref_squeeze %dma_wait3A_443 : memref<1x!tpu.dma_semaphore, #tpu.memory_space<semaphore_mem>> -> memref<!tpu.dma_semaphore, #tpu.memory_space<semaphore_mem>>
    %dma_wait3A_445 = arith.constant 0 : i32
    %dma_wait3A_446 = tpu.memref_slice %arg9[%dma_wait3A_434, %add3A_431, %dma_wait3A_445] : memref<6x131072x16xf32, #tpu.memory_space<hbm>> -> memref<1x256x16xf32, #tpu.memory_space<hbm>>
    %dma_wait3A_447 = tpu.memref_squeeze %dma_wait3A_446 : memref<1x256x16xf32, #tpu.memory_space<hbm>> -> memref<256x16xf32, #tpu.memory_space<hbm>>
    %dma_wait3A_448 = arith.constant 0 : i32
    %dma_wait3A_449 = arith.constant 0 : i32
    %dma_wait3A_450 = tpu.memref_slice %arg11[%dma_wait3A_432, %dma_wait3A_433, %dma_wait3A_448, %dma_wait3A_449] : memref<3x6x256x16xf32, #tpu.memory_space<vmem>> -> memref<1x1x256x16xf32, #tpu.memory_space<vmem>>
    %dma_wait3A_451 = tpu.memref_squeeze %dma_wait3A_450 : memref<1x1x256x16xf32, #tpu.memory_space<vmem>> -> memref<256x16xf32, #tpu.memory_space<vmem>>
    tpu.wait_dma2 semaphore(%dma_wait3A_444 : memref<!tpu.dma_semaphore, #tpu.memory_space<semaphore_mem>>) src(%dma_wait3A_451 : memref<256x16xf32, #tpu.memory_space<vmem>>) dst(%dma_wait3A_447 : memref<256x16xf32, #tpu.memory_space<hbm>>)
    %add3A_452 = arith.constant 3840 : i32
    %add3A_453 = arith.addi %mul3A_2, %add3A_452 : i32
    %dma_wait3A_454 = arith.constant 0 : i32
    %dma_wait3A_455 = arith.constant 5 : i32
    %dma_wait3A_456 = arith.constant 5 : i32
    %dma_wait3A_457 = arith.constant 0 : i32
    %dma_wait3A_458 = arith.constant 0 : i32
    %dma_wait3A_459 = arith.constant 0 : i32
    %dma_wait3A_460 = tpu.memref_slice %arg11[%dma_wait3A_454, %dma_wait3A_455, %dma_wait3A_458, %dma_wait3A_459] : memref<3x6x256x16xf32, #tpu.memory_space<vmem>> -> memref<1x1x256x16xf32, #tpu.memory_space<vmem>>
    %dma_wait3A_461 = tpu.memref_squeeze %dma_wait3A_460 : memref<1x1x256x16xf32, #tpu.memory_space<vmem>> -> memref<256x16xf32, #tpu.memory_space<vmem>>
    %dma_wait3A_462 = arith.constant 0 : i32
    %dma_wait3A_463 = tpu.memref_slice %arg9[%dma_wait3A_456, %add3A_453, %dma_wait3A_462] : memref<6x131072x16xf32, #tpu.memory_space<hbm>> -> memref<1x256x16xf32, #tpu.memory_space<hbm>>
    %dma_wait3A_464 = tpu.memref_squeeze %dma_wait3A_463 : memref<1x256x16xf32, #tpu.memory_space<hbm>> -> memref<256x16xf32, #tpu.memory_space<hbm>>
    %dma_wait3A_465 = tpu.memref_slice %arg13[%dma_wait3A_457] : memref<3x!tpu.dma_semaphore, #tpu.memory_space<semaphore_mem>> -> memref<1x!tpu.dma_semaphore, #tpu.memory_space<semaphore_mem>>
    %dma_wait3A_466 = tpu.memref_squeeze %dma_wait3A_465 : memref<1x!tpu.dma_semaphore, #tpu.memory_space<semaphore_mem>> -> memref<!tpu.dma_semaphore, #tpu.memory_space<semaphore_mem>>
    %dma_wait3A_467 = arith.constant 0 : i32
    %dma_wait3A_468 = tpu.memref_slice %arg9[%dma_wait3A_456, %add3A_453, %dma_wait3A_467] : memref<6x131072x16xf32, #tpu.memory_space<hbm>> -> memref<1x256x16xf32, #tpu.memory_space<hbm>>
    %dma_wait3A_469 = tpu.memref_squeeze %dma_wait3A_468 : memref<1x256x16xf32, #tpu.memory_space<hbm>> -> memref<256x16xf32, #tpu.memory_space<hbm>>
    %dma_wait3A_470 = arith.constant 0 : i32
    %dma_wait3A_471 = arith.constant 0 : i32
    %dma_wait3A_472 = tpu.memref_slice %arg11[%dma_wait3A_454, %dma_wait3A_455, %dma_wait3A_470, %dma_wait3A_471] : memref<3x6x256x16xf32, #tpu.memory_space<vmem>> -> memref<1x1x256x16xf32, #tpu.memory_space<vmem>>
    %dma_wait3A_473 = tpu.memref_squeeze %dma_wait3A_472 : memref<1x1x256x16xf32, #tpu.memory_space<vmem>> -> memref<256x16xf32, #tpu.memory_space<vmem>>
    tpu.wait_dma2 semaphore(%dma_wait3A_466 : memref<!tpu.dma_semaphore, #tpu.memory_space<semaphore_mem>>) src(%dma_wait3A_473 : memref<256x16xf32, #tpu.memory_space<vmem>>) dst(%dma_wait3A_469 : memref<256x16xf32, #tpu.memory_space<hbm>>)
    return
  }
}

module attributes {stable_mosaic.version = 14 : i64} {
  func.func @_kernel_a(%arg0: i32, %arg1: memref<4x2048xf32, #tpu.memory_space<vmem>>, %arg2: memref<3x4x4xf32, #tpu.memory_space<vmem>>, %arg3: memref<3x4xf32, #tpu.memory_space<vmem>>, %arg4: memref<3x16x16xf32, #tpu.memory_space<vmem>>, %arg5: memref<3x16xf32, #tpu.memory_space<vmem>>, %arg6: memref<3x16xf32, #tpu.memory_space<vmem>>, %arg7: memref<3x8x16xf32, #tpu.memory_space<vmem>>, %arg8: memref<3x8xf32, #tpu.memory_space<vmem>>, %arg9: memref<8x3xf32, #tpu.memory_space<vmem>>, %arg10: memref<8x14x4xf32, #tpu.memory_space<vmem>>, %arg11: memref<8x14xf32, #tpu.memory_space<vmem>>, %arg12: memref<8x3x14xf32, #tpu.memory_space<vmem>>, %arg13: memref<8x3xf32, #tpu.memory_space<vmem>>, %arg14: memref<8x28x4xf32, #tpu.memory_space<vmem>>, %arg15: memref<8x14x14xf32, #tpu.memory_space<vmem>>, %arg16: memref<8x14xf32, #tpu.memory_space<vmem>>, %arg17: memref<8x14xf32, #tpu.memory_space<vmem>>, %arg18: memref<8x3x14xf32, #tpu.memory_space<vmem>>, %arg19: memref<8x3xf32, #tpu.memory_space<vmem>>, %arg20: memref<1x2048xi32, #tpu.memory_space<vmem>>, %arg21: memref<8x2048xf32, #tpu.memory_space<vmem>>, %arg22: memref<8x2048xf32, #tpu.memory_space<vmem>>) attributes {dimension_semantics = [#tpu.dimension_semantics<arbitrary>], iteration_bounds = array<i64: 64>, scalar_prefetch = 0 : i64, scratch_operands = 0 : i64, tpu.core_type = #tpu.core_type<tc>, window_params = [{transform_indices = @transform_0, window_bounds = array<i64: 4, 2048>}, {pipeline_mode = #tpu.pipeline_mode<synchronous>, transform_indices = @transform_1, window_bounds = array<i64: 3, 4, 4>}, {pipeline_mode = #tpu.pipeline_mode<synchronous>, transform_indices = @transform_2, window_bounds = array<i64: 3, 4>}, {pipeline_mode = #tpu.pipeline_mode<synchronous>, transform_indices = @transform_3, window_bounds = array<i64: 3, 16, 16>}, {pipeline_mode = #tpu.pipeline_mode<synchronous>, transform_indices = @transform_4, window_bounds = array<i64: 3, 16>}, {pipeline_mode = #tpu.pipeline_mode<synchronous>, transform_indices = @transform_5, window_bounds = array<i64: 3, 16>}, {pipeline_mode = #tpu.pipeline_mode<synchronous>, transform_indices = @transform_6, window_bounds = array<i64: 3, 8, 16>}, {pipeline_mode = #tpu.pipeline_mode<synchronous>, transform_indices = @transform_7, window_bounds = array<i64: 3, 8>}, {pipeline_mode = #tpu.pipeline_mode<synchronous>, transform_indices = @transform_8, window_bounds = array<i64: 8, 3>}, {pipeline_mode = #tpu.pipeline_mode<synchronous>, transform_indices = @transform_9, window_bounds = array<i64: 8, 14, 4>}, {pipeline_mode = #tpu.pipeline_mode<synchronous>, transform_indices = @transform_10, window_bounds = array<i64: 8, 14>}, {pipeline_mode = #tpu.pipeline_mode<synchronous>, transform_indices = @transform_11, window_bounds = array<i64: 8, 3, 14>}, {pipeline_mode = #tpu.pipeline_mode<synchronous>, transform_indices = @transform_12, window_bounds = array<i64: 8, 3>}, {pipeline_mode = #tpu.pipeline_mode<synchronous>, transform_indices = @transform_13, window_bounds = array<i64: 8, 28, 4>}, {pipeline_mode = #tpu.pipeline_mode<synchronous>, transform_indices = @transform_14, window_bounds = array<i64: 8, 14, 14>}, {pipeline_mode = #tpu.pipeline_mode<synchronous>, transform_indices = @transform_15, window_bounds = array<i64: 8, 14>}, {pipeline_mode = #tpu.pipeline_mode<synchronous>, transform_indices = @transform_16, window_bounds = array<i64: 8, 14>}, {pipeline_mode = #tpu.pipeline_mode<synchronous>, transform_indices = @transform_17, window_bounds = array<i64: 8, 3, 14>}, {pipeline_mode = #tpu.pipeline_mode<synchronous>, transform_indices = @transform_18, window_bounds = array<i64: 8, 3>}, {transform_indices = @transform_19, window_bounds = array<i64: 1, 2048>}, {transform_indices = @transform_20, window_bounds = array<i64: 8, 2048>}, {transform_indices = @transform_21, window_bounds = array<i64: 8, 2048>}]} {
    %get3A = arith.constant 0 : index
    %get3A_0 = arith.constant 0 : index
    %get3A_1 = vector.load %arg1[%get3A, %get3A_0] : memref<4x2048xf32, #tpu.memory_space<vmem>>, vector<4x2048xf32>
    %slice3A = vector.extract_strided_slice %get3A_1 {offsets = [0, 0], sizes = [3, 2048], strides = [1, 1]} : vector<4x2048xf32> to vector<3x2048xf32>
    %slice3A_2 = vector.extract_strided_slice %get3A_1 {offsets = [3, 0], sizes = [1, 2048], strides = [1, 1]} : vector<4x2048xf32> to vector<1x2048xf32>
    %get3A_3 = arith.constant 0 : index
    %get3A_4 = arith.constant 0 : index
    %get3A_5 = arith.constant 0 : index
    %get3A_6 = vector.load %arg2[%get3A_3, %get3A_4, %get3A_5] : memref<3x4x4xf32, #tpu.memory_space<vmem>>, vector<1x4x4xf32>
    %get3A_7 = vector.shape_cast %get3A_6 : vector<1x4x4xf32> to vector<4x4xf32>
    %get3A_8 = arith.constant 0 : index
    %get3A_9 = arith.constant 0 : index
    %get3A_10 = vector.load %arg3[%get3A_8, %get3A_9] : memref<3x4xf32, #tpu.memory_space<vmem>>, vector<1x4xf32>
    %get3A_11 = vector.shape_cast %get3A_10 : vector<1x4xf32> to vector<4xf32>
    %broadcast_in_dim3A = vector.shape_cast %get3A_11 : vector<4xf32> to vector<4x1xf32>
    %get3A_12 = arith.constant 0 : index
    %get3A_13 = arith.constant 0 : index
    %get3A_14 = arith.constant 0 : index
    %get3A_15 = vector.load %arg4[%get3A_12, %get3A_13, %get3A_14] : memref<3x16x16xf32, #tpu.memory_space<vmem>>, vector<1x16x16xf32>
    %get3A_16 = vector.shape_cast %get3A_15 : vector<1x16x16xf32> to vector<16x16xf32>
    %get3A_17 = arith.constant 0 : index
    %get3A_18 = arith.constant 0 : index
    %get3A_19 = vector.load %arg5[%get3A_17, %get3A_18] : memref<3x16xf32, #tpu.memory_space<vmem>>, vector<1x16xf32>
    %get3A_20 = vector.shape_cast %get3A_19 : vector<1x16xf32> to vector<16xf32>
    %broadcast_in_dim3A_21 = vector.shape_cast %get3A_20 : vector<16xf32> to vector<16x1xf32>
    %get3A_22 = arith.constant 0 : index
    %get3A_23 = arith.constant 0 : index
    %get3A_24 = vector.load %arg6[%get3A_22, %get3A_23] : memref<3x16xf32, #tpu.memory_space<vmem>>, vector<1x16xf32>
    %get3A_25 = vector.shape_cast %get3A_24 : vector<1x16xf32> to vector<16xf32>
    %broadcast_in_dim3A_26 = vector.shape_cast %get3A_25 : vector<16xf32> to vector<16x1xf32>
    %get3A_27 = arith.constant 0 : index
    %get3A_28 = arith.constant 0 : index
    %get3A_29 = arith.constant 0 : index
    %get3A_30 = vector.load %arg7[%get3A_27, %get3A_28, %get3A_29] : memref<3x8x16xf32, #tpu.memory_space<vmem>>, vector<1x8x16xf32>
    %get3A_31 = vector.shape_cast %get3A_30 : vector<1x8x16xf32> to vector<8x16xf32>
    %get3A_32 = arith.constant 0 : index
    %get3A_33 = arith.constant 0 : index
    %get3A_34 = vector.load %arg8[%get3A_32, %get3A_33] : memref<3x8xf32, #tpu.memory_space<vmem>>, vector<1x8xf32>
    %get3A_35 = vector.shape_cast %get3A_34 : vector<1x8xf32> to vector<8xf32>
    %broadcast_in_dim3A_36 = vector.shape_cast %get3A_35 : vector<8xf32> to vector<8x1xf32>
    %dot_general3A = arith.constant dense<0.000000e+00> : vector<4x2048xf32>
    %dot_general3A_37 = tpu.matmul %get3A_7, %get3A_1, %dot_general3A {dimension_numbers = #tpu.dot_dimension_numbers<[1], [0], [0], [1], [0, 0, 1, 1], [], []>, transpose_lhs_hint = false} : vector<4x4xf32>, vector<4x2048xf32>, vector<4x2048xf32> -> vector<4x2048xf32>
    %add3A = vector.broadcast %broadcast_in_dim3A : vector<4x1xf32> to vector<4x2048xf32>
    %add3A_38 = arith.addf %dot_general3A_37, %add3A : vector<4x2048xf32>
    %sin3A = math.sin %add3A_38 : vector<4x2048xf32>
    %cos3A = math.cos %add3A_38 : vector<4x2048xf32>
    %logistic3A = arith.negf %sin3A : vector<4x2048xf32>
    %logistic3A_39 = math.exp %logistic3A : vector<4x2048xf32>
    %logistic3A_40 = arith.constant 1.000000e+00 : f32
    %logistic3A_41 = vector.broadcast %logistic3A_40 : f32 to vector<4x2048xf32>
    %logistic3A_42 = arith.addf %logistic3A_41, %logistic3A_39 : vector<4x2048xf32>
    %logistic3A_43 = arith.divf %logistic3A_41, %logistic3A_42 : vector<4x2048xf32>
    %mul3A = arith.mulf %sin3A, %logistic3A_43 : vector<4x2048xf32>
    %logistic3A_44 = arith.negf %cos3A : vector<4x2048xf32>
    %logistic3A_45 = math.exp %logistic3A_44 : vector<4x2048xf32>
    %logistic3A_46 = arith.constant 1.000000e+00 : f32
    %logistic3A_47 = vector.broadcast %logistic3A_46 : f32 to vector<4x2048xf32>
    %logistic3A_48 = arith.addf %logistic3A_47, %logistic3A_45 : vector<4x2048xf32>
    %logistic3A_49 = arith.divf %logistic3A_47, %logistic3A_48 : vector<4x2048xf32>
    %mul3A_50 = arith.mulf %cos3A, %logistic3A_49 : vector<4x2048xf32>
    %concatenate3A = tpu.concatenate %sin3A, %mul3A, %cos3A, %mul3A_50 in 0 : vector<4x2048xf32>, vector<4x2048xf32>, vector<4x2048xf32>, vector<4x2048xf32> -> vector<16x2048xf32>
    %dot_general3A_51 = arith.constant dense<0.000000e+00> : vector<16x2048xf32>
    %dot_general3A_52 = tpu.matmul %get3A_16, %concatenate3A, %dot_general3A_51 {dimension_numbers = #tpu.dot_dimension_numbers<[1], [0], [0], [1], [0, 0, 1, 1], [], []>, transpose_lhs_hint = false} : vector<16x16xf32>, vector<16x2048xf32>, vector<16x2048xf32> -> vector<16x2048xf32>
    %add3A_53 = vector.broadcast %broadcast_in_dim3A_21 : vector<16x1xf32> to vector<16x2048xf32>
    %add3A_54 = arith.addf %dot_general3A_52, %add3A_53 : vector<16x2048xf32>
    %mul3A_55 = arith.mulf %add3A_54, %add3A_54 : vector<16x2048xf32>
    %reduce_sum3A = arith.constant dense<0.000000e+00> : vector<2048xf32>
    %reduce_sum3A_56 = vector.multi_reduction <add>, %mul3A_55, %reduce_sum3A [0] : vector<16x2048xf32> to vector<2048xf32>
    %broadcast_in_dim3A_57 = vector.shape_cast %reduce_sum3A_56 : vector<2048xf32> to vector<1x2048xf32>
    %sqrt3A = math.sqrt %broadcast_in_dim3A_57 : vector<1x2048xf32>
    %div3A = arith.constant 4.000000e+00 : f32
    %div3A_58 = vector.broadcast %div3A : f32 to vector<1x2048xf32>
    %div3A_59 = arith.divf %sqrt3A, %div3A_58 : vector<1x2048xf32>
    %mul3A_60 = vector.broadcast %broadcast_in_dim3A_26 : vector<16x1xf32> to vector<16x2048xf32>
    %mul3A_61 = arith.mulf %mul3A_60, %add3A_54 : vector<16x2048xf32>
    %add3A_62 = arith.constant 9.99999993E-9 : f32
    %add3A_63 = vector.broadcast %add3A_62 : f32 to vector<1x2048xf32>
    %add3A_64 = arith.addf %div3A_59, %add3A_63 : vector<1x2048xf32>
    %div3A_65 = vector.broadcast %add3A_64 : vector<1x2048xf32> to vector<16x2048xf32>
    %div3A_66 = arith.divf %mul3A_61, %div3A_65 : vector<16x2048xf32>
    %dot_general3A_67 = arith.constant dense<0.000000e+00> : vector<8x2048xf32>
    %dot_general3A_68 = tpu.matmul %get3A_31, %div3A_66, %dot_general3A_67 {dimension_numbers = #tpu.dot_dimension_numbers<[1], [0], [0], [1], [0, 0, 1, 1], [], []>, transpose_lhs_hint = false} : vector<8x16xf32>, vector<16x2048xf32>, vector<8x2048xf32> -> vector<8x2048xf32>
    %add3A_69 = vector.broadcast %broadcast_in_dim3A_36 : vector<8x1xf32> to vector<8x2048xf32>
    %add3A_70 = arith.addf %dot_general3A_68, %add3A_69 : vector<8x2048xf32>
    %get3A_71 = arith.constant 1 : index
    %get3A_72 = arith.constant 0 : index
    %get3A_73 = arith.constant 0 : index
    %get3A_74 = vector.load %arg2[%get3A_71, %get3A_72, %get3A_73] : memref<3x4x4xf32, #tpu.memory_space<vmem>>, vector<1x4x4xf32>
    %get3A_75 = vector.shape_cast %get3A_74 : vector<1x4x4xf32> to vector<4x4xf32>
    %get3A_76 = arith.constant 1 : index
    %get3A_77 = arith.constant 0 : index
    %get3A_78 = vector.load %arg3[%get3A_76, %get3A_77] : memref<3x4xf32, #tpu.memory_space<vmem>>, vector<1x4xf32>
    %get3A_79 = vector.shape_cast %get3A_78 : vector<1x4xf32> to vector<4xf32>
    %broadcast_in_dim3A_80 = vector.shape_cast %get3A_79 : vector<4xf32> to vector<4x1xf32>
    %get3A_81 = arith.constant 1 : index
    %get3A_82 = arith.constant 0 : index
    %get3A_83 = arith.constant 0 : index
    %get3A_84 = vector.load %arg4[%get3A_81, %get3A_82, %get3A_83] : memref<3x16x16xf32, #tpu.memory_space<vmem>>, vector<1x16x16xf32>
    %get3A_85 = vector.shape_cast %get3A_84 : vector<1x16x16xf32> to vector<16x16xf32>
    %get3A_86 = arith.constant 1 : index
    %get3A_87 = arith.constant 0 : index
    %get3A_88 = vector.load %arg5[%get3A_86, %get3A_87] : memref<3x16xf32, #tpu.memory_space<vmem>>, vector<1x16xf32>
    %get3A_89 = vector.shape_cast %get3A_88 : vector<1x16xf32> to vector<16xf32>
    %broadcast_in_dim3A_90 = vector.shape_cast %get3A_89 : vector<16xf32> to vector<16x1xf32>
    %get3A_91 = arith.constant 1 : index
    %get3A_92 = arith.constant 0 : index
    %get3A_93 = vector.load %arg6[%get3A_91, %get3A_92] : memref<3x16xf32, #tpu.memory_space<vmem>>, vector<1x16xf32>
    %get3A_94 = vector.shape_cast %get3A_93 : vector<1x16xf32> to vector<16xf32>
    %broadcast_in_dim3A_95 = vector.shape_cast %get3A_94 : vector<16xf32> to vector<16x1xf32>
    %get3A_96 = arith.constant 1 : index
    %get3A_97 = arith.constant 0 : index
    %get3A_98 = arith.constant 0 : index
    %get3A_99 = vector.load %arg7[%get3A_96, %get3A_97, %get3A_98] : memref<3x8x16xf32, #tpu.memory_space<vmem>>, vector<1x8x16xf32>
    %get3A_100 = vector.shape_cast %get3A_99 : vector<1x8x16xf32> to vector<8x16xf32>
    %slice3A_101 = vector.extract_strided_slice %get3A_100 {offsets = [0, 0], sizes = [6, 16], strides = [1, 1]} : vector<8x16xf32> to vector<6x16xf32>
    %get3A_102 = arith.constant 1 : index
    %get3A_103 = arith.constant 0 : index
    %get3A_104 = vector.load %arg8[%get3A_102, %get3A_103] : memref<3x8xf32, #tpu.memory_space<vmem>>, vector<1x8xf32>
    %get3A_105 = vector.shape_cast %get3A_104 : vector<1x8xf32> to vector<8xf32>
    %slice3A_106 = vector.extract_strided_slice %get3A_105 {offsets = [0], sizes = [6], strides = [1]} : vector<8xf32> to vector<6xf32>
    %broadcast_in_dim3A_107 = vector.shape_cast %slice3A_106 : vector<6xf32> to vector<6x1xf32>
    %dot_general3A_108 = arith.constant dense<0.000000e+00> : vector<4x2048xf32>
    %dot_general3A_109 = tpu.matmul %get3A_75, %get3A_1, %dot_general3A_108 {dimension_numbers = #tpu.dot_dimension_numbers<[1], [0], [0], [1], [0, 0, 1, 1], [], []>, transpose_lhs_hint = false} : vector<4x4xf32>, vector<4x2048xf32>, vector<4x2048xf32> -> vector<4x2048xf32>
    %add3A_110 = vector.broadcast %broadcast_in_dim3A_80 : vector<4x1xf32> to vector<4x2048xf32>
    %add3A_111 = arith.addf %dot_general3A_109, %add3A_110 : vector<4x2048xf32>
    %sin3A_112 = math.sin %add3A_111 : vector<4x2048xf32>
    %cos3A_113 = math.cos %add3A_111 : vector<4x2048xf32>
    %logistic3A_114 = arith.negf %sin3A_112 : vector<4x2048xf32>
    %logistic3A_115 = math.exp %logistic3A_114 : vector<4x2048xf32>
    %logistic3A_116 = arith.constant 1.000000e+00 : f32
    %logistic3A_117 = vector.broadcast %logistic3A_116 : f32 to vector<4x2048xf32>
    %logistic3A_118 = arith.addf %logistic3A_117, %logistic3A_115 : vector<4x2048xf32>
    %logistic3A_119 = arith.divf %logistic3A_117, %logistic3A_118 : vector<4x2048xf32>
    %mul3A_120 = arith.mulf %sin3A_112, %logistic3A_119 : vector<4x2048xf32>
    %logistic3A_121 = arith.negf %cos3A_113 : vector<4x2048xf32>
    %logistic3A_122 = math.exp %logistic3A_121 : vector<4x2048xf32>
    %logistic3A_123 = arith.constant 1.000000e+00 : f32
    %logistic3A_124 = vector.broadcast %logistic3A_123 : f32 to vector<4x2048xf32>
    %logistic3A_125 = arith.addf %logistic3A_124, %logistic3A_122 : vector<4x2048xf32>
    %logistic3A_126 = arith.divf %logistic3A_124, %logistic3A_125 : vector<4x2048xf32>
    %mul3A_127 = arith.mulf %cos3A_113, %logistic3A_126 : vector<4x2048xf32>
    %concatenate3A_128 = tpu.concatenate %sin3A_112, %mul3A_120, %cos3A_113, %mul3A_127 in 0 : vector<4x2048xf32>, vector<4x2048xf32>, vector<4x2048xf32>, vector<4x2048xf32> -> vector<16x2048xf32>
    %dot_general3A_129 = arith.constant dense<0.000000e+00> : vector<16x2048xf32>
    %dot_general3A_130 = tpu.matmul %get3A_85, %concatenate3A_128, %dot_general3A_129 {dimension_numbers = #tpu.dot_dimension_numbers<[1], [0], [0], [1], [0, 0, 1, 1], [], []>, transpose_lhs_hint = false} : vector<16x16xf32>, vector<16x2048xf32>, vector<16x2048xf32> -> vector<16x2048xf32>
    %add3A_131 = vector.broadcast %broadcast_in_dim3A_90 : vector<16x1xf32> to vector<16x2048xf32>
    %add3A_132 = arith.addf %dot_general3A_130, %add3A_131 : vector<16x2048xf32>
    %mul3A_133 = arith.mulf %add3A_132, %add3A_132 : vector<16x2048xf32>
    %reduce_sum3A_134 = arith.constant dense<0.000000e+00> : vector<2048xf32>
    %reduce_sum3A_135 = vector.multi_reduction <add>, %mul3A_133, %reduce_sum3A_134 [0] : vector<16x2048xf32> to vector<2048xf32>
    %broadcast_in_dim3A_136 = vector.shape_cast %reduce_sum3A_135 : vector<2048xf32> to vector<1x2048xf32>
    %sqrt3A_137 = math.sqrt %broadcast_in_dim3A_136 : vector<1x2048xf32>
    %div3A_138 = arith.constant 4.000000e+00 : f32
    %div3A_139 = vector.broadcast %div3A_138 : f32 to vector<1x2048xf32>
    %div3A_140 = arith.divf %sqrt3A_137, %div3A_139 : vector<1x2048xf32>
    %mul3A_141 = vector.broadcast %broadcast_in_dim3A_95 : vector<16x1xf32> to vector<16x2048xf32>
    %mul3A_142 = arith.mulf %mul3A_141, %add3A_132 : vector<16x2048xf32>
    %add3A_143 = arith.constant 9.99999993E-9 : f32
    %add3A_144 = vector.broadcast %add3A_143 : f32 to vector<1x2048xf32>
    %add3A_145 = arith.addf %div3A_140, %add3A_144 : vector<1x2048xf32>
    %div3A_146 = vector.broadcast %add3A_145 : vector<1x2048xf32> to vector<16x2048xf32>
    %div3A_147 = arith.divf %mul3A_142, %div3A_146 : vector<16x2048xf32>
    %dot_general3A_148 = arith.constant dense<0.000000e+00> : vector<6x2048xf32>
    %dot_general3A_149 = tpu.matmul %slice3A_101, %div3A_147, %dot_general3A_148 {dimension_numbers = #tpu.dot_dimension_numbers<[1], [0], [0], [1], [0, 0, 1, 1], [], []>, transpose_lhs_hint = false} : vector<6x16xf32>, vector<16x2048xf32>, vector<6x2048xf32> -> vector<6x2048xf32>
    %add3A_150 = vector.broadcast %broadcast_in_dim3A_107 : vector<6x1xf32> to vector<6x2048xf32>
    %add3A_151 = arith.addf %dot_general3A_149, %add3A_150 : vector<6x2048xf32>
    %get3A_152 = arith.constant 2 : index
    %get3A_153 = arith.constant 0 : index
    %get3A_154 = arith.constant 0 : index
    %get3A_155 = vector.load %arg2[%get3A_152, %get3A_153, %get3A_154] : memref<3x4x4xf32, #tpu.memory_space<vmem>>, vector<1x4x4xf32>
    %get3A_156 = vector.shape_cast %get3A_155 : vector<1x4x4xf32> to vector<4x4xf32>
    %get3A_157 = arith.constant 2 : index
    %get3A_158 = arith.constant 0 : index
    %get3A_159 = vector.load %arg3[%get3A_157, %get3A_158] : memref<3x4xf32, #tpu.memory_space<vmem>>, vector<1x4xf32>
    %get3A_160 = vector.shape_cast %get3A_159 : vector<1x4xf32> to vector<4xf32>
    %broadcast_in_dim3A_161 = vector.shape_cast %get3A_160 : vector<4xf32> to vector<4x1xf32>
    %get3A_162 = arith.constant 2 : index
    %get3A_163 = arith.constant 0 : index
    %get3A_164 = arith.constant 0 : index
    %get3A_165 = vector.load %arg4[%get3A_162, %get3A_163, %get3A_164] : memref<3x16x16xf32, #tpu.memory_space<vmem>>, vector<1x16x16xf32>
    %get3A_166 = vector.shape_cast %get3A_165 : vector<1x16x16xf32> to vector<16x16xf32>
    %get3A_167 = arith.constant 2 : index
    %get3A_168 = arith.constant 0 : index
    %get3A_169 = vector.load %arg5[%get3A_167, %get3A_168] : memref<3x16xf32, #tpu.memory_space<vmem>>, vector<1x16xf32>
    %get3A_170 = vector.shape_cast %get3A_169 : vector<1x16xf32> to vector<16xf32>
    %broadcast_in_dim3A_171 = vector.shape_cast %get3A_170 : vector<16xf32> to vector<16x1xf32>
    %get3A_172 = arith.constant 2 : index
    %get3A_173 = arith.constant 0 : index
    %get3A_174 = vector.load %arg6[%get3A_172, %get3A_173] : memref<3x16xf32, #tpu.memory_space<vmem>>, vector<1x16xf32>
    %get3A_175 = vector.shape_cast %get3A_174 : vector<1x16xf32> to vector<16xf32>
    %broadcast_in_dim3A_176 = vector.shape_cast %get3A_175 : vector<16xf32> to vector<16x1xf32>
    %get3A_177 = arith.constant 2 : index
    %get3A_178 = arith.constant 0 : index
    %get3A_179 = arith.constant 0 : index
    %get3A_180 = vector.load %arg7[%get3A_177, %get3A_178, %get3A_179] : memref<3x8x16xf32, #tpu.memory_space<vmem>>, vector<1x8x16xf32>
    %get3A_181 = vector.shape_cast %get3A_180 : vector<1x8x16xf32> to vector<8x16xf32>
    %get3A_182 = arith.constant 2 : index
    %get3A_183 = arith.constant 0 : index
    %get3A_184 = vector.load %arg8[%get3A_182, %get3A_183] : memref<3x8xf32, #tpu.memory_space<vmem>>, vector<1x8xf32>
    %get3A_185 = vector.shape_cast %get3A_184 : vector<1x8xf32> to vector<8xf32>
    %broadcast_in_dim3A_186 = vector.shape_cast %get3A_185 : vector<8xf32> to vector<8x1xf32>
    %dot_general3A_187 = arith.constant dense<0.000000e+00> : vector<4x2048xf32>
    %dot_general3A_188 = tpu.matmul %get3A_156, %get3A_1, %dot_general3A_187 {dimension_numbers = #tpu.dot_dimension_numbers<[1], [0], [0], [1], [0, 0, 1, 1], [], []>, transpose_lhs_hint = false} : vector<4x4xf32>, vector<4x2048xf32>, vector<4x2048xf32> -> vector<4x2048xf32>
    %add3A_189 = vector.broadcast %broadcast_in_dim3A_161 : vector<4x1xf32> to vector<4x2048xf32>
    %add3A_190 = arith.addf %dot_general3A_188, %add3A_189 : vector<4x2048xf32>
    %sin3A_191 = math.sin %add3A_190 : vector<4x2048xf32>
    %cos3A_192 = math.cos %add3A_190 : vector<4x2048xf32>
    %logistic3A_193 = arith.negf %sin3A_191 : vector<4x2048xf32>
    %logistic3A_194 = math.exp %logistic3A_193 : vector<4x2048xf32>
    %logistic3A_195 = arith.constant 1.000000e+00 : f32
    %logistic3A_196 = vector.broadcast %logistic3A_195 : f32 to vector<4x2048xf32>
    %logistic3A_197 = arith.addf %logistic3A_196, %logistic3A_194 : vector<4x2048xf32>
    %logistic3A_198 = arith.divf %logistic3A_196, %logistic3A_197 : vector<4x2048xf32>
    %mul3A_199 = arith.mulf %sin3A_191, %logistic3A_198 : vector<4x2048xf32>
    %logistic3A_200 = arith.negf %cos3A_192 : vector<4x2048xf32>
    %logistic3A_201 = math.exp %logistic3A_200 : vector<4x2048xf32>
    %logistic3A_202 = arith.constant 1.000000e+00 : f32
    %logistic3A_203 = vector.broadcast %logistic3A_202 : f32 to vector<4x2048xf32>
    %logistic3A_204 = arith.addf %logistic3A_203, %logistic3A_201 : vector<4x2048xf32>
    %logistic3A_205 = arith.divf %logistic3A_203, %logistic3A_204 : vector<4x2048xf32>
    %mul3A_206 = arith.mulf %cos3A_192, %logistic3A_205 : vector<4x2048xf32>
    %concatenate3A_207 = tpu.concatenate %sin3A_191, %mul3A_199, %cos3A_192, %mul3A_206 in 0 : vector<4x2048xf32>, vector<4x2048xf32>, vector<4x2048xf32>, vector<4x2048xf32> -> vector<16x2048xf32>
    %dot_general3A_208 = arith.constant dense<0.000000e+00> : vector<16x2048xf32>
    %dot_general3A_209 = tpu.matmul %get3A_166, %concatenate3A_207, %dot_general3A_208 {dimension_numbers = #tpu.dot_dimension_numbers<[1], [0], [0], [1], [0, 0, 1, 1], [], []>, transpose_lhs_hint = false} : vector<16x16xf32>, vector<16x2048xf32>, vector<16x2048xf32> -> vector<16x2048xf32>
    %add3A_210 = vector.broadcast %broadcast_in_dim3A_171 : vector<16x1xf32> to vector<16x2048xf32>
    %add3A_211 = arith.addf %dot_general3A_209, %add3A_210 : vector<16x2048xf32>
    %mul3A_212 = arith.mulf %add3A_211, %add3A_211 : vector<16x2048xf32>
    %reduce_sum3A_213 = arith.constant dense<0.000000e+00> : vector<2048xf32>
    %reduce_sum3A_214 = vector.multi_reduction <add>, %mul3A_212, %reduce_sum3A_213 [0] : vector<16x2048xf32> to vector<2048xf32>
    %broadcast_in_dim3A_215 = vector.shape_cast %reduce_sum3A_214 : vector<2048xf32> to vector<1x2048xf32>
    %sqrt3A_216 = math.sqrt %broadcast_in_dim3A_215 : vector<1x2048xf32>
    %div3A_217 = arith.constant 4.000000e+00 : f32
    %div3A_218 = vector.broadcast %div3A_217 : f32 to vector<1x2048xf32>
    %div3A_219 = arith.divf %sqrt3A_216, %div3A_218 : vector<1x2048xf32>
    %mul3A_220 = vector.broadcast %broadcast_in_dim3A_176 : vector<16x1xf32> to vector<16x2048xf32>
    %mul3A_221 = arith.mulf %mul3A_220, %add3A_211 : vector<16x2048xf32>
    %add3A_222 = arith.constant 9.99999993E-9 : f32
    %add3A_223 = vector.broadcast %add3A_222 : f32 to vector<1x2048xf32>
    %add3A_224 = arith.addf %div3A_219, %add3A_223 : vector<1x2048xf32>
    %div3A_225 = vector.broadcast %add3A_224 : vector<1x2048xf32> to vector<16x2048xf32>
    %div3A_226 = arith.divf %mul3A_221, %div3A_225 : vector<16x2048xf32>
    %dot_general3A_227 = arith.constant dense<0.000000e+00> : vector<8x2048xf32>
    %dot_general3A_228 = tpu.matmul %get3A_181, %div3A_226, %dot_general3A_227 {dimension_numbers = #tpu.dot_dimension_numbers<[1], [0], [0], [1], [0, 0, 1, 1], [], []>, transpose_lhs_hint = false} : vector<8x16xf32>, vector<16x2048xf32>, vector<8x2048xf32> -> vector<8x2048xf32>
    %add3A_229 = vector.broadcast %broadcast_in_dim3A_186 : vector<8x1xf32> to vector<8x2048xf32>
    %add3A_230 = arith.addf %dot_general3A_228, %add3A_229 : vector<8x2048xf32>
    %slice3A_231 = vector.extract_strided_slice %add3A_70 {offsets = [0, 0], sizes = [1, 2048], strides = [1, 1]} : vector<8x2048xf32> to vector<1x2048xf32>
    %gt3A = vector.broadcast %slice3A_231 : vector<1x2048xf32> to vector<8x2048xf32>
    %gt3A_232 = arith.cmpf ogt, %add3A_70, %gt3A : vector<8x2048xf32>
    %convert_element_type3A = arith.extui %gt3A_232 : vector<8x2048xi1> to vector<8x2048xi32>
    %convert_element_type3A_233 = arith.sitofp %convert_element_type3A : vector<8x2048xi32> to vector<8x2048xf32>
    %reduce_sum3A_234 = arith.constant dense<0.000000e+00> : vector<2048xf32>
    %reduce_sum3A_235 = vector.multi_reduction <add>, %convert_element_type3A_233, %reduce_sum3A_234 [0] : vector<8x2048xf32> to vector<2048xf32>
    %broadcast_in_dim3A_236 = vector.shape_cast %reduce_sum3A_235 : vector<2048xf32> to vector<1x2048xf32>
    %lt3A = arith.constant 1.000000e+00 : f32
    %lt3A_237 = vector.broadcast %lt3A : f32 to vector<1x2048xf32>
    %lt3A_238 = arith.cmpf olt, %broadcast_in_dim3A_236, %lt3A_237 : vector<1x2048xf32>
    %convert_element_type3A_239 = arith.extui %lt3A_238 : vector<1x2048xi1> to vector<1x2048xi32>
    %convert_element_type3A_240 = arith.sitofp %convert_element_type3A_239 : vector<1x2048xi32> to vector<1x2048xf32>
    %slice3A_241 = vector.extract_strided_slice %add3A_70 {offsets = [1, 0], sizes = [1, 2048], strides = [1, 1]} : vector<8x2048xf32> to vector<1x2048xf32>
    %gt3A_242 = vector.broadcast %slice3A_241 : vector<1x2048xf32> to vector<8x2048xf32>
    %gt3A_243 = arith.cmpf ogt, %add3A_70, %gt3A_242 : vector<8x2048xf32>
    %convert_element_type3A_244 = arith.extui %gt3A_243 : vector<8x2048xi1> to vector<8x2048xi32>
    %convert_element_type3A_245 = arith.sitofp %convert_element_type3A_244 : vector<8x2048xi32> to vector<8x2048xf32>
    %reduce_sum3A_246 = arith.constant dense<0.000000e+00> : vector<2048xf32>
    %reduce_sum3A_247 = vector.multi_reduction <add>, %convert_element_type3A_245, %reduce_sum3A_246 [0] : vector<8x2048xf32> to vector<2048xf32>
    %broadcast_in_dim3A_248 = vector.shape_cast %reduce_sum3A_247 : vector<2048xf32> to vector<1x2048xf32>
    %slice3A_249 = vector.extract_strided_slice %add3A_70 {offsets = [0, 0], sizes = [1, 2048], strides = [1, 1]} : vector<8x2048xf32> to vector<1x2048xf32>
    %eq3A = arith.cmpf oeq, %slice3A_249, %slice3A_241 : vector<1x2048xf32>
    %convert_element_type3A_250 = arith.extui %eq3A : vector<1x2048xi1> to vector<1x2048xi32>
    %convert_element_type3A_251 = arith.sitofp %convert_element_type3A_250 : vector<1x2048xi32> to vector<1x2048xf32>
    %reduce_sum3A_252 = arith.constant dense<0.000000e+00> : vector<2048xf32>
    %reduce_sum3A_253 = vector.multi_reduction <add>, %convert_element_type3A_251, %reduce_sum3A_252 [0] : vector<1x2048xf32> to vector<2048xf32>
    %broadcast_in_dim3A_254 = vector.shape_cast %reduce_sum3A_253 : vector<2048xf32> to vector<1x2048xf32>
    %add3A_255 = arith.addf %broadcast_in_dim3A_248, %broadcast_in_dim3A_254 : vector<1x2048xf32>
    %lt3A_256 = arith.constant 1.000000e+00 : f32
    %lt3A_257 = vector.broadcast %lt3A_256 : f32 to vector<1x2048xf32>
    %lt3A_258 = arith.cmpf olt, %add3A_255, %lt3A_257 : vector<1x2048xf32>
    %convert_element_type3A_259 = arith.extui %lt3A_258 : vector<1x2048xi1> to vector<1x2048xi32>
    %convert_element_type3A_260 = arith.sitofp %convert_element_type3A_259 : vector<1x2048xi32> to vector<1x2048xf32>
    %slice3A_261 = vector.extract_strided_slice %add3A_70 {offsets = [2, 0], sizes = [1, 2048], strides = [1, 1]} : vector<8x2048xf32> to vector<1x2048xf32>
    %gt3A_262 = vector.broadcast %slice3A_261 : vector<1x2048xf32> to vector<8x2048xf32>
    %gt3A_263 = arith.cmpf ogt, %add3A_70, %gt3A_262 : vector<8x2048xf32>
    %convert_element_type3A_264 = arith.extui %gt3A_263 : vector<8x2048xi1> to vector<8x2048xi32>
    %convert_element_type3A_265 = arith.sitofp %convert_element_type3A_264 : vector<8x2048xi32> to vector<8x2048xf32>
    %reduce_sum3A_266 = arith.constant dense<0.000000e+00> : vector<2048xf32>
    %reduce_sum3A_267 = vector.multi_reduction <add>, %convert_element_type3A_265, %reduce_sum3A_266 [0] : vector<8x2048xf32> to vector<2048xf32>
    %broadcast_in_dim3A_268 = vector.shape_cast %reduce_sum3A_267 : vector<2048xf32> to vector<1x2048xf32>
    %slice3A_269 = vector.extract_strided_slice %add3A_70 {offsets = [0, 0], sizes = [2, 2048], strides = [1, 1]} : vector<8x2048xf32> to vector<2x2048xf32>
    %eq3A_270 = vector.broadcast %slice3A_261 : vector<1x2048xf32> to vector<2x2048xf32>
    %eq3A_271 = arith.cmpf oeq, %slice3A_269, %eq3A_270 : vector<2x2048xf32>
    %convert_element_type3A_272 = arith.extui %eq3A_271 : vector<2x2048xi1> to vector<2x2048xi32>
    %convert_element_type3A_273 = arith.sitofp %convert_element_type3A_272 : vector<2x2048xi32> to vector<2x2048xf32>
    %reduce_sum3A_274 = arith.constant dense<0.000000e+00> : vector<2048xf32>
    %reduce_sum3A_275 = vector.multi_reduction <add>, %convert_element_type3A_273, %reduce_sum3A_274 [0] : vector<2x2048xf32> to vector<2048xf32>
    %broadcast_in_dim3A_276 = vector.shape_cast %reduce_sum3A_275 : vector<2048xf32> to vector<1x2048xf32>
    %add3A_277 = arith.addf %broadcast_in_dim3A_268, %broadcast_in_dim3A_276 : vector<1x2048xf32>
    %lt3A_278 = arith.constant 1.000000e+00 : f32
    %lt3A_279 = vector.broadcast %lt3A_278 : f32 to vector<1x2048xf32>
    %lt3A_280 = arith.cmpf olt, %add3A_277, %lt3A_279 : vector<1x2048xf32>
    %convert_element_type3A_281 = arith.extui %lt3A_280 : vector<1x2048xi1> to vector<1x2048xi32>
    %convert_element_type3A_282 = arith.sitofp %convert_element_type3A_281 : vector<1x2048xi32> to vector<1x2048xf32>
    %slice3A_283 = vector.extract_strided_slice %add3A_70 {offsets = [3, 0], sizes = [1, 2048], strides = [1, 1]} : vector<8x2048xf32> to vector<1x2048xf32>
    %gt3A_284 = vector.broadcast %slice3A_283 : vector<1x2048xf32> to vector<8x2048xf32>
    %gt3A_285 = arith.cmpf ogt, %add3A_70, %gt3A_284 : vector<8x2048xf32>
    %convert_element_type3A_286 = arith.extui %gt3A_285 : vector<8x2048xi1> to vector<8x2048xi32>
    %convert_element_type3A_287 = arith.sitofp %convert_element_type3A_286 : vector<8x2048xi32> to vector<8x2048xf32>
    %reduce_sum3A_288 = arith.constant dense<0.000000e+00> : vector<2048xf32>
    %reduce_sum3A_289 = vector.multi_reduction <add>, %convert_element_type3A_287, %reduce_sum3A_288 [0] : vector<8x2048xf32> to vector<2048xf32>
    %broadcast_in_dim3A_290 = vector.shape_cast %reduce_sum3A_289 : vector<2048xf32> to vector<1x2048xf32>
    %slice3A_291 = vector.extract_strided_slice %add3A_70 {offsets = [0, 0], sizes = [3, 2048], strides = [1, 1]} : vector<8x2048xf32> to vector<3x2048xf32>
    %eq3A_292 = vector.broadcast %slice3A_283 : vector<1x2048xf32> to vector<3x2048xf32>
    %eq3A_293 = arith.cmpf oeq, %slice3A_291, %eq3A_292 : vector<3x2048xf32>
    %convert_element_type3A_294 = arith.extui %eq3A_293 : vector<3x2048xi1> to vector<3x2048xi32>
    %convert_element_type3A_295 = arith.sitofp %convert_element_type3A_294 : vector<3x2048xi32> to vector<3x2048xf32>
    %reduce_sum3A_296 = arith.constant dense<0.000000e+00> : vector<2048xf32>
    %reduce_sum3A_297 = vector.multi_reduction <add>, %convert_element_type3A_295, %reduce_sum3A_296 [0] : vector<3x2048xf32> to vector<2048xf32>
    %broadcast_in_dim3A_298 = vector.shape_cast %reduce_sum3A_297 : vector<2048xf32> to vector<1x2048xf32>
    %add3A_299 = arith.addf %broadcast_in_dim3A_290, %broadcast_in_dim3A_298 : vector<1x2048xf32>
    %lt3A_300 = arith.constant 1.000000e+00 : f32
    %lt3A_301 = vector.broadcast %lt3A_300 : f32 to vector<1x2048xf32>
    %lt3A_302 = arith.cmpf olt, %add3A_299, %lt3A_301 : vector<1x2048xf32>
    %convert_element_type3A_303 = arith.extui %lt3A_302 : vector<1x2048xi1> to vector<1x2048xi32>
    %convert_element_type3A_304 = arith.sitofp %convert_element_type3A_303 : vector<1x2048xi32> to vector<1x2048xf32>
    %slice3A_305 = vector.extract_strided_slice %add3A_70 {offsets = [4, 0], sizes = [1, 2048], strides = [1, 1]} : vector<8x2048xf32> to vector<1x2048xf32>
    %gt3A_306 = vector.broadcast %slice3A_305 : vector<1x2048xf32> to vector<8x2048xf32>
    %gt3A_307 = arith.cmpf ogt, %add3A_70, %gt3A_306 : vector<8x2048xf32>
    %convert_element_type3A_308 = arith.extui %gt3A_307 : vector<8x2048xi1> to vector<8x2048xi32>
    %convert_element_type3A_309 = arith.sitofp %convert_element_type3A_308 : vector<8x2048xi32> to vector<8x2048xf32>
    %reduce_sum3A_310 = arith.constant dense<0.000000e+00> : vector<2048xf32>
    %reduce_sum3A_311 = vector.multi_reduction <add>, %convert_element_type3A_309, %reduce_sum3A_310 [0] : vector<8x2048xf32> to vector<2048xf32>
    %broadcast_in_dim3A_312 = vector.shape_cast %reduce_sum3A_311 : vector<2048xf32> to vector<1x2048xf32>
    %slice3A_313 = vector.extract_strided_slice %add3A_70 {offsets = [0, 0], sizes = [4, 2048], strides = [1, 1]} : vector<8x2048xf32> to vector<4x2048xf32>
    %eq3A_314 = vector.broadcast %slice3A_305 : vector<1x2048xf32> to vector<4x2048xf32>
    %eq3A_315 = arith.cmpf oeq, %slice3A_313, %eq3A_314 : vector<4x2048xf32>
    %convert_element_type3A_316 = arith.extui %eq3A_315 : vector<4x2048xi1> to vector<4x2048xi32>
    %convert_element_type3A_317 = arith.sitofp %convert_element_type3A_316 : vector<4x2048xi32> to vector<4x2048xf32>
    %reduce_sum3A_318 = arith.constant dense<0.000000e+00> : vector<2048xf32>
    %reduce_sum3A_319 = vector.multi_reduction <add>, %convert_element_type3A_317, %reduce_sum3A_318 [0] : vector<4x2048xf32> to vector<2048xf32>
    %broadcast_in_dim3A_320 = vector.shape_cast %reduce_sum3A_319 : vector<2048xf32> to vector<1x2048xf32>
    %add3A_321 = arith.addf %broadcast_in_dim3A_312, %broadcast_in_dim3A_320 : vector<1x2048xf32>
    %lt3A_322 = arith.constant 1.000000e+00 : f32
    %lt3A_323 = vector.broadcast %lt3A_322 : f32 to vector<1x2048xf32>
    %lt3A_324 = arith.cmpf olt, %add3A_321, %lt3A_323 : vector<1x2048xf32>
    %convert_element_type3A_325 = arith.extui %lt3A_324 : vector<1x2048xi1> to vector<1x2048xi32>
    %convert_element_type3A_326 = arith.sitofp %convert_element_type3A_325 : vector<1x2048xi32> to vector<1x2048xf32>
    %slice3A_327 = vector.extract_strided_slice %add3A_70 {offsets = [5, 0], sizes = [1, 2048], strides = [1, 1]} : vector<8x2048xf32> to vector<1x2048xf32>
    %gt3A_328 = vector.broadcast %slice3A_327 : vector<1x2048xf32> to vector<8x2048xf32>
    %gt3A_329 = arith.cmpf ogt, %add3A_70, %gt3A_328 : vector<8x2048xf32>
    %convert_element_type3A_330 = arith.extui %gt3A_329 : vector<8x2048xi1> to vector<8x2048xi32>
    %convert_element_type3A_331 = arith.sitofp %convert_element_type3A_330 : vector<8x2048xi32> to vector<8x2048xf32>
    %reduce_sum3A_332 = arith.constant dense<0.000000e+00> : vector<2048xf32>
    %reduce_sum3A_333 = vector.multi_reduction <add>, %convert_element_type3A_331, %reduce_sum3A_332 [0] : vector<8x2048xf32> to vector<2048xf32>
    %broadcast_in_dim3A_334 = vector.shape_cast %reduce_sum3A_333 : vector<2048xf32> to vector<1x2048xf32>
    %slice3A_335 = vector.extract_strided_slice %add3A_70 {offsets = [0, 0], sizes = [5, 2048], strides = [1, 1]} : vector<8x2048xf32> to vector<5x2048xf32>
    %eq3A_336 = vector.broadcast %slice3A_327 : vector<1x2048xf32> to vector<5x2048xf32>
    %eq3A_337 = arith.cmpf oeq, %slice3A_335, %eq3A_336 : vector<5x2048xf32>
    %convert_element_type3A_338 = arith.extui %eq3A_337 : vector<5x2048xi1> to vector<5x2048xi32>
    %convert_element_type3A_339 = arith.sitofp %convert_element_type3A_338 : vector<5x2048xi32> to vector<5x2048xf32>
    %reduce_sum3A_340 = arith.constant dense<0.000000e+00> : vector<2048xf32>
    %reduce_sum3A_341 = vector.multi_reduction <add>, %convert_element_type3A_339, %reduce_sum3A_340 [0] : vector<5x2048xf32> to vector<2048xf32>
    %broadcast_in_dim3A_342 = vector.shape_cast %reduce_sum3A_341 : vector<2048xf32> to vector<1x2048xf32>
    %add3A_343 = arith.addf %broadcast_in_dim3A_334, %broadcast_in_dim3A_342 : vector<1x2048xf32>
    %lt3A_344 = arith.constant 1.000000e+00 : f32
    %lt3A_345 = vector.broadcast %lt3A_344 : f32 to vector<1x2048xf32>
    %lt3A_346 = arith.cmpf olt, %add3A_343, %lt3A_345 : vector<1x2048xf32>
    %convert_element_type3A_347 = arith.extui %lt3A_346 : vector<1x2048xi1> to vector<1x2048xi32>
    %convert_element_type3A_348 = arith.sitofp %convert_element_type3A_347 : vector<1x2048xi32> to vector<1x2048xf32>
    %slice3A_349 = vector.extract_strided_slice %add3A_70 {offsets = [6, 0], sizes = [1, 2048], strides = [1, 1]} : vector<8x2048xf32> to vector<1x2048xf32>
    %gt3A_350 = vector.broadcast %slice3A_349 : vector<1x2048xf32> to vector<8x2048xf32>
    %gt3A_351 = arith.cmpf ogt, %add3A_70, %gt3A_350 : vector<8x2048xf32>
    %convert_element_type3A_352 = arith.extui %gt3A_351 : vector<8x2048xi1> to vector<8x2048xi32>
    %convert_element_type3A_353 = arith.sitofp %convert_element_type3A_352 : vector<8x2048xi32> to vector<8x2048xf32>
    %reduce_sum3A_354 = arith.constant dense<0.000000e+00> : vector<2048xf32>
    %reduce_sum3A_355 = vector.multi_reduction <add>, %convert_element_type3A_353, %reduce_sum3A_354 [0] : vector<8x2048xf32> to vector<2048xf32>
    %broadcast_in_dim3A_356 = vector.shape_cast %reduce_sum3A_355 : vector<2048xf32> to vector<1x2048xf32>
    %slice3A_357 = vector.extract_strided_slice %add3A_70 {offsets = [0, 0], sizes = [6, 2048], strides = [1, 1]} : vector<8x2048xf32> to vector<6x2048xf32>
    %eq3A_358 = vector.broadcast %slice3A_349 : vector<1x2048xf32> to vector<6x2048xf32>
    %eq3A_359 = arith.cmpf oeq, %slice3A_357, %eq3A_358 : vector<6x2048xf32>
    %convert_element_type3A_360 = arith.extui %eq3A_359 : vector<6x2048xi1> to vector<6x2048xi32>
    %convert_element_type3A_361 = arith.sitofp %convert_element_type3A_360 : vector<6x2048xi32> to vector<6x2048xf32>
    %reduce_sum3A_362 = arith.constant dense<0.000000e+00> : vector<2048xf32>
    %reduce_sum3A_363 = vector.multi_reduction <add>, %convert_element_type3A_361, %reduce_sum3A_362 [0] : vector<6x2048xf32> to vector<2048xf32>
    %broadcast_in_dim3A_364 = vector.shape_cast %reduce_sum3A_363 : vector<2048xf32> to vector<1x2048xf32>
    %add3A_365 = arith.addf %broadcast_in_dim3A_356, %broadcast_in_dim3A_364 : vector<1x2048xf32>
    %lt3A_366 = arith.constant 1.000000e+00 : f32
    %lt3A_367 = vector.broadcast %lt3A_366 : f32 to vector<1x2048xf32>
    %lt3A_368 = arith.cmpf olt, %add3A_365, %lt3A_367 : vector<1x2048xf32>
    %convert_element_type3A_369 = arith.extui %lt3A_368 : vector<1x2048xi1> to vector<1x2048xi32>
    %convert_element_type3A_370 = arith.sitofp %convert_element_type3A_369 : vector<1x2048xi32> to vector<1x2048xf32>
    %slice3A_371 = vector.extract_strided_slice %add3A_70 {offsets = [7, 0], sizes = [1, 2048], strides = [1, 1]} : vector<8x2048xf32> to vector<1x2048xf32>
    %gt3A_372 = vector.broadcast %slice3A_371 : vector<1x2048xf32> to vector<8x2048xf32>
    %gt3A_373 = arith.cmpf ogt, %add3A_70, %gt3A_372 : vector<8x2048xf32>
    %convert_element_type3A_374 = arith.extui %gt3A_373 : vector<8x2048xi1> to vector<8x2048xi32>
    %convert_element_type3A_375 = arith.sitofp %convert_element_type3A_374 : vector<8x2048xi32> to vector<8x2048xf32>
    %reduce_sum3A_376 = arith.constant dense<0.000000e+00> : vector<2048xf32>
    %reduce_sum3A_377 = vector.multi_reduction <add>, %convert_element_type3A_375, %reduce_sum3A_376 [0] : vector<8x2048xf32> to vector<2048xf32>
    %broadcast_in_dim3A_378 = vector.shape_cast %reduce_sum3A_377 : vector<2048xf32> to vector<1x2048xf32>
    %slice3A_379 = vector.extract_strided_slice %add3A_70 {offsets = [0, 0], sizes = [7, 2048], strides = [1, 1]} : vector<8x2048xf32> to vector<7x2048xf32>
    %eq3A_380 = vector.broadcast %slice3A_371 : vector<1x2048xf32> to vector<7x2048xf32>
    %eq3A_381 = arith.cmpf oeq, %slice3A_379, %eq3A_380 : vector<7x2048xf32>
    %convert_element_type3A_382 = arith.extui %eq3A_381 : vector<7x2048xi1> to vector<7x2048xi32>
    %convert_element_type3A_383 = arith.sitofp %convert_element_type3A_382 : vector<7x2048xi32> to vector<7x2048xf32>
    %reduce_sum3A_384 = arith.constant dense<0.000000e+00> : vector<2048xf32>
    %reduce_sum3A_385 = vector.multi_reduction <add>, %convert_element_type3A_383, %reduce_sum3A_384 [0] : vector<7x2048xf32> to vector<2048xf32>
    %broadcast_in_dim3A_386 = vector.shape_cast %reduce_sum3A_385 : vector<2048xf32> to vector<1x2048xf32>
    %add3A_387 = arith.addf %broadcast_in_dim3A_378, %broadcast_in_dim3A_386 : vector<1x2048xf32>
    %lt3A_388 = arith.constant 1.000000e+00 : f32
    %lt3A_389 = vector.broadcast %lt3A_388 : f32 to vector<1x2048xf32>
    %lt3A_390 = arith.cmpf olt, %add3A_387, %lt3A_389 : vector<1x2048xf32>
    %convert_element_type3A_391 = arith.extui %lt3A_390 : vector<1x2048xi1> to vector<1x2048xi32>
    %convert_element_type3A_392 = arith.sitofp %convert_element_type3A_391 : vector<1x2048xi32> to vector<1x2048xf32>
    %concatenate3A_393 = tpu.concatenate %convert_element_type3A_240, %convert_element_type3A_260, %convert_element_type3A_282, %convert_element_type3A_304, %convert_element_type3A_326, %convert_element_type3A_348, %convert_element_type3A_370, %convert_element_type3A_392 in 0 : vector<1x2048xf32>, vector<1x2048xf32>, vector<1x2048xf32>, vector<1x2048xf32>, vector<1x2048xf32>, vector<1x2048xf32>, vector<1x2048xf32>, vector<1x2048xf32> -> vector<8x2048xf32>
    %reduce_max3A = arith.constant dense<0xFF800000> : vector<2048xf32>
    %reduce_max3A_394 = vector.multi_reduction <maximumf>, %add3A_70, %reduce_max3A [0] : vector<8x2048xf32> to vector<2048xf32>
    %broadcast_in_dim3A_395 = vector.shape_cast %reduce_max3A_394 : vector<2048xf32> to vector<1x2048xf32>
    %sub3A = vector.broadcast %broadcast_in_dim3A_395 : vector<1x2048xf32> to vector<8x2048xf32>
    %sub3A_396 = arith.subf %add3A_70, %sub3A : vector<8x2048xf32>
    %exp3A = math.exp %sub3A_396 : vector<8x2048xf32>
    %mul3A_397 = arith.mulf %exp3A, %concatenate3A_393 : vector<8x2048xf32>
    %reduce_sum3A_398 = arith.constant dense<0.000000e+00> : vector<2048xf32>
    %reduce_sum3A_399 = vector.multi_reduction <add>, %mul3A_397, %reduce_sum3A_398 [0] : vector<8x2048xf32> to vector<2048xf32>
    %broadcast_in_dim3A_400 = vector.shape_cast %reduce_sum3A_399 : vector<2048xf32> to vector<1x2048xf32>
    %div3A_401 = vector.broadcast %broadcast_in_dim3A_400 : vector<1x2048xf32> to vector<8x2048xf32>
    %div3A_402 = arith.divf %mul3A_397, %div3A_401 : vector<8x2048xf32>
    %broadcast_in_dim3A_403 = arith.constant 0.000000e+00 : f32
    %broadcast_in_dim3A_404 = vector.broadcast %broadcast_in_dim3A_403 : f32 to vector<3x2048xf32>
    %get3A_405 = arith.constant 0 : index
    %get3A_406 = arith.constant 0 : index
    %get3A_407 = vector.load %arg9[%get3A_405, %get3A_406] : memref<8x3xf32, #tpu.memory_space<vmem>>, vector<1x3xf32>
    %get3A_408 = vector.shape_cast %get3A_407 : vector<1x3xf32> to vector<3xf32>
    %broadcast_in_dim3A_409 = vector.shape_cast %get3A_408 : vector<3xf32> to vector<3x1xf32>
    %sub3A_410 = vector.broadcast %broadcast_in_dim3A_409 : vector<3x1xf32> to vector<3x2048xf32>
    %sub3A_411 = arith.subf %slice3A, %sub3A_410 : vector<3x2048xf32>
    %mul3A_412 = arith.mulf %sub3A_411, %sub3A_411 : vector<3x2048xf32>
    %reduce_sum3A_413 = arith.constant dense<0.000000e+00> : vector<2048xf32>
    %reduce_sum3A_414 = vector.multi_reduction <add>, %mul3A_412, %reduce_sum3A_413 [0] : vector<3x2048xf32> to vector<2048xf32>
    %broadcast_in_dim3A_415 = vector.shape_cast %reduce_sum3A_414 : vector<2048xf32> to vector<1x2048xf32>
    %sqrt3A_416 = math.sqrt %broadcast_in_dim3A_415 : vector<1x2048xf32>
    %slice3A_417 = vector.extract_strided_slice %sub3A_411 {offsets = [1, 0], sizes = [1, 2048], strides = [1, 1]} : vector<3x2048xf32> to vector<1x2048xf32>
    %slice3A_418 = vector.extract_strided_slice %sub3A_411 {offsets = [0, 0], sizes = [1, 2048], strides = [1, 1]} : vector<3x2048xf32> to vector<1x2048xf32>
    %atan23A = math.atan2 %slice3A_417, %slice3A_418 : vector<1x2048xf32>
    %slice3A_419 = vector.extract_strided_slice %sub3A_411 {offsets = [2, 0], sizes = [1, 2048], strides = [1, 1]} : vector<3x2048xf32> to vector<1x2048xf32>
    %max3A = arith.constant 9.99999993E-9 : f32
    %max3A_420 = vector.broadcast %max3A : f32 to vector<1x2048xf32>
    %max3A_421 = arith.maximumf %sqrt3A_416, %max3A_420 : vector<1x2048xf32>
    %div3A_422 = arith.divf %slice3A_419, %max3A_421 : vector<1x2048xf32>
    %jit3A = arith.constant -1.000000e+00 : f32
    %jit3A_423 = arith.constant 1.000000e+00 : f32
    %max3A_424 = vector.broadcast %jit3A : f32 to vector<1x2048xf32>
    %max3A_425 = arith.maximumf %max3A_424, %div3A_422 : vector<1x2048xf32>
    %min3A = vector.broadcast %jit3A_423 : f32 to vector<1x2048xf32>
    %min3A_426 = arith.minimumf %min3A, %max3A_425 : vector<1x2048xf32>
    %mul3A_427 = arith.mulf %min3A_426, %min3A_426 : vector<1x2048xf32>
    %sub3A_428 = arith.constant 1.000000e+00 : f32
    %sub3A_429 = vector.broadcast %sub3A_428 : f32 to vector<1x2048xf32>
    %sub3A_430 = arith.subf %sub3A_429, %mul3A_427 : vector<1x2048xf32>
    %max3A_431 = arith.constant 0.000000e+00 : f32
    %max3A_432 = vector.broadcast %max3A_431 : f32 to vector<1x2048xf32>
    %max3A_433 = arith.maximumf %sub3A_430, %max3A_432 : vector<1x2048xf32>
    %sqrt3A_434 = math.sqrt %max3A_433 : vector<1x2048xf32>
    %atan23A_435 = math.atan2 %sqrt3A_434, %min3A_426 : vector<1x2048xf32>
    %concatenate3A_436 = tpu.concatenate %atan23A, %atan23A_435, %sqrt3A_416, %slice3A_2 in 0 : vector<1x2048xf32>, vector<1x2048xf32>, vector<1x2048xf32>, vector<1x2048xf32> -> vector<4x2048xf32>
    %get3A_437 = arith.constant 0 : index
    %get3A_438 = arith.constant 0 : index
    %get3A_439 = arith.constant 0 : index
    %get3A_440 = vector.load %arg10[%get3A_437, %get3A_438, %get3A_439] : memref<8x14x4xf32, #tpu.memory_space<vmem>>, vector<1x14x4xf32>
    %get3A_441 = vector.shape_cast %get3A_440 : vector<1x14x4xf32> to vector<14x4xf32>
    %dot_general3A_442 = arith.constant dense<0.000000e+00> : vector<14x2048xf32>
    %dot_general3A_443 = tpu.matmul %get3A_441, %concatenate3A_436, %dot_general3A_442 {dimension_numbers = #tpu.dot_dimension_numbers<[1], [0], [0], [1], [0, 0, 1, 1], [], []>, transpose_lhs_hint = false} : vector<14x4xf32>, vector<4x2048xf32>, vector<14x2048xf32> -> vector<14x2048xf32>
    %get3A_444 = arith.constant 0 : index
    %get3A_445 = arith.constant 0 : index
    %get3A_446 = vector.load %arg11[%get3A_444, %get3A_445] : memref<8x14xf32, #tpu.memory_space<vmem>>, vector<1x14xf32>
    %get3A_447 = vector.shape_cast %get3A_446 : vector<1x14xf32> to vector<14xf32>
    %broadcast_in_dim3A_448 = vector.shape_cast %get3A_447 : vector<14xf32> to vector<14x1xf32>
    %add3A_449 = vector.broadcast %broadcast_in_dim3A_448 : vector<14x1xf32> to vector<14x2048xf32>
    %add3A_450 = arith.addf %dot_general3A_443, %add3A_449 : vector<14x2048xf32>
    %get3A_451 = arith.constant 0 : index
    %get3A_452 = arith.constant 0 : index
    %get3A_453 = arith.constant 0 : index
    %get3A_454 = vector.load %arg12[%get3A_451, %get3A_452, %get3A_453] : memref<8x3x14xf32, #tpu.memory_space<vmem>>, vector<1x3x14xf32>
    %get3A_455 = vector.shape_cast %get3A_454 : vector<1x3x14xf32> to vector<3x14xf32>
    %dot_general3A_456 = arith.constant dense<0.000000e+00> : vector<3x2048xf32>
    %dot_general3A_457 = tpu.matmul %get3A_455, %add3A_450, %dot_general3A_456 {dimension_numbers = #tpu.dot_dimension_numbers<[1], [0], [0], [1], [0, 0, 1, 1], [], []>, transpose_lhs_hint = false} : vector<3x14xf32>, vector<14x2048xf32>, vector<3x2048xf32> -> vector<3x2048xf32>
    %get3A_458 = arith.constant 0 : index
    %get3A_459 = arith.constant 0 : index
    %get3A_460 = vector.load %arg13[%get3A_458, %get3A_459] : memref<8x3xf32, #tpu.memory_space<vmem>>, vector<1x3xf32>
    %get3A_461 = vector.shape_cast %get3A_460 : vector<1x3xf32> to vector<3xf32>
    %broadcast_in_dim3A_462 = vector.shape_cast %get3A_461 : vector<3xf32> to vector<3x1xf32>
    %add3A_463 = vector.broadcast %broadcast_in_dim3A_462 : vector<3x1xf32> to vector<3x2048xf32>
    %add3A_464 = arith.addf %dot_general3A_457, %add3A_463 : vector<3x2048xf32>
    %get3A_465 = arith.constant 0 : index
    %get3A_466 = arith.constant 0 : index
    %get3A_467 = arith.constant 0 : index
    %get3A_468 = vector.load %arg14[%get3A_465, %get3A_466, %get3A_467] : memref<8x28x4xf32, #tpu.memory_space<vmem>>, vector<1x28x4xf32>
    %get3A_469 = vector.shape_cast %get3A_468 : vector<1x28x4xf32> to vector<28x4xf32>
    %dot_general3A_470 = arith.constant dense<0.000000e+00> : vector<28x2048xf32>
    %dot_general3A_471 = tpu.matmul %get3A_469, %get3A_1, %dot_general3A_470 {dimension_numbers = #tpu.dot_dimension_numbers<[1], [0], [0], [1], [0, 0, 1, 1], [], []>, transpose_lhs_hint = false} : vector<28x4xf32>, vector<4x2048xf32>, vector<28x2048xf32> -> vector<28x2048xf32>
    %slice3A_472 = vector.extract_strided_slice %dot_general3A_471 {offsets = [0, 0], sizes = [14, 2048], strides = [1, 1]} : vector<28x2048xf32> to vector<14x2048xf32>
    %slice3A_473 = vector.extract_strided_slice %dot_general3A_471 {offsets = [14, 0], sizes = [14, 2048], strides = [1, 1]} : vector<28x2048xf32> to vector<14x2048xf32>
    %logistic3A_474 = arith.negf %slice3A_473 : vector<14x2048xf32>
    %logistic3A_475 = math.exp %logistic3A_474 : vector<14x2048xf32>
    %logistic3A_476 = arith.constant 1.000000e+00 : f32
    %logistic3A_477 = vector.broadcast %logistic3A_476 : f32 to vector<14x2048xf32>
    %logistic3A_478 = arith.addf %logistic3A_477, %logistic3A_475 : vector<14x2048xf32>
    %logistic3A_479 = arith.divf %logistic3A_477, %logistic3A_478 : vector<14x2048xf32>
    %mul3A_480 = arith.mulf %slice3A_473, %logistic3A_479 : vector<14x2048xf32>
    %mul3A_481 = arith.mulf %mul3A_480, %slice3A_472 : vector<14x2048xf32>
    %get3A_482 = arith.constant 0 : index
    %get3A_483 = arith.constant 0 : index
    %get3A_484 = arith.constant 0 : index
    %get3A_485 = vector.load %arg15[%get3A_482, %get3A_483, %get3A_484] : memref<8x14x14xf32, #tpu.memory_space<vmem>>, vector<1x14x14xf32>
    %get3A_486 = vector.shape_cast %get3A_485 : vector<1x14x14xf32> to vector<14x14xf32>
    %dot_general3A_487 = arith.constant dense<0.000000e+00> : vector<14x2048xf32>
    %dot_general3A_488 = tpu.matmul %get3A_486, %mul3A_481, %dot_general3A_487 {dimension_numbers = #tpu.dot_dimension_numbers<[1], [0], [0], [1], [0, 0, 1, 1], [], []>, transpose_lhs_hint = false} : vector<14x14xf32>, vector<14x2048xf32>, vector<14x2048xf32> -> vector<14x2048xf32>
    %get3A_489 = arith.constant 0 : index
    %get3A_490 = arith.constant 0 : index
    %get3A_491 = vector.load %arg16[%get3A_489, %get3A_490] : memref<8x14xf32, #tpu.memory_space<vmem>>, vector<1x14xf32>
    %get3A_492 = vector.shape_cast %get3A_491 : vector<1x14xf32> to vector<14xf32>
    %broadcast_in_dim3A_493 = vector.shape_cast %get3A_492 : vector<14xf32> to vector<14x1xf32>
    %add3A_494 = vector.broadcast %broadcast_in_dim3A_493 : vector<14x1xf32> to vector<14x2048xf32>
    %add3A_495 = arith.addf %dot_general3A_488, %add3A_494 : vector<14x2048xf32>
    %mul3A_496 = arith.mulf %add3A_495, %add3A_495 : vector<14x2048xf32>
    %reduce_sum3A_497 = arith.constant dense<0.000000e+00> : vector<2048xf32>
    %reduce_sum3A_498 = vector.multi_reduction <add>, %mul3A_496, %reduce_sum3A_497 [0] : vector<14x2048xf32> to vector<2048xf32>
    %broadcast_in_dim3A_499 = vector.shape_cast %reduce_sum3A_498 : vector<2048xf32> to vector<1x2048xf32>
    %sqrt3A_500 = math.sqrt %broadcast_in_dim3A_499 : vector<1x2048xf32>
    %div3A_501 = arith.constant 3.7416575 : f32
    %div3A_502 = vector.broadcast %div3A_501 : f32 to vector<1x2048xf32>
    %div3A_503 = arith.divf %sqrt3A_500, %div3A_502 : vector<1x2048xf32>
    %get3A_504 = arith.constant 0 : index
    %get3A_505 = arith.constant 0 : index
    %get3A_506 = vector.load %arg17[%get3A_504, %get3A_505] : memref<8x14xf32, #tpu.memory_space<vmem>>, vector<1x14xf32>
    %get3A_507 = vector.shape_cast %get3A_506 : vector<1x14xf32> to vector<14xf32>
    %broadcast_in_dim3A_508 = vector.shape_cast %get3A_507 : vector<14xf32> to vector<14x1xf32>
    %mul3A_509 = vector.broadcast %broadcast_in_dim3A_508 : vector<14x1xf32> to vector<14x2048xf32>
    %mul3A_510 = arith.mulf %mul3A_509, %add3A_495 : vector<14x2048xf32>
    %add3A_511 = arith.constant 9.99999993E-9 : f32
    %add3A_512 = vector.broadcast %add3A_511 : f32 to vector<1x2048xf32>
    %add3A_513 = arith.addf %div3A_503, %add3A_512 : vector<1x2048xf32>
    %div3A_514 = vector.broadcast %add3A_513 : vector<1x2048xf32> to vector<14x2048xf32>
    %div3A_515 = arith.divf %mul3A_510, %div3A_514 : vector<14x2048xf32>
    %get3A_516 = arith.constant 0 : index
    %get3A_517 = arith.constant 0 : index
    %get3A_518 = arith.constant 0 : index
    %get3A_519 = vector.load %arg18[%get3A_516, %get3A_517, %get3A_518] : memref<8x3x14xf32, #tpu.memory_space<vmem>>, vector<1x3x14xf32>
    %get3A_520 = vector.shape_cast %get3A_519 : vector<1x3x14xf32> to vector<3x14xf32>
    %dot_general3A_521 = arith.constant dense<0.000000e+00> : vector<3x2048xf32>
    %dot_general3A_522 = tpu.matmul %get3A_520, %div3A_515, %dot_general3A_521 {dimension_numbers = #tpu.dot_dimension_numbers<[1], [0], [0], [1], [0, 0, 1, 1], [], []>, transpose_lhs_hint = false} : vector<3x14xf32>, vector<14x2048xf32>, vector<3x2048xf32> -> vector<3x2048xf32>
    %get3A_523 = arith.constant 0 : index
    %get3A_524 = arith.constant 0 : index
    %get3A_525 = vector.load %arg19[%get3A_523, %get3A_524] : memref<8x3xf32, #tpu.memory_space<vmem>>, vector<1x3xf32>
    %get3A_526 = vector.shape_cast %get3A_525 : vector<1x3xf32> to vector<3xf32>
    %broadcast_in_dim3A_527 = vector.shape_cast %get3A_526 : vector<3xf32> to vector<3x1xf32>
    %add3A_528 = vector.broadcast %broadcast_in_dim3A_527 : vector<3x1xf32> to vector<3x2048xf32>
    %add3A_529 = arith.addf %dot_general3A_522, %add3A_528 : vector<3x2048xf32>
    %add3A_530 = arith.addf %add3A_464, %add3A_529 : vector<3x2048xf32>
    %logistic3A_531 = arith.negf %add3A_530 : vector<3x2048xf32>
    %logistic3A_532 = math.exp %logistic3A_531 : vector<3x2048xf32>
    %logistic3A_533 = arith.constant 1.000000e+00 : f32
    %logistic3A_534 = vector.broadcast %logistic3A_533 : f32 to vector<3x2048xf32>
    %logistic3A_535 = arith.addf %logistic3A_534, %logistic3A_532 : vector<3x2048xf32>
    %logistic3A_536 = arith.divf %logistic3A_534, %logistic3A_535 : vector<3x2048xf32>
    %add3A_537 = arith.addf %broadcast_in_dim3A_404, %logistic3A_536 : vector<3x2048xf32>
    %get3A_538 = arith.constant 1 : index
    %get3A_539 = arith.constant 0 : index
    %get3A_540 = vector.load %arg9[%get3A_538, %get3A_539] : memref<8x3xf32, #tpu.memory_space<vmem>>, vector<1x3xf32>
    %get3A_541 = vector.shape_cast %get3A_540 : vector<1x3xf32> to vector<3xf32>
    %broadcast_in_dim3A_542 = vector.shape_cast %get3A_541 : vector<3xf32> to vector<3x1xf32>
    %sub3A_543 = vector.broadcast %broadcast_in_dim3A_542 : vector<3x1xf32> to vector<3x2048xf32>
    %sub3A_544 = arith.subf %slice3A, %sub3A_543 : vector<3x2048xf32>
    %mul3A_545 = arith.mulf %sub3A_544, %sub3A_544 : vector<3x2048xf32>
    %reduce_sum3A_546 = arith.constant dense<0.000000e+00> : vector<2048xf32>
    %reduce_sum3A_547 = vector.multi_reduction <add>, %mul3A_545, %reduce_sum3A_546 [0] : vector<3x2048xf32> to vector<2048xf32>
    %broadcast_in_dim3A_548 = vector.shape_cast %reduce_sum3A_547 : vector<2048xf32> to vector<1x2048xf32>
    %sqrt3A_549 = math.sqrt %broadcast_in_dim3A_548 : vector<1x2048xf32>
    %slice3A_550 = vector.extract_strided_slice %sub3A_544 {offsets = [1, 0], sizes = [1, 2048], strides = [1, 1]} : vector<3x2048xf32> to vector<1x2048xf32>
    %slice3A_551 = vector.extract_strided_slice %sub3A_544 {offsets = [0, 0], sizes = [1, 2048], strides = [1, 1]} : vector<3x2048xf32> to vector<1x2048xf32>
    %atan23A_552 = math.atan2 %slice3A_550, %slice3A_551 : vector<1x2048xf32>
    %slice3A_553 = vector.extract_strided_slice %sub3A_544 {offsets = [2, 0], sizes = [1, 2048], strides = [1, 1]} : vector<3x2048xf32> to vector<1x2048xf32>
    %max3A_554 = arith.constant 9.99999993E-9 : f32
    %max3A_555 = vector.broadcast %max3A_554 : f32 to vector<1x2048xf32>
    %max3A_556 = arith.maximumf %sqrt3A_549, %max3A_555 : vector<1x2048xf32>
    %div3A_557 = arith.divf %slice3A_553, %max3A_556 : vector<1x2048xf32>
    %jit3A_558 = arith.constant -1.000000e+00 : f32
    %jit3A_559 = arith.constant 1.000000e+00 : f32
    %max3A_560 = vector.broadcast %jit3A_558 : f32 to vector<1x2048xf32>
    %max3A_561 = arith.maximumf %max3A_560, %div3A_557 : vector<1x2048xf32>
    %min3A_562 = vector.broadcast %jit3A_559 : f32 to vector<1x2048xf32>
    %min3A_563 = arith.minimumf %min3A_562, %max3A_561 : vector<1x2048xf32>
    %mul3A_564 = arith.mulf %min3A_563, %min3A_563 : vector<1x2048xf32>
    %sub3A_565 = arith.constant 1.000000e+00 : f32
    %sub3A_566 = vector.broadcast %sub3A_565 : f32 to vector<1x2048xf32>
    %sub3A_567 = arith.subf %sub3A_566, %mul3A_564 : vector<1x2048xf32>
    %max3A_568 = arith.constant 0.000000e+00 : f32
    %max3A_569 = vector.broadcast %max3A_568 : f32 to vector<1x2048xf32>
    %max3A_570 = arith.maximumf %sub3A_567, %max3A_569 : vector<1x2048xf32>
    %sqrt3A_571 = math.sqrt %max3A_570 : vector<1x2048xf32>
    %atan23A_572 = math.atan2 %sqrt3A_571, %min3A_563 : vector<1x2048xf32>
    %concatenate3A_573 = tpu.concatenate %atan23A_552, %atan23A_572, %sqrt3A_549, %slice3A_2 in 0 : vector<1x2048xf32>, vector<1x2048xf32>, vector<1x2048xf32>, vector<1x2048xf32> -> vector<4x2048xf32>
    %get3A_574 = arith.constant 1 : index
    %get3A_575 = arith.constant 0 : index
    %get3A_576 = arith.constant 0 : index
    %get3A_577 = vector.load %arg10[%get3A_574, %get3A_575, %get3A_576] : memref<8x14x4xf32, #tpu.memory_space<vmem>>, vector<1x14x4xf32>
    %get3A_578 = vector.shape_cast %get3A_577 : vector<1x14x4xf32> to vector<14x4xf32>
    %dot_general3A_579 = arith.constant dense<0.000000e+00> : vector<14x2048xf32>
    %dot_general3A_580 = tpu.matmul %get3A_578, %concatenate3A_573, %dot_general3A_579 {dimension_numbers = #tpu.dot_dimension_numbers<[1], [0], [0], [1], [0, 0, 1, 1], [], []>, transpose_lhs_hint = false} : vector<14x4xf32>, vector<4x2048xf32>, vector<14x2048xf32> -> vector<14x2048xf32>
    %get3A_581 = arith.constant 1 : index
    %get3A_582 = arith.constant 0 : index
    %get3A_583 = vector.load %arg11[%get3A_581, %get3A_582] : memref<8x14xf32, #tpu.memory_space<vmem>>, vector<1x14xf32>
    %get3A_584 = vector.shape_cast %get3A_583 : vector<1x14xf32> to vector<14xf32>
    %broadcast_in_dim3A_585 = vector.shape_cast %get3A_584 : vector<14xf32> to vector<14x1xf32>
    %add3A_586 = vector.broadcast %broadcast_in_dim3A_585 : vector<14x1xf32> to vector<14x2048xf32>
    %add3A_587 = arith.addf %dot_general3A_580, %add3A_586 : vector<14x2048xf32>
    %get3A_588 = arith.constant 1 : index
    %get3A_589 = arith.constant 0 : index
    %get3A_590 = arith.constant 0 : index
    %get3A_591 = vector.load %arg12[%get3A_588, %get3A_589, %get3A_590] : memref<8x3x14xf32, #tpu.memory_space<vmem>>, vector<1x3x14xf32>
    %get3A_592 = vector.shape_cast %get3A_591 : vector<1x3x14xf32> to vector<3x14xf32>
    %dot_general3A_593 = arith.constant dense<0.000000e+00> : vector<3x2048xf32>
    %dot_general3A_594 = tpu.matmul %get3A_592, %add3A_587, %dot_general3A_593 {dimension_numbers = #tpu.dot_dimension_numbers<[1], [0], [0], [1], [0, 0, 1, 1], [], []>, transpose_lhs_hint = false} : vector<3x14xf32>, vector<14x2048xf32>, vector<3x2048xf32> -> vector<3x2048xf32>
    %get3A_595 = arith.constant 1 : index
    %get3A_596 = arith.constant 0 : index
    %get3A_597 = vector.load %arg13[%get3A_595, %get3A_596] : memref<8x3xf32, #tpu.memory_space<vmem>>, vector<1x3xf32>
    %get3A_598 = vector.shape_cast %get3A_597 : vector<1x3xf32> to vector<3xf32>
    %broadcast_in_dim3A_599 = vector.shape_cast %get3A_598 : vector<3xf32> to vector<3x1xf32>
    %add3A_600 = vector.broadcast %broadcast_in_dim3A_599 : vector<3x1xf32> to vector<3x2048xf32>
    %add3A_601 = arith.addf %dot_general3A_594, %add3A_600 : vector<3x2048xf32>
    %get3A_602 = arith.constant 1 : index
    %get3A_603 = arith.constant 0 : index
    %get3A_604 = arith.constant 0 : index
    %get3A_605 = vector.load %arg14[%get3A_602, %get3A_603, %get3A_604] : memref<8x28x4xf32, #tpu.memory_space<vmem>>, vector<1x28x4xf32>
    %get3A_606 = vector.shape_cast %get3A_605 : vector<1x28x4xf32> to vector<28x4xf32>
    %dot_general3A_607 = arith.constant dense<0.000000e+00> : vector<28x2048xf32>
    %dot_general3A_608 = tpu.matmul %get3A_606, %get3A_1, %dot_general3A_607 {dimension_numbers = #tpu.dot_dimension_numbers<[1], [0], [0], [1], [0, 0, 1, 1], [], []>, transpose_lhs_hint = false} : vector<28x4xf32>, vector<4x2048xf32>, vector<28x2048xf32> -> vector<28x2048xf32>
    %slice3A_609 = vector.extract_strided_slice %dot_general3A_608 {offsets = [0, 0], sizes = [14, 2048], strides = [1, 1]} : vector<28x2048xf32> to vector<14x2048xf32>
    %slice3A_610 = vector.extract_strided_slice %dot_general3A_608 {offsets = [14, 0], sizes = [14, 2048], strides = [1, 1]} : vector<28x2048xf32> to vector<14x2048xf32>
    %logistic3A_611 = arith.negf %slice3A_610 : vector<14x2048xf32>
    %logistic3A_612 = math.exp %logistic3A_611 : vector<14x2048xf32>
    %logistic3A_613 = arith.constant 1.000000e+00 : f32
    %logistic3A_614 = vector.broadcast %logistic3A_613 : f32 to vector<14x2048xf32>
    %logistic3A_615 = arith.addf %logistic3A_614, %logistic3A_612 : vector<14x2048xf32>
    %logistic3A_616 = arith.divf %logistic3A_614, %logistic3A_615 : vector<14x2048xf32>
    %mul3A_617 = arith.mulf %slice3A_610, %logistic3A_616 : vector<14x2048xf32>
    %mul3A_618 = arith.mulf %mul3A_617, %slice3A_609 : vector<14x2048xf32>
    %get3A_619 = arith.constant 1 : index
    %get3A_620 = arith.constant 0 : index
    %get3A_621 = arith.constant 0 : index
    %get3A_622 = vector.load %arg15[%get3A_619, %get3A_620, %get3A_621] : memref<8x14x14xf32, #tpu.memory_space<vmem>>, vector<1x14x14xf32>
    %get3A_623 = vector.shape_cast %get3A_622 : vector<1x14x14xf32> to vector<14x14xf32>
    %dot_general3A_624 = arith.constant dense<0.000000e+00> : vector<14x2048xf32>
    %dot_general3A_625 = tpu.matmul %get3A_623, %mul3A_618, %dot_general3A_624 {dimension_numbers = #tpu.dot_dimension_numbers<[1], [0], [0], [1], [0, 0, 1, 1], [], []>, transpose_lhs_hint = false} : vector<14x14xf32>, vector<14x2048xf32>, vector<14x2048xf32> -> vector<14x2048xf32>
    %get3A_626 = arith.constant 1 : index
    %get3A_627 = arith.constant 0 : index
    %get3A_628 = vector.load %arg16[%get3A_626, %get3A_627] : memref<8x14xf32, #tpu.memory_space<vmem>>, vector<1x14xf32>
    %get3A_629 = vector.shape_cast %get3A_628 : vector<1x14xf32> to vector<14xf32>
    %broadcast_in_dim3A_630 = vector.shape_cast %get3A_629 : vector<14xf32> to vector<14x1xf32>
    %add3A_631 = vector.broadcast %broadcast_in_dim3A_630 : vector<14x1xf32> to vector<14x2048xf32>
    %add3A_632 = arith.addf %dot_general3A_625, %add3A_631 : vector<14x2048xf32>
    %mul3A_633 = arith.mulf %add3A_632, %add3A_632 : vector<14x2048xf32>
    %reduce_sum3A_634 = arith.constant dense<0.000000e+00> : vector<2048xf32>
    %reduce_sum3A_635 = vector.multi_reduction <add>, %mul3A_633, %reduce_sum3A_634 [0] : vector<14x2048xf32> to vector<2048xf32>
    %broadcast_in_dim3A_636 = vector.shape_cast %reduce_sum3A_635 : vector<2048xf32> to vector<1x2048xf32>
    %sqrt3A_637 = math.sqrt %broadcast_in_dim3A_636 : vector<1x2048xf32>
    %div3A_638 = arith.constant 3.7416575 : f32
    %div3A_639 = vector.broadcast %div3A_638 : f32 to vector<1x2048xf32>
    %div3A_640 = arith.divf %sqrt3A_637, %div3A_639 : vector<1x2048xf32>
    %get3A_641 = arith.constant 1 : index
    %get3A_642 = arith.constant 0 : index
    %get3A_643 = vector.load %arg17[%get3A_641, %get3A_642] : memref<8x14xf32, #tpu.memory_space<vmem>>, vector<1x14xf32>
    %get3A_644 = vector.shape_cast %get3A_643 : vector<1x14xf32> to vector<14xf32>
    %broadcast_in_dim3A_645 = vector.shape_cast %get3A_644 : vector<14xf32> to vector<14x1xf32>
    %mul3A_646 = vector.broadcast %broadcast_in_dim3A_645 : vector<14x1xf32> to vector<14x2048xf32>
    %mul3A_647 = arith.mulf %mul3A_646, %add3A_632 : vector<14x2048xf32>
    %add3A_648 = arith.constant 9.99999993E-9 : f32
    %add3A_649 = vector.broadcast %add3A_648 : f32 to vector<1x2048xf32>
    %add3A_650 = arith.addf %div3A_640, %add3A_649 : vector<1x2048xf32>
    %div3A_651 = vector.broadcast %add3A_650 : vector<1x2048xf32> to vector<14x2048xf32>
    %div3A_652 = arith.divf %mul3A_647, %div3A_651 : vector<14x2048xf32>
    %get3A_653 = arith.constant 1 : index
    %get3A_654 = arith.constant 0 : index
    %get3A_655 = arith.constant 0 : index
    %get3A_656 = vector.load %arg18[%get3A_653, %get3A_654, %get3A_655] : memref<8x3x14xf32, #tpu.memory_space<vmem>>, vector<1x3x14xf32>
    %get3A_657 = vector.shape_cast %get3A_656 : vector<1x3x14xf32> to vector<3x14xf32>
    %dot_general3A_658 = arith.constant dense<0.000000e+00> : vector<3x2048xf32>
    %dot_general3A_659 = tpu.matmul %get3A_657, %div3A_652, %dot_general3A_658 {dimension_numbers = #tpu.dot_dimension_numbers<[1], [0], [0], [1], [0, 0, 1, 1], [], []>, transpose_lhs_hint = false} : vector<3x14xf32>, vector<14x2048xf32>, vector<3x2048xf32> -> vector<3x2048xf32>
    %get3A_660 = arith.constant 1 : index
    %get3A_661 = arith.constant 0 : index
    %get3A_662 = vector.load %arg19[%get3A_660, %get3A_661] : memref<8x3xf32, #tpu.memory_space<vmem>>, vector<1x3xf32>
    %get3A_663 = vector.shape_cast %get3A_662 : vector<1x3xf32> to vector<3xf32>
    %broadcast_in_dim3A_664 = vector.shape_cast %get3A_663 : vector<3xf32> to vector<3x1xf32>
    %add3A_665 = vector.broadcast %broadcast_in_dim3A_664 : vector<3x1xf32> to vector<3x2048xf32>
    %add3A_666 = arith.addf %dot_general3A_659, %add3A_665 : vector<3x2048xf32>
    %add3A_667 = arith.addf %add3A_601, %add3A_666 : vector<3x2048xf32>
    %logistic3A_668 = arith.negf %add3A_667 : vector<3x2048xf32>
    %logistic3A_669 = math.exp %logistic3A_668 : vector<3x2048xf32>
    %logistic3A_670 = arith.constant 1.000000e+00 : f32
    %logistic3A_671 = vector.broadcast %logistic3A_670 : f32 to vector<3x2048xf32>
    %logistic3A_672 = arith.addf %logistic3A_671, %logistic3A_669 : vector<3x2048xf32>
    %logistic3A_673 = arith.divf %logistic3A_671, %logistic3A_672 : vector<3x2048xf32>
    %slice3A_674 = vector.extract_strided_slice %div3A_402 {offsets = [0, 0], sizes = [1, 2048], strides = [1, 1]} : vector<8x2048xf32> to vector<1x2048xf32>
    %mul3A_675 = vector.broadcast %slice3A_674 : vector<1x2048xf32> to vector<3x2048xf32>
    %mul3A_676 = arith.mulf %mul3A_675, %logistic3A_673 : vector<3x2048xf32>
    %add3A_677 = arith.addf %add3A_537, %mul3A_676 : vector<3x2048xf32>
    %get3A_678 = arith.constant 2 : index
    %get3A_679 = arith.constant 0 : index
    %get3A_680 = vector.load %arg9[%get3A_678, %get3A_679] : memref<8x3xf32, #tpu.memory_space<vmem>>, vector<1x3xf32>
    %get3A_681 = vector.shape_cast %get3A_680 : vector<1x3xf32> to vector<3xf32>
    %broadcast_in_dim3A_682 = vector.shape_cast %get3A_681 : vector<3xf32> to vector<3x1xf32>
    %sub3A_683 = vector.broadcast %broadcast_in_dim3A_682 : vector<3x1xf32> to vector<3x2048xf32>
    %sub3A_684 = arith.subf %slice3A, %sub3A_683 : vector<3x2048xf32>
    %mul3A_685 = arith.mulf %sub3A_684, %sub3A_684 : vector<3x2048xf32>
    %reduce_sum3A_686 = arith.constant dense<0.000000e+00> : vector<2048xf32>
    %reduce_sum3A_687 = vector.multi_reduction <add>, %mul3A_685, %reduce_sum3A_686 [0] : vector<3x2048xf32> to vector<2048xf32>
    %broadcast_in_dim3A_688 = vector.shape_cast %reduce_sum3A_687 : vector<2048xf32> to vector<1x2048xf32>
    %sqrt3A_689 = math.sqrt %broadcast_in_dim3A_688 : vector<1x2048xf32>
    %slice3A_690 = vector.extract_strided_slice %sub3A_684 {offsets = [1, 0], sizes = [1, 2048], strides = [1, 1]} : vector<3x2048xf32> to vector<1x2048xf32>
    %slice3A_691 = vector.extract_strided_slice %sub3A_684 {offsets = [0, 0], sizes = [1, 2048], strides = [1, 1]} : vector<3x2048xf32> to vector<1x2048xf32>
    %atan23A_692 = math.atan2 %slice3A_690, %slice3A_691 : vector<1x2048xf32>
    %slice3A_693 = vector.extract_strided_slice %sub3A_684 {offsets = [2, 0], sizes = [1, 2048], strides = [1, 1]} : vector<3x2048xf32> to vector<1x2048xf32>
    %max3A_694 = arith.constant 9.99999993E-9 : f32
    %max3A_695 = vector.broadcast %max3A_694 : f32 to vector<1x2048xf32>
    %max3A_696 = arith.maximumf %sqrt3A_689, %max3A_695 : vector<1x2048xf32>
    %div3A_697 = arith.divf %slice3A_693, %max3A_696 : vector<1x2048xf32>
    %jit3A_698 = arith.constant -1.000000e+00 : f32
    %jit3A_699 = arith.constant 1.000000e+00 : f32
    %max3A_700 = vector.broadcast %jit3A_698 : f32 to vector<1x2048xf32>
    %max3A_701 = arith.maximumf %max3A_700, %div3A_697 : vector<1x2048xf32>
    %min3A_702 = vector.broadcast %jit3A_699 : f32 to vector<1x2048xf32>
    %min3A_703 = arith.minimumf %min3A_702, %max3A_701 : vector<1x2048xf32>
    %mul3A_704 = arith.mulf %min3A_703, %min3A_703 : vector<1x2048xf32>
    %sub3A_705 = arith.constant 1.000000e+00 : f32
    %sub3A_706 = vector.broadcast %sub3A_705 : f32 to vector<1x2048xf32>
    %sub3A_707 = arith.subf %sub3A_706, %mul3A_704 : vector<1x2048xf32>
    %max3A_708 = arith.constant 0.000000e+00 : f32
    %max3A_709 = vector.broadcast %max3A_708 : f32 to vector<1x2048xf32>
    %max3A_710 = arith.maximumf %sub3A_707, %max3A_709 : vector<1x2048xf32>
    %sqrt3A_711 = math.sqrt %max3A_710 : vector<1x2048xf32>
    %atan23A_712 = math.atan2 %sqrt3A_711, %min3A_703 : vector<1x2048xf32>
    %concatenate3A_713 = tpu.concatenate %atan23A_692, %atan23A_712, %sqrt3A_689, %slice3A_2 in 0 : vector<1x2048xf32>, vector<1x2048xf32>, vector<1x2048xf32>, vector<1x2048xf32> -> vector<4x2048xf32>
    %get3A_714 = arith.constant 2 : index
    %get3A_715 = arith.constant 0 : index
    %get3A_716 = arith.constant 0 : index
    %get3A_717 = vector.load %arg10[%get3A_714, %get3A_715, %get3A_716] : memref<8x14x4xf32, #tpu.memory_space<vmem>>, vector<1x14x4xf32>
    %get3A_718 = vector.shape_cast %get3A_717 : vector<1x14x4xf32> to vector<14x4xf32>
    %dot_general3A_719 = arith.constant dense<0.000000e+00> : vector<14x2048xf32>
    %dot_general3A_720 = tpu.matmul %get3A_718, %concatenate3A_713, %dot_general3A_719 {dimension_numbers = #tpu.dot_dimension_numbers<[1], [0], [0], [1], [0, 0, 1, 1], [], []>, transpose_lhs_hint = false} : vector<14x4xf32>, vector<4x2048xf32>, vector<14x2048xf32> -> vector<14x2048xf32>
    %get3A_721 = arith.constant 2 : index
    %get3A_722 = arith.constant 0 : index
    %get3A_723 = vector.load %arg11[%get3A_721, %get3A_722] : memref<8x14xf32, #tpu.memory_space<vmem>>, vector<1x14xf32>
    %get3A_724 = vector.shape_cast %get3A_723 : vector<1x14xf32> to vector<14xf32>
    %broadcast_in_dim3A_725 = vector.shape_cast %get3A_724 : vector<14xf32> to vector<14x1xf32>
    %add3A_726 = vector.broadcast %broadcast_in_dim3A_725 : vector<14x1xf32> to vector<14x2048xf32>
    %add3A_727 = arith.addf %dot_general3A_720, %add3A_726 : vector<14x2048xf32>
    %get3A_728 = arith.constant 2 : index
    %get3A_729 = arith.constant 0 : index
    %get3A_730 = arith.constant 0 : index
    %get3A_731 = vector.load %arg12[%get3A_728, %get3A_729, %get3A_730] : memref<8x3x14xf32, #tpu.memory_space<vmem>>, vector<1x3x14xf32>
    %get3A_732 = vector.shape_cast %get3A_731 : vector<1x3x14xf32> to vector<3x14xf32>
    %dot_general3A_733 = arith.constant dense<0.000000e+00> : vector<3x2048xf32>
    %dot_general3A_734 = tpu.matmul %get3A_732, %add3A_727, %dot_general3A_733 {dimension_numbers = #tpu.dot_dimension_numbers<[1], [0], [0], [1], [0, 0, 1, 1], [], []>, transpose_lhs_hint = false} : vector<3x14xf32>, vector<14x2048xf32>, vector<3x2048xf32> -> vector<3x2048xf32>
    %get3A_735 = arith.constant 2 : index
    %get3A_736 = arith.constant 0 : index
    %get3A_737 = vector.load %arg13[%get3A_735, %get3A_736] : memref<8x3xf32, #tpu.memory_space<vmem>>, vector<1x3xf32>
    %get3A_738 = vector.shape_cast %get3A_737 : vector<1x3xf32> to vector<3xf32>
    %broadcast_in_dim3A_739 = vector.shape_cast %get3A_738 : vector<3xf32> to vector<3x1xf32>
    %add3A_740 = vector.broadcast %broadcast_in_dim3A_739 : vector<3x1xf32> to vector<3x2048xf32>
    %add3A_741 = arith.addf %dot_general3A_734, %add3A_740 : vector<3x2048xf32>
    %get3A_742 = arith.constant 2 : index
    %get3A_743 = arith.constant 0 : index
    %get3A_744 = arith.constant 0 : index
    %get3A_745 = vector.load %arg14[%get3A_742, %get3A_743, %get3A_744] : memref<8x28x4xf32, #tpu.memory_space<vmem>>, vector<1x28x4xf32>
    %get3A_746 = vector.shape_cast %get3A_745 : vector<1x28x4xf32> to vector<28x4xf32>
    %dot_general3A_747 = arith.constant dense<0.000000e+00> : vector<28x2048xf32>
    %dot_general3A_748 = tpu.matmul %get3A_746, %get3A_1, %dot_general3A_747 {dimension_numbers = #tpu.dot_dimension_numbers<[1], [0], [0], [1], [0, 0, 1, 1], [], []>, transpose_lhs_hint = false} : vector<28x4xf32>, vector<4x2048xf32>, vector<28x2048xf32> -> vector<28x2048xf32>
    %slice3A_749 = vector.extract_strided_slice %dot_general3A_748 {offsets = [0, 0], sizes = [14, 2048], strides = [1, 1]} : vector<28x2048xf32> to vector<14x2048xf32>
    %slice3A_750 = vector.extract_strided_slice %dot_general3A_748 {offsets = [14, 0], sizes = [14, 2048], strides = [1, 1]} : vector<28x2048xf32> to vector<14x2048xf32>
    %logistic3A_751 = arith.negf %slice3A_750 : vector<14x2048xf32>
    %logistic3A_752 = math.exp %logistic3A_751 : vector<14x2048xf32>
    %logistic3A_753 = arith.constant 1.000000e+00 : f32
    %logistic3A_754 = vector.broadcast %logistic3A_753 : f32 to vector<14x2048xf32>
    %logistic3A_755 = arith.addf %logistic3A_754, %logistic3A_752 : vector<14x2048xf32>
    %logistic3A_756 = arith.divf %logistic3A_754, %logistic3A_755 : vector<14x2048xf32>
    %mul3A_757 = arith.mulf %slice3A_750, %logistic3A_756 : vector<14x2048xf32>
    %mul3A_758 = arith.mulf %mul3A_757, %slice3A_749 : vector<14x2048xf32>
    %get3A_759 = arith.constant 2 : index
    %get3A_760 = arith.constant 0 : index
    %get3A_761 = arith.constant 0 : index
    %get3A_762 = vector.load %arg15[%get3A_759, %get3A_760, %get3A_761] : memref<8x14x14xf32, #tpu.memory_space<vmem>>, vector<1x14x14xf32>
    %get3A_763 = vector.shape_cast %get3A_762 : vector<1x14x14xf32> to vector<14x14xf32>
    %dot_general3A_764 = arith.constant dense<0.000000e+00> : vector<14x2048xf32>
    %dot_general3A_765 = tpu.matmul %get3A_763, %mul3A_758, %dot_general3A_764 {dimension_numbers = #tpu.dot_dimension_numbers<[1], [0], [0], [1], [0, 0, 1, 1], [], []>, transpose_lhs_hint = false} : vector<14x14xf32>, vector<14x2048xf32>, vector<14x2048xf32> -> vector<14x2048xf32>
    %get3A_766 = arith.constant 2 : index
    %get3A_767 = arith.constant 0 : index
    %get3A_768 = vector.load %arg16[%get3A_766, %get3A_767] : memref<8x14xf32, #tpu.memory_space<vmem>>, vector<1x14xf32>
    %get3A_769 = vector.shape_cast %get3A_768 : vector<1x14xf32> to vector<14xf32>
    %broadcast_in_dim3A_770 = vector.shape_cast %get3A_769 : vector<14xf32> to vector<14x1xf32>
    %add3A_771 = vector.broadcast %broadcast_in_dim3A_770 : vector<14x1xf32> to vector<14x2048xf32>
    %add3A_772 = arith.addf %dot_general3A_765, %add3A_771 : vector<14x2048xf32>
    %mul3A_773 = arith.mulf %add3A_772, %add3A_772 : vector<14x2048xf32>
    %reduce_sum3A_774 = arith.constant dense<0.000000e+00> : vector<2048xf32>
    %reduce_sum3A_775 = vector.multi_reduction <add>, %mul3A_773, %reduce_sum3A_774 [0] : vector<14x2048xf32> to vector<2048xf32>
    %broadcast_in_dim3A_776 = vector.shape_cast %reduce_sum3A_775 : vector<2048xf32> to vector<1x2048xf32>
    %sqrt3A_777 = math.sqrt %broadcast_in_dim3A_776 : vector<1x2048xf32>
    %div3A_778 = arith.constant 3.7416575 : f32
    %div3A_779 = vector.broadcast %div3A_778 : f32 to vector<1x2048xf32>
    %div3A_780 = arith.divf %sqrt3A_777, %div3A_779 : vector<1x2048xf32>
    %get3A_781 = arith.constant 2 : index
    %get3A_782 = arith.constant 0 : index
    %get3A_783 = vector.load %arg17[%get3A_781, %get3A_782] : memref<8x14xf32, #tpu.memory_space<vmem>>, vector<1x14xf32>
    %get3A_784 = vector.shape_cast %get3A_783 : vector<1x14xf32> to vector<14xf32>
    %broadcast_in_dim3A_785 = vector.shape_cast %get3A_784 : vector<14xf32> to vector<14x1xf32>
    %mul3A_786 = vector.broadcast %broadcast_in_dim3A_785 : vector<14x1xf32> to vector<14x2048xf32>
    %mul3A_787 = arith.mulf %mul3A_786, %add3A_772 : vector<14x2048xf32>
    %add3A_788 = arith.constant 9.99999993E-9 : f32
    %add3A_789 = vector.broadcast %add3A_788 : f32 to vector<1x2048xf32>
    %add3A_790 = arith.addf %div3A_780, %add3A_789 : vector<1x2048xf32>
    %div3A_791 = vector.broadcast %add3A_790 : vector<1x2048xf32> to vector<14x2048xf32>
    %div3A_792 = arith.divf %mul3A_787, %div3A_791 : vector<14x2048xf32>
    %get3A_793 = arith.constant 2 : index
    %get3A_794 = arith.constant 0 : index
    %get3A_795 = arith.constant 0 : index
    %get3A_796 = vector.load %arg18[%get3A_793, %get3A_794, %get3A_795] : memref<8x3x14xf32, #tpu.memory_space<vmem>>, vector<1x3x14xf32>
    %get3A_797 = vector.shape_cast %get3A_796 : vector<1x3x14xf32> to vector<3x14xf32>
    %dot_general3A_798 = arith.constant dense<0.000000e+00> : vector<3x2048xf32>
    %dot_general3A_799 = tpu.matmul %get3A_797, %div3A_792, %dot_general3A_798 {dimension_numbers = #tpu.dot_dimension_numbers<[1], [0], [0], [1], [0, 0, 1, 1], [], []>, transpose_lhs_hint = false} : vector<3x14xf32>, vector<14x2048xf32>, vector<3x2048xf32> -> vector<3x2048xf32>
    %get3A_800 = arith.constant 2 : index
    %get3A_801 = arith.constant 0 : index
    %get3A_802 = vector.load %arg19[%get3A_800, %get3A_801] : memref<8x3xf32, #tpu.memory_space<vmem>>, vector<1x3xf32>
    %get3A_803 = vector.shape_cast %get3A_802 : vector<1x3xf32> to vector<3xf32>
    %broadcast_in_dim3A_804 = vector.shape_cast %get3A_803 : vector<3xf32> to vector<3x1xf32>
    %add3A_805 = vector.broadcast %broadcast_in_dim3A_804 : vector<3x1xf32> to vector<3x2048xf32>
    %add3A_806 = arith.addf %dot_general3A_799, %add3A_805 : vector<3x2048xf32>
    %add3A_807 = arith.addf %add3A_741, %add3A_806 : vector<3x2048xf32>
    %logistic3A_808 = arith.negf %add3A_807 : vector<3x2048xf32>
    %logistic3A_809 = math.exp %logistic3A_808 : vector<3x2048xf32>
    %logistic3A_810 = arith.constant 1.000000e+00 : f32
    %logistic3A_811 = vector.broadcast %logistic3A_810 : f32 to vector<3x2048xf32>
    %logistic3A_812 = arith.addf %logistic3A_811, %logistic3A_809 : vector<3x2048xf32>
    %logistic3A_813 = arith.divf %logistic3A_811, %logistic3A_812 : vector<3x2048xf32>
    %slice3A_814 = vector.extract_strided_slice %div3A_402 {offsets = [1, 0], sizes = [1, 2048], strides = [1, 1]} : vector<8x2048xf32> to vector<1x2048xf32>
    %mul3A_815 = vector.broadcast %slice3A_814 : vector<1x2048xf32> to vector<3x2048xf32>
    %mul3A_816 = arith.mulf %mul3A_815, %logistic3A_813 : vector<3x2048xf32>
    %add3A_817 = arith.addf %add3A_677, %mul3A_816 : vector<3x2048xf32>
    %get3A_818 = arith.constant 3 : index
    %get3A_819 = arith.constant 0 : index
    %get3A_820 = vector.load %arg9[%get3A_818, %get3A_819] : memref<8x3xf32, #tpu.memory_space<vmem>>, vector<1x3xf32>
    %get3A_821 = vector.shape_cast %get3A_820 : vector<1x3xf32> to vector<3xf32>
    %broadcast_in_dim3A_822 = vector.shape_cast %get3A_821 : vector<3xf32> to vector<3x1xf32>
    %sub3A_823 = vector.broadcast %broadcast_in_dim3A_822 : vector<3x1xf32> to vector<3x2048xf32>
    %sub3A_824 = arith.subf %slice3A, %sub3A_823 : vector<3x2048xf32>
    %mul3A_825 = arith.mulf %sub3A_824, %sub3A_824 : vector<3x2048xf32>
    %reduce_sum3A_826 = arith.constant dense<0.000000e+00> : vector<2048xf32>
    %reduce_sum3A_827 = vector.multi_reduction <add>, %mul3A_825, %reduce_sum3A_826 [0] : vector<3x2048xf32> to vector<2048xf32>
    %broadcast_in_dim3A_828 = vector.shape_cast %reduce_sum3A_827 : vector<2048xf32> to vector<1x2048xf32>
    %sqrt3A_829 = math.sqrt %broadcast_in_dim3A_828 : vector<1x2048xf32>
    %slice3A_830 = vector.extract_strided_slice %sub3A_824 {offsets = [1, 0], sizes = [1, 2048], strides = [1, 1]} : vector<3x2048xf32> to vector<1x2048xf32>
    %slice3A_831 = vector.extract_strided_slice %sub3A_824 {offsets = [0, 0], sizes = [1, 2048], strides = [1, 1]} : vector<3x2048xf32> to vector<1x2048xf32>
    %atan23A_832 = math.atan2 %slice3A_830, %slice3A_831 : vector<1x2048xf32>
    %slice3A_833 = vector.extract_strided_slice %sub3A_824 {offsets = [2, 0], sizes = [1, 2048], strides = [1, 1]} : vector<3x2048xf32> to vector<1x2048xf32>
    %max3A_834 = arith.constant 9.99999993E-9 : f32
    %max3A_835 = vector.broadcast %max3A_834 : f32 to vector<1x2048xf32>
    %max3A_836 = arith.maximumf %sqrt3A_829, %max3A_835 : vector<1x2048xf32>
    %div3A_837 = arith.divf %slice3A_833, %max3A_836 : vector<1x2048xf32>
    %jit3A_838 = arith.constant -1.000000e+00 : f32
    %jit3A_839 = arith.constant 1.000000e+00 : f32
    %max3A_840 = vector.broadcast %jit3A_838 : f32 to vector<1x2048xf32>
    %max3A_841 = arith.maximumf %max3A_840, %div3A_837 : vector<1x2048xf32>
    %min3A_842 = vector.broadcast %jit3A_839 : f32 to vector<1x2048xf32>
    %min3A_843 = arith.minimumf %min3A_842, %max3A_841 : vector<1x2048xf32>
    %mul3A_844 = arith.mulf %min3A_843, %min3A_843 : vector<1x2048xf32>
    %sub3A_845 = arith.constant 1.000000e+00 : f32
    %sub3A_846 = vector.broadcast %sub3A_845 : f32 to vector<1x2048xf32>
    %sub3A_847 = arith.subf %sub3A_846, %mul3A_844 : vector<1x2048xf32>
    %max3A_848 = arith.constant 0.000000e+00 : f32
    %max3A_849 = vector.broadcast %max3A_848 : f32 to vector<1x2048xf32>
    %max3A_850 = arith.maximumf %sub3A_847, %max3A_849 : vector<1x2048xf32>
    %sqrt3A_851 = math.sqrt %max3A_850 : vector<1x2048xf32>
    %atan23A_852 = math.atan2 %sqrt3A_851, %min3A_843 : vector<1x2048xf32>
    %concatenate3A_853 = tpu.concatenate %atan23A_832, %atan23A_852, %sqrt3A_829, %slice3A_2 in 0 : vector<1x2048xf32>, vector<1x2048xf32>, vector<1x2048xf32>, vector<1x2048xf32> -> vector<4x2048xf32>
    %get3A_854 = arith.constant 3 : index
    %get3A_855 = arith.constant 0 : index
    %get3A_856 = arith.constant 0 : index
    %get3A_857 = vector.load %arg10[%get3A_854, %get3A_855, %get3A_856] : memref<8x14x4xf32, #tpu.memory_space<vmem>>, vector<1x14x4xf32>
    %get3A_858 = vector.shape_cast %get3A_857 : vector<1x14x4xf32> to vector<14x4xf32>
    %dot_general3A_859 = arith.constant dense<0.000000e+00> : vector<14x2048xf32>
    %dot_general3A_860 = tpu.matmul %get3A_858, %concatenate3A_853, %dot_general3A_859 {dimension_numbers = #tpu.dot_dimension_numbers<[1], [0], [0], [1], [0, 0, 1, 1], [], []>, transpose_lhs_hint = false} : vector<14x4xf32>, vector<4x2048xf32>, vector<14x2048xf32> -> vector<14x2048xf32>
    %get3A_861 = arith.constant 3 : index
    %get3A_862 = arith.constant 0 : index
    %get3A_863 = vector.load %arg11[%get3A_861, %get3A_862] : memref<8x14xf32, #tpu.memory_space<vmem>>, vector<1x14xf32>
    %get3A_864 = vector.shape_cast %get3A_863 : vector<1x14xf32> to vector<14xf32>
    %broadcast_in_dim3A_865 = vector.shape_cast %get3A_864 : vector<14xf32> to vector<14x1xf32>
    %add3A_866 = vector.broadcast %broadcast_in_dim3A_865 : vector<14x1xf32> to vector<14x2048xf32>
    %add3A_867 = arith.addf %dot_general3A_860, %add3A_866 : vector<14x2048xf32>
    %get3A_868 = arith.constant 3 : index
    %get3A_869 = arith.constant 0 : index
    %get3A_870 = arith.constant 0 : index
    %get3A_871 = vector.load %arg12[%get3A_868, %get3A_869, %get3A_870] : memref<8x3x14xf32, #tpu.memory_space<vmem>>, vector<1x3x14xf32>
    %get3A_872 = vector.shape_cast %get3A_871 : vector<1x3x14xf32> to vector<3x14xf32>
    %dot_general3A_873 = arith.constant dense<0.000000e+00> : vector<3x2048xf32>
    %dot_general3A_874 = tpu.matmul %get3A_872, %add3A_867, %dot_general3A_873 {dimension_numbers = #tpu.dot_dimension_numbers<[1], [0], [0], [1], [0, 0, 1, 1], [], []>, transpose_lhs_hint = false} : vector<3x14xf32>, vector<14x2048xf32>, vector<3x2048xf32> -> vector<3x2048xf32>
    %get3A_875 = arith.constant 3 : index
    %get3A_876 = arith.constant 0 : index
    %get3A_877 = vector.load %arg13[%get3A_875, %get3A_876] : memref<8x3xf32, #tpu.memory_space<vmem>>, vector<1x3xf32>
    %get3A_878 = vector.shape_cast %get3A_877 : vector<1x3xf32> to vector<3xf32>
    %broadcast_in_dim3A_879 = vector.shape_cast %get3A_878 : vector<3xf32> to vector<3x1xf32>
    %add3A_880 = vector.broadcast %broadcast_in_dim3A_879 : vector<3x1xf32> to vector<3x2048xf32>
    %add3A_881 = arith.addf %dot_general3A_874, %add3A_880 : vector<3x2048xf32>
    %get3A_882 = arith.constant 3 : index
    %get3A_883 = arith.constant 0 : index
    %get3A_884 = arith.constant 0 : index
    %get3A_885 = vector.load %arg14[%get3A_882, %get3A_883, %get3A_884] : memref<8x28x4xf32, #tpu.memory_space<vmem>>, vector<1x28x4xf32>
    %get3A_886 = vector.shape_cast %get3A_885 : vector<1x28x4xf32> to vector<28x4xf32>
    %dot_general3A_887 = arith.constant dense<0.000000e+00> : vector<28x2048xf32>
    %dot_general3A_888 = tpu.matmul %get3A_886, %get3A_1, %dot_general3A_887 {dimension_numbers = #tpu.dot_dimension_numbers<[1], [0], [0], [1], [0, 0, 1, 1], [], []>, transpose_lhs_hint = false} : vector<28x4xf32>, vector<4x2048xf32>, vector<28x2048xf32> -> vector<28x2048xf32>
    %slice3A_889 = vector.extract_strided_slice %dot_general3A_888 {offsets = [0, 0], sizes = [14, 2048], strides = [1, 1]} : vector<28x2048xf32> to vector<14x2048xf32>
    %slice3A_890 = vector.extract_strided_slice %dot_general3A_888 {offsets = [14, 0], sizes = [14, 2048], strides = [1, 1]} : vector<28x2048xf32> to vector<14x2048xf32>
    %logistic3A_891 = arith.negf %slice3A_890 : vector<14x2048xf32>
    %logistic3A_892 = math.exp %logistic3A_891 : vector<14x2048xf32>
    %logistic3A_893 = arith.constant 1.000000e+00 : f32
    %logistic3A_894 = vector.broadcast %logistic3A_893 : f32 to vector<14x2048xf32>
    %logistic3A_895 = arith.addf %logistic3A_894, %logistic3A_892 : vector<14x2048xf32>
    %logistic3A_896 = arith.divf %logistic3A_894, %logistic3A_895 : vector<14x2048xf32>
    %mul3A_897 = arith.mulf %slice3A_890, %logistic3A_896 : vector<14x2048xf32>
    %mul3A_898 = arith.mulf %mul3A_897, %slice3A_889 : vector<14x2048xf32>
    %get3A_899 = arith.constant 3 : index
    %get3A_900 = arith.constant 0 : index
    %get3A_901 = arith.constant 0 : index
    %get3A_902 = vector.load %arg15[%get3A_899, %get3A_900, %get3A_901] : memref<8x14x14xf32, #tpu.memory_space<vmem>>, vector<1x14x14xf32>
    %get3A_903 = vector.shape_cast %get3A_902 : vector<1x14x14xf32> to vector<14x14xf32>
    %dot_general3A_904 = arith.constant dense<0.000000e+00> : vector<14x2048xf32>
    %dot_general3A_905 = tpu.matmul %get3A_903, %mul3A_898, %dot_general3A_904 {dimension_numbers = #tpu.dot_dimension_numbers<[1], [0], [0], [1], [0, 0, 1, 1], [], []>, transpose_lhs_hint = false} : vector<14x14xf32>, vector<14x2048xf32>, vector<14x2048xf32> -> vector<14x2048xf32>
    %get3A_906 = arith.constant 3 : index
    %get3A_907 = arith.constant 0 : index
    %get3A_908 = vector.load %arg16[%get3A_906, %get3A_907] : memref<8x14xf32, #tpu.memory_space<vmem>>, vector<1x14xf32>
    %get3A_909 = vector.shape_cast %get3A_908 : vector<1x14xf32> to vector<14xf32>
    %broadcast_in_dim3A_910 = vector.shape_cast %get3A_909 : vector<14xf32> to vector<14x1xf32>
    %add3A_911 = vector.broadcast %broadcast_in_dim3A_910 : vector<14x1xf32> to vector<14x2048xf32>
    %add3A_912 = arith.addf %dot_general3A_905, %add3A_911 : vector<14x2048xf32>
    %mul3A_913 = arith.mulf %add3A_912, %add3A_912 : vector<14x2048xf32>
    %reduce_sum3A_914 = arith.constant dense<0.000000e+00> : vector<2048xf32>
    %reduce_sum3A_915 = vector.multi_reduction <add>, %mul3A_913, %reduce_sum3A_914 [0] : vector<14x2048xf32> to vector<2048xf32>
    %broadcast_in_dim3A_916 = vector.shape_cast %reduce_sum3A_915 : vector<2048xf32> to vector<1x2048xf32>
    %sqrt3A_917 = math.sqrt %broadcast_in_dim3A_916 : vector<1x2048xf32>
    %div3A_918 = arith.constant 3.7416575 : f32
    %div3A_919 = vector.broadcast %div3A_918 : f32 to vector<1x2048xf32>
    %div3A_920 = arith.divf %sqrt3A_917, %div3A_919 : vector<1x2048xf32>
    %get3A_921 = arith.constant 3 : index
    %get3A_922 = arith.constant 0 : index
    %get3A_923 = vector.load %arg17[%get3A_921, %get3A_922] : memref<8x14xf32, #tpu.memory_space<vmem>>, vector<1x14xf32>
    %get3A_924 = vector.shape_cast %get3A_923 : vector<1x14xf32> to vector<14xf32>
    %broadcast_in_dim3A_925 = vector.shape_cast %get3A_924 : vector<14xf32> to vector<14x1xf32>
    %mul3A_926 = vector.broadcast %broadcast_in_dim3A_925 : vector<14x1xf32> to vector<14x2048xf32>
    %mul3A_927 = arith.mulf %mul3A_926, %add3A_912 : vector<14x2048xf32>
    %add3A_928 = arith.constant 9.99999993E-9 : f32
    %add3A_929 = vector.broadcast %add3A_928 : f32 to vector<1x2048xf32>
    %add3A_930 = arith.addf %div3A_920, %add3A_929 : vector<1x2048xf32>
    %div3A_931 = vector.broadcast %add3A_930 : vector<1x2048xf32> to vector<14x2048xf32>
    %div3A_932 = arith.divf %mul3A_927, %div3A_931 : vector<14x2048xf32>
    %get3A_933 = arith.constant 3 : index
    %get3A_934 = arith.constant 0 : index
    %get3A_935 = arith.constant 0 : index
    %get3A_936 = vector.load %arg18[%get3A_933, %get3A_934, %get3A_935] : memref<8x3x14xf32, #tpu.memory_space<vmem>>, vector<1x3x14xf32>
    %get3A_937 = vector.shape_cast %get3A_936 : vector<1x3x14xf32> to vector<3x14xf32>
    %dot_general3A_938 = arith.constant dense<0.000000e+00> : vector<3x2048xf32>
    %dot_general3A_939 = tpu.matmul %get3A_937, %div3A_932, %dot_general3A_938 {dimension_numbers = #tpu.dot_dimension_numbers<[1], [0], [0], [1], [0, 0, 1, 1], [], []>, transpose_lhs_hint = false} : vector<3x14xf32>, vector<14x2048xf32>, vector<3x2048xf32> -> vector<3x2048xf32>
    %get3A_940 = arith.constant 3 : index
    %get3A_941 = arith.constant 0 : index
    %get3A_942 = vector.load %arg19[%get3A_940, %get3A_941] : memref<8x3xf32, #tpu.memory_space<vmem>>, vector<1x3xf32>
    %get3A_943 = vector.shape_cast %get3A_942 : vector<1x3xf32> to vector<3xf32>
    %broadcast_in_dim3A_944 = vector.shape_cast %get3A_943 : vector<3xf32> to vector<3x1xf32>
    %add3A_945 = vector.broadcast %broadcast_in_dim3A_944 : vector<3x1xf32> to vector<3x2048xf32>
    %add3A_946 = arith.addf %dot_general3A_939, %add3A_945 : vector<3x2048xf32>
    %add3A_947 = arith.addf %add3A_881, %add3A_946 : vector<3x2048xf32>
    %logistic3A_948 = arith.negf %add3A_947 : vector<3x2048xf32>
    %logistic3A_949 = math.exp %logistic3A_948 : vector<3x2048xf32>
    %logistic3A_950 = arith.constant 1.000000e+00 : f32
    %logistic3A_951 = vector.broadcast %logistic3A_950 : f32 to vector<3x2048xf32>
    %logistic3A_952 = arith.addf %logistic3A_951, %logistic3A_949 : vector<3x2048xf32>
    %logistic3A_953 = arith.divf %logistic3A_951, %logistic3A_952 : vector<3x2048xf32>
    %slice3A_954 = vector.extract_strided_slice %div3A_402 {offsets = [2, 0], sizes = [1, 2048], strides = [1, 1]} : vector<8x2048xf32> to vector<1x2048xf32>
    %mul3A_955 = vector.broadcast %slice3A_954 : vector<1x2048xf32> to vector<3x2048xf32>
    %mul3A_956 = arith.mulf %mul3A_955, %logistic3A_953 : vector<3x2048xf32>
    %add3A_957 = arith.addf %add3A_817, %mul3A_956 : vector<3x2048xf32>
    %get3A_958 = arith.constant 4 : index
    %get3A_959 = arith.constant 0 : index
    %get3A_960 = vector.load %arg9[%get3A_958, %get3A_959] : memref<8x3xf32, #tpu.memory_space<vmem>>, vector<1x3xf32>
    %get3A_961 = vector.shape_cast %get3A_960 : vector<1x3xf32> to vector<3xf32>
    %broadcast_in_dim3A_962 = vector.shape_cast %get3A_961 : vector<3xf32> to vector<3x1xf32>
    %sub3A_963 = vector.broadcast %broadcast_in_dim3A_962 : vector<3x1xf32> to vector<3x2048xf32>
    %sub3A_964 = arith.subf %slice3A, %sub3A_963 : vector<3x2048xf32>
    %mul3A_965 = arith.mulf %sub3A_964, %sub3A_964 : vector<3x2048xf32>
    %reduce_sum3A_966 = arith.constant dense<0.000000e+00> : vector<2048xf32>
    %reduce_sum3A_967 = vector.multi_reduction <add>, %mul3A_965, %reduce_sum3A_966 [0] : vector<3x2048xf32> to vector<2048xf32>
    %broadcast_in_dim3A_968 = vector.shape_cast %reduce_sum3A_967 : vector<2048xf32> to vector<1x2048xf32>
    %sqrt3A_969 = math.sqrt %broadcast_in_dim3A_968 : vector<1x2048xf32>
    %slice3A_970 = vector.extract_strided_slice %sub3A_964 {offsets = [1, 0], sizes = [1, 2048], strides = [1, 1]} : vector<3x2048xf32> to vector<1x2048xf32>
    %slice3A_971 = vector.extract_strided_slice %sub3A_964 {offsets = [0, 0], sizes = [1, 2048], strides = [1, 1]} : vector<3x2048xf32> to vector<1x2048xf32>
    %atan23A_972 = math.atan2 %slice3A_970, %slice3A_971 : vector<1x2048xf32>
    %slice3A_973 = vector.extract_strided_slice %sub3A_964 {offsets = [2, 0], sizes = [1, 2048], strides = [1, 1]} : vector<3x2048xf32> to vector<1x2048xf32>
    %max3A_974 = arith.constant 9.99999993E-9 : f32
    %max3A_975 = vector.broadcast %max3A_974 : f32 to vector<1x2048xf32>
    %max3A_976 = arith.maximumf %sqrt3A_969, %max3A_975 : vector<1x2048xf32>
    %div3A_977 = arith.divf %slice3A_973, %max3A_976 : vector<1x2048xf32>
    %jit3A_978 = arith.constant -1.000000e+00 : f32
    %jit3A_979 = arith.constant 1.000000e+00 : f32
    %max3A_980 = vector.broadcast %jit3A_978 : f32 to vector<1x2048xf32>
    %max3A_981 = arith.maximumf %max3A_980, %div3A_977 : vector<1x2048xf32>
    %min3A_982 = vector.broadcast %jit3A_979 : f32 to vector<1x2048xf32>
    %min3A_983 = arith.minimumf %min3A_982, %max3A_981 : vector<1x2048xf32>
    %mul3A_984 = arith.mulf %min3A_983, %min3A_983 : vector<1x2048xf32>
    %sub3A_985 = arith.constant 1.000000e+00 : f32
    %sub3A_986 = vector.broadcast %sub3A_985 : f32 to vector<1x2048xf32>
    %sub3A_987 = arith.subf %sub3A_986, %mul3A_984 : vector<1x2048xf32>
    %max3A_988 = arith.constant 0.000000e+00 : f32
    %max3A_989 = vector.broadcast %max3A_988 : f32 to vector<1x2048xf32>
    %max3A_990 = arith.maximumf %sub3A_987, %max3A_989 : vector<1x2048xf32>
    %sqrt3A_991 = math.sqrt %max3A_990 : vector<1x2048xf32>
    %atan23A_992 = math.atan2 %sqrt3A_991, %min3A_983 : vector<1x2048xf32>
    %concatenate3A_993 = tpu.concatenate %atan23A_972, %atan23A_992, %sqrt3A_969, %slice3A_2 in 0 : vector<1x2048xf32>, vector<1x2048xf32>, vector<1x2048xf32>, vector<1x2048xf32> -> vector<4x2048xf32>
    %get3A_994 = arith.constant 4 : index
    %get3A_995 = arith.constant 0 : index
    %get3A_996 = arith.constant 0 : index
    %get3A_997 = vector.load %arg10[%get3A_994, %get3A_995, %get3A_996] : memref<8x14x4xf32, #tpu.memory_space<vmem>>, vector<1x14x4xf32>
    %get3A_998 = vector.shape_cast %get3A_997 : vector<1x14x4xf32> to vector<14x4xf32>
    %dot_general3A_999 = arith.constant dense<0.000000e+00> : vector<14x2048xf32>
    %dot_general3A_1000 = tpu.matmul %get3A_998, %concatenate3A_993, %dot_general3A_999 {dimension_numbers = #tpu.dot_dimension_numbers<[1], [0], [0], [1], [0, 0, 1, 1], [], []>, transpose_lhs_hint = false} : vector<14x4xf32>, vector<4x2048xf32>, vector<14x2048xf32> -> vector<14x2048xf32>
    %get3A_1001 = arith.constant 4 : index
    %get3A_1002 = arith.constant 0 : index
    %get3A_1003 = vector.load %arg11[%get3A_1001, %get3A_1002] : memref<8x14xf32, #tpu.memory_space<vmem>>, vector<1x14xf32>
    %get3A_1004 = vector.shape_cast %get3A_1003 : vector<1x14xf32> to vector<14xf32>
    %broadcast_in_dim3A_1005 = vector.shape_cast %get3A_1004 : vector<14xf32> to vector<14x1xf32>
    %add3A_1006 = vector.broadcast %broadcast_in_dim3A_1005 : vector<14x1xf32> to vector<14x2048xf32>
    %add3A_1007 = arith.addf %dot_general3A_1000, %add3A_1006 : vector<14x2048xf32>
    %get3A_1008 = arith.constant 4 : index
    %get3A_1009 = arith.constant 0 : index
    %get3A_1010 = arith.constant 0 : index
    %get3A_1011 = vector.load %arg12[%get3A_1008, %get3A_1009, %get3A_1010] : memref<8x3x14xf32, #tpu.memory_space<vmem>>, vector<1x3x14xf32>
    %get3A_1012 = vector.shape_cast %get3A_1011 : vector<1x3x14xf32> to vector<3x14xf32>
    %dot_general3A_1013 = arith.constant dense<0.000000e+00> : vector<3x2048xf32>
    %dot_general3A_1014 = tpu.matmul %get3A_1012, %add3A_1007, %dot_general3A_1013 {dimension_numbers = #tpu.dot_dimension_numbers<[1], [0], [0], [1], [0, 0, 1, 1], [], []>, transpose_lhs_hint = false} : vector<3x14xf32>, vector<14x2048xf32>, vector<3x2048xf32> -> vector<3x2048xf32>
    %get3A_1015 = arith.constant 4 : index
    %get3A_1016 = arith.constant 0 : index
    %get3A_1017 = vector.load %arg13[%get3A_1015, %get3A_1016] : memref<8x3xf32, #tpu.memory_space<vmem>>, vector<1x3xf32>
    %get3A_1018 = vector.shape_cast %get3A_1017 : vector<1x3xf32> to vector<3xf32>
    %broadcast_in_dim3A_1019 = vector.shape_cast %get3A_1018 : vector<3xf32> to vector<3x1xf32>
    %add3A_1020 = vector.broadcast %broadcast_in_dim3A_1019 : vector<3x1xf32> to vector<3x2048xf32>
    %add3A_1021 = arith.addf %dot_general3A_1014, %add3A_1020 : vector<3x2048xf32>
    %get3A_1022 = arith.constant 4 : index
    %get3A_1023 = arith.constant 0 : index
    %get3A_1024 = arith.constant 0 : index
    %get3A_1025 = vector.load %arg14[%get3A_1022, %get3A_1023, %get3A_1024] : memref<8x28x4xf32, #tpu.memory_space<vmem>>, vector<1x28x4xf32>
    %get3A_1026 = vector.shape_cast %get3A_1025 : vector<1x28x4xf32> to vector<28x4xf32>
    %dot_general3A_1027 = arith.constant dense<0.000000e+00> : vector<28x2048xf32>
    %dot_general3A_1028 = tpu.matmul %get3A_1026, %get3A_1, %dot_general3A_1027 {dimension_numbers = #tpu.dot_dimension_numbers<[1], [0], [0], [1], [0, 0, 1, 1], [], []>, transpose_lhs_hint = false} : vector<28x4xf32>, vector<4x2048xf32>, vector<28x2048xf32> -> vector<28x2048xf32>
    %slice3A_1029 = vector.extract_strided_slice %dot_general3A_1028 {offsets = [0, 0], sizes = [14, 2048], strides = [1, 1]} : vector<28x2048xf32> to vector<14x2048xf32>
    %slice3A_1030 = vector.extract_strided_slice %dot_general3A_1028 {offsets = [14, 0], sizes = [14, 2048], strides = [1, 1]} : vector<28x2048xf32> to vector<14x2048xf32>
    %logistic3A_1031 = arith.negf %slice3A_1030 : vector<14x2048xf32>
    %logistic3A_1032 = math.exp %logistic3A_1031 : vector<14x2048xf32>
    %logistic3A_1033 = arith.constant 1.000000e+00 : f32
    %logistic3A_1034 = vector.broadcast %logistic3A_1033 : f32 to vector<14x2048xf32>
    %logistic3A_1035 = arith.addf %logistic3A_1034, %logistic3A_1032 : vector<14x2048xf32>
    %logistic3A_1036 = arith.divf %logistic3A_1034, %logistic3A_1035 : vector<14x2048xf32>
    %mul3A_1037 = arith.mulf %slice3A_1030, %logistic3A_1036 : vector<14x2048xf32>
    %mul3A_1038 = arith.mulf %mul3A_1037, %slice3A_1029 : vector<14x2048xf32>
    %get3A_1039 = arith.constant 4 : index
    %get3A_1040 = arith.constant 0 : index
    %get3A_1041 = arith.constant 0 : index
    %get3A_1042 = vector.load %arg15[%get3A_1039, %get3A_1040, %get3A_1041] : memref<8x14x14xf32, #tpu.memory_space<vmem>>, vector<1x14x14xf32>
    %get3A_1043 = vector.shape_cast %get3A_1042 : vector<1x14x14xf32> to vector<14x14xf32>
    %dot_general3A_1044 = arith.constant dense<0.000000e+00> : vector<14x2048xf32>
    %dot_general3A_1045 = tpu.matmul %get3A_1043, %mul3A_1038, %dot_general3A_1044 {dimension_numbers = #tpu.dot_dimension_numbers<[1], [0], [0], [1], [0, 0, 1, 1], [], []>, transpose_lhs_hint = false} : vector<14x14xf32>, vector<14x2048xf32>, vector<14x2048xf32> -> vector<14x2048xf32>
    %get3A_1046 = arith.constant 4 : index
    %get3A_1047 = arith.constant 0 : index
    %get3A_1048 = vector.load %arg16[%get3A_1046, %get3A_1047] : memref<8x14xf32, #tpu.memory_space<vmem>>, vector<1x14xf32>
    %get3A_1049 = vector.shape_cast %get3A_1048 : vector<1x14xf32> to vector<14xf32>
    %broadcast_in_dim3A_1050 = vector.shape_cast %get3A_1049 : vector<14xf32> to vector<14x1xf32>
    %add3A_1051 = vector.broadcast %broadcast_in_dim3A_1050 : vector<14x1xf32> to vector<14x2048xf32>
    %add3A_1052 = arith.addf %dot_general3A_1045, %add3A_1051 : vector<14x2048xf32>
    %mul3A_1053 = arith.mulf %add3A_1052, %add3A_1052 : vector<14x2048xf32>
    %reduce_sum3A_1054 = arith.constant dense<0.000000e+00> : vector<2048xf32>
    %reduce_sum3A_1055 = vector.multi_reduction <add>, %mul3A_1053, %reduce_sum3A_1054 [0] : vector<14x2048xf32> to vector<2048xf32>
    %broadcast_in_dim3A_1056 = vector.shape_cast %reduce_sum3A_1055 : vector<2048xf32> to vector<1x2048xf32>
    %sqrt3A_1057 = math.sqrt %broadcast_in_dim3A_1056 : vector<1x2048xf32>
    %div3A_1058 = arith.constant 3.7416575 : f32
    %div3A_1059 = vector.broadcast %div3A_1058 : f32 to vector<1x2048xf32>
    %div3A_1060 = arith.divf %sqrt3A_1057, %div3A_1059 : vector<1x2048xf32>
    %get3A_1061 = arith.constant 4 : index
    %get3A_1062 = arith.constant 0 : index
    %get3A_1063 = vector.load %arg17[%get3A_1061, %get3A_1062] : memref<8x14xf32, #tpu.memory_space<vmem>>, vector<1x14xf32>
    %get3A_1064 = vector.shape_cast %get3A_1063 : vector<1x14xf32> to vector<14xf32>
    %broadcast_in_dim3A_1065 = vector.shape_cast %get3A_1064 : vector<14xf32> to vector<14x1xf32>
    %mul3A_1066 = vector.broadcast %broadcast_in_dim3A_1065 : vector<14x1xf32> to vector<14x2048xf32>
    %mul3A_1067 = arith.mulf %mul3A_1066, %add3A_1052 : vector<14x2048xf32>
    %add3A_1068 = arith.constant 9.99999993E-9 : f32
    %add3A_1069 = vector.broadcast %add3A_1068 : f32 to vector<1x2048xf32>
    %add3A_1070 = arith.addf %div3A_1060, %add3A_1069 : vector<1x2048xf32>
    %div3A_1071 = vector.broadcast %add3A_1070 : vector<1x2048xf32> to vector<14x2048xf32>
    %div3A_1072 = arith.divf %mul3A_1067, %div3A_1071 : vector<14x2048xf32>
    %get3A_1073 = arith.constant 4 : index
    %get3A_1074 = arith.constant 0 : index
    %get3A_1075 = arith.constant 0 : index
    %get3A_1076 = vector.load %arg18[%get3A_1073, %get3A_1074, %get3A_1075] : memref<8x3x14xf32, #tpu.memory_space<vmem>>, vector<1x3x14xf32>
    %get3A_1077 = vector.shape_cast %get3A_1076 : vector<1x3x14xf32> to vector<3x14xf32>
    %dot_general3A_1078 = arith.constant dense<0.000000e+00> : vector<3x2048xf32>
    %dot_general3A_1079 = tpu.matmul %get3A_1077, %div3A_1072, %dot_general3A_1078 {dimension_numbers = #tpu.dot_dimension_numbers<[1], [0], [0], [1], [0, 0, 1, 1], [], []>, transpose_lhs_hint = false} : vector<3x14xf32>, vector<14x2048xf32>, vector<3x2048xf32> -> vector<3x2048xf32>
    %get3A_1080 = arith.constant 4 : index
    %get3A_1081 = arith.constant 0 : index
    %get3A_1082 = vector.load %arg19[%get3A_1080, %get3A_1081] : memref<8x3xf32, #tpu.memory_space<vmem>>, vector<1x3xf32>
    %get3A_1083 = vector.shape_cast %get3A_1082 : vector<1x3xf32> to vector<3xf32>
    %broadcast_in_dim3A_1084 = vector.shape_cast %get3A_1083 : vector<3xf32> to vector<3x1xf32>
    %add3A_1085 = vector.broadcast %broadcast_in_dim3A_1084 : vector<3x1xf32> to vector<3x2048xf32>
    %add3A_1086 = arith.addf %dot_general3A_1079, %add3A_1085 : vector<3x2048xf32>
    %add3A_1087 = arith.addf %add3A_1021, %add3A_1086 : vector<3x2048xf32>
    %logistic3A_1088 = arith.negf %add3A_1087 : vector<3x2048xf32>
    %logistic3A_1089 = math.exp %logistic3A_1088 : vector<3x2048xf32>
    %logistic3A_1090 = arith.constant 1.000000e+00 : f32
    %logistic3A_1091 = vector.broadcast %logistic3A_1090 : f32 to vector<3x2048xf32>
    %logistic3A_1092 = arith.addf %logistic3A_1091, %logistic3A_1089 : vector<3x2048xf32>
    %logistic3A_1093 = arith.divf %logistic3A_1091, %logistic3A_1092 : vector<3x2048xf32>
    %slice3A_1094 = vector.extract_strided_slice %div3A_402 {offsets = [3, 0], sizes = [1, 2048], strides = [1, 1]} : vector<8x2048xf32> to vector<1x2048xf32>
    %mul3A_1095 = vector.broadcast %slice3A_1094 : vector<1x2048xf32> to vector<3x2048xf32>
    %mul3A_1096 = arith.mulf %mul3A_1095, %logistic3A_1093 : vector<3x2048xf32>
    %add3A_1097 = arith.addf %add3A_957, %mul3A_1096 : vector<3x2048xf32>
    %get3A_1098 = arith.constant 5 : index
    %get3A_1099 = arith.constant 0 : index
    %get3A_1100 = vector.load %arg9[%get3A_1098, %get3A_1099] : memref<8x3xf32, #tpu.memory_space<vmem>>, vector<1x3xf32>
    %get3A_1101 = vector.shape_cast %get3A_1100 : vector<1x3xf32> to vector<3xf32>
    %broadcast_in_dim3A_1102 = vector.shape_cast %get3A_1101 : vector<3xf32> to vector<3x1xf32>
    %sub3A_1103 = vector.broadcast %broadcast_in_dim3A_1102 : vector<3x1xf32> to vector<3x2048xf32>
    %sub3A_1104 = arith.subf %slice3A, %sub3A_1103 : vector<3x2048xf32>
    %mul3A_1105 = arith.mulf %sub3A_1104, %sub3A_1104 : vector<3x2048xf32>
    %reduce_sum3A_1106 = arith.constant dense<0.000000e+00> : vector<2048xf32>
    %reduce_sum3A_1107 = vector.multi_reduction <add>, %mul3A_1105, %reduce_sum3A_1106 [0] : vector<3x2048xf32> to vector<2048xf32>
    %broadcast_in_dim3A_1108 = vector.shape_cast %reduce_sum3A_1107 : vector<2048xf32> to vector<1x2048xf32>
    %sqrt3A_1109 = math.sqrt %broadcast_in_dim3A_1108 : vector<1x2048xf32>
    %slice3A_1110 = vector.extract_strided_slice %sub3A_1104 {offsets = [1, 0], sizes = [1, 2048], strides = [1, 1]} : vector<3x2048xf32> to vector<1x2048xf32>
    %slice3A_1111 = vector.extract_strided_slice %sub3A_1104 {offsets = [0, 0], sizes = [1, 2048], strides = [1, 1]} : vector<3x2048xf32> to vector<1x2048xf32>
    %atan23A_1112 = math.atan2 %slice3A_1110, %slice3A_1111 : vector<1x2048xf32>
    %slice3A_1113 = vector.extract_strided_slice %sub3A_1104 {offsets = [2, 0], sizes = [1, 2048], strides = [1, 1]} : vector<3x2048xf32> to vector<1x2048xf32>
    %max3A_1114 = arith.constant 9.99999993E-9 : f32
    %max3A_1115 = vector.broadcast %max3A_1114 : f32 to vector<1x2048xf32>
    %max3A_1116 = arith.maximumf %sqrt3A_1109, %max3A_1115 : vector<1x2048xf32>
    %div3A_1117 = arith.divf %slice3A_1113, %max3A_1116 : vector<1x2048xf32>
    %jit3A_1118 = arith.constant -1.000000e+00 : f32
    %jit3A_1119 = arith.constant 1.000000e+00 : f32
    %max3A_1120 = vector.broadcast %jit3A_1118 : f32 to vector<1x2048xf32>
    %max3A_1121 = arith.maximumf %max3A_1120, %div3A_1117 : vector<1x2048xf32>
    %min3A_1122 = vector.broadcast %jit3A_1119 : f32 to vector<1x2048xf32>
    %min3A_1123 = arith.minimumf %min3A_1122, %max3A_1121 : vector<1x2048xf32>
    %mul3A_1124 = arith.mulf %min3A_1123, %min3A_1123 : vector<1x2048xf32>
    %sub3A_1125 = arith.constant 1.000000e+00 : f32
    %sub3A_1126 = vector.broadcast %sub3A_1125 : f32 to vector<1x2048xf32>
    %sub3A_1127 = arith.subf %sub3A_1126, %mul3A_1124 : vector<1x2048xf32>
    %max3A_1128 = arith.constant 0.000000e+00 : f32
    %max3A_1129 = vector.broadcast %max3A_1128 : f32 to vector<1x2048xf32>
    %max3A_1130 = arith.maximumf %sub3A_1127, %max3A_1129 : vector<1x2048xf32>
    %sqrt3A_1131 = math.sqrt %max3A_1130 : vector<1x2048xf32>
    %atan23A_1132 = math.atan2 %sqrt3A_1131, %min3A_1123 : vector<1x2048xf32>
    %concatenate3A_1133 = tpu.concatenate %atan23A_1112, %atan23A_1132, %sqrt3A_1109, %slice3A_2 in 0 : vector<1x2048xf32>, vector<1x2048xf32>, vector<1x2048xf32>, vector<1x2048xf32> -> vector<4x2048xf32>
    %get3A_1134 = arith.constant 5 : index
    %get3A_1135 = arith.constant 0 : index
    %get3A_1136 = arith.constant 0 : index
    %get3A_1137 = vector.load %arg10[%get3A_1134, %get3A_1135, %get3A_1136] : memref<8x14x4xf32, #tpu.memory_space<vmem>>, vector<1x14x4xf32>
    %get3A_1138 = vector.shape_cast %get3A_1137 : vector<1x14x4xf32> to vector<14x4xf32>
    %dot_general3A_1139 = arith.constant dense<0.000000e+00> : vector<14x2048xf32>
    %dot_general3A_1140 = tpu.matmul %get3A_1138, %concatenate3A_1133, %dot_general3A_1139 {dimension_numbers = #tpu.dot_dimension_numbers<[1], [0], [0], [1], [0, 0, 1, 1], [], []>, transpose_lhs_hint = false} : vector<14x4xf32>, vector<4x2048xf32>, vector<14x2048xf32> -> vector<14x2048xf32>
    %get3A_1141 = arith.constant 5 : index
    %get3A_1142 = arith.constant 0 : index
    %get3A_1143 = vector.load %arg11[%get3A_1141, %get3A_1142] : memref<8x14xf32, #tpu.memory_space<vmem>>, vector<1x14xf32>
    %get3A_1144 = vector.shape_cast %get3A_1143 : vector<1x14xf32> to vector<14xf32>
    %broadcast_in_dim3A_1145 = vector.shape_cast %get3A_1144 : vector<14xf32> to vector<14x1xf32>
    %add3A_1146 = vector.broadcast %broadcast_in_dim3A_1145 : vector<14x1xf32> to vector<14x2048xf32>
    %add3A_1147 = arith.addf %dot_general3A_1140, %add3A_1146 : vector<14x2048xf32>
    %get3A_1148 = arith.constant 5 : index
    %get3A_1149 = arith.constant 0 : index
    %get3A_1150 = arith.constant 0 : index
    %get3A_1151 = vector.load %arg12[%get3A_1148, %get3A_1149, %get3A_1150] : memref<8x3x14xf32, #tpu.memory_space<vmem>>, vector<1x3x14xf32>
    %get3A_1152 = vector.shape_cast %get3A_1151 : vector<1x3x14xf32> to vector<3x14xf32>
    %dot_general3A_1153 = arith.constant dense<0.000000e+00> : vector<3x2048xf32>
    %dot_general3A_1154 = tpu.matmul %get3A_1152, %add3A_1147, %dot_general3A_1153 {dimension_numbers = #tpu.dot_dimension_numbers<[1], [0], [0], [1], [0, 0, 1, 1], [], []>, transpose_lhs_hint = false} : vector<3x14xf32>, vector<14x2048xf32>, vector<3x2048xf32> -> vector<3x2048xf32>
    %get3A_1155 = arith.constant 5 : index
    %get3A_1156 = arith.constant 0 : index
    %get3A_1157 = vector.load %arg13[%get3A_1155, %get3A_1156] : memref<8x3xf32, #tpu.memory_space<vmem>>, vector<1x3xf32>
    %get3A_1158 = vector.shape_cast %get3A_1157 : vector<1x3xf32> to vector<3xf32>
    %broadcast_in_dim3A_1159 = vector.shape_cast %get3A_1158 : vector<3xf32> to vector<3x1xf32>
    %add3A_1160 = vector.broadcast %broadcast_in_dim3A_1159 : vector<3x1xf32> to vector<3x2048xf32>
    %add3A_1161 = arith.addf %dot_general3A_1154, %add3A_1160 : vector<3x2048xf32>
    %get3A_1162 = arith.constant 5 : index
    %get3A_1163 = arith.constant 0 : index
    %get3A_1164 = arith.constant 0 : index
    %get3A_1165 = vector.load %arg14[%get3A_1162, %get3A_1163, %get3A_1164] : memref<8x28x4xf32, #tpu.memory_space<vmem>>, vector<1x28x4xf32>
    %get3A_1166 = vector.shape_cast %get3A_1165 : vector<1x28x4xf32> to vector<28x4xf32>
    %dot_general3A_1167 = arith.constant dense<0.000000e+00> : vector<28x2048xf32>
    %dot_general3A_1168 = tpu.matmul %get3A_1166, %get3A_1, %dot_general3A_1167 {dimension_numbers = #tpu.dot_dimension_numbers<[1], [0], [0], [1], [0, 0, 1, 1], [], []>, transpose_lhs_hint = false} : vector<28x4xf32>, vector<4x2048xf32>, vector<28x2048xf32> -> vector<28x2048xf32>
    %slice3A_1169 = vector.extract_strided_slice %dot_general3A_1168 {offsets = [0, 0], sizes = [14, 2048], strides = [1, 1]} : vector<28x2048xf32> to vector<14x2048xf32>
    %slice3A_1170 = vector.extract_strided_slice %dot_general3A_1168 {offsets = [14, 0], sizes = [14, 2048], strides = [1, 1]} : vector<28x2048xf32> to vector<14x2048xf32>
    %logistic3A_1171 = arith.negf %slice3A_1170 : vector<14x2048xf32>
    %logistic3A_1172 = math.exp %logistic3A_1171 : vector<14x2048xf32>
    %logistic3A_1173 = arith.constant 1.000000e+00 : f32
    %logistic3A_1174 = vector.broadcast %logistic3A_1173 : f32 to vector<14x2048xf32>
    %logistic3A_1175 = arith.addf %logistic3A_1174, %logistic3A_1172 : vector<14x2048xf32>
    %logistic3A_1176 = arith.divf %logistic3A_1174, %logistic3A_1175 : vector<14x2048xf32>
    %mul3A_1177 = arith.mulf %slice3A_1170, %logistic3A_1176 : vector<14x2048xf32>
    %mul3A_1178 = arith.mulf %mul3A_1177, %slice3A_1169 : vector<14x2048xf32>
    %get3A_1179 = arith.constant 5 : index
    %get3A_1180 = arith.constant 0 : index
    %get3A_1181 = arith.constant 0 : index
    %get3A_1182 = vector.load %arg15[%get3A_1179, %get3A_1180, %get3A_1181] : memref<8x14x14xf32, #tpu.memory_space<vmem>>, vector<1x14x14xf32>
    %get3A_1183 = vector.shape_cast %get3A_1182 : vector<1x14x14xf32> to vector<14x14xf32>
    %dot_general3A_1184 = arith.constant dense<0.000000e+00> : vector<14x2048xf32>
    %dot_general3A_1185 = tpu.matmul %get3A_1183, %mul3A_1178, %dot_general3A_1184 {dimension_numbers = #tpu.dot_dimension_numbers<[1], [0], [0], [1], [0, 0, 1, 1], [], []>, transpose_lhs_hint = false} : vector<14x14xf32>, vector<14x2048xf32>, vector<14x2048xf32> -> vector<14x2048xf32>
    %get3A_1186 = arith.constant 5 : index
    %get3A_1187 = arith.constant 0 : index
    %get3A_1188 = vector.load %arg16[%get3A_1186, %get3A_1187] : memref<8x14xf32, #tpu.memory_space<vmem>>, vector<1x14xf32>
    %get3A_1189 = vector.shape_cast %get3A_1188 : vector<1x14xf32> to vector<14xf32>
    %broadcast_in_dim3A_1190 = vector.shape_cast %get3A_1189 : vector<14xf32> to vector<14x1xf32>
    %add3A_1191 = vector.broadcast %broadcast_in_dim3A_1190 : vector<14x1xf32> to vector<14x2048xf32>
    %add3A_1192 = arith.addf %dot_general3A_1185, %add3A_1191 : vector<14x2048xf32>
    %mul3A_1193 = arith.mulf %add3A_1192, %add3A_1192 : vector<14x2048xf32>
    %reduce_sum3A_1194 = arith.constant dense<0.000000e+00> : vector<2048xf32>
    %reduce_sum3A_1195 = vector.multi_reduction <add>, %mul3A_1193, %reduce_sum3A_1194 [0] : vector<14x2048xf32> to vector<2048xf32>
    %broadcast_in_dim3A_1196 = vector.shape_cast %reduce_sum3A_1195 : vector<2048xf32> to vector<1x2048xf32>
    %sqrt3A_1197 = math.sqrt %broadcast_in_dim3A_1196 : vector<1x2048xf32>
    %div3A_1198 = arith.constant 3.7416575 : f32
    %div3A_1199 = vector.broadcast %div3A_1198 : f32 to vector<1x2048xf32>
    %div3A_1200 = arith.divf %sqrt3A_1197, %div3A_1199 : vector<1x2048xf32>
    %get3A_1201 = arith.constant 5 : index
    %get3A_1202 = arith.constant 0 : index
    %get3A_1203 = vector.load %arg17[%get3A_1201, %get3A_1202] : memref<8x14xf32, #tpu.memory_space<vmem>>, vector<1x14xf32>
    %get3A_1204 = vector.shape_cast %get3A_1203 : vector<1x14xf32> to vector<14xf32>
    %broadcast_in_dim3A_1205 = vector.shape_cast %get3A_1204 : vector<14xf32> to vector<14x1xf32>
    %mul3A_1206 = vector.broadcast %broadcast_in_dim3A_1205 : vector<14x1xf32> to vector<14x2048xf32>
    %mul3A_1207 = arith.mulf %mul3A_1206, %add3A_1192 : vector<14x2048xf32>
    %add3A_1208 = arith.constant 9.99999993E-9 : f32
    %add3A_1209 = vector.broadcast %add3A_1208 : f32 to vector<1x2048xf32>
    %add3A_1210 = arith.addf %div3A_1200, %add3A_1209 : vector<1x2048xf32>
    %div3A_1211 = vector.broadcast %add3A_1210 : vector<1x2048xf32> to vector<14x2048xf32>
    %div3A_1212 = arith.divf %mul3A_1207, %div3A_1211 : vector<14x2048xf32>
    %get3A_1213 = arith.constant 5 : index
    %get3A_1214 = arith.constant 0 : index
    %get3A_1215 = arith.constant 0 : index
    %get3A_1216 = vector.load %arg18[%get3A_1213, %get3A_1214, %get3A_1215] : memref<8x3x14xf32, #tpu.memory_space<vmem>>, vector<1x3x14xf32>
    %get3A_1217 = vector.shape_cast %get3A_1216 : vector<1x3x14xf32> to vector<3x14xf32>
    %dot_general3A_1218 = arith.constant dense<0.000000e+00> : vector<3x2048xf32>
    %dot_general3A_1219 = tpu.matmul %get3A_1217, %div3A_1212, %dot_general3A_1218 {dimension_numbers = #tpu.dot_dimension_numbers<[1], [0], [0], [1], [0, 0, 1, 1], [], []>, transpose_lhs_hint = false} : vector<3x14xf32>, vector<14x2048xf32>, vector<3x2048xf32> -> vector<3x2048xf32>
    %get3A_1220 = arith.constant 5 : index
    %get3A_1221 = arith.constant 0 : index
    %get3A_1222 = vector.load %arg19[%get3A_1220, %get3A_1221] : memref<8x3xf32, #tpu.memory_space<vmem>>, vector<1x3xf32>
    %get3A_1223 = vector.shape_cast %get3A_1222 : vector<1x3xf32> to vector<3xf32>
    %broadcast_in_dim3A_1224 = vector.shape_cast %get3A_1223 : vector<3xf32> to vector<3x1xf32>
    %add3A_1225 = vector.broadcast %broadcast_in_dim3A_1224 : vector<3x1xf32> to vector<3x2048xf32>
    %add3A_1226 = arith.addf %dot_general3A_1219, %add3A_1225 : vector<3x2048xf32>
    %add3A_1227 = arith.addf %add3A_1161, %add3A_1226 : vector<3x2048xf32>
    %logistic3A_1228 = arith.negf %add3A_1227 : vector<3x2048xf32>
    %logistic3A_1229 = math.exp %logistic3A_1228 : vector<3x2048xf32>
    %logistic3A_1230 = arith.constant 1.000000e+00 : f32
    %logistic3A_1231 = vector.broadcast %logistic3A_1230 : f32 to vector<3x2048xf32>
    %logistic3A_1232 = arith.addf %logistic3A_1231, %logistic3A_1229 : vector<3x2048xf32>
    %logistic3A_1233 = arith.divf %logistic3A_1231, %logistic3A_1232 : vector<3x2048xf32>
    %slice3A_1234 = vector.extract_strided_slice %div3A_402 {offsets = [4, 0], sizes = [1, 2048], strides = [1, 1]} : vector<8x2048xf32> to vector<1x2048xf32>
    %mul3A_1235 = vector.broadcast %slice3A_1234 : vector<1x2048xf32> to vector<3x2048xf32>
    %mul3A_1236 = arith.mulf %mul3A_1235, %logistic3A_1233 : vector<3x2048xf32>
    %add3A_1237 = arith.addf %add3A_1097, %mul3A_1236 : vector<3x2048xf32>
    %get3A_1238 = arith.constant 6 : index
    %get3A_1239 = arith.constant 0 : index
    %get3A_1240 = vector.load %arg9[%get3A_1238, %get3A_1239] : memref<8x3xf32, #tpu.memory_space<vmem>>, vector<1x3xf32>
    %get3A_1241 = vector.shape_cast %get3A_1240 : vector<1x3xf32> to vector<3xf32>
    %broadcast_in_dim3A_1242 = vector.shape_cast %get3A_1241 : vector<3xf32> to vector<3x1xf32>
    %sub3A_1243 = vector.broadcast %broadcast_in_dim3A_1242 : vector<3x1xf32> to vector<3x2048xf32>
    %sub3A_1244 = arith.subf %slice3A, %sub3A_1243 : vector<3x2048xf32>
    %mul3A_1245 = arith.mulf %sub3A_1244, %sub3A_1244 : vector<3x2048xf32>
    %reduce_sum3A_1246 = arith.constant dense<0.000000e+00> : vector<2048xf32>
    %reduce_sum3A_1247 = vector.multi_reduction <add>, %mul3A_1245, %reduce_sum3A_1246 [0] : vector<3x2048xf32> to vector<2048xf32>
    %broadcast_in_dim3A_1248 = vector.shape_cast %reduce_sum3A_1247 : vector<2048xf32> to vector<1x2048xf32>
    %sqrt3A_1249 = math.sqrt %broadcast_in_dim3A_1248 : vector<1x2048xf32>
    %slice3A_1250 = vector.extract_strided_slice %sub3A_1244 {offsets = [1, 0], sizes = [1, 2048], strides = [1, 1]} : vector<3x2048xf32> to vector<1x2048xf32>
    %slice3A_1251 = vector.extract_strided_slice %sub3A_1244 {offsets = [0, 0], sizes = [1, 2048], strides = [1, 1]} : vector<3x2048xf32> to vector<1x2048xf32>
    %atan23A_1252 = math.atan2 %slice3A_1250, %slice3A_1251 : vector<1x2048xf32>
    %slice3A_1253 = vector.extract_strided_slice %sub3A_1244 {offsets = [2, 0], sizes = [1, 2048], strides = [1, 1]} : vector<3x2048xf32> to vector<1x2048xf32>
    %max3A_1254 = arith.constant 9.99999993E-9 : f32
    %max3A_1255 = vector.broadcast %max3A_1254 : f32 to vector<1x2048xf32>
    %max3A_1256 = arith.maximumf %sqrt3A_1249, %max3A_1255 : vector<1x2048xf32>
    %div3A_1257 = arith.divf %slice3A_1253, %max3A_1256 : vector<1x2048xf32>
    %jit3A_1258 = arith.constant -1.000000e+00 : f32
    %jit3A_1259 = arith.constant 1.000000e+00 : f32
    %max3A_1260 = vector.broadcast %jit3A_1258 : f32 to vector<1x2048xf32>
    %max3A_1261 = arith.maximumf %max3A_1260, %div3A_1257 : vector<1x2048xf32>
    %min3A_1262 = vector.broadcast %jit3A_1259 : f32 to vector<1x2048xf32>
    %min3A_1263 = arith.minimumf %min3A_1262, %max3A_1261 : vector<1x2048xf32>
    %mul3A_1264 = arith.mulf %min3A_1263, %min3A_1263 : vector<1x2048xf32>
    %sub3A_1265 = arith.constant 1.000000e+00 : f32
    %sub3A_1266 = vector.broadcast %sub3A_1265 : f32 to vector<1x2048xf32>
    %sub3A_1267 = arith.subf %sub3A_1266, %mul3A_1264 : vector<1x2048xf32>
    %max3A_1268 = arith.constant 0.000000e+00 : f32
    %max3A_1269 = vector.broadcast %max3A_1268 : f32 to vector<1x2048xf32>
    %max3A_1270 = arith.maximumf %sub3A_1267, %max3A_1269 : vector<1x2048xf32>
    %sqrt3A_1271 = math.sqrt %max3A_1270 : vector<1x2048xf32>
    %atan23A_1272 = math.atan2 %sqrt3A_1271, %min3A_1263 : vector<1x2048xf32>
    %concatenate3A_1273 = tpu.concatenate %atan23A_1252, %atan23A_1272, %sqrt3A_1249, %slice3A_2 in 0 : vector<1x2048xf32>, vector<1x2048xf32>, vector<1x2048xf32>, vector<1x2048xf32> -> vector<4x2048xf32>
    %get3A_1274 = arith.constant 6 : index
    %get3A_1275 = arith.constant 0 : index
    %get3A_1276 = arith.constant 0 : index
    %get3A_1277 = vector.load %arg10[%get3A_1274, %get3A_1275, %get3A_1276] : memref<8x14x4xf32, #tpu.memory_space<vmem>>, vector<1x14x4xf32>
    %get3A_1278 = vector.shape_cast %get3A_1277 : vector<1x14x4xf32> to vector<14x4xf32>
    %dot_general3A_1279 = arith.constant dense<0.000000e+00> : vector<14x2048xf32>
    %dot_general3A_1280 = tpu.matmul %get3A_1278, %concatenate3A_1273, %dot_general3A_1279 {dimension_numbers = #tpu.dot_dimension_numbers<[1], [0], [0], [1], [0, 0, 1, 1], [], []>, transpose_lhs_hint = false} : vector<14x4xf32>, vector<4x2048xf32>, vector<14x2048xf32> -> vector<14x2048xf32>
    %get3A_1281 = arith.constant 6 : index
    %get3A_1282 = arith.constant 0 : index
    %get3A_1283 = vector.load %arg11[%get3A_1281, %get3A_1282] : memref<8x14xf32, #tpu.memory_space<vmem>>, vector<1x14xf32>
    %get3A_1284 = vector.shape_cast %get3A_1283 : vector<1x14xf32> to vector<14xf32>
    %broadcast_in_dim3A_1285 = vector.shape_cast %get3A_1284 : vector<14xf32> to vector<14x1xf32>
    %add3A_1286 = vector.broadcast %broadcast_in_dim3A_1285 : vector<14x1xf32> to vector<14x2048xf32>
    %add3A_1287 = arith.addf %dot_general3A_1280, %add3A_1286 : vector<14x2048xf32>
    %get3A_1288 = arith.constant 6 : index
    %get3A_1289 = arith.constant 0 : index
    %get3A_1290 = arith.constant 0 : index
    %get3A_1291 = vector.load %arg12[%get3A_1288, %get3A_1289, %get3A_1290] : memref<8x3x14xf32, #tpu.memory_space<vmem>>, vector<1x3x14xf32>
    %get3A_1292 = vector.shape_cast %get3A_1291 : vector<1x3x14xf32> to vector<3x14xf32>
    %dot_general3A_1293 = arith.constant dense<0.000000e+00> : vector<3x2048xf32>
    %dot_general3A_1294 = tpu.matmul %get3A_1292, %add3A_1287, %dot_general3A_1293 {dimension_numbers = #tpu.dot_dimension_numbers<[1], [0], [0], [1], [0, 0, 1, 1], [], []>, transpose_lhs_hint = false} : vector<3x14xf32>, vector<14x2048xf32>, vector<3x2048xf32> -> vector<3x2048xf32>
    %get3A_1295 = arith.constant 6 : index
    %get3A_1296 = arith.constant 0 : index
    %get3A_1297 = vector.load %arg13[%get3A_1295, %get3A_1296] : memref<8x3xf32, #tpu.memory_space<vmem>>, vector<1x3xf32>
    %get3A_1298 = vector.shape_cast %get3A_1297 : vector<1x3xf32> to vector<3xf32>
    %broadcast_in_dim3A_1299 = vector.shape_cast %get3A_1298 : vector<3xf32> to vector<3x1xf32>
    %add3A_1300 = vector.broadcast %broadcast_in_dim3A_1299 : vector<3x1xf32> to vector<3x2048xf32>
    %add3A_1301 = arith.addf %dot_general3A_1294, %add3A_1300 : vector<3x2048xf32>
    %get3A_1302 = arith.constant 6 : index
    %get3A_1303 = arith.constant 0 : index
    %get3A_1304 = arith.constant 0 : index
    %get3A_1305 = vector.load %arg14[%get3A_1302, %get3A_1303, %get3A_1304] : memref<8x28x4xf32, #tpu.memory_space<vmem>>, vector<1x28x4xf32>
    %get3A_1306 = vector.shape_cast %get3A_1305 : vector<1x28x4xf32> to vector<28x4xf32>
    %dot_general3A_1307 = arith.constant dense<0.000000e+00> : vector<28x2048xf32>
    %dot_general3A_1308 = tpu.matmul %get3A_1306, %get3A_1, %dot_general3A_1307 {dimension_numbers = #tpu.dot_dimension_numbers<[1], [0], [0], [1], [0, 0, 1, 1], [], []>, transpose_lhs_hint = false} : vector<28x4xf32>, vector<4x2048xf32>, vector<28x2048xf32> -> vector<28x2048xf32>
    %slice3A_1309 = vector.extract_strided_slice %dot_general3A_1308 {offsets = [0, 0], sizes = [14, 2048], strides = [1, 1]} : vector<28x2048xf32> to vector<14x2048xf32>
    %slice3A_1310 = vector.extract_strided_slice %dot_general3A_1308 {offsets = [14, 0], sizes = [14, 2048], strides = [1, 1]} : vector<28x2048xf32> to vector<14x2048xf32>
    %logistic3A_1311 = arith.negf %slice3A_1310 : vector<14x2048xf32>
    %logistic3A_1312 = math.exp %logistic3A_1311 : vector<14x2048xf32>
    %logistic3A_1313 = arith.constant 1.000000e+00 : f32
    %logistic3A_1314 = vector.broadcast %logistic3A_1313 : f32 to vector<14x2048xf32>
    %logistic3A_1315 = arith.addf %logistic3A_1314, %logistic3A_1312 : vector<14x2048xf32>
    %logistic3A_1316 = arith.divf %logistic3A_1314, %logistic3A_1315 : vector<14x2048xf32>
    %mul3A_1317 = arith.mulf %slice3A_1310, %logistic3A_1316 : vector<14x2048xf32>
    %mul3A_1318 = arith.mulf %mul3A_1317, %slice3A_1309 : vector<14x2048xf32>
    %get3A_1319 = arith.constant 6 : index
    %get3A_1320 = arith.constant 0 : index
    %get3A_1321 = arith.constant 0 : index
    %get3A_1322 = vector.load %arg15[%get3A_1319, %get3A_1320, %get3A_1321] : memref<8x14x14xf32, #tpu.memory_space<vmem>>, vector<1x14x14xf32>
    %get3A_1323 = vector.shape_cast %get3A_1322 : vector<1x14x14xf32> to vector<14x14xf32>
    %dot_general3A_1324 = arith.constant dense<0.000000e+00> : vector<14x2048xf32>
    %dot_general3A_1325 = tpu.matmul %get3A_1323, %mul3A_1318, %dot_general3A_1324 {dimension_numbers = #tpu.dot_dimension_numbers<[1], [0], [0], [1], [0, 0, 1, 1], [], []>, transpose_lhs_hint = false} : vector<14x14xf32>, vector<14x2048xf32>, vector<14x2048xf32> -> vector<14x2048xf32>
    %get3A_1326 = arith.constant 6 : index
    %get3A_1327 = arith.constant 0 : index
    %get3A_1328 = vector.load %arg16[%get3A_1326, %get3A_1327] : memref<8x14xf32, #tpu.memory_space<vmem>>, vector<1x14xf32>
    %get3A_1329 = vector.shape_cast %get3A_1328 : vector<1x14xf32> to vector<14xf32>
    %broadcast_in_dim3A_1330 = vector.shape_cast %get3A_1329 : vector<14xf32> to vector<14x1xf32>
    %add3A_1331 = vector.broadcast %broadcast_in_dim3A_1330 : vector<14x1xf32> to vector<14x2048xf32>
    %add3A_1332 = arith.addf %dot_general3A_1325, %add3A_1331 : vector<14x2048xf32>
    %mul3A_1333 = arith.mulf %add3A_1332, %add3A_1332 : vector<14x2048xf32>
    %reduce_sum3A_1334 = arith.constant dense<0.000000e+00> : vector<2048xf32>
    %reduce_sum3A_1335 = vector.multi_reduction <add>, %mul3A_1333, %reduce_sum3A_1334 [0] : vector<14x2048xf32> to vector<2048xf32>
    %broadcast_in_dim3A_1336 = vector.shape_cast %reduce_sum3A_1335 : vector<2048xf32> to vector<1x2048xf32>
    %sqrt3A_1337 = math.sqrt %broadcast_in_dim3A_1336 : vector<1x2048xf32>
    %div3A_1338 = arith.constant 3.7416575 : f32
    %div3A_1339 = vector.broadcast %div3A_1338 : f32 to vector<1x2048xf32>
    %div3A_1340 = arith.divf %sqrt3A_1337, %div3A_1339 : vector<1x2048xf32>
    %get3A_1341 = arith.constant 6 : index
    %get3A_1342 = arith.constant 0 : index
    %get3A_1343 = vector.load %arg17[%get3A_1341, %get3A_1342] : memref<8x14xf32, #tpu.memory_space<vmem>>, vector<1x14xf32>
    %get3A_1344 = vector.shape_cast %get3A_1343 : vector<1x14xf32> to vector<14xf32>
    %broadcast_in_dim3A_1345 = vector.shape_cast %get3A_1344 : vector<14xf32> to vector<14x1xf32>
    %mul3A_1346 = vector.broadcast %broadcast_in_dim3A_1345 : vector<14x1xf32> to vector<14x2048xf32>
    %mul3A_1347 = arith.mulf %mul3A_1346, %add3A_1332 : vector<14x2048xf32>
    %add3A_1348 = arith.constant 9.99999993E-9 : f32
    %add3A_1349 = vector.broadcast %add3A_1348 : f32 to vector<1x2048xf32>
    %add3A_1350 = arith.addf %div3A_1340, %add3A_1349 : vector<1x2048xf32>
    %div3A_1351 = vector.broadcast %add3A_1350 : vector<1x2048xf32> to vector<14x2048xf32>
    %div3A_1352 = arith.divf %mul3A_1347, %div3A_1351 : vector<14x2048xf32>
    %get3A_1353 = arith.constant 6 : index
    %get3A_1354 = arith.constant 0 : index
    %get3A_1355 = arith.constant 0 : index
    %get3A_1356 = vector.load %arg18[%get3A_1353, %get3A_1354, %get3A_1355] : memref<8x3x14xf32, #tpu.memory_space<vmem>>, vector<1x3x14xf32>
    %get3A_1357 = vector.shape_cast %get3A_1356 : vector<1x3x14xf32> to vector<3x14xf32>
    %dot_general3A_1358 = arith.constant dense<0.000000e+00> : vector<3x2048xf32>
    %dot_general3A_1359 = tpu.matmul %get3A_1357, %div3A_1352, %dot_general3A_1358 {dimension_numbers = #tpu.dot_dimension_numbers<[1], [0], [0], [1], [0, 0, 1, 1], [], []>, transpose_lhs_hint = false} : vector<3x14xf32>, vector<14x2048xf32>, vector<3x2048xf32> -> vector<3x2048xf32>
    %get3A_1360 = arith.constant 6 : index
    %get3A_1361 = arith.constant 0 : index
    %get3A_1362 = vector.load %arg19[%get3A_1360, %get3A_1361] : memref<8x3xf32, #tpu.memory_space<vmem>>, vector<1x3xf32>
    %get3A_1363 = vector.shape_cast %get3A_1362 : vector<1x3xf32> to vector<3xf32>
    %broadcast_in_dim3A_1364 = vector.shape_cast %get3A_1363 : vector<3xf32> to vector<3x1xf32>
    %add3A_1365 = vector.broadcast %broadcast_in_dim3A_1364 : vector<3x1xf32> to vector<3x2048xf32>
    %add3A_1366 = arith.addf %dot_general3A_1359, %add3A_1365 : vector<3x2048xf32>
    %add3A_1367 = arith.addf %add3A_1301, %add3A_1366 : vector<3x2048xf32>
    %logistic3A_1368 = arith.negf %add3A_1367 : vector<3x2048xf32>
    %logistic3A_1369 = math.exp %logistic3A_1368 : vector<3x2048xf32>
    %logistic3A_1370 = arith.constant 1.000000e+00 : f32
    %logistic3A_1371 = vector.broadcast %logistic3A_1370 : f32 to vector<3x2048xf32>
    %logistic3A_1372 = arith.addf %logistic3A_1371, %logistic3A_1369 : vector<3x2048xf32>
    %logistic3A_1373 = arith.divf %logistic3A_1371, %logistic3A_1372 : vector<3x2048xf32>
    %slice3A_1374 = vector.extract_strided_slice %div3A_402 {offsets = [5, 0], sizes = [1, 2048], strides = [1, 1]} : vector<8x2048xf32> to vector<1x2048xf32>
    %mul3A_1375 = vector.broadcast %slice3A_1374 : vector<1x2048xf32> to vector<3x2048xf32>
    %mul3A_1376 = arith.mulf %mul3A_1375, %logistic3A_1373 : vector<3x2048xf32>
    %add3A_1377 = arith.addf %add3A_1237, %mul3A_1376 : vector<3x2048xf32>
    %get3A_1378 = arith.constant 7 : index
    %get3A_1379 = arith.constant 0 : index
    %get3A_1380 = vector.load %arg9[%get3A_1378, %get3A_1379] : memref<8x3xf32, #tpu.memory_space<vmem>>, vector<1x3xf32>
    %get3A_1381 = vector.shape_cast %get3A_1380 : vector<1x3xf32> to vector<3xf32>
    %broadcast_in_dim3A_1382 = vector.shape_cast %get3A_1381 : vector<3xf32> to vector<3x1xf32>
    %sub3A_1383 = vector.broadcast %broadcast_in_dim3A_1382 : vector<3x1xf32> to vector<3x2048xf32>
    %sub3A_1384 = arith.subf %slice3A, %sub3A_1383 : vector<3x2048xf32>
    %mul3A_1385 = arith.mulf %sub3A_1384, %sub3A_1384 : vector<3x2048xf32>
    %reduce_sum3A_1386 = arith.constant dense<0.000000e+00> : vector<2048xf32>
    %reduce_sum3A_1387 = vector.multi_reduction <add>, %mul3A_1385, %reduce_sum3A_1386 [0] : vector<3x2048xf32> to vector<2048xf32>
    %broadcast_in_dim3A_1388 = vector.shape_cast %reduce_sum3A_1387 : vector<2048xf32> to vector<1x2048xf32>
    %sqrt3A_1389 = math.sqrt %broadcast_in_dim3A_1388 : vector<1x2048xf32>
    %slice3A_1390 = vector.extract_strided_slice %sub3A_1384 {offsets = [1, 0], sizes = [1, 2048], strides = [1, 1]} : vector<3x2048xf32> to vector<1x2048xf32>
    %slice3A_1391 = vector.extract_strided_slice %sub3A_1384 {offsets = [0, 0], sizes = [1, 2048], strides = [1, 1]} : vector<3x2048xf32> to vector<1x2048xf32>
    %atan23A_1392 = math.atan2 %slice3A_1390, %slice3A_1391 : vector<1x2048xf32>
    %slice3A_1393 = vector.extract_strided_slice %sub3A_1384 {offsets = [2, 0], sizes = [1, 2048], strides = [1, 1]} : vector<3x2048xf32> to vector<1x2048xf32>
    %max3A_1394 = arith.constant 9.99999993E-9 : f32
    %max3A_1395 = vector.broadcast %max3A_1394 : f32 to vector<1x2048xf32>
    %max3A_1396 = arith.maximumf %sqrt3A_1389, %max3A_1395 : vector<1x2048xf32>
    %div3A_1397 = arith.divf %slice3A_1393, %max3A_1396 : vector<1x2048xf32>
    %jit3A_1398 = arith.constant -1.000000e+00 : f32
    %jit3A_1399 = arith.constant 1.000000e+00 : f32
    %max3A_1400 = vector.broadcast %jit3A_1398 : f32 to vector<1x2048xf32>
    %max3A_1401 = arith.maximumf %max3A_1400, %div3A_1397 : vector<1x2048xf32>
    %min3A_1402 = vector.broadcast %jit3A_1399 : f32 to vector<1x2048xf32>
    %min3A_1403 = arith.minimumf %min3A_1402, %max3A_1401 : vector<1x2048xf32>
    %mul3A_1404 = arith.mulf %min3A_1403, %min3A_1403 : vector<1x2048xf32>
    %sub3A_1405 = arith.constant 1.000000e+00 : f32
    %sub3A_1406 = vector.broadcast %sub3A_1405 : f32 to vector<1x2048xf32>
    %sub3A_1407 = arith.subf %sub3A_1406, %mul3A_1404 : vector<1x2048xf32>
    %max3A_1408 = arith.constant 0.000000e+00 : f32
    %max3A_1409 = vector.broadcast %max3A_1408 : f32 to vector<1x2048xf32>
    %max3A_1410 = arith.maximumf %sub3A_1407, %max3A_1409 : vector<1x2048xf32>
    %sqrt3A_1411 = math.sqrt %max3A_1410 : vector<1x2048xf32>
    %atan23A_1412 = math.atan2 %sqrt3A_1411, %min3A_1403 : vector<1x2048xf32>
    %concatenate3A_1413 = tpu.concatenate %atan23A_1392, %atan23A_1412, %sqrt3A_1389, %slice3A_2 in 0 : vector<1x2048xf32>, vector<1x2048xf32>, vector<1x2048xf32>, vector<1x2048xf32> -> vector<4x2048xf32>
    %get3A_1414 = arith.constant 7 : index
    %get3A_1415 = arith.constant 0 : index
    %get3A_1416 = arith.constant 0 : index
    %get3A_1417 = vector.load %arg10[%get3A_1414, %get3A_1415, %get3A_1416] : memref<8x14x4xf32, #tpu.memory_space<vmem>>, vector<1x14x4xf32>
    %get3A_1418 = vector.shape_cast %get3A_1417 : vector<1x14x4xf32> to vector<14x4xf32>
    %dot_general3A_1419 = arith.constant dense<0.000000e+00> : vector<14x2048xf32>
    %dot_general3A_1420 = tpu.matmul %get3A_1418, %concatenate3A_1413, %dot_general3A_1419 {dimension_numbers = #tpu.dot_dimension_numbers<[1], [0], [0], [1], [0, 0, 1, 1], [], []>, transpose_lhs_hint = false} : vector<14x4xf32>, vector<4x2048xf32>, vector<14x2048xf32> -> vector<14x2048xf32>
    %get3A_1421 = arith.constant 7 : index
    %get3A_1422 = arith.constant 0 : index
    %get3A_1423 = vector.load %arg11[%get3A_1421, %get3A_1422] : memref<8x14xf32, #tpu.memory_space<vmem>>, vector<1x14xf32>
    %get3A_1424 = vector.shape_cast %get3A_1423 : vector<1x14xf32> to vector<14xf32>
    %broadcast_in_dim3A_1425 = vector.shape_cast %get3A_1424 : vector<14xf32> to vector<14x1xf32>
    %add3A_1426 = vector.broadcast %broadcast_in_dim3A_1425 : vector<14x1xf32> to vector<14x2048xf32>
    %add3A_1427 = arith.addf %dot_general3A_1420, %add3A_1426 : vector<14x2048xf32>
    %get3A_1428 = arith.constant 7 : index
    %get3A_1429 = arith.constant 0 : index
    %get3A_1430 = arith.constant 0 : index
    %get3A_1431 = vector.load %arg12[%get3A_1428, %get3A_1429, %get3A_1430] : memref<8x3x14xf32, #tpu.memory_space<vmem>>, vector<1x3x14xf32>
    %get3A_1432 = vector.shape_cast %get3A_1431 : vector<1x3x14xf32> to vector<3x14xf32>
    %dot_general3A_1433 = arith.constant dense<0.000000e+00> : vector<3x2048xf32>
    %dot_general3A_1434 = tpu.matmul %get3A_1432, %add3A_1427, %dot_general3A_1433 {dimension_numbers = #tpu.dot_dimension_numbers<[1], [0], [0], [1], [0, 0, 1, 1], [], []>, transpose_lhs_hint = false} : vector<3x14xf32>, vector<14x2048xf32>, vector<3x2048xf32> -> vector<3x2048xf32>
    %get3A_1435 = arith.constant 7 : index
    %get3A_1436 = arith.constant 0 : index
    %get3A_1437 = vector.load %arg13[%get3A_1435, %get3A_1436] : memref<8x3xf32, #tpu.memory_space<vmem>>, vector<1x3xf32>
    %get3A_1438 = vector.shape_cast %get3A_1437 : vector<1x3xf32> to vector<3xf32>
    %broadcast_in_dim3A_1439 = vector.shape_cast %get3A_1438 : vector<3xf32> to vector<3x1xf32>
    %add3A_1440 = vector.broadcast %broadcast_in_dim3A_1439 : vector<3x1xf32> to vector<3x2048xf32>
    %add3A_1441 = arith.addf %dot_general3A_1434, %add3A_1440 : vector<3x2048xf32>
    %get3A_1442 = arith.constant 7 : index
    %get3A_1443 = arith.constant 0 : index
    %get3A_1444 = arith.constant 0 : index
    %get3A_1445 = vector.load %arg14[%get3A_1442, %get3A_1443, %get3A_1444] : memref<8x28x4xf32, #tpu.memory_space<vmem>>, vector<1x28x4xf32>
    %get3A_1446 = vector.shape_cast %get3A_1445 : vector<1x28x4xf32> to vector<28x4xf32>
    %dot_general3A_1447 = arith.constant dense<0.000000e+00> : vector<28x2048xf32>
    %dot_general3A_1448 = tpu.matmul %get3A_1446, %get3A_1, %dot_general3A_1447 {dimension_numbers = #tpu.dot_dimension_numbers<[1], [0], [0], [1], [0, 0, 1, 1], [], []>, transpose_lhs_hint = false} : vector<28x4xf32>, vector<4x2048xf32>, vector<28x2048xf32> -> vector<28x2048xf32>
    %slice3A_1449 = vector.extract_strided_slice %dot_general3A_1448 {offsets = [0, 0], sizes = [14, 2048], strides = [1, 1]} : vector<28x2048xf32> to vector<14x2048xf32>
    %slice3A_1450 = vector.extract_strided_slice %dot_general3A_1448 {offsets = [14, 0], sizes = [14, 2048], strides = [1, 1]} : vector<28x2048xf32> to vector<14x2048xf32>
    %logistic3A_1451 = arith.negf %slice3A_1450 : vector<14x2048xf32>
    %logistic3A_1452 = math.exp %logistic3A_1451 : vector<14x2048xf32>
    %logistic3A_1453 = arith.constant 1.000000e+00 : f32
    %logistic3A_1454 = vector.broadcast %logistic3A_1453 : f32 to vector<14x2048xf32>
    %logistic3A_1455 = arith.addf %logistic3A_1454, %logistic3A_1452 : vector<14x2048xf32>
    %logistic3A_1456 = arith.divf %logistic3A_1454, %logistic3A_1455 : vector<14x2048xf32>
    %mul3A_1457 = arith.mulf %slice3A_1450, %logistic3A_1456 : vector<14x2048xf32>
    %mul3A_1458 = arith.mulf %mul3A_1457, %slice3A_1449 : vector<14x2048xf32>
    %get3A_1459 = arith.constant 7 : index
    %get3A_1460 = arith.constant 0 : index
    %get3A_1461 = arith.constant 0 : index
    %get3A_1462 = vector.load %arg15[%get3A_1459, %get3A_1460, %get3A_1461] : memref<8x14x14xf32, #tpu.memory_space<vmem>>, vector<1x14x14xf32>
    %get3A_1463 = vector.shape_cast %get3A_1462 : vector<1x14x14xf32> to vector<14x14xf32>
    %dot_general3A_1464 = arith.constant dense<0.000000e+00> : vector<14x2048xf32>
    %dot_general3A_1465 = tpu.matmul %get3A_1463, %mul3A_1458, %dot_general3A_1464 {dimension_numbers = #tpu.dot_dimension_numbers<[1], [0], [0], [1], [0, 0, 1, 1], [], []>, transpose_lhs_hint = false} : vector<14x14xf32>, vector<14x2048xf32>, vector<14x2048xf32> -> vector<14x2048xf32>
    %get3A_1466 = arith.constant 7 : index
    %get3A_1467 = arith.constant 0 : index
    %get3A_1468 = vector.load %arg16[%get3A_1466, %get3A_1467] : memref<8x14xf32, #tpu.memory_space<vmem>>, vector<1x14xf32>
    %get3A_1469 = vector.shape_cast %get3A_1468 : vector<1x14xf32> to vector<14xf32>
    %broadcast_in_dim3A_1470 = vector.shape_cast %get3A_1469 : vector<14xf32> to vector<14x1xf32>
    %add3A_1471 = vector.broadcast %broadcast_in_dim3A_1470 : vector<14x1xf32> to vector<14x2048xf32>
    %add3A_1472 = arith.addf %dot_general3A_1465, %add3A_1471 : vector<14x2048xf32>
    %mul3A_1473 = arith.mulf %add3A_1472, %add3A_1472 : vector<14x2048xf32>
    %reduce_sum3A_1474 = arith.constant dense<0.000000e+00> : vector<2048xf32>
    %reduce_sum3A_1475 = vector.multi_reduction <add>, %mul3A_1473, %reduce_sum3A_1474 [0] : vector<14x2048xf32> to vector<2048xf32>
    %broadcast_in_dim3A_1476 = vector.shape_cast %reduce_sum3A_1475 : vector<2048xf32> to vector<1x2048xf32>
    %sqrt3A_1477 = math.sqrt %broadcast_in_dim3A_1476 : vector<1x2048xf32>
    %div3A_1478 = arith.constant 3.7416575 : f32
    %div3A_1479 = vector.broadcast %div3A_1478 : f32 to vector<1x2048xf32>
    %div3A_1480 = arith.divf %sqrt3A_1477, %div3A_1479 : vector<1x2048xf32>
    %get3A_1481 = arith.constant 7 : index
    %get3A_1482 = arith.constant 0 : index
    %get3A_1483 = vector.load %arg17[%get3A_1481, %get3A_1482] : memref<8x14xf32, #tpu.memory_space<vmem>>, vector<1x14xf32>
    %get3A_1484 = vector.shape_cast %get3A_1483 : vector<1x14xf32> to vector<14xf32>
    %broadcast_in_dim3A_1485 = vector.shape_cast %get3A_1484 : vector<14xf32> to vector<14x1xf32>
    %mul3A_1486 = vector.broadcast %broadcast_in_dim3A_1485 : vector<14x1xf32> to vector<14x2048xf32>
    %mul3A_1487 = arith.mulf %mul3A_1486, %add3A_1472 : vector<14x2048xf32>
    %add3A_1488 = arith.constant 9.99999993E-9 : f32
    %add3A_1489 = vector.broadcast %add3A_1488 : f32 to vector<1x2048xf32>
    %add3A_1490 = arith.addf %div3A_1480, %add3A_1489 : vector<1x2048xf32>
    %div3A_1491 = vector.broadcast %add3A_1490 : vector<1x2048xf32> to vector<14x2048xf32>
    %div3A_1492 = arith.divf %mul3A_1487, %div3A_1491 : vector<14x2048xf32>
    %get3A_1493 = arith.constant 7 : index
    %get3A_1494 = arith.constant 0 : index
    %get3A_1495 = arith.constant 0 : index
    %get3A_1496 = vector.load %arg18[%get3A_1493, %get3A_1494, %get3A_1495] : memref<8x3x14xf32, #tpu.memory_space<vmem>>, vector<1x3x14xf32>
    %get3A_1497 = vector.shape_cast %get3A_1496 : vector<1x3x14xf32> to vector<3x14xf32>
    %dot_general3A_1498 = arith.constant dense<0.000000e+00> : vector<3x2048xf32>
    %dot_general3A_1499 = tpu.matmul %get3A_1497, %div3A_1492, %dot_general3A_1498 {dimension_numbers = #tpu.dot_dimension_numbers<[1], [0], [0], [1], [0, 0, 1, 1], [], []>, transpose_lhs_hint = false} : vector<3x14xf32>, vector<14x2048xf32>, vector<3x2048xf32> -> vector<3x2048xf32>
    %get3A_1500 = arith.constant 7 : index
    %get3A_1501 = arith.constant 0 : index
    %get3A_1502 = vector.load %arg19[%get3A_1500, %get3A_1501] : memref<8x3xf32, #tpu.memory_space<vmem>>, vector<1x3xf32>
    %get3A_1503 = vector.shape_cast %get3A_1502 : vector<1x3xf32> to vector<3xf32>
    %broadcast_in_dim3A_1504 = vector.shape_cast %get3A_1503 : vector<3xf32> to vector<3x1xf32>
    %add3A_1505 = vector.broadcast %broadcast_in_dim3A_1504 : vector<3x1xf32> to vector<3x2048xf32>
    %add3A_1506 = arith.addf %dot_general3A_1499, %add3A_1505 : vector<3x2048xf32>
    %add3A_1507 = arith.addf %add3A_1441, %add3A_1506 : vector<3x2048xf32>
    %logistic3A_1508 = arith.negf %add3A_1507 : vector<3x2048xf32>
    %logistic3A_1509 = math.exp %logistic3A_1508 : vector<3x2048xf32>
    %logistic3A_1510 = arith.constant 1.000000e+00 : f32
    %logistic3A_1511 = vector.broadcast %logistic3A_1510 : f32 to vector<3x2048xf32>
    %logistic3A_1512 = arith.addf %logistic3A_1511, %logistic3A_1509 : vector<3x2048xf32>
    %logistic3A_1513 = arith.divf %logistic3A_1511, %logistic3A_1512 : vector<3x2048xf32>
    %slice3A_1514 = vector.extract_strided_slice %div3A_402 {offsets = [6, 0], sizes = [1, 2048], strides = [1, 1]} : vector<8x2048xf32> to vector<1x2048xf32>
    %mul3A_1515 = vector.broadcast %slice3A_1514 : vector<1x2048xf32> to vector<3x2048xf32>
    %mul3A_1516 = arith.mulf %mul3A_1515, %logistic3A_1513 : vector<3x2048xf32>
    %add3A_1517 = arith.addf %add3A_1377, %mul3A_1516 : vector<3x2048xf32>
    %jit3A_1518 = arith.constant 0.000000e+00 : f32
    %jit3A_1519 = arith.constant 1.000000e+00 : f32
    %max3A_1520 = vector.broadcast %jit3A_1518 : f32 to vector<3x2048xf32>
    %max3A_1521 = arith.maximumf %max3A_1520, %add3A_1517 : vector<3x2048xf32>
    %min3A_1522 = vector.broadcast %jit3A_1519 : f32 to vector<3x2048xf32>
    %min3A_1523 = arith.minimumf %min3A_1522, %max3A_1521 : vector<3x2048xf32>
    %jit3A_1524 = arith.constant 0.000000e+00 : f32
    %jit3A_1525 = arith.constant 1.000000e+00 : f32
    %max3A_1526 = vector.broadcast %jit3A_1524 : f32 to vector<1x2048xf32>
    %max3A_1527 = arith.maximumf %max3A_1526, %slice3A_2 : vector<1x2048xf32>
    %min3A_1528 = vector.broadcast %jit3A_1525 : f32 to vector<1x2048xf32>
    %min3A_1529 = arith.minimumf %min3A_1528, %max3A_1527 : vector<1x2048xf32>
    %concatenate3A_1530 = tpu.concatenate %min3A_1523, %min3A_1529 in 0 : vector<3x2048xf32>, vector<1x2048xf32> -> vector<4x2048xf32>
    %mul3A_1531 = arith.constant 3.100000e+01 : f32
    %mul3A_1532 = vector.broadcast %mul3A_1531 : f32 to vector<4x2048xf32>
    %mul3A_1533 = arith.mulf %concatenate3A_1530, %mul3A_1532 : vector<4x2048xf32>
    %floor3A = math.floor %mul3A_1533 : vector<4x2048xf32>
    %convert_element_type3A_1534 = arith.fptosi %floor3A : vector<4x2048xf32> to vector<4x2048xi32>
    %jit3A_1535 = arith.constant 0 : i32
    %jit3A_1536 = arith.constant 31 : i32
    %max3A_1537 = vector.broadcast %jit3A_1535 : i32 to vector<4x2048xi32>
    %max3A_1538 = arith.maxsi %max3A_1537, %convert_element_type3A_1534 : vector<4x2048xi32>
    %min3A_1539 = vector.broadcast %jit3A_1536 : i32 to vector<4x2048xi32>
    %min3A_1540 = arith.minsi %min3A_1539, %max3A_1538 : vector<4x2048xi32>
    %slice3A_1541 = vector.extract_strided_slice %min3A_1540 {offsets = [0, 0], sizes = [1, 2048], strides = [1, 1]} : vector<4x2048xi32> to vector<1x2048xi32>
    %mul3A_1542 = arith.constant 32 : i32
    %mul3A_1543 = vector.broadcast %mul3A_1542 : i32 to vector<1x2048xi32>
    %mul3A_1544 = arith.muli %slice3A_1541, %mul3A_1543 : vector<1x2048xi32>
    %slice3A_1545 = vector.extract_strided_slice %min3A_1540 {offsets = [1, 0], sizes = [1, 2048], strides = [1, 1]} : vector<4x2048xi32> to vector<1x2048xi32>
    %add3A_1546 = arith.addi %mul3A_1544, %slice3A_1545 : vector<1x2048xi32>
    %mul3A_1547 = arith.constant 32 : i32
    %mul3A_1548 = vector.broadcast %mul3A_1547 : i32 to vector<1x2048xi32>
    %mul3A_1549 = arith.muli %add3A_1546, %mul3A_1548 : vector<1x2048xi32>
    %slice3A_1550 = vector.extract_strided_slice %min3A_1540 {offsets = [2, 0], sizes = [1, 2048], strides = [1, 1]} : vector<4x2048xi32> to vector<1x2048xi32>
    %add3A_1551 = arith.addi %mul3A_1549, %slice3A_1550 : vector<1x2048xi32>
    %mul3A_1552 = arith.constant 32 : i32
    %mul3A_1553 = vector.broadcast %mul3A_1552 : i32 to vector<1x2048xi32>
    %mul3A_1554 = arith.muli %add3A_1551, %mul3A_1553 : vector<1x2048xi32>
    %slice3A_1555 = vector.extract_strided_slice %min3A_1540 {offsets = [3, 0], sizes = [1, 2048], strides = [1, 1]} : vector<4x2048xi32> to vector<1x2048xi32>
    %add3A_1556 = arith.addi %mul3A_1554, %slice3A_1555 : vector<1x2048xi32>
    %swap3A = arith.constant 0 : index
    %swap3A_1557 = arith.constant 0 : index
    %swap3A_1558 = vector.load %arg20[%swap3A, %swap3A_1557] : memref<1x2048xi32, #tpu.memory_space<vmem>>, vector<1x2048xi32>
    tpu.vector_store %arg20[%swap3A, %swap3A_1557], %add3A_1556 {strides = array<i32>} : memref<1x2048xi32, #tpu.memory_space<vmem>>, vector<1x2048xi32>,
    %slice3A_1559 = vector.extract_strided_slice %add3A_151 {offsets = [0, 0], sizes = [1, 2048], strides = [1, 1]} : vector<6x2048xf32> to vector<1x2048xf32>
    %gt3A_1560 = vector.broadcast %slice3A_1559 : vector<1x2048xf32> to vector<6x2048xf32>
    %gt3A_1561 = arith.cmpf ogt, %add3A_151, %gt3A_1560 : vector<6x2048xf32>
    %convert_element_type3A_1562 = arith.extui %gt3A_1561 : vector<6x2048xi1> to vector<6x2048xi32>
    %convert_element_type3A_1563 = arith.sitofp %convert_element_type3A_1562 : vector<6x2048xi32> to vector<6x2048xf32>
    %reduce_sum3A_1564 = arith.constant dense<0.000000e+00> : vector<2048xf32>
    %reduce_sum3A_1565 = vector.multi_reduction <add>, %convert_element_type3A_1563, %reduce_sum3A_1564 [0] : vector<6x2048xf32> to vector<2048xf32>
    %broadcast_in_dim3A_1566 = vector.shape_cast %reduce_sum3A_1565 : vector<2048xf32> to vector<1x2048xf32>
    %lt3A_1567 = arith.constant 4.000000e+00 : f32
    %lt3A_1568 = vector.broadcast %lt3A_1567 : f32 to vector<1x2048xf32>
    %lt3A_1569 = arith.cmpf olt, %broadcast_in_dim3A_1566, %lt3A_1568 : vector<1x2048xf32>
    %convert_element_type3A_1570 = arith.extui %lt3A_1569 : vector<1x2048xi1> to vector<1x2048xi32>
    %convert_element_type3A_1571 = arith.sitofp %convert_element_type3A_1570 : vector<1x2048xi32> to vector<1x2048xf32>
    %slice3A_1572 = vector.extract_strided_slice %add3A_151 {offsets = [1, 0], sizes = [1, 2048], strides = [1, 1]} : vector<6x2048xf32> to vector<1x2048xf32>
    %gt3A_1573 = vector.broadcast %slice3A_1572 : vector<1x2048xf32> to vector<6x2048xf32>
    %gt3A_1574 = arith.cmpf ogt, %add3A_151, %gt3A_1573 : vector<6x2048xf32>
    %convert_element_type3A_1575 = arith.extui %gt3A_1574 : vector<6x2048xi1> to vector<6x2048xi32>
    %convert_element_type3A_1576 = arith.sitofp %convert_element_type3A_1575 : vector<6x2048xi32> to vector<6x2048xf32>
    %reduce_sum3A_1577 = arith.constant dense<0.000000e+00> : vector<2048xf32>
    %reduce_sum3A_1578 = vector.multi_reduction <add>, %convert_element_type3A_1576, %reduce_sum3A_1577 [0] : vector<6x2048xf32> to vector<2048xf32>
    %broadcast_in_dim3A_1579 = vector.shape_cast %reduce_sum3A_1578 : vector<2048xf32> to vector<1x2048xf32>
    %slice3A_1580 = vector.extract_strided_slice %add3A_151 {offsets = [0, 0], sizes = [1, 2048], strides = [1, 1]} : vector<6x2048xf32> to vector<1x2048xf32>
    %eq3A_1581 = arith.cmpf oeq, %slice3A_1580, %slice3A_1572 : vector<1x2048xf32>
    %convert_element_type3A_1582 = arith.extui %eq3A_1581 : vector<1x2048xi1> to vector<1x2048xi32>
    %convert_element_type3A_1583 = arith.sitofp %convert_element_type3A_1582 : vector<1x2048xi32> to vector<1x2048xf32>
    %reduce_sum3A_1584 = arith.constant dense<0.000000e+00> : vector<2048xf32>
    %reduce_sum3A_1585 = vector.multi_reduction <add>, %convert_element_type3A_1583, %reduce_sum3A_1584 [0] : vector<1x2048xf32> to vector<2048xf32>
    %broadcast_in_dim3A_1586 = vector.shape_cast %reduce_sum3A_1585 : vector<2048xf32> to vector<1x2048xf32>
    %add3A_1587 = arith.addf %broadcast_in_dim3A_1579, %broadcast_in_dim3A_1586 : vector<1x2048xf32>
    %lt3A_1588 = arith.constant 4.000000e+00 : f32
    %lt3A_1589 = vector.broadcast %lt3A_1588 : f32 to vector<1x2048xf32>
    %lt3A_1590 = arith.cmpf olt, %add3A_1587, %lt3A_1589 : vector<1x2048xf32>
    %convert_element_type3A_1591 = arith.extui %lt3A_1590 : vector<1x2048xi1> to vector<1x2048xi32>
    %convert_element_type3A_1592 = arith.sitofp %convert_element_type3A_1591 : vector<1x2048xi32> to vector<1x2048xf32>
    %slice3A_1593 = vector.extract_strided_slice %add3A_151 {offsets = [2, 0], sizes = [1, 2048], strides = [1, 1]} : vector<6x2048xf32> to vector<1x2048xf32>
    %gt3A_1594 = vector.broadcast %slice3A_1593 : vector<1x2048xf32> to vector<6x2048xf32>
    %gt3A_1595 = arith.cmpf ogt, %add3A_151, %gt3A_1594 : vector<6x2048xf32>
    %convert_element_type3A_1596 = arith.extui %gt3A_1595 : vector<6x2048xi1> to vector<6x2048xi32>
    %convert_element_type3A_1597 = arith.sitofp %convert_element_type3A_1596 : vector<6x2048xi32> to vector<6x2048xf32>
    %reduce_sum3A_1598 = arith.constant dense<0.000000e+00> : vector<2048xf32>
    %reduce_sum3A_1599 = vector.multi_reduction <add>, %convert_element_type3A_1597, %reduce_sum3A_1598 [0] : vector<6x2048xf32> to vector<2048xf32>
    %broadcast_in_dim3A_1600 = vector.shape_cast %reduce_sum3A_1599 : vector<2048xf32> to vector<1x2048xf32>
    %slice3A_1601 = vector.extract_strided_slice %add3A_151 {offsets = [0, 0], sizes = [2, 2048], strides = [1, 1]} : vector<6x2048xf32> to vector<2x2048xf32>
    %eq3A_1602 = vector.broadcast %slice3A_1593 : vector<1x2048xf32> to vector<2x2048xf32>
    %eq3A_1603 = arith.cmpf oeq, %slice3A_1601, %eq3A_1602 : vector<2x2048xf32>
    %convert_element_type3A_1604 = arith.extui %eq3A_1603 : vector<2x2048xi1> to vector<2x2048xi32>
    %convert_element_type3A_1605 = arith.sitofp %convert_element_type3A_1604 : vector<2x2048xi32> to vector<2x2048xf32>
    %reduce_sum3A_1606 = arith.constant dense<0.000000e+00> : vector<2048xf32>
    %reduce_sum3A_1607 = vector.multi_reduction <add>, %convert_element_type3A_1605, %reduce_sum3A_1606 [0] : vector<2x2048xf32> to vector<2048xf32>
    %broadcast_in_dim3A_1608 = vector.shape_cast %reduce_sum3A_1607 : vector<2048xf32> to vector<1x2048xf32>
    %add3A_1609 = arith.addf %broadcast_in_dim3A_1600, %broadcast_in_dim3A_1608 : vector<1x2048xf32>
    %lt3A_1610 = arith.constant 4.000000e+00 : f32
    %lt3A_1611 = vector.broadcast %lt3A_1610 : f32 to vector<1x2048xf32>
    %lt3A_1612 = arith.cmpf olt, %add3A_1609, %lt3A_1611 : vector<1x2048xf32>
    %convert_element_type3A_1613 = arith.extui %lt3A_1612 : vector<1x2048xi1> to vector<1x2048xi32>
    %convert_element_type3A_1614 = arith.sitofp %convert_element_type3A_1613 : vector<1x2048xi32> to vector<1x2048xf32>
    %slice3A_1615 = vector.extract_strided_slice %add3A_151 {offsets = [3, 0], sizes = [1, 2048], strides = [1, 1]} : vector<6x2048xf32> to vector<1x2048xf32>
    %gt3A_1616 = vector.broadcast %slice3A_1615 : vector<1x2048xf32> to vector<6x2048xf32>
    %gt3A_1617 = arith.cmpf ogt, %add3A_151, %gt3A_1616 : vector<6x2048xf32>
    %convert_element_type3A_1618 = arith.extui %gt3A_1617 : vector<6x2048xi1> to vector<6x2048xi32>
    %convert_element_type3A_1619 = arith.sitofp %convert_element_type3A_1618 : vector<6x2048xi32> to vector<6x2048xf32>
    %reduce_sum3A_1620 = arith.constant dense<0.000000e+00> : vector<2048xf32>
    %reduce_sum3A_1621 = vector.multi_reduction <add>, %convert_element_type3A_1619, %reduce_sum3A_1620 [0] : vector<6x2048xf32> to vector<2048xf32>
    %broadcast_in_dim3A_1622 = vector.shape_cast %reduce_sum3A_1621 : vector<2048xf32> to vector<1x2048xf32>
    %slice3A_1623 = vector.extract_strided_slice %add3A_151 {offsets = [0, 0], sizes = [3, 2048], strides = [1, 1]} : vector<6x2048xf32> to vector<3x2048xf32>
    %eq3A_1624 = vector.broadcast %slice3A_1615 : vector<1x2048xf32> to vector<3x2048xf32>
    %eq3A_1625 = arith.cmpf oeq, %slice3A_1623, %eq3A_1624 : vector<3x2048xf32>
    %convert_element_type3A_1626 = arith.extui %eq3A_1625 : vector<3x2048xi1> to vector<3x2048xi32>
    %convert_element_type3A_1627 = arith.sitofp %convert_element_type3A_1626 : vector<3x2048xi32> to vector<3x2048xf32>
    %reduce_sum3A_1628 = arith.constant dense<0.000000e+00> : vector<2048xf32>
    %reduce_sum3A_1629 = vector.multi_reduction <add>, %convert_element_type3A_1627, %reduce_sum3A_1628 [0] : vector<3x2048xf32> to vector<2048xf32>
    %broadcast_in_dim3A_1630 = vector.shape_cast %reduce_sum3A_1629 : vector<2048xf32> to vector<1x2048xf32>
    %add3A_1631 = arith.addf %broadcast_in_dim3A_1622, %broadcast_in_dim3A_1630 : vector<1x2048xf32>
    %lt3A_1632 = arith.constant 4.000000e+00 : f32
    %lt3A_1633 = vector.broadcast %lt3A_1632 : f32 to vector<1x2048xf32>
    %lt3A_1634 = arith.cmpf olt, %add3A_1631, %lt3A_1633 : vector<1x2048xf32>
    %convert_element_type3A_1635 = arith.extui %lt3A_1634 : vector<1x2048xi1> to vector<1x2048xi32>
    %convert_element_type3A_1636 = arith.sitofp %convert_element_type3A_1635 : vector<1x2048xi32> to vector<1x2048xf32>
    %slice3A_1637 = vector.extract_strided_slice %add3A_151 {offsets = [4, 0], sizes = [1, 2048], strides = [1, 1]} : vector<6x2048xf32> to vector<1x2048xf32>
    %gt3A_1638 = vector.broadcast %slice3A_1637 : vector<1x2048xf32> to vector<6x2048xf32>
    %gt3A_1639 = arith.cmpf ogt, %add3A_151, %gt3A_1638 : vector<6x2048xf32>
    %convert_element_type3A_1640 = arith.extui %gt3A_1639 : vector<6x2048xi1> to vector<6x2048xi32>
    %convert_element_type3A_1641 = arith.sitofp %convert_element_type3A_1640 : vector<6x2048xi32> to vector<6x2048xf32>
    %reduce_sum3A_1642 = arith.constant dense<0.000000e+00> : vector<2048xf32>
    %reduce_sum3A_1643 = vector.multi_reduction <add>, %convert_element_type3A_1641, %reduce_sum3A_1642 [0] : vector<6x2048xf32> to vector<2048xf32>
    %broadcast_in_dim3A_1644 = vector.shape_cast %reduce_sum3A_1643 : vector<2048xf32> to vector<1x2048xf32>
    %slice3A_1645 = vector.extract_strided_slice %add3A_151 {offsets = [0, 0], sizes = [4, 2048], strides = [1, 1]} : vector<6x2048xf32> to vector<4x2048xf32>
    %eq3A_1646 = vector.broadcast %slice3A_1637 : vector<1x2048xf32> to vector<4x2048xf32>
    %eq3A_1647 = arith.cmpf oeq, %slice3A_1645, %eq3A_1646 : vector<4x2048xf32>
    %convert_element_type3A_1648 = arith.extui %eq3A_1647 : vector<4x2048xi1> to vector<4x2048xi32>
    %convert_element_type3A_1649 = arith.sitofp %convert_element_type3A_1648 : vector<4x2048xi32> to vector<4x2048xf32>
    %reduce_sum3A_1650 = arith.constant dense<0.000000e+00> : vector<2048xf32>
    %reduce_sum3A_1651 = vector.multi_reduction <add>, %convert_element_type3A_1649, %reduce_sum3A_1650 [0] : vector<4x2048xf32> to vector<2048xf32>
    %broadcast_in_dim3A_1652 = vector.shape_cast %reduce_sum3A_1651 : vector<2048xf32> to vector<1x2048xf32>
    %add3A_1653 = arith.addf %broadcast_in_dim3A_1644, %broadcast_in_dim3A_1652 : vector<1x2048xf32>
    %lt3A_1654 = arith.constant 4.000000e+00 : f32
    %lt3A_1655 = vector.broadcast %lt3A_1654 : f32 to vector<1x2048xf32>
    %lt3A_1656 = arith.cmpf olt, %add3A_1653, %lt3A_1655 : vector<1x2048xf32>
    %convert_element_type3A_1657 = arith.extui %lt3A_1656 : vector<1x2048xi1> to vector<1x2048xi32>
    %convert_element_type3A_1658 = arith.sitofp %convert_element_type3A_1657 : vector<1x2048xi32> to vector<1x2048xf32>
    %slice3A_1659 = vector.extract_strided_slice %add3A_151 {offsets = [5, 0], sizes = [1, 2048], strides = [1, 1]} : vector<6x2048xf32> to vector<1x2048xf32>
    %gt3A_1660 = vector.broadcast %slice3A_1659 : vector<1x2048xf32> to vector<6x2048xf32>
    %gt3A_1661 = arith.cmpf ogt, %add3A_151, %gt3A_1660 : vector<6x2048xf32>
    %convert_element_type3A_1662 = arith.extui %gt3A_1661 : vector<6x2048xi1> to vector<6x2048xi32>
    %convert_element_type3A_1663 = arith.sitofp %convert_element_type3A_1662 : vector<6x2048xi32> to vector<6x2048xf32>
    %reduce_sum3A_1664 = arith.constant dense<0.000000e+00> : vector<2048xf32>
    %reduce_sum3A_1665 = vector.multi_reduction <add>, %convert_element_type3A_1663, %reduce_sum3A_1664 [0] : vector<6x2048xf32> to vector<2048xf32>
    %broadcast_in_dim3A_1666 = vector.shape_cast %reduce_sum3A_1665 : vector<2048xf32> to vector<1x2048xf32>
    %slice3A_1667 = vector.extract_strided_slice %add3A_151 {offsets = [0, 0], sizes = [5, 2048], strides = [1, 1]} : vector<6x2048xf32> to vector<5x2048xf32>
    %eq3A_1668 = vector.broadcast %slice3A_1659 : vector<1x2048xf32> to vector<5x2048xf32>
    %eq3A_1669 = arith.cmpf oeq, %slice3A_1667, %eq3A_1668 : vector<5x2048xf32>
    %convert_element_type3A_1670 = arith.extui %eq3A_1669 : vector<5x2048xi1> to vector<5x2048xi32>
    %convert_element_type3A_1671 = arith.sitofp %convert_element_type3A_1670 : vector<5x2048xi32> to vector<5x2048xf32>
    %reduce_sum3A_1672 = arith.constant dense<0.000000e+00> : vector<2048xf32>
    %reduce_sum3A_1673 = vector.multi_reduction <add>, %convert_element_type3A_1671, %reduce_sum3A_1672 [0] : vector<5x2048xf32> to vector<2048xf32>
    %broadcast_in_dim3A_1674 = vector.shape_cast %reduce_sum3A_1673 : vector<2048xf32> to vector<1x2048xf32>
    %add3A_1675 = arith.addf %broadcast_in_dim3A_1666, %broadcast_in_dim3A_1674 : vector<1x2048xf32>
    %lt3A_1676 = arith.constant 4.000000e+00 : f32
    %lt3A_1677 = vector.broadcast %lt3A_1676 : f32 to vector<1x2048xf32>
    %lt3A_1678 = arith.cmpf olt, %add3A_1675, %lt3A_1677 : vector<1x2048xf32>
    %convert_element_type3A_1679 = arith.extui %lt3A_1678 : vector<1x2048xi1> to vector<1x2048xi32>
    %convert_element_type3A_1680 = arith.sitofp %convert_element_type3A_1679 : vector<1x2048xi32> to vector<1x2048xf32>
    %concatenate3A_1681 = tpu.concatenate %convert_element_type3A_1571, %convert_element_type3A_1592, %convert_element_type3A_1614, %convert_element_type3A_1636, %convert_element_type3A_1658, %convert_element_type3A_1680 in 0 : vector<1x2048xf32>, vector<1x2048xf32>, vector<1x2048xf32>, vector<1x2048xf32>, vector<1x2048xf32>, vector<1x2048xf32> -> vector<6x2048xf32>
    %reduce_max3A_1682 = arith.constant dense<0xFF800000> : vector<2048xf32>
    %reduce_max3A_1683 = vector.multi_reduction <maximumf>, %add3A_151, %reduce_max3A_1682 [0] : vector<6x2048xf32> to vector<2048xf32>
    %broadcast_in_dim3A_1684 = vector.shape_cast %reduce_max3A_1683 : vector<2048xf32> to vector<1x2048xf32>
    %sub3A_1685 = vector.broadcast %broadcast_in_dim3A_1684 : vector<1x2048xf32> to vector<6x2048xf32>
    %sub3A_1686 = arith.subf %add3A_151, %sub3A_1685 : vector<6x2048xf32>
    %exp3A_1687 = math.exp %sub3A_1686 : vector<6x2048xf32>
    %mul3A_1688 = arith.mulf %exp3A_1687, %concatenate3A_1681 : vector<6x2048xf32>
    %reduce_sum3A_1689 = arith.constant dense<0.000000e+00> : vector<2048xf32>
    %reduce_sum3A_1690 = vector.multi_reduction <add>, %mul3A_1688, %reduce_sum3A_1689 [0] : vector<6x2048xf32> to vector<2048xf32>
    %broadcast_in_dim3A_1691 = vector.shape_cast %reduce_sum3A_1690 : vector<2048xf32> to vector<1x2048xf32>
    %div3A_1692 = vector.broadcast %broadcast_in_dim3A_1691 : vector<1x2048xf32> to vector<6x2048xf32>
    %div3A_1693 = arith.divf %mul3A_1688, %div3A_1692 : vector<6x2048xf32>
    %broadcast_in_dim3A_1694 = arith.constant 1.000000e+00 : f32
    %broadcast_in_dim3A_1695 = vector.broadcast %broadcast_in_dim3A_1694 : f32 to vector<2x2048xf32>
    %slice3A_1696 = vector.extract_strided_slice %div3A_1693 {offsets = [0, 0], sizes = [4, 2048], strides = [1, 1]} : vector<6x2048xf32> to vector<4x2048xf32>
    %mul3A_1697 = arith.constant 0.000000e+00 : f32
    %mul3A_1698 = vector.broadcast %mul3A_1697 : f32 to vector<2x2048xf32>
    %mul3A_1699 = arith.mulf %broadcast_in_dim3A_1695, %mul3A_1698 : vector<2x2048xf32>
    %concatenate3A_1700 = tpu.concatenate %broadcast_in_dim3A_1695, %slice3A_1696, %mul3A_1699 in 0 : vector<2x2048xf32>, vector<4x2048xf32>, vector<2x2048xf32> -> vector<8x2048xf32>
    %swap3A_1701 = arith.constant 0 : index
    %swap3A_1702 = arith.constant 0 : index
    %swap3A_1703 = vector.load %arg21[%swap3A_1701, %swap3A_1702] : memref<8x2048xf32, #tpu.memory_space<vmem>>, vector<8x2048xf32>
    tpu.vector_store %arg21[%swap3A_1701, %swap3A_1702], %concatenate3A_1700 {strides = array<i32>} : memref<8x2048xf32, #tpu.memory_space<vmem>>, vector<8x2048xf32>,
    %slice3A_1704 = vector.extract_strided_slice %add3A_230 {offsets = [0, 0], sizes = [1, 2048], strides = [1, 1]} : vector<8x2048xf32> to vector<1x2048xf32>
    %gt3A_1705 = vector.broadcast %slice3A_1704 : vector<1x2048xf32> to vector<8x2048xf32>
    %gt3A_1706 = arith.cmpf ogt, %add3A_230, %gt3A_1705 : vector<8x2048xf32>
    %convert_element_type3A_1707 = arith.extui %gt3A_1706 : vector<8x2048xi1> to vector<8x2048xi32>
    %convert_element_type3A_1708 = arith.sitofp %convert_element_type3A_1707 : vector<8x2048xi32> to vector<8x2048xf32>
    %reduce_sum3A_1709 = arith.constant dense<0.000000e+00> : vector<2048xf32>
    %reduce_sum3A_1710 = vector.multi_reduction <add>, %convert_element_type3A_1708, %reduce_sum3A_1709 [0] : vector<8x2048xf32> to vector<2048xf32>
    %broadcast_in_dim3A_1711 = vector.shape_cast %reduce_sum3A_1710 : vector<2048xf32> to vector<1x2048xf32>
    %lt3A_1712 = arith.constant 2.000000e+00 : f32
    %lt3A_1713 = vector.broadcast %lt3A_1712 : f32 to vector<1x2048xf32>
    %lt3A_1714 = arith.cmpf olt, %broadcast_in_dim3A_1711, %lt3A_1713 : vector<1x2048xf32>
    %convert_element_type3A_1715 = arith.extui %lt3A_1714 : vector<1x2048xi1> to vector<1x2048xi32>
    %convert_element_type3A_1716 = arith.sitofp %convert_element_type3A_1715 : vector<1x2048xi32> to vector<1x2048xf32>
    %slice3A_1717 = vector.extract_strided_slice %add3A_230 {offsets = [1, 0], sizes = [1, 2048], strides = [1, 1]} : vector<8x2048xf32> to vector<1x2048xf32>
    %gt3A_1718 = vector.broadcast %slice3A_1717 : vector<1x2048xf32> to vector<8x2048xf32>
    %gt3A_1719 = arith.cmpf ogt, %add3A_230, %gt3A_1718 : vector<8x2048xf32>
    %convert_element_type3A_1720 = arith.extui %gt3A_1719 : vector<8x2048xi1> to vector<8x2048xi32>
    %convert_element_type3A_1721 = arith.sitofp %convert_element_type3A_1720 : vector<8x2048xi32> to vector<8x2048xf32>
    %reduce_sum3A_1722 = arith.constant dense<0.000000e+00> : vector<2048xf32>
    %reduce_sum3A_1723 = vector.multi_reduction <add>, %convert_element_type3A_1721, %reduce_sum3A_1722 [0] : vector<8x2048xf32> to vector<2048xf32>
    %broadcast_in_dim3A_1724 = vector.shape_cast %reduce_sum3A_1723 : vector<2048xf32> to vector<1x2048xf32>
    %slice3A_1725 = vector.extract_strided_slice %add3A_230 {offsets = [0, 0], sizes = [1, 2048], strides = [1, 1]} : vector<8x2048xf32> to vector<1x2048xf32>
    %eq3A_1726 = arith.cmpf oeq, %slice3A_1725, %slice3A_1717 : vector<1x2048xf32>
    %convert_element_type3A_1727 = arith.extui %eq3A_1726 : vector<1x2048xi1> to vector<1x2048xi32>
    %convert_element_type3A_1728 = arith.sitofp %convert_element_type3A_1727 : vector<1x2048xi32> to vector<1x2048xf32>
    %reduce_sum3A_1729 = arith.constant dense<0.000000e+00> : vector<2048xf32>
    %reduce_sum3A_1730 = vector.multi_reduction <add>, %convert_element_type3A_1728, %reduce_sum3A_1729 [0] : vector<1x2048xf32> to vector<2048xf32>
    %broadcast_in_dim3A_1731 = vector.shape_cast %reduce_sum3A_1730 : vector<2048xf32> to vector<1x2048xf32>
    %add3A_1732 = arith.addf %broadcast_in_dim3A_1724, %broadcast_in_dim3A_1731 : vector<1x2048xf32>
    %lt3A_1733 = arith.constant 2.000000e+00 : f32
    %lt3A_1734 = vector.broadcast %lt3A_1733 : f32 to vector<1x2048xf32>
    %lt3A_1735 = arith.cmpf olt, %add3A_1732, %lt3A_1734 : vector<1x2048xf32>
    %convert_element_type3A_1736 = arith.extui %lt3A_1735 : vector<1x2048xi1> to vector<1x2048xi32>
    %convert_element_type3A_1737 = arith.sitofp %convert_element_type3A_1736 : vector<1x2048xi32> to vector<1x2048xf32>
    %slice3A_1738 = vector.extract_strided_slice %add3A_230 {offsets = [2, 0], sizes = [1, 2048], strides = [1, 1]} : vector<8x2048xf32> to vector<1x2048xf32>
    %gt3A_1739 = vector.broadcast %slice3A_1738 : vector<1x2048xf32> to vector<8x2048xf32>
    %gt3A_1740 = arith.cmpf ogt, %add3A_230, %gt3A_1739 : vector<8x2048xf32>
    %convert_element_type3A_1741 = arith.extui %gt3A_1740 : vector<8x2048xi1> to vector<8x2048xi32>
    %convert_element_type3A_1742 = arith.sitofp %convert_element_type3A_1741 : vector<8x2048xi32> to vector<8x2048xf32>
    %reduce_sum3A_1743 = arith.constant dense<0.000000e+00> : vector<2048xf32>
    %reduce_sum3A_1744 = vector.multi_reduction <add>, %convert_element_type3A_1742, %reduce_sum3A_1743 [0] : vector<8x2048xf32> to vector<2048xf32>
    %broadcast_in_dim3A_1745 = vector.shape_cast %reduce_sum3A_1744 : vector<2048xf32> to vector<1x2048xf32>
    %slice3A_1746 = vector.extract_strided_slice %add3A_230 {offsets = [0, 0], sizes = [2, 2048], strides = [1, 1]} : vector<8x2048xf32> to vector<2x2048xf32>
    %eq3A_1747 = vector.broadcast %slice3A_1738 : vector<1x2048xf32> to vector<2x2048xf32>
    %eq3A_1748 = arith.cmpf oeq, %slice3A_1746, %eq3A_1747 : vector<2x2048xf32>
    %convert_element_type3A_1749 = arith.extui %eq3A_1748 : vector<2x2048xi1> to vector<2x2048xi32>
    %convert_element_type3A_1750 = arith.sitofp %convert_element_type3A_1749 : vector<2x2048xi32> to vector<2x2048xf32>
    %reduce_sum3A_1751 = arith.constant dense<0.000000e+00> : vector<2048xf32>
    %reduce_sum3A_1752 = vector.multi_reduction <add>, %convert_element_type3A_1750, %reduce_sum3A_1751 [0] : vector<2x2048xf32> to vector<2048xf32>
    %broadcast_in_dim3A_1753 = vector.shape_cast %reduce_sum3A_1752 : vector<2048xf32> to vector<1x2048xf32>
    %add3A_1754 = arith.addf %broadcast_in_dim3A_1745, %broadcast_in_dim3A_1753 : vector<1x2048xf32>
    %lt3A_1755 = arith.constant 2.000000e+00 : f32
    %lt3A_1756 = vector.broadcast %lt3A_1755 : f32 to vector<1x2048xf32>
    %lt3A_1757 = arith.cmpf olt, %add3A_1754, %lt3A_1756 : vector<1x2048xf32>
    %convert_element_type3A_1758 = arith.extui %lt3A_1757 : vector<1x2048xi1> to vector<1x2048xi32>
    %convert_element_type3A_1759 = arith.sitofp %convert_element_type3A_1758 : vector<1x2048xi32> to vector<1x2048xf32>
    %slice3A_1760 = vector.extract_strided_slice %add3A_230 {offsets = [3, 0], sizes = [1, 2048], strides = [1, 1]} : vector<8x2048xf32> to vector<1x2048xf32>
    %gt3A_1761 = vector.broadcast %slice3A_1760 : vector<1x2048xf32> to vector<8x2048xf32>
    %gt3A_1762 = arith.cmpf ogt, %add3A_230, %gt3A_1761 : vector<8x2048xf32>
    %convert_element_type3A_1763 = arith.extui %gt3A_1762 : vector<8x2048xi1> to vector<8x2048xi32>
    %convert_element_type3A_1764 = arith.sitofp %convert_element_type3A_1763 : vector<8x2048xi32> to vector<8x2048xf32>
    %reduce_sum3A_1765 = arith.constant dense<0.000000e+00> : vector<2048xf32>
    %reduce_sum3A_1766 = vector.multi_reduction <add>, %convert_element_type3A_1764, %reduce_sum3A_1765 [0] : vector<8x2048xf32> to vector<2048xf32>
    %broadcast_in_dim3A_1767 = vector.shape_cast %reduce_sum3A_1766 : vector<2048xf32> to vector<1x2048xf32>
    %slice3A_1768 = vector.extract_strided_slice %add3A_230 {offsets = [0, 0], sizes = [3, 2048], strides = [1, 1]} : vector<8x2048xf32> to vector<3x2048xf32>
    %eq3A_1769 = vector.broadcast %slice3A_1760 : vector<1x2048xf32> to vector<3x2048xf32>
    %eq3A_1770 = arith.cmpf oeq, %slice3A_1768, %eq3A_1769 : vector<3x2048xf32>
    %convert_element_type3A_1771 = arith.extui %eq3A_1770 : vector<3x2048xi1> to vector<3x2048xi32>
    %convert_element_type3A_1772 = arith.sitofp %convert_element_type3A_1771 : vector<3x2048xi32> to vector<3x2048xf32>
    %reduce_sum3A_1773 = arith.constant dense<0.000000e+00> : vector<2048xf32>
    %reduce_sum3A_1774 = vector.multi_reduction <add>, %convert_element_type3A_1772, %reduce_sum3A_1773 [0] : vector<3x2048xf32> to vector<2048xf32>
    %broadcast_in_dim3A_1775 = vector.shape_cast %reduce_sum3A_1774 : vector<2048xf32> to vector<1x2048xf32>
    %add3A_1776 = arith.addf %broadcast_in_dim3A_1767, %broadcast_in_dim3A_1775 : vector<1x2048xf32>
    %lt3A_1777 = arith.constant 2.000000e+00 : f32
    %lt3A_1778 = vector.broadcast %lt3A_1777 : f32 to vector<1x2048xf32>
    %lt3A_1779 = arith.cmpf olt, %add3A_1776, %lt3A_1778 : vector<1x2048xf32>
    %convert_element_type3A_1780 = arith.extui %lt3A_1779 : vector<1x2048xi1> to vector<1x2048xi32>
    %convert_element_type3A_1781 = arith.sitofp %convert_element_type3A_1780 : vector<1x2048xi32> to vector<1x2048xf32>
    %slice3A_1782 = vector.extract_strided_slice %add3A_230 {offsets = [4, 0], sizes = [1, 2048], strides = [1, 1]} : vector<8x2048xf32> to vector<1x2048xf32>
    %gt3A_1783 = vector.broadcast %slice3A_1782 : vector<1x2048xf32> to vector<8x2048xf32>
    %gt3A_1784 = arith.cmpf ogt, %add3A_230, %gt3A_1783 : vector<8x2048xf32>
    %convert_element_type3A_1785 = arith.extui %gt3A_1784 : vector<8x2048xi1> to vector<8x2048xi32>
    %convert_element_type3A_1786 = arith.sitofp %convert_element_type3A_1785 : vector<8x2048xi32> to vector<8x2048xf32>
    %reduce_sum3A_1787 = arith.constant dense<0.000000e+00> : vector<2048xf32>
    %reduce_sum3A_1788 = vector.multi_reduction <add>, %convert_element_type3A_1786, %reduce_sum3A_1787 [0] : vector<8x2048xf32> to vector<2048xf32>
    %broadcast_in_dim3A_1789 = vector.shape_cast %reduce_sum3A_1788 : vector<2048xf32> to vector<1x2048xf32>
    %slice3A_1790 = vector.extract_strided_slice %add3A_230 {offsets = [0, 0], sizes = [4, 2048], strides = [1, 1]} : vector<8x2048xf32> to vector<4x2048xf32>
    %eq3A_1791 = vector.broadcast %slice3A_1782 : vector<1x2048xf32> to vector<4x2048xf32>
    %eq3A_1792 = arith.cmpf oeq, %slice3A_1790, %eq3A_1791 : vector<4x2048xf32>
    %convert_element_type3A_1793 = arith.extui %eq3A_1792 : vector<4x2048xi1> to vector<4x2048xi32>
    %convert_element_type3A_1794 = arith.sitofp %convert_element_type3A_1793 : vector<4x2048xi32> to vector<4x2048xf32>
    %reduce_sum3A_1795 = arith.constant dense<0.000000e+00> : vector<2048xf32>
    %reduce_sum3A_1796 = vector.multi_reduction <add>, %convert_element_type3A_1794, %reduce_sum3A_1795 [0] : vector<4x2048xf32> to vector<2048xf32>
    %broadcast_in_dim3A_1797 = vector.shape_cast %reduce_sum3A_1796 : vector<2048xf32> to vector<1x2048xf32>
    %add3A_1798 = arith.addf %broadcast_in_dim3A_1789, %broadcast_in_dim3A_1797 : vector<1x2048xf32>
    %lt3A_1799 = arith.constant 2.000000e+00 : f32
    %lt3A_1800 = vector.broadcast %lt3A_1799 : f32 to vector<1x2048xf32>
    %lt3A_1801 = arith.cmpf olt, %add3A_1798, %lt3A_1800 : vector<1x2048xf32>
    %convert_element_type3A_1802 = arith.extui %lt3A_1801 : vector<1x2048xi1> to vector<1x2048xi32>
    %convert_element_type3A_1803 = arith.sitofp %convert_element_type3A_1802 : vector<1x2048xi32> to vector<1x2048xf32>
    %slice3A_1804 = vector.extract_strided_slice %add3A_230 {offsets = [5, 0], sizes = [1, 2048], strides = [1, 1]} : vector<8x2048xf32> to vector<1x2048xf32>
    %gt3A_1805 = vector.broadcast %slice3A_1804 : vector<1x2048xf32> to vector<8x2048xf32>
    %gt3A_1806 = arith.cmpf ogt, %add3A_230, %gt3A_1805 : vector<8x2048xf32>
    %convert_element_type3A_1807 = arith.extui %gt3A_1806 : vector<8x2048xi1> to vector<8x2048xi32>
    %convert_element_type3A_1808 = arith.sitofp %convert_element_type3A_1807 : vector<8x2048xi32> to vector<8x2048xf32>
    %reduce_sum3A_1809 = arith.constant dense<0.000000e+00> : vector<2048xf32>
    %reduce_sum3A_1810 = vector.multi_reduction <add>, %convert_element_type3A_1808, %reduce_sum3A_1809 [0] : vector<8x2048xf32> to vector<2048xf32>
    %broadcast_in_dim3A_1811 = vector.shape_cast %reduce_sum3A_1810 : vector<2048xf32> to vector<1x2048xf32>
    %slice3A_1812 = vector.extract_strided_slice %add3A_230 {offsets = [0, 0], sizes = [5, 2048], strides = [1, 1]} : vector<8x2048xf32> to vector<5x2048xf32>
    %eq3A_1813 = vector.broadcast %slice3A_1804 : vector<1x2048xf32> to vector<5x2048xf32>
    %eq3A_1814 = arith.cmpf oeq, %slice3A_1812, %eq3A_1813 : vector<5x2048xf32>
    %convert_element_type3A_1815 = arith.extui %eq3A_1814 : vector<5x2048xi1> to vector<5x2048xi32>
    %convert_element_type3A_1816 = arith.sitofp %convert_element_type3A_1815 : vector<5x2048xi32> to vector<5x2048xf32>
    %reduce_sum3A_1817 = arith.constant dense<0.000000e+00> : vector<2048xf32>
    %reduce_sum3A_1818 = vector.multi_reduction <add>, %convert_element_type3A_1816, %reduce_sum3A_1817 [0] : vector<5x2048xf32> to vector<2048xf32>
    %broadcast_in_dim3A_1819 = vector.shape_cast %reduce_sum3A_1818 : vector<2048xf32> to vector<1x2048xf32>
    %add3A_1820 = arith.addf %broadcast_in_dim3A_1811, %broadcast_in_dim3A_1819 : vector<1x2048xf32>
    %lt3A_1821 = arith.constant 2.000000e+00 : f32
    %lt3A_1822 = vector.broadcast %lt3A_1821 : f32 to vector<1x2048xf32>
    %lt3A_1823 = arith.cmpf olt, %add3A_1820, %lt3A_1822 : vector<1x2048xf32>
    %convert_element_type3A_1824 = arith.extui %lt3A_1823 : vector<1x2048xi1> to vector<1x2048xi32>
    %convert_element_type3A_1825 = arith.sitofp %convert_element_type3A_1824 : vector<1x2048xi32> to vector<1x2048xf32>
    %slice3A_1826 = vector.extract_strided_slice %add3A_230 {offsets = [6, 0], sizes = [1, 2048], strides = [1, 1]} : vector<8x2048xf32> to vector<1x2048xf32>
    %gt3A_1827 = vector.broadcast %slice3A_1826 : vector<1x2048xf32> to vector<8x2048xf32>
    %gt3A_1828 = arith.cmpf ogt, %add3A_230, %gt3A_1827 : vector<8x2048xf32>
    %convert_element_type3A_1829 = arith.extui %gt3A_1828 : vector<8x2048xi1> to vector<8x2048xi32>
    %convert_element_type3A_1830 = arith.sitofp %convert_element_type3A_1829 : vector<8x2048xi32> to vector<8x2048xf32>
    %reduce_sum3A_1831 = arith.constant dense<0.000000e+00> : vector<2048xf32>
    %reduce_sum3A_1832 = vector.multi_reduction <add>, %convert_element_type3A_1830, %reduce_sum3A_1831 [0] : vector<8x2048xf32> to vector<2048xf32>
    %broadcast_in_dim3A_1833 = vector.shape_cast %reduce_sum3A_1832 : vector<2048xf32> to vector<1x2048xf32>
    %slice3A_1834 = vector.extract_strided_slice %add3A_230 {offsets = [0, 0], sizes = [6, 2048], strides = [1, 1]} : vector<8x2048xf32> to vector<6x2048xf32>
    %eq3A_1835 = vector.broadcast %slice3A_1826 : vector<1x2048xf32> to vector<6x2048xf32>
    %eq3A_1836 = arith.cmpf oeq, %slice3A_1834, %eq3A_1835 : vector<6x2048xf32>
    %convert_element_type3A_1837 = arith.extui %eq3A_1836 : vector<6x2048xi1> to vector<6x2048xi32>
    %convert_element_type3A_1838 = arith.sitofp %convert_element_type3A_1837 : vector<6x2048xi32> to vector<6x2048xf32>
    %reduce_sum3A_1839 = arith.constant dense<0.000000e+00> : vector<2048xf32>
    %reduce_sum3A_1840 = vector.multi_reduction <add>, %convert_element_type3A_1838, %reduce_sum3A_1839 [0] : vector<6x2048xf32> to vector<2048xf32>
    %broadcast_in_dim3A_1841 = vector.shape_cast %reduce_sum3A_1840 : vector<2048xf32> to vector<1x2048xf32>
    %add3A_1842 = arith.addf %broadcast_in_dim3A_1833, %broadcast_in_dim3A_1841 : vector<1x2048xf32>
    %lt3A_1843 = arith.constant 2.000000e+00 : f32
    %lt3A_1844 = vector.broadcast %lt3A_1843 : f32 to vector<1x2048xf32>
    %lt3A_1845 = arith.cmpf olt, %add3A_1842, %lt3A_1844 : vector<1x2048xf32>
    %convert_element_type3A_1846 = arith.extui %lt3A_1845 : vector<1x2048xi1> to vector<1x2048xi32>
    %convert_element_type3A_1847 = arith.sitofp %convert_element_type3A_1846 : vector<1x2048xi32> to vector<1x2048xf32>
    %slice3A_1848 = vector.extract_strided_slice %add3A_230 {offsets = [7, 0], sizes = [1, 2048], strides = [1, 1]} : vector<8x2048xf32> to vector<1x2048xf32>
    %gt3A_1849 = vector.broadcast %slice3A_1848 : vector<1x2048xf32> to vector<8x2048xf32>
    %gt3A_1850 = arith.cmpf ogt, %add3A_230, %gt3A_1849 : vector<8x2048xf32>
    %convert_element_type3A_1851 = arith.extui %gt3A_1850 : vector<8x2048xi1> to vector<8x2048xi32>
    %convert_element_type3A_1852 = arith.sitofp %convert_element_type3A_1851 : vector<8x2048xi32> to vector<8x2048xf32>
    %reduce_sum3A_1853 = arith.constant dense<0.000000e+00> : vector<2048xf32>
    %reduce_sum3A_1854 = vector.multi_reduction <add>, %convert_element_type3A_1852, %reduce_sum3A_1853 [0] : vector<8x2048xf32> to vector<2048xf32>
    %broadcast_in_dim3A_1855 = vector.shape_cast %reduce_sum3A_1854 : vector<2048xf32> to vector<1x2048xf32>
    %slice3A_1856 = vector.extract_strided_slice %add3A_230 {offsets = [0, 0], sizes = [7, 2048], strides = [1, 1]} : vector<8x2048xf32> to vector<7x2048xf32>
    %eq3A_1857 = vector.broadcast %slice3A_1848 : vector<1x2048xf32> to vector<7x2048xf32>
    %eq3A_1858 = arith.cmpf oeq, %slice3A_1856, %eq3A_1857 : vector<7x2048xf32>
    %convert_element_type3A_1859 = arith.extui %eq3A_1858 : vector<7x2048xi1> to vector<7x2048xi32>
    %convert_element_type3A_1860 = arith.sitofp %convert_element_type3A_1859 : vector<7x2048xi32> to vector<7x2048xf32>
    %reduce_sum3A_1861 = arith.constant dense<0.000000e+00> : vector<2048xf32>
    %reduce_sum3A_1862 = vector.multi_reduction <add>, %convert_element_type3A_1860, %reduce_sum3A_1861 [0] : vector<7x2048xf32> to vector<2048xf32>
    %broadcast_in_dim3A_1863 = vector.shape_cast %reduce_sum3A_1862 : vector<2048xf32> to vector<1x2048xf32>
    %add3A_1864 = arith.addf %broadcast_in_dim3A_1855, %broadcast_in_dim3A_1863 : vector<1x2048xf32>
    %lt3A_1865 = arith.constant 2.000000e+00 : f32
    %lt3A_1866 = vector.broadcast %lt3A_1865 : f32 to vector<1x2048xf32>
    %lt3A_1867 = arith.cmpf olt, %add3A_1864, %lt3A_1866 : vector<1x2048xf32>
    %convert_element_type3A_1868 = arith.extui %lt3A_1867 : vector<1x2048xi1> to vector<1x2048xi32>
    %convert_element_type3A_1869 = arith.sitofp %convert_element_type3A_1868 : vector<1x2048xi32> to vector<1x2048xf32>
    %concatenate3A_1870 = tpu.concatenate %convert_element_type3A_1716, %convert_element_type3A_1737, %convert_element_type3A_1759, %convert_element_type3A_1781, %convert_element_type3A_1803, %convert_element_type3A_1825, %convert_element_type3A_1847, %convert_element_type3A_1869 in 0 : vector<1x2048xf32>, vector<1x2048xf32>, vector<1x2048xf32>, vector<1x2048xf32>, vector<1x2048xf32>, vector<1x2048xf32>, vector<1x2048xf32>, vector<1x2048xf32> -> vector<8x2048xf32>
    %reduce_max3A_1871 = arith.constant dense<0xFF800000> : vector<2048xf32>
    %reduce_max3A_1872 = vector.multi_reduction <maximumf>, %add3A_230, %reduce_max3A_1871 [0] : vector<8x2048xf32> to vector<2048xf32>
    %broadcast_in_dim3A_1873 = vector.shape_cast %reduce_max3A_1872 : vector<2048xf32> to vector<1x2048xf32>
    %sub3A_1874 = vector.broadcast %broadcast_in_dim3A_1873 : vector<1x2048xf32> to vector<8x2048xf32>
    %sub3A_1875 = arith.subf %add3A_230, %sub3A_1874 : vector<8x2048xf32>
    %exp3A_1876 = math.exp %sub3A_1875 : vector<8x2048xf32>
    %mul3A_1877 = arith.mulf %exp3A_1876, %concatenate3A_1870 : vector<8x2048xf32>
    %reduce_sum3A_1878 = arith.constant dense<0.000000e+00> : vector<2048xf32>
    %reduce_sum3A_1879 = vector.multi_reduction <add>, %mul3A_1877, %reduce_sum3A_1878 [0] : vector<8x2048xf32> to vector<2048xf32>
    %broadcast_in_dim3A_1880 = vector.shape_cast %reduce_sum3A_1879 : vector<2048xf32> to vector<1x2048xf32>
    %div3A_1881 = vector.broadcast %broadcast_in_dim3A_1880 : vector<1x2048xf32> to vector<8x2048xf32>
    %div3A_1882 = arith.divf %mul3A_1877, %div3A_1881 : vector<8x2048xf32>
    %broadcast_in_dim3A_1883 = arith.constant 1.000000e+00 : f32
    %broadcast_in_dim3A_1884 = vector.broadcast %broadcast_in_dim3A_1883 : f32 to vector<1x2048xf32>
    %slice3A_1885 = vector.extract_strided_slice %div3A_1882 {offsets = [0, 0], sizes = [7, 2048], strides = [1, 1]} : vector<8x2048xf32> to vector<7x2048xf32>
    %concatenate3A_1886 = tpu.concatenate %broadcast_in_dim3A_1884, %slice3A_1885 in 0 : vector<1x2048xf32>, vector<7x2048xf32> -> vector<8x2048xf32>
    %swap3A_1887 = arith.constant 0 : index
    %swap3A_1888 = arith.constant 0 : index
    %swap3A_1889 = vector.load %arg22[%swap3A_1887, %swap3A_1888] : memref<8x2048xf32, #tpu.memory_space<vmem>>, vector<8x2048xf32>
    tpu.vector_store %arg22[%swap3A_1887, %swap3A_1888], %concatenate3A_1886 {strides = array<i32>} : memref<8x2048xf32, #tpu.memory_space<vmem>>, vector<8x2048xf32>,
    return
  }
  func.func @transform_0(%arg0: i32) -> (i32, i32) {
    %c0_i32 = arith.constant 0 : i32
    %c0_i32_0 = arith.constant 0 : i32
    return %c0_i32, %arg0 : i32, i32
  }
  func.func @transform_1(%arg0: i32) -> (i32, i32, i32) {
    %c0_i32 = arith.constant 0 : i32
    %c0_i32_0 = arith.constant 0 : i32
    %c0_i32_1 = arith.constant 0 : i32
    %c0_i32_2 = arith.constant 0 : i32
    return %c0_i32, %c0_i32_0, %c0_i32_1 : i32, i32, i32
  }
  func.func @transform_2(%arg0: i32) -> (i32, i32) {
    %c0_i32 = arith.constant 0 : i32
    %c0_i32_0 = arith.constant 0 : i32
    %c0_i32_1 = arith.constant 0 : i32
    return %c0_i32, %c0_i32_0 : i32, i32
  }
  func.func @transform_3(%arg0: i32) -> (i32, i32, i32) {
    %c0_i32 = arith.constant 0 : i32
    %c0_i32_0 = arith.constant 0 : i32
    %c0_i32_1 = arith.constant 0 : i32
    %c0_i32_2 = arith.constant 0 : i32
    return %c0_i32, %c0_i32_0, %c0_i32_1 : i32, i32, i32
  }
  func.func @transform_4(%arg0: i32) -> (i32, i32) {
    %c0_i32 = arith.constant 0 : i32
    %c0_i32_0 = arith.constant 0 : i32
    %c0_i32_1 = arith.constant 0 : i32
    return %c0_i32, %c0_i32_0 : i32, i32
  }
  func.func @transform_5(%arg0: i32) -> (i32, i32) {
    %c0_i32 = arith.constant 0 : i32
    %c0_i32_0 = arith.constant 0 : i32
    %c0_i32_1 = arith.constant 0 : i32
    return %c0_i32, %c0_i32_0 : i32, i32
  }
  func.func @transform_6(%arg0: i32) -> (i32, i32, i32) {
    %c0_i32 = arith.constant 0 : i32
    %c0_i32_0 = arith.constant 0 : i32
    %c0_i32_1 = arith.constant 0 : i32
    %c0_i32_2 = arith.constant 0 : i32
    return %c0_i32, %c0_i32_0, %c0_i32_1 : i32, i32, i32
  }
  func.func @transform_7(%arg0: i32) -> (i32, i32) {
    %c0_i32 = arith.constant 0 : i32
    %c0_i32_0 = arith.constant 0 : i32
    %c0_i32_1 = arith.constant 0 : i32
    return %c0_i32, %c0_i32_0 : i32, i32
  }
  func.func @transform_8(%arg0: i32) -> (i32, i32) {
    %c0_i32 = arith.constant 0 : i32
    %c0_i32_0 = arith.constant 0 : i32
    %c0_i32_1 = arith.constant 0 : i32
    return %c0_i32, %c0_i32_0 : i32, i32
  }
  func.func @transform_9(%arg0: i32) -> (i32, i32, i32) {
    %c0_i32 = arith.constant 0 : i32
    %c0_i32_0 = arith.constant 0 : i32
    %c0_i32_1 = arith.constant 0 : i32
    %c0_i32_2 = arith.constant 0 : i32
    return %c0_i32, %c0_i32_0, %c0_i32_1 : i32, i32, i32
  }
  func.func @transform_10(%arg0: i32) -> (i32, i32) {
    %c0_i32 = arith.constant 0 : i32
    %c0_i32_0 = arith.constant 0 : i32
    %c0_i32_1 = arith.constant 0 : i32
    return %c0_i32, %c0_i32_0 : i32, i32
  }
  func.func @transform_11(%arg0: i32) -> (i32, i32, i32) {
    %c0_i32 = arith.constant 0 : i32
    %c0_i32_0 = arith.constant 0 : i32
    %c0_i32_1 = arith.constant 0 : i32
    %c0_i32_2 = arith.constant 0 : i32
    return %c0_i32, %c0_i32_0, %c0_i32_1 : i32, i32, i32
  }
  func.func @transform_12(%arg0: i32) -> (i32, i32) {
    %c0_i32 = arith.constant 0 : i32
    %c0_i32_0 = arith.constant 0 : i32
    %c0_i32_1 = arith.constant 0 : i32
    return %c0_i32, %c0_i32_0 : i32, i32
  }
  func.func @transform_13(%arg0: i32) -> (i32, i32, i32) {
    %c0_i32 = arith.constant 0 : i32
    %c0_i32_0 = arith.constant 0 : i32
    %c0_i32_1 = arith.constant 0 : i32
    %c0_i32_2 = arith.constant 0 : i32
    return %c0_i32, %c0_i32_0, %c0_i32_1 : i32, i32, i32
  }
  func.func @transform_14(%arg0: i32) -> (i32, i32, i32) {
    %c0_i32 = arith.constant 0 : i32
    %c0_i32_0 = arith.constant 0 : i32
    %c0_i32_1 = arith.constant 0 : i32
    %c0_i32_2 = arith.constant 0 : i32
    return %c0_i32, %c0_i32_0, %c0_i32_1 : i32, i32, i32
  }
  func.func @transform_15(%arg0: i32) -> (i32, i32) {
    %c0_i32 = arith.constant 0 : i32
    %c0_i32_0 = arith.constant 0 : i32
    %c0_i32_1 = arith.constant 0 : i32
    return %c0_i32, %c0_i32_0 : i32, i32
  }
  func.func @transform_16(%arg0: i32) -> (i32, i32) {
    %c0_i32 = arith.constant 0 : i32
    %c0_i32_0 = arith.constant 0 : i32
    %c0_i32_1 = arith.constant 0 : i32
    return %c0_i32, %c0_i32_0 : i32, i32
  }
  func.func @transform_17(%arg0: i32) -> (i32, i32, i32) {
    %c0_i32 = arith.constant 0 : i32
    %c0_i32_0 = arith.constant 0 : i32
    %c0_i32_1 = arith.constant 0 : i32
    %c0_i32_2 = arith.constant 0 : i32
    return %c0_i32, %c0_i32_0, %c0_i32_1 : i32, i32, i32
  }
  func.func @transform_18(%arg0: i32) -> (i32, i32) {
    %c0_i32 = arith.constant 0 : i32
    %c0_i32_0 = arith.constant 0 : i32
    %c0_i32_1 = arith.constant 0 : i32
    return %c0_i32, %c0_i32_0 : i32, i32
  }
  func.func @transform_19(%arg0: i32) -> (i32, i32) {
    %c0_i32 = arith.constant 0 : i32
    %c0_i32_0 = arith.constant 0 : i32
    return %c0_i32, %arg0 : i32, i32
  }
  func.func @transform_20(%arg0: i32) -> (i32, i32) {
    %c0_i32 = arith.constant 0 : i32
    %c0_i32_0 = arith.constant 0 : i32
    return %c0_i32, %arg0 : i32, i32
  }
  func.func @transform_21(%arg0: i32) -> (i32, i32) {
    %c0_i32 = arith.constant 0 : i32
    %c0_i32_0 = arith.constant 0 : i32
    return %c0_i32, %arg0 : i32, i32
  }
}

module attributes {stable_mosaic.version = 14 : i64} {
  func.func @_kernel_c(%arg0: i32, %arg1: memref<6x16x2048xf32, #tpu.memory_space<vmem>>, %arg2: memref<8x2048xf32, #tpu.memory_space<vmem>>, %arg3: memref<8x2048xf32, #tpu.memory_space<vmem>>, %arg4: memref<128x16xf32, #tpu.memory_space<vmem>>, %arg5: memref<128xf32, #tpu.memory_space<vmem>>, %arg6: memref<8x64x64xf32, #tpu.memory_space<vmem>>, %arg7: memref<8x64xf32, #tpu.memory_space<vmem>>, %arg8: memref<8x64xf32, #tpu.memory_space<vmem>>, %arg9: memref<8x8x64xf32, #tpu.memory_space<vmem>>, %arg10: memref<8x8xf32, #tpu.memory_space<vmem>>, %arg11: memref<8x2048xf32, #tpu.memory_space<vmem>>) attributes {dimension_semantics = [#tpu.dimension_semantics<arbitrary>], iteration_bounds = array<i64: 64>, scalar_prefetch = 0 : i64, scratch_operands = 0 : i64, tpu.core_type = #tpu.core_type<tc>, window_params = [{transform_indices = @transform_0, window_bounds = array<i64: 6, 16, 2048>}, {transform_indices = @transform_1, window_bounds = array<i64: 8, 2048>}, {transform_indices = @transform_2, window_bounds = array<i64: 8, 2048>}, {pipeline_mode = #tpu.pipeline_mode<synchronous>, transform_indices = @transform_3, window_bounds = array<i64: 128, 16>}, {pipeline_mode = #tpu.pipeline_mode<synchronous>, transform_indices = @transform_4, window_bounds = array<i64: 128>}, {pipeline_mode = #tpu.pipeline_mode<synchronous>, transform_indices = @transform_5, window_bounds = array<i64: 8, 64, 64>}, {pipeline_mode = #tpu.pipeline_mode<synchronous>, transform_indices = @transform_6, window_bounds = array<i64: 8, 64>}, {pipeline_mode = #tpu.pipeline_mode<synchronous>, transform_indices = @transform_7, window_bounds = array<i64: 8, 64>}, {pipeline_mode = #tpu.pipeline_mode<synchronous>, transform_indices = @transform_8, window_bounds = array<i64: 8, 8, 64>}, {pipeline_mode = #tpu.pipeline_mode<synchronous>, transform_indices = @transform_9, window_bounds = array<i64: 8, 8>}, {transform_indices = @transform_10, window_bounds = array<i64: 8, 2048>}]} {
    %get3A = arith.constant 0 : index
    %get3A_0 = arith.constant 0 : index
    %get3A_1 = arith.constant 0 : index
    %get3A_2 = vector.load %arg1[%get3A, %get3A_0, %get3A_1] : memref<6x16x2048xf32, #tpu.memory_space<vmem>>, vector<6x16x2048xf32>
    %get3A_3 = arith.constant 0 : index
    %get3A_4 = arith.constant 0 : index
    %get3A_5 = vector.load %arg2[%get3A_3, %get3A_4] : memref<8x2048xf32, #tpu.memory_space<vmem>>, vector<8x2048xf32>
    %slice3A = vector.extract_strided_slice %get3A_2 {offsets = [0, 0, 0], sizes = [1, 16, 2048], strides = [1, 1, 1]} : vector<6x16x2048xf32> to vector<1x16x2048xf32>
    %squeeze3A = vector.shape_cast %slice3A : vector<1x16x2048xf32> to vector<16x2048xf32>
    %slice3A_6 = vector.extract_strided_slice %get3A_2 {offsets = [1, 0, 0], sizes = [1, 16, 2048], strides = [1, 1, 1]} : vector<6x16x2048xf32> to vector<1x16x2048xf32>
    %squeeze3A_7 = vector.shape_cast %slice3A_6 : vector<1x16x2048xf32> to vector<16x2048xf32>
    %add3A = arith.addf %squeeze3A, %squeeze3A_7 : vector<16x2048xf32>
    %slice3A_8 = vector.extract_strided_slice %get3A_5 {offsets = [2, 0], sizes = [1, 2048], strides = [1, 1]} : vector<8x2048xf32> to vector<1x2048xf32>
    %slice3A_9 = vector.extract_strided_slice %get3A_2 {offsets = [2, 0, 0], sizes = [1, 16, 2048], strides = [1, 1, 1]} : vector<6x16x2048xf32> to vector<1x16x2048xf32>
    %squeeze3A_10 = vector.shape_cast %slice3A_9 : vector<1x16x2048xf32> to vector<16x2048xf32>
    %mul3A = vector.broadcast %slice3A_8 : vector<1x2048xf32> to vector<16x2048xf32>
    %mul3A_11 = arith.mulf %mul3A, %squeeze3A_10 : vector<16x2048xf32>
    %add3A_12 = arith.addf %add3A, %mul3A_11 : vector<16x2048xf32>
    %slice3A_13 = vector.extract_strided_slice %get3A_5 {offsets = [3, 0], sizes = [1, 2048], strides = [1, 1]} : vector<8x2048xf32> to vector<1x2048xf32>
    %slice3A_14 = vector.extract_strided_slice %get3A_2 {offsets = [3, 0, 0], sizes = [1, 16, 2048], strides = [1, 1, 1]} : vector<6x16x2048xf32> to vector<1x16x2048xf32>
    %squeeze3A_15 = vector.shape_cast %slice3A_14 : vector<1x16x2048xf32> to vector<16x2048xf32>
    %mul3A_16 = vector.broadcast %slice3A_13 : vector<1x2048xf32> to vector<16x2048xf32>
    %mul3A_17 = arith.mulf %mul3A_16, %squeeze3A_15 : vector<16x2048xf32>
    %add3A_18 = arith.addf %add3A_12, %mul3A_17 : vector<16x2048xf32>
    %slice3A_19 = vector.extract_strided_slice %get3A_5 {offsets = [4, 0], sizes = [1, 2048], strides = [1, 1]} : vector<8x2048xf32> to vector<1x2048xf32>
    %slice3A_20 = vector.extract_strided_slice %get3A_2 {offsets = [4, 0, 0], sizes = [1, 16, 2048], strides = [1, 1, 1]} : vector<6x16x2048xf32> to vector<1x16x2048xf32>
    %squeeze3A_21 = vector.shape_cast %slice3A_20 : vector<1x16x2048xf32> to vector<16x2048xf32>
    %mul3A_22 = vector.broadcast %slice3A_19 : vector<1x2048xf32> to vector<16x2048xf32>
    %mul3A_23 = arith.mulf %mul3A_22, %squeeze3A_21 : vector<16x2048xf32>
    %add3A_24 = arith.addf %add3A_18, %mul3A_23 : vector<16x2048xf32>
    %slice3A_25 = vector.extract_strided_slice %get3A_5 {offsets = [5, 0], sizes = [1, 2048], strides = [1, 1]} : vector<8x2048xf32> to vector<1x2048xf32>
    %slice3A_26 = vector.extract_strided_slice %get3A_2 {offsets = [5, 0, 0], sizes = [1, 16, 2048], strides = [1, 1, 1]} : vector<6x16x2048xf32> to vector<1x16x2048xf32>
    %squeeze3A_27 = vector.shape_cast %slice3A_26 : vector<1x16x2048xf32> to vector<16x2048xf32>
    %mul3A_28 = vector.broadcast %slice3A_25 : vector<1x2048xf32> to vector<16x2048xf32>
    %mul3A_29 = arith.mulf %mul3A_28, %squeeze3A_27 : vector<16x2048xf32>
    %add3A_30 = arith.addf %add3A_24, %mul3A_29 : vector<16x2048xf32>
    %get3A_31 = arith.constant 0 : index
    %get3A_32 = arith.constant 0 : index
    %get3A_33 = vector.load %arg3[%get3A_31, %get3A_32] : memref<8x2048xf32, #tpu.memory_space<vmem>>, vector<8x2048xf32>
    %get3A_34 = arith.constant 0 : index
    %get3A_35 = arith.constant 0 : index
    %get3A_36 = vector.load %arg4[%get3A_34, %get3A_35] : memref<128x16xf32, #tpu.memory_space<vmem>>, vector<128x16xf32>
    %dot_general3A = arith.constant dense<0.000000e+00> : vector<128x2048xf32>
    %dot_general3A_37 = tpu.matmul %get3A_36, %add3A_30, %dot_general3A {dimension_numbers = #tpu.dot_dimension_numbers<[1], [0], [0], [1], [0, 0, 1, 1], [], []>, transpose_lhs_hint = false} : vector<128x16xf32>, vector<16x2048xf32>, vector<128x2048xf32> -> vector<128x2048xf32>
    %get3A_38 = arith.constant 0 : index
    %get3A_39 = vector.load %arg5[%get3A_38] : memref<128xf32, #tpu.memory_space<vmem>>, vector<128xf32>
    %broadcast_in_dim3A = vector.shape_cast %get3A_39 : vector<128xf32> to vector<128x1xf32>
    %add3A_40 = vector.broadcast %broadcast_in_dim3A : vector<128x1xf32> to vector<128x2048xf32>
    %add3A_41 = arith.addf %dot_general3A_37, %add3A_40 : vector<128x2048xf32>
    %sin3A = math.sin %add3A_41 : vector<128x2048xf32>
    %cos3A = math.cos %add3A_41 : vector<128x2048xf32>
    %broadcast_in_dim3A_42 = arith.constant 0.000000e+00 : f32
    %broadcast_in_dim3A_43 = vector.broadcast %broadcast_in_dim3A_42 : f32 to vector<8x2048xf32>
    %slice3A_44 = vector.extract_strided_slice %sin3A {offsets = [0, 0], sizes = [16, 2048], strides = [1, 1]} : vector<128x2048xf32> to vector<16x2048xf32>
    %slice3A_45 = vector.extract_strided_slice %cos3A {offsets = [0, 0], sizes = [16, 2048], strides = [1, 1]} : vector<128x2048xf32> to vector<16x2048xf32>
    %logistic3A = arith.negf %slice3A_44 : vector<16x2048xf32>
    %logistic3A_46 = math.exp %logistic3A : vector<16x2048xf32>
    %logistic3A_47 = arith.constant 1.000000e+00 : f32
    %logistic3A_48 = vector.broadcast %logistic3A_47 : f32 to vector<16x2048xf32>
    %logistic3A_49 = arith.addf %logistic3A_48, %logistic3A_46 : vector<16x2048xf32>
    %logistic3A_50 = arith.divf %logistic3A_48, %logistic3A_49 : vector<16x2048xf32>
    %mul3A_51 = arith.mulf %slice3A_44, %logistic3A_50 : vector<16x2048xf32>
    %logistic3A_52 = arith.negf %slice3A_45 : vector<16x2048xf32>
    %logistic3A_53 = math.exp %logistic3A_52 : vector<16x2048xf32>
    %logistic3A_54 = arith.constant 1.000000e+00 : f32
    %logistic3A_55 = vector.broadcast %logistic3A_54 : f32 to vector<16x2048xf32>
    %logistic3A_56 = arith.addf %logistic3A_55, %logistic3A_53 : vector<16x2048xf32>
    %logistic3A_57 = arith.divf %logistic3A_55, %logistic3A_56 : vector<16x2048xf32>
    %mul3A_58 = arith.mulf %slice3A_45, %logistic3A_57 : vector<16x2048xf32>
    %concatenate3A = tpu.concatenate %slice3A_44, %mul3A_51, %slice3A_45, %mul3A_58 in 0 : vector<16x2048xf32>, vector<16x2048xf32>, vector<16x2048xf32>, vector<16x2048xf32> -> vector<64x2048xf32>
    %get3A_59 = arith.constant 0 : index
    %get3A_60 = arith.constant 0 : index
    %get3A_61 = arith.constant 0 : index
    %get3A_62 = vector.load %arg6[%get3A_59, %get3A_60, %get3A_61] : memref<8x64x64xf32, #tpu.memory_space<vmem>>, vector<1x64x64xf32>
    %get3A_63 = vector.shape_cast %get3A_62 : vector<1x64x64xf32> to vector<64x64xf32>
    %dot_general3A_64 = arith.constant dense<0.000000e+00> : vector<64x2048xf32>
    %dot_general3A_65 = tpu.matmul %get3A_63, %concatenate3A, %dot_general3A_64 {dimension_numbers = #tpu.dot_dimension_numbers<[1], [0], [0], [1], [0, 0, 1, 1], [], []>, transpose_lhs_hint = false} : vector<64x64xf32>, vector<64x2048xf32>, vector<64x2048xf32> -> vector<64x2048xf32>
    %get3A_66 = arith.constant 0 : index
    %get3A_67 = arith.constant 0 : index
    %get3A_68 = vector.load %arg7[%get3A_66, %get3A_67] : memref<8x64xf32, #tpu.memory_space<vmem>>, vector<1x64xf32>
    %get3A_69 = vector.shape_cast %get3A_68 : vector<1x64xf32> to vector<64xf32>
    %broadcast_in_dim3A_70 = vector.shape_cast %get3A_69 : vector<64xf32> to vector<64x1xf32>
    %add3A_71 = vector.broadcast %broadcast_in_dim3A_70 : vector<64x1xf32> to vector<64x2048xf32>
    %add3A_72 = arith.addf %dot_general3A_65, %add3A_71 : vector<64x2048xf32>
    %mul3A_73 = arith.mulf %add3A_72, %add3A_72 : vector<64x2048xf32>
    %reduce_sum3A = arith.constant dense<0.000000e+00> : vector<2048xf32>
    %reduce_sum3A_74 = vector.multi_reduction <add>, %mul3A_73, %reduce_sum3A [0] : vector<64x2048xf32> to vector<2048xf32>
    %broadcast_in_dim3A_75 = vector.shape_cast %reduce_sum3A_74 : vector<2048xf32> to vector<1x2048xf32>
    %sqrt3A = math.sqrt %broadcast_in_dim3A_75 : vector<1x2048xf32>
    %div3A = arith.constant 8.000000e+00 : f32
    %div3A_76 = vector.broadcast %div3A : f32 to vector<1x2048xf32>
    %div3A_77 = arith.divf %sqrt3A, %div3A_76 : vector<1x2048xf32>
    %get3A_78 = arith.constant 0 : index
    %get3A_79 = arith.constant 0 : index
    %get3A_80 = vector.load %arg8[%get3A_78, %get3A_79] : memref<8x64xf32, #tpu.memory_space<vmem>>, vector<1x64xf32>
    %get3A_81 = vector.shape_cast %get3A_80 : vector<1x64xf32> to vector<64xf32>
    %broadcast_in_dim3A_82 = vector.shape_cast %get3A_81 : vector<64xf32> to vector<64x1xf32>
    %mul3A_83 = vector.broadcast %broadcast_in_dim3A_82 : vector<64x1xf32> to vector<64x2048xf32>
    %mul3A_84 = arith.mulf %mul3A_83, %add3A_72 : vector<64x2048xf32>
    %add3A_85 = arith.constant 9.99999993E-9 : f32
    %add3A_86 = vector.broadcast %add3A_85 : f32 to vector<1x2048xf32>
    %add3A_87 = arith.addf %div3A_77, %add3A_86 : vector<1x2048xf32>
    %div3A_88 = vector.broadcast %add3A_87 : vector<1x2048xf32> to vector<64x2048xf32>
    %div3A_89 = arith.divf %mul3A_84, %div3A_88 : vector<64x2048xf32>
    %get3A_90 = arith.constant 0 : index
    %get3A_91 = arith.constant 0 : index
    %get3A_92 = arith.constant 0 : index
    %get3A_93 = vector.load %arg9[%get3A_90, %get3A_91, %get3A_92] : memref<8x8x64xf32, #tpu.memory_space<vmem>>, vector<1x8x64xf32>
    %get3A_94 = vector.shape_cast %get3A_93 : vector<1x8x64xf32> to vector<8x64xf32>
    %dot_general3A_95 = arith.constant dense<0.000000e+00> : vector<8x2048xf32>
    %dot_general3A_96 = tpu.matmul %get3A_94, %div3A_89, %dot_general3A_95 {dimension_numbers = #tpu.dot_dimension_numbers<[1], [0], [0], [1], [0, 0, 1, 1], [], []>, transpose_lhs_hint = false} : vector<8x64xf32>, vector<64x2048xf32>, vector<8x2048xf32> -> vector<8x2048xf32>
    %get3A_97 = arith.constant 0 : index
    %get3A_98 = arith.constant 0 : index
    %get3A_99 = vector.load %arg10[%get3A_97, %get3A_98] : memref<8x8xf32, #tpu.memory_space<vmem>>, vector<1x8xf32>
    %get3A_100 = vector.shape_cast %get3A_99 : vector<1x8xf32> to vector<8xf32>
    %broadcast_in_dim3A_101 = vector.shape_cast %get3A_100 : vector<8xf32> to vector<8x1xf32>
    %add3A_102 = vector.broadcast %broadcast_in_dim3A_101 : vector<8x1xf32> to vector<8x2048xf32>
    %add3A_103 = arith.addf %dot_general3A_96, %add3A_102 : vector<8x2048xf32>
    %slice3A_104 = vector.extract_strided_slice %get3A_33 {offsets = [0, 0], sizes = [1, 2048], strides = [1, 1]} : vector<8x2048xf32> to vector<1x2048xf32>
    %mul3A_105 = vector.broadcast %slice3A_104 : vector<1x2048xf32> to vector<8x2048xf32>
    %mul3A_106 = arith.mulf %mul3A_105, %add3A_103 : vector<8x2048xf32>
    %add3A_107 = arith.addf %broadcast_in_dim3A_43, %mul3A_106 : vector<8x2048xf32>
    %slice3A_108 = vector.extract_strided_slice %sin3A {offsets = [16, 0], sizes = [16, 2048], strides = [1, 1]} : vector<128x2048xf32> to vector<16x2048xf32>
    %slice3A_109 = vector.extract_strided_slice %cos3A {offsets = [16, 0], sizes = [16, 2048], strides = [1, 1]} : vector<128x2048xf32> to vector<16x2048xf32>
    %logistic3A_110 = arith.negf %slice3A_108 : vector<16x2048xf32>
    %logistic3A_111 = math.exp %logistic3A_110 : vector<16x2048xf32>
    %logistic3A_112 = arith.constant 1.000000e+00 : f32
    %logistic3A_113 = vector.broadcast %logistic3A_112 : f32 to vector<16x2048xf32>
    %logistic3A_114 = arith.addf %logistic3A_113, %logistic3A_111 : vector<16x2048xf32>
    %logistic3A_115 = arith.divf %logistic3A_113, %logistic3A_114 : vector<16x2048xf32>
    %mul3A_116 = arith.mulf %slice3A_108, %logistic3A_115 : vector<16x2048xf32>
    %logistic3A_117 = arith.negf %slice3A_109 : vector<16x2048xf32>
    %logistic3A_118 = math.exp %logistic3A_117 : vector<16x2048xf32>
    %logistic3A_119 = arith.constant 1.000000e+00 : f32
    %logistic3A_120 = vector.broadcast %logistic3A_119 : f32 to vector<16x2048xf32>
    %logistic3A_121 = arith.addf %logistic3A_120, %logistic3A_118 : vector<16x2048xf32>
    %logistic3A_122 = arith.divf %logistic3A_120, %logistic3A_121 : vector<16x2048xf32>
    %mul3A_123 = arith.mulf %slice3A_109, %logistic3A_122 : vector<16x2048xf32>
    %concatenate3A_124 = tpu.concatenate %slice3A_108, %mul3A_116, %slice3A_109, %mul3A_123 in 0 : vector<16x2048xf32>, vector<16x2048xf32>, vector<16x2048xf32>, vector<16x2048xf32> -> vector<64x2048xf32>
    %get3A_125 = arith.constant 1 : index
    %get3A_126 = arith.constant 0 : index
    %get3A_127 = arith.constant 0 : index
    %get3A_128 = vector.load %arg6[%get3A_125, %get3A_126, %get3A_127] : memref<8x64x64xf32, #tpu.memory_space<vmem>>, vector<1x64x64xf32>
    %get3A_129 = vector.shape_cast %get3A_128 : vector<1x64x64xf32> to vector<64x64xf32>
    %dot_general3A_130 = arith.constant dense<0.000000e+00> : vector<64x2048xf32>
    %dot_general3A_131 = tpu.matmul %get3A_129, %concatenate3A_124, %dot_general3A_130 {dimension_numbers = #tpu.dot_dimension_numbers<[1], [0], [0], [1], [0, 0, 1, 1], [], []>, transpose_lhs_hint = false} : vector<64x64xf32>, vector<64x2048xf32>, vector<64x2048xf32> -> vector<64x2048xf32>
    %get3A_132 = arith.constant 1 : index
    %get3A_133 = arith.constant 0 : index
    %get3A_134 = vector.load %arg7[%get3A_132, %get3A_133] : memref<8x64xf32, #tpu.memory_space<vmem>>, vector<1x64xf32>
    %get3A_135 = vector.shape_cast %get3A_134 : vector<1x64xf32> to vector<64xf32>
    %broadcast_in_dim3A_136 = vector.shape_cast %get3A_135 : vector<64xf32> to vector<64x1xf32>
    %add3A_137 = vector.broadcast %broadcast_in_dim3A_136 : vector<64x1xf32> to vector<64x2048xf32>
    %add3A_138 = arith.addf %dot_general3A_131, %add3A_137 : vector<64x2048xf32>
    %mul3A_139 = arith.mulf %add3A_138, %add3A_138 : vector<64x2048xf32>
    %reduce_sum3A_140 = arith.constant dense<0.000000e+00> : vector<2048xf32>
    %reduce_sum3A_141 = vector.multi_reduction <add>, %mul3A_139, %reduce_sum3A_140 [0] : vector<64x2048xf32> to vector<2048xf32>
    %broadcast_in_dim3A_142 = vector.shape_cast %reduce_sum3A_141 : vector<2048xf32> to vector<1x2048xf32>
    %sqrt3A_143 = math.sqrt %broadcast_in_dim3A_142 : vector<1x2048xf32>
    %div3A_144 = arith.constant 8.000000e+00 : f32
    %div3A_145 = vector.broadcast %div3A_144 : f32 to vector<1x2048xf32>
    %div3A_146 = arith.divf %sqrt3A_143, %div3A_145 : vector<1x2048xf32>
    %get3A_147 = arith.constant 1 : index
    %get3A_148 = arith.constant 0 : index
    %get3A_149 = vector.load %arg8[%get3A_147, %get3A_148] : memref<8x64xf32, #tpu.memory_space<vmem>>, vector<1x64xf32>
    %get3A_150 = vector.shape_cast %get3A_149 : vector<1x64xf32> to vector<64xf32>
    %broadcast_in_dim3A_151 = vector.shape_cast %get3A_150 : vector<64xf32> to vector<64x1xf32>
    %mul3A_152 = vector.broadcast %broadcast_in_dim3A_151 : vector<64x1xf32> to vector<64x2048xf32>
    %mul3A_153 = arith.mulf %mul3A_152, %add3A_138 : vector<64x2048xf32>
    %add3A_154 = arith.constant 9.99999993E-9 : f32
    %add3A_155 = vector.broadcast %add3A_154 : f32 to vector<1x2048xf32>
    %add3A_156 = arith.addf %div3A_146, %add3A_155 : vector<1x2048xf32>
    %div3A_157 = vector.broadcast %add3A_156 : vector<1x2048xf32> to vector<64x2048xf32>
    %div3A_158 = arith.divf %mul3A_153, %div3A_157 : vector<64x2048xf32>
    %get3A_159 = arith.constant 1 : index
    %get3A_160 = arith.constant 0 : index
    %get3A_161 = arith.constant 0 : index
    %get3A_162 = vector.load %arg9[%get3A_159, %get3A_160, %get3A_161] : memref<8x8x64xf32, #tpu.memory_space<vmem>>, vector<1x8x64xf32>
    %get3A_163 = vector.shape_cast %get3A_162 : vector<1x8x64xf32> to vector<8x64xf32>
    %dot_general3A_164 = arith.constant dense<0.000000e+00> : vector<8x2048xf32>
    %dot_general3A_165 = tpu.matmul %get3A_163, %div3A_158, %dot_general3A_164 {dimension_numbers = #tpu.dot_dimension_numbers<[1], [0], [0], [1], [0, 0, 1, 1], [], []>, transpose_lhs_hint = false} : vector<8x64xf32>, vector<64x2048xf32>, vector<8x2048xf32> -> vector<8x2048xf32>
    %get3A_166 = arith.constant 1 : index
    %get3A_167 = arith.constant 0 : index
    %get3A_168 = vector.load %arg10[%get3A_166, %get3A_167] : memref<8x8xf32, #tpu.memory_space<vmem>>, vector<1x8xf32>
    %get3A_169 = vector.shape_cast %get3A_168 : vector<1x8xf32> to vector<8xf32>
    %broadcast_in_dim3A_170 = vector.shape_cast %get3A_169 : vector<8xf32> to vector<8x1xf32>
    %add3A_171 = vector.broadcast %broadcast_in_dim3A_170 : vector<8x1xf32> to vector<8x2048xf32>
    %add3A_172 = arith.addf %dot_general3A_165, %add3A_171 : vector<8x2048xf32>
    %slice3A_173 = vector.extract_strided_slice %get3A_33 {offsets = [1, 0], sizes = [1, 2048], strides = [1, 1]} : vector<8x2048xf32> to vector<1x2048xf32>
    %mul3A_174 = vector.broadcast %slice3A_173 : vector<1x2048xf32> to vector<8x2048xf32>
    %mul3A_175 = arith.mulf %mul3A_174, %add3A_172 : vector<8x2048xf32>
    %add3A_176 = arith.addf %add3A_107, %mul3A_175 : vector<8x2048xf32>
    %slice3A_177 = vector.extract_strided_slice %sin3A {offsets = [32, 0], sizes = [16, 2048], strides = [1, 1]} : vector<128x2048xf32> to vector<16x2048xf32>
    %slice3A_178 = vector.extract_strided_slice %cos3A {offsets = [32, 0], sizes = [16, 2048], strides = [1, 1]} : vector<128x2048xf32> to vector<16x2048xf32>
    %logistic3A_179 = arith.negf %slice3A_177 : vector<16x2048xf32>
    %logistic3A_180 = math.exp %logistic3A_179 : vector<16x2048xf32>
    %logistic3A_181 = arith.constant 1.000000e+00 : f32
    %logistic3A_182 = vector.broadcast %logistic3A_181 : f32 to vector<16x2048xf32>
    %logistic3A_183 = arith.addf %logistic3A_182, %logistic3A_180 : vector<16x2048xf32>
    %logistic3A_184 = arith.divf %logistic3A_182, %logistic3A_183 : vector<16x2048xf32>
    %mul3A_185 = arith.mulf %slice3A_177, %logistic3A_184 : vector<16x2048xf32>
    %logistic3A_186 = arith.negf %slice3A_178 : vector<16x2048xf32>
    %logistic3A_187 = math.exp %logistic3A_186 : vector<16x2048xf32>
    %logistic3A_188 = arith.constant 1.000000e+00 : f32
    %logistic3A_189 = vector.broadcast %logistic3A_188 : f32 to vector<16x2048xf32>
    %logistic3A_190 = arith.addf %logistic3A_189, %logistic3A_187 : vector<16x2048xf32>
    %logistic3A_191 = arith.divf %logistic3A_189, %logistic3A_190 : vector<16x2048xf32>
    %mul3A_192 = arith.mulf %slice3A_178, %logistic3A_191 : vector<16x2048xf32>
    %concatenate3A_193 = tpu.concatenate %slice3A_177, %mul3A_185, %slice3A_178, %mul3A_192 in 0 : vector<16x2048xf32>, vector<16x2048xf32>, vector<16x2048xf32>, vector<16x2048xf32> -> vector<64x2048xf32>
    %get3A_194 = arith.constant 2 : index
    %get3A_195 = arith.constant 0 : index
    %get3A_196 = arith.constant 0 : index
    %get3A_197 = vector.load %arg6[%get3A_194, %get3A_195, %get3A_196] : memref<8x64x64xf32, #tpu.memory_space<vmem>>, vector<1x64x64xf32>
    %get3A_198 = vector.shape_cast %get3A_197 : vector<1x64x64xf32> to vector<64x64xf32>
    %dot_general3A_199 = arith.constant dense<0.000000e+00> : vector<64x2048xf32>
    %dot_general3A_200 = tpu.matmul %get3A_198, %concatenate3A_193, %dot_general3A_199 {dimension_numbers = #tpu.dot_dimension_numbers<[1], [0], [0], [1], [0, 0, 1, 1], [], []>, transpose_lhs_hint = false} : vector<64x64xf32>, vector<64x2048xf32>, vector<64x2048xf32> -> vector<64x2048xf32>
    %get3A_201 = arith.constant 2 : index
    %get3A_202 = arith.constant 0 : index
    %get3A_203 = vector.load %arg7[%get3A_201, %get3A_202] : memref<8x64xf32, #tpu.memory_space<vmem>>, vector<1x64xf32>
    %get3A_204 = vector.shape_cast %get3A_203 : vector<1x64xf32> to vector<64xf32>
    %broadcast_in_dim3A_205 = vector.shape_cast %get3A_204 : vector<64xf32> to vector<64x1xf32>
    %add3A_206 = vector.broadcast %broadcast_in_dim3A_205 : vector<64x1xf32> to vector<64x2048xf32>
    %add3A_207 = arith.addf %dot_general3A_200, %add3A_206 : vector<64x2048xf32>
    %mul3A_208 = arith.mulf %add3A_207, %add3A_207 : vector<64x2048xf32>
    %reduce_sum3A_209 = arith.constant dense<0.000000e+00> : vector<2048xf32>
    %reduce_sum3A_210 = vector.multi_reduction <add>, %mul3A_208, %reduce_sum3A_209 [0] : vector<64x2048xf32> to vector<2048xf32>
    %broadcast_in_dim3A_211 = vector.shape_cast %reduce_sum3A_210 : vector<2048xf32> to vector<1x2048xf32>
    %sqrt3A_212 = math.sqrt %broadcast_in_dim3A_211 : vector<1x2048xf32>
    %div3A_213 = arith.constant 8.000000e+00 : f32
    %div3A_214 = vector.broadcast %div3A_213 : f32 to vector<1x2048xf32>
    %div3A_215 = arith.divf %sqrt3A_212, %div3A_214 : vector<1x2048xf32>
    %get3A_216 = arith.constant 2 : index
    %get3A_217 = arith.constant 0 : index
    %get3A_218 = vector.load %arg8[%get3A_216, %get3A_217] : memref<8x64xf32, #tpu.memory_space<vmem>>, vector<1x64xf32>
    %get3A_219 = vector.shape_cast %get3A_218 : vector<1x64xf32> to vector<64xf32>
    %broadcast_in_dim3A_220 = vector.shape_cast %get3A_219 : vector<64xf32> to vector<64x1xf32>
    %mul3A_221 = vector.broadcast %broadcast_in_dim3A_220 : vector<64x1xf32> to vector<64x2048xf32>
    %mul3A_222 = arith.mulf %mul3A_221, %add3A_207 : vector<64x2048xf32>
    %add3A_223 = arith.constant 9.99999993E-9 : f32
    %add3A_224 = vector.broadcast %add3A_223 : f32 to vector<1x2048xf32>
    %add3A_225 = arith.addf %div3A_215, %add3A_224 : vector<1x2048xf32>
    %div3A_226 = vector.broadcast %add3A_225 : vector<1x2048xf32> to vector<64x2048xf32>
    %div3A_227 = arith.divf %mul3A_222, %div3A_226 : vector<64x2048xf32>
    %get3A_228 = arith.constant 2 : index
    %get3A_229 = arith.constant 0 : index
    %get3A_230 = arith.constant 0 : index
    %get3A_231 = vector.load %arg9[%get3A_228, %get3A_229, %get3A_230] : memref<8x8x64xf32, #tpu.memory_space<vmem>>, vector<1x8x64xf32>
    %get3A_232 = vector.shape_cast %get3A_231 : vector<1x8x64xf32> to vector<8x64xf32>
    %dot_general3A_233 = arith.constant dense<0.000000e+00> : vector<8x2048xf32>
    %dot_general3A_234 = tpu.matmul %get3A_232, %div3A_227, %dot_general3A_233 {dimension_numbers = #tpu.dot_dimension_numbers<[1], [0], [0], [1], [0, 0, 1, 1], [], []>, transpose_lhs_hint = false} : vector<8x64xf32>, vector<64x2048xf32>, vector<8x2048xf32> -> vector<8x2048xf32>
    %get3A_235 = arith.constant 2 : index
    %get3A_236 = arith.constant 0 : index
    %get3A_237 = vector.load %arg10[%get3A_235, %get3A_236] : memref<8x8xf32, #tpu.memory_space<vmem>>, vector<1x8xf32>
    %get3A_238 = vector.shape_cast %get3A_237 : vector<1x8xf32> to vector<8xf32>
    %broadcast_in_dim3A_239 = vector.shape_cast %get3A_238 : vector<8xf32> to vector<8x1xf32>
    %add3A_240 = vector.broadcast %broadcast_in_dim3A_239 : vector<8x1xf32> to vector<8x2048xf32>
    %add3A_241 = arith.addf %dot_general3A_234, %add3A_240 : vector<8x2048xf32>
    %slice3A_242 = vector.extract_strided_slice %get3A_33 {offsets = [2, 0], sizes = [1, 2048], strides = [1, 1]} : vector<8x2048xf32> to vector<1x2048xf32>
    %mul3A_243 = vector.broadcast %slice3A_242 : vector<1x2048xf32> to vector<8x2048xf32>
    %mul3A_244 = arith.mulf %mul3A_243, %add3A_241 : vector<8x2048xf32>
    %add3A_245 = arith.addf %add3A_176, %mul3A_244 : vector<8x2048xf32>
    %slice3A_246 = vector.extract_strided_slice %sin3A {offsets = [48, 0], sizes = [16, 2048], strides = [1, 1]} : vector<128x2048xf32> to vector<16x2048xf32>
    %slice3A_247 = vector.extract_strided_slice %cos3A {offsets = [48, 0], sizes = [16, 2048], strides = [1, 1]} : vector<128x2048xf32> to vector<16x2048xf32>
    %logistic3A_248 = arith.negf %slice3A_246 : vector<16x2048xf32>
    %logistic3A_249 = math.exp %logistic3A_248 : vector<16x2048xf32>
    %logistic3A_250 = arith.constant 1.000000e+00 : f32
    %logistic3A_251 = vector.broadcast %logistic3A_250 : f32 to vector<16x2048xf32>
    %logistic3A_252 = arith.addf %logistic3A_251, %logistic3A_249 : vector<16x2048xf32>
    %logistic3A_253 = arith.divf %logistic3A_251, %logistic3A_252 : vector<16x2048xf32>
    %mul3A_254 = arith.mulf %slice3A_246, %logistic3A_253 : vector<16x2048xf32>
    %logistic3A_255 = arith.negf %slice3A_247 : vector<16x2048xf32>
    %logistic3A_256 = math.exp %logistic3A_255 : vector<16x2048xf32>
    %logistic3A_257 = arith.constant 1.000000e+00 : f32
    %logistic3A_258 = vector.broadcast %logistic3A_257 : f32 to vector<16x2048xf32>
    %logistic3A_259 = arith.addf %logistic3A_258, %logistic3A_256 : vector<16x2048xf32>
    %logistic3A_260 = arith.divf %logistic3A_258, %logistic3A_259 : vector<16x2048xf32>
    %mul3A_261 = arith.mulf %slice3A_247, %logistic3A_260 : vector<16x2048xf32>
    %concatenate3A_262 = tpu.concatenate %slice3A_246, %mul3A_254, %slice3A_247, %mul3A_261 in 0 : vector<16x2048xf32>, vector<16x2048xf32>, vector<16x2048xf32>, vector<16x2048xf32> -> vector<64x2048xf32>
    %get3A_263 = arith.constant 3 : index
    %get3A_264 = arith.constant 0 : index
    %get3A_265 = arith.constant 0 : index
    %get3A_266 = vector.load %arg6[%get3A_263, %get3A_264, %get3A_265] : memref<8x64x64xf32, #tpu.memory_space<vmem>>, vector<1x64x64xf32>
    %get3A_267 = vector.shape_cast %get3A_266 : vector<1x64x64xf32> to vector<64x64xf32>
    %dot_general3A_268 = arith.constant dense<0.000000e+00> : vector<64x2048xf32>
    %dot_general3A_269 = tpu.matmul %get3A_267, %concatenate3A_262, %dot_general3A_268 {dimension_numbers = #tpu.dot_dimension_numbers<[1], [0], [0], [1], [0, 0, 1, 1], [], []>, transpose_lhs_hint = false} : vector<64x64xf32>, vector<64x2048xf32>, vector<64x2048xf32> -> vector<64x2048xf32>
    %get3A_270 = arith.constant 3 : index
    %get3A_271 = arith.constant 0 : index
    %get3A_272 = vector.load %arg7[%get3A_270, %get3A_271] : memref<8x64xf32, #tpu.memory_space<vmem>>, vector<1x64xf32>
    %get3A_273 = vector.shape_cast %get3A_272 : vector<1x64xf32> to vector<64xf32>
    %broadcast_in_dim3A_274 = vector.shape_cast %get3A_273 : vector<64xf32> to vector<64x1xf32>
    %add3A_275 = vector.broadcast %broadcast_in_dim3A_274 : vector<64x1xf32> to vector<64x2048xf32>
    %add3A_276 = arith.addf %dot_general3A_269, %add3A_275 : vector<64x2048xf32>
    %mul3A_277 = arith.mulf %add3A_276, %add3A_276 : vector<64x2048xf32>
    %reduce_sum3A_278 = arith.constant dense<0.000000e+00> : vector<2048xf32>
    %reduce_sum3A_279 = vector.multi_reduction <add>, %mul3A_277, %reduce_sum3A_278 [0] : vector<64x2048xf32> to vector<2048xf32>
    %broadcast_in_dim3A_280 = vector.shape_cast %reduce_sum3A_279 : vector<2048xf32> to vector<1x2048xf32>
    %sqrt3A_281 = math.sqrt %broadcast_in_dim3A_280 : vector<1x2048xf32>
    %div3A_282 = arith.constant 8.000000e+00 : f32
    %div3A_283 = vector.broadcast %div3A_282 : f32 to vector<1x2048xf32>
    %div3A_284 = arith.divf %sqrt3A_281, %div3A_283 : vector<1x2048xf32>
    %get3A_285 = arith.constant 3 : index
    %get3A_286 = arith.constant 0 : index
    %get3A_287 = vector.load %arg8[%get3A_285, %get3A_286] : memref<8x64xf32, #tpu.memory_space<vmem>>, vector<1x64xf32>
    %get3A_288 = vector.shape_cast %get3A_287 : vector<1x64xf32> to vector<64xf32>
    %broadcast_in_dim3A_289 = vector.shape_cast %get3A_288 : vector<64xf32> to vector<64x1xf32>
    %mul3A_290 = vector.broadcast %broadcast_in_dim3A_289 : vector<64x1xf32> to vector<64x2048xf32>
    %mul3A_291 = arith.mulf %mul3A_290, %add3A_276 : vector<64x2048xf32>
    %add3A_292 = arith.constant 9.99999993E-9 : f32
    %add3A_293 = vector.broadcast %add3A_292 : f32 to vector<1x2048xf32>
    %add3A_294 = arith.addf %div3A_284, %add3A_293 : vector<1x2048xf32>
    %div3A_295 = vector.broadcast %add3A_294 : vector<1x2048xf32> to vector<64x2048xf32>
    %div3A_296 = arith.divf %mul3A_291, %div3A_295 : vector<64x2048xf32>
    %get3A_297 = arith.constant 3 : index
    %get3A_298 = arith.constant 0 : index
    %get3A_299 = arith.constant 0 : index
    %get3A_300 = vector.load %arg9[%get3A_297, %get3A_298, %get3A_299] : memref<8x8x64xf32, #tpu.memory_space<vmem>>, vector<1x8x64xf32>
    %get3A_301 = vector.shape_cast %get3A_300 : vector<1x8x64xf32> to vector<8x64xf32>
    %dot_general3A_302 = arith.constant dense<0.000000e+00> : vector<8x2048xf32>
    %dot_general3A_303 = tpu.matmul %get3A_301, %div3A_296, %dot_general3A_302 {dimension_numbers = #tpu.dot_dimension_numbers<[1], [0], [0], [1], [0, 0, 1, 1], [], []>, transpose_lhs_hint = false} : vector<8x64xf32>, vector<64x2048xf32>, vector<8x2048xf32> -> vector<8x2048xf32>
    %get3A_304 = arith.constant 3 : index
    %get3A_305 = arith.constant 0 : index
    %get3A_306 = vector.load %arg10[%get3A_304, %get3A_305] : memref<8x8xf32, #tpu.memory_space<vmem>>, vector<1x8xf32>
    %get3A_307 = vector.shape_cast %get3A_306 : vector<1x8xf32> to vector<8xf32>
    %broadcast_in_dim3A_308 = vector.shape_cast %get3A_307 : vector<8xf32> to vector<8x1xf32>
    %add3A_309 = vector.broadcast %broadcast_in_dim3A_308 : vector<8x1xf32> to vector<8x2048xf32>
    %add3A_310 = arith.addf %dot_general3A_303, %add3A_309 : vector<8x2048xf32>
    %slice3A_311 = vector.extract_strided_slice %get3A_33 {offsets = [3, 0], sizes = [1, 2048], strides = [1, 1]} : vector<8x2048xf32> to vector<1x2048xf32>
    %mul3A_312 = vector.broadcast %slice3A_311 : vector<1x2048xf32> to vector<8x2048xf32>
    %mul3A_313 = arith.mulf %mul3A_312, %add3A_310 : vector<8x2048xf32>
    %add3A_314 = arith.addf %add3A_245, %mul3A_313 : vector<8x2048xf32>
    %slice3A_315 = vector.extract_strided_slice %sin3A {offsets = [64, 0], sizes = [16, 2048], strides = [1, 1]} : vector<128x2048xf32> to vector<16x2048xf32>
    %slice3A_316 = vector.extract_strided_slice %cos3A {offsets = [64, 0], sizes = [16, 2048], strides = [1, 1]} : vector<128x2048xf32> to vector<16x2048xf32>
    %logistic3A_317 = arith.negf %slice3A_315 : vector<16x2048xf32>
    %logistic3A_318 = math.exp %logistic3A_317 : vector<16x2048xf32>
    %logistic3A_319 = arith.constant 1.000000e+00 : f32
    %logistic3A_320 = vector.broadcast %logistic3A_319 : f32 to vector<16x2048xf32>
    %logistic3A_321 = arith.addf %logistic3A_320, %logistic3A_318 : vector<16x2048xf32>
    %logistic3A_322 = arith.divf %logistic3A_320, %logistic3A_321 : vector<16x2048xf32>
    %mul3A_323 = arith.mulf %slice3A_315, %logistic3A_322 : vector<16x2048xf32>
    %logistic3A_324 = arith.negf %slice3A_316 : vector<16x2048xf32>
    %logistic3A_325 = math.exp %logistic3A_324 : vector<16x2048xf32>
    %logistic3A_326 = arith.constant 1.000000e+00 : f32
    %logistic3A_327 = vector.broadcast %logistic3A_326 : f32 to vector<16x2048xf32>
    %logistic3A_328 = arith.addf %logistic3A_327, %logistic3A_325 : vector<16x2048xf32>
    %logistic3A_329 = arith.divf %logistic3A_327, %logistic3A_328 : vector<16x2048xf32>
    %mul3A_330 = arith.mulf %slice3A_316, %logistic3A_329 : vector<16x2048xf32>
    %concatenate3A_331 = tpu.concatenate %slice3A_315, %mul3A_323, %slice3A_316, %mul3A_330 in 0 : vector<16x2048xf32>, vector<16x2048xf32>, vector<16x2048xf32>, vector<16x2048xf32> -> vector<64x2048xf32>
    %get3A_332 = arith.constant 4 : index
    %get3A_333 = arith.constant 0 : index
    %get3A_334 = arith.constant 0 : index
    %get3A_335 = vector.load %arg6[%get3A_332, %get3A_333, %get3A_334] : memref<8x64x64xf32, #tpu.memory_space<vmem>>, vector<1x64x64xf32>
    %get3A_336 = vector.shape_cast %get3A_335 : vector<1x64x64xf32> to vector<64x64xf32>
    %dot_general3A_337 = arith.constant dense<0.000000e+00> : vector<64x2048xf32>
    %dot_general3A_338 = tpu.matmul %get3A_336, %concatenate3A_331, %dot_general3A_337 {dimension_numbers = #tpu.dot_dimension_numbers<[1], [0], [0], [1], [0, 0, 1, 1], [], []>, transpose_lhs_hint = false} : vector<64x64xf32>, vector<64x2048xf32>, vector<64x2048xf32> -> vector<64x2048xf32>
    %get3A_339 = arith.constant 4 : index
    %get3A_340 = arith.constant 0 : index
    %get3A_341 = vector.load %arg7[%get3A_339, %get3A_340] : memref<8x64xf32, #tpu.memory_space<vmem>>, vector<1x64xf32>
    %get3A_342 = vector.shape_cast %get3A_341 : vector<1x64xf32> to vector<64xf32>
    %broadcast_in_dim3A_343 = vector.shape_cast %get3A_342 : vector<64xf32> to vector<64x1xf32>
    %add3A_344 = vector.broadcast %broadcast_in_dim3A_343 : vector<64x1xf32> to vector<64x2048xf32>
    %add3A_345 = arith.addf %dot_general3A_338, %add3A_344 : vector<64x2048xf32>
    %mul3A_346 = arith.mulf %add3A_345, %add3A_345 : vector<64x2048xf32>
    %reduce_sum3A_347 = arith.constant dense<0.000000e+00> : vector<2048xf32>
    %reduce_sum3A_348 = vector.multi_reduction <add>, %mul3A_346, %reduce_sum3A_347 [0] : vector<64x2048xf32> to vector<2048xf32>
    %broadcast_in_dim3A_349 = vector.shape_cast %reduce_sum3A_348 : vector<2048xf32> to vector<1x2048xf32>
    %sqrt3A_350 = math.sqrt %broadcast_in_dim3A_349 : vector<1x2048xf32>
    %div3A_351 = arith.constant 8.000000e+00 : f32
    %div3A_352 = vector.broadcast %div3A_351 : f32 to vector<1x2048xf32>
    %div3A_353 = arith.divf %sqrt3A_350, %div3A_352 : vector<1x2048xf32>
    %get3A_354 = arith.constant 4 : index
    %get3A_355 = arith.constant 0 : index
    %get3A_356 = vector.load %arg8[%get3A_354, %get3A_355] : memref<8x64xf32, #tpu.memory_space<vmem>>, vector<1x64xf32>
    %get3A_357 = vector.shape_cast %get3A_356 : vector<1x64xf32> to vector<64xf32>
    %broadcast_in_dim3A_358 = vector.shape_cast %get3A_357 : vector<64xf32> to vector<64x1xf32>
    %mul3A_359 = vector.broadcast %broadcast_in_dim3A_358 : vector<64x1xf32> to vector<64x2048xf32>
    %mul3A_360 = arith.mulf %mul3A_359, %add3A_345 : vector<64x2048xf32>
    %add3A_361 = arith.constant 9.99999993E-9 : f32
    %add3A_362 = vector.broadcast %add3A_361 : f32 to vector<1x2048xf32>
    %add3A_363 = arith.addf %div3A_353, %add3A_362 : vector<1x2048xf32>
    %div3A_364 = vector.broadcast %add3A_363 : vector<1x2048xf32> to vector<64x2048xf32>
    %div3A_365 = arith.divf %mul3A_360, %div3A_364 : vector<64x2048xf32>
    %get3A_366 = arith.constant 4 : index
    %get3A_367 = arith.constant 0 : index
    %get3A_368 = arith.constant 0 : index
    %get3A_369 = vector.load %arg9[%get3A_366, %get3A_367, %get3A_368] : memref<8x8x64xf32, #tpu.memory_space<vmem>>, vector<1x8x64xf32>
    %get3A_370 = vector.shape_cast %get3A_369 : vector<1x8x64xf32> to vector<8x64xf32>
    %dot_general3A_371 = arith.constant dense<0.000000e+00> : vector<8x2048xf32>
    %dot_general3A_372 = tpu.matmul %get3A_370, %div3A_365, %dot_general3A_371 {dimension_numbers = #tpu.dot_dimension_numbers<[1], [0], [0], [1], [0, 0, 1, 1], [], []>, transpose_lhs_hint = false} : vector<8x64xf32>, vector<64x2048xf32>, vector<8x2048xf32> -> vector<8x2048xf32>
    %get3A_373 = arith.constant 4 : index
    %get3A_374 = arith.constant 0 : index
    %get3A_375 = vector.load %arg10[%get3A_373, %get3A_374] : memref<8x8xf32, #tpu.memory_space<vmem>>, vector<1x8xf32>
    %get3A_376 = vector.shape_cast %get3A_375 : vector<1x8xf32> to vector<8xf32>
    %broadcast_in_dim3A_377 = vector.shape_cast %get3A_376 : vector<8xf32> to vector<8x1xf32>
    %add3A_378 = vector.broadcast %broadcast_in_dim3A_377 : vector<8x1xf32> to vector<8x2048xf32>
    %add3A_379 = arith.addf %dot_general3A_372, %add3A_378 : vector<8x2048xf32>
    %slice3A_380 = vector.extract_strided_slice %get3A_33 {offsets = [4, 0], sizes = [1, 2048], strides = [1, 1]} : vector<8x2048xf32> to vector<1x2048xf32>
    %mul3A_381 = vector.broadcast %slice3A_380 : vector<1x2048xf32> to vector<8x2048xf32>
    %mul3A_382 = arith.mulf %mul3A_381, %add3A_379 : vector<8x2048xf32>
    %add3A_383 = arith.addf %add3A_314, %mul3A_382 : vector<8x2048xf32>
    %slice3A_384 = vector.extract_strided_slice %sin3A {offsets = [80, 0], sizes = [16, 2048], strides = [1, 1]} : vector<128x2048xf32> to vector<16x2048xf32>
    %slice3A_385 = vector.extract_strided_slice %cos3A {offsets = [80, 0], sizes = [16, 2048], strides = [1, 1]} : vector<128x2048xf32> to vector<16x2048xf32>
    %logistic3A_386 = arith.negf %slice3A_384 : vector<16x2048xf32>
    %logistic3A_387 = math.exp %logistic3A_386 : vector<16x2048xf32>
    %logistic3A_388 = arith.constant 1.000000e+00 : f32
    %logistic3A_389 = vector.broadcast %logistic3A_388 : f32 to vector<16x2048xf32>
    %logistic3A_390 = arith.addf %logistic3A_389, %logistic3A_387 : vector<16x2048xf32>
    %logistic3A_391 = arith.divf %logistic3A_389, %logistic3A_390 : vector<16x2048xf32>
    %mul3A_392 = arith.mulf %slice3A_384, %logistic3A_391 : vector<16x2048xf32>
    %logistic3A_393 = arith.negf %slice3A_385 : vector<16x2048xf32>
    %logistic3A_394 = math.exp %logistic3A_393 : vector<16x2048xf32>
    %logistic3A_395 = arith.constant 1.000000e+00 : f32
    %logistic3A_396 = vector.broadcast %logistic3A_395 : f32 to vector<16x2048xf32>
    %logistic3A_397 = arith.addf %logistic3A_396, %logistic3A_394 : vector<16x2048xf32>
    %logistic3A_398 = arith.divf %logistic3A_396, %logistic3A_397 : vector<16x2048xf32>
    %mul3A_399 = arith.mulf %slice3A_385, %logistic3A_398 : vector<16x2048xf32>
    %concatenate3A_400 = tpu.concatenate %slice3A_384, %mul3A_392, %slice3A_385, %mul3A_399 in 0 : vector<16x2048xf32>, vector<16x2048xf32>, vector<16x2048xf32>, vector<16x2048xf32> -> vector<64x2048xf32>
    %get3A_401 = arith.constant 5 : index
    %get3A_402 = arith.constant 0 : index
    %get3A_403 = arith.constant 0 : index
    %get3A_404 = vector.load %arg6[%get3A_401, %get3A_402, %get3A_403] : memref<8x64x64xf32, #tpu.memory_space<vmem>>, vector<1x64x64xf32>
    %get3A_405 = vector.shape_cast %get3A_404 : vector<1x64x64xf32> to vector<64x64xf32>
    %dot_general3A_406 = arith.constant dense<0.000000e+00> : vector<64x2048xf32>
    %dot_general3A_407 = tpu.matmul %get3A_405, %concatenate3A_400, %dot_general3A_406 {dimension_numbers = #tpu.dot_dimension_numbers<[1], [0], [0], [1], [0, 0, 1, 1], [], []>, transpose_lhs_hint = false} : vector<64x64xf32>, vector<64x2048xf32>, vector<64x2048xf32> -> vector<64x2048xf32>
    %get3A_408 = arith.constant 5 : index
    %get3A_409 = arith.constant 0 : index
    %get3A_410 = vector.load %arg7[%get3A_408, %get3A_409] : memref<8x64xf32, #tpu.memory_space<vmem>>, vector<1x64xf32>
    %get3A_411 = vector.shape_cast %get3A_410 : vector<1x64xf32> to vector<64xf32>
    %broadcast_in_dim3A_412 = vector.shape_cast %get3A_411 : vector<64xf32> to vector<64x1xf32>
    %add3A_413 = vector.broadcast %broadcast_in_dim3A_412 : vector<64x1xf32> to vector<64x2048xf32>
    %add3A_414 = arith.addf %dot_general3A_407, %add3A_413 : vector<64x2048xf32>
    %mul3A_415 = arith.mulf %add3A_414, %add3A_414 : vector<64x2048xf32>
    %reduce_sum3A_416 = arith.constant dense<0.000000e+00> : vector<2048xf32>
    %reduce_sum3A_417 = vector.multi_reduction <add>, %mul3A_415, %reduce_sum3A_416 [0] : vector<64x2048xf32> to vector<2048xf32>
    %broadcast_in_dim3A_418 = vector.shape_cast %reduce_sum3A_417 : vector<2048xf32> to vector<1x2048xf32>
    %sqrt3A_419 = math.sqrt %broadcast_in_dim3A_418 : vector<1x2048xf32>
    %div3A_420 = arith.constant 8.000000e+00 : f32
    %div3A_421 = vector.broadcast %div3A_420 : f32 to vector<1x2048xf32>
    %div3A_422 = arith.divf %sqrt3A_419, %div3A_421 : vector<1x2048xf32>
    %get3A_423 = arith.constant 5 : index
    %get3A_424 = arith.constant 0 : index
    %get3A_425 = vector.load %arg8[%get3A_423, %get3A_424] : memref<8x64xf32, #tpu.memory_space<vmem>>, vector<1x64xf32>
    %get3A_426 = vector.shape_cast %get3A_425 : vector<1x64xf32> to vector<64xf32>
    %broadcast_in_dim3A_427 = vector.shape_cast %get3A_426 : vector<64xf32> to vector<64x1xf32>
    %mul3A_428 = vector.broadcast %broadcast_in_dim3A_427 : vector<64x1xf32> to vector<64x2048xf32>
    %mul3A_429 = arith.mulf %mul3A_428, %add3A_414 : vector<64x2048xf32>
    %add3A_430 = arith.constant 9.99999993E-9 : f32
    %add3A_431 = vector.broadcast %add3A_430 : f32 to vector<1x2048xf32>
    %add3A_432 = arith.addf %div3A_422, %add3A_431 : vector<1x2048xf32>
    %div3A_433 = vector.broadcast %add3A_432 : vector<1x2048xf32> to vector<64x2048xf32>
    %div3A_434 = arith.divf %mul3A_429, %div3A_433 : vector<64x2048xf32>
    %get3A_435 = arith.constant 5 : index
    %get3A_436 = arith.constant 0 : index
    %get3A_437 = arith.constant 0 : index
    %get3A_438 = vector.load %arg9[%get3A_435, %get3A_436, %get3A_437] : memref<8x8x64xf32, #tpu.memory_space<vmem>>, vector<1x8x64xf32>
    %get3A_439 = vector.shape_cast %get3A_438 : vector<1x8x64xf32> to vector<8x64xf32>
    %dot_general3A_440 = arith.constant dense<0.000000e+00> : vector<8x2048xf32>
    %dot_general3A_441 = tpu.matmul %get3A_439, %div3A_434, %dot_general3A_440 {dimension_numbers = #tpu.dot_dimension_numbers<[1], [0], [0], [1], [0, 0, 1, 1], [], []>, transpose_lhs_hint = false} : vector<8x64xf32>, vector<64x2048xf32>, vector<8x2048xf32> -> vector<8x2048xf32>
    %get3A_442 = arith.constant 5 : index
    %get3A_443 = arith.constant 0 : index
    %get3A_444 = vector.load %arg10[%get3A_442, %get3A_443] : memref<8x8xf32, #tpu.memory_space<vmem>>, vector<1x8xf32>
    %get3A_445 = vector.shape_cast %get3A_444 : vector<1x8xf32> to vector<8xf32>
    %broadcast_in_dim3A_446 = vector.shape_cast %get3A_445 : vector<8xf32> to vector<8x1xf32>
    %add3A_447 = vector.broadcast %broadcast_in_dim3A_446 : vector<8x1xf32> to vector<8x2048xf32>
    %add3A_448 = arith.addf %dot_general3A_441, %add3A_447 : vector<8x2048xf32>
    %slice3A_449 = vector.extract_strided_slice %get3A_33 {offsets = [5, 0], sizes = [1, 2048], strides = [1, 1]} : vector<8x2048xf32> to vector<1x2048xf32>
    %mul3A_450 = vector.broadcast %slice3A_449 : vector<1x2048xf32> to vector<8x2048xf32>
    %mul3A_451 = arith.mulf %mul3A_450, %add3A_448 : vector<8x2048xf32>
    %add3A_452 = arith.addf %add3A_383, %mul3A_451 : vector<8x2048xf32>
    %slice3A_453 = vector.extract_strided_slice %sin3A {offsets = [96, 0], sizes = [16, 2048], strides = [1, 1]} : vector<128x2048xf32> to vector<16x2048xf32>
    %slice3A_454 = vector.extract_strided_slice %cos3A {offsets = [96, 0], sizes = [16, 2048], strides = [1, 1]} : vector<128x2048xf32> to vector<16x2048xf32>
    %logistic3A_455 = arith.negf %slice3A_453 : vector<16x2048xf32>
    %logistic3A_456 = math.exp %logistic3A_455 : vector<16x2048xf32>
    %logistic3A_457 = arith.constant 1.000000e+00 : f32
    %logistic3A_458 = vector.broadcast %logistic3A_457 : f32 to vector<16x2048xf32>
    %logistic3A_459 = arith.addf %logistic3A_458, %logistic3A_456 : vector<16x2048xf32>
    %logistic3A_460 = arith.divf %logistic3A_458, %logistic3A_459 : vector<16x2048xf32>
    %mul3A_461 = arith.mulf %slice3A_453, %logistic3A_460 : vector<16x2048xf32>
    %logistic3A_462 = arith.negf %slice3A_454 : vector<16x2048xf32>
    %logistic3A_463 = math.exp %logistic3A_462 : vector<16x2048xf32>
    %logistic3A_464 = arith.constant 1.000000e+00 : f32
    %logistic3A_465 = vector.broadcast %logistic3A_464 : f32 to vector<16x2048xf32>
    %logistic3A_466 = arith.addf %logistic3A_465, %logistic3A_463 : vector<16x2048xf32>
    %logistic3A_467 = arith.divf %logistic3A_465, %logistic3A_466 : vector<16x2048xf32>
    %mul3A_468 = arith.mulf %slice3A_454, %logistic3A_467 : vector<16x2048xf32>
    %concatenate3A_469 = tpu.concatenate %slice3A_453, %mul3A_461, %slice3A_454, %mul3A_468 in 0 : vector<16x2048xf32>, vector<16x2048xf32>, vector<16x2048xf32>, vector<16x2048xf32> -> vector<64x2048xf32>
    %get3A_470 = arith.constant 6 : index
    %get3A_471 = arith.constant 0 : index
    %get3A_472 = arith.constant 0 : index
    %get3A_473 = vector.load %arg6[%get3A_470, %get3A_471, %get3A_472] : memref<8x64x64xf32, #tpu.memory_space<vmem>>, vector<1x64x64xf32>
    %get3A_474 = vector.shape_cast %get3A_473 : vector<1x64x64xf32> to vector<64x64xf32>
    %dot_general3A_475 = arith.constant dense<0.000000e+00> : vector<64x2048xf32>
    %dot_general3A_476 = tpu.matmul %get3A_474, %concatenate3A_469, %dot_general3A_475 {dimension_numbers = #tpu.dot_dimension_numbers<[1], [0], [0], [1], [0, 0, 1, 1], [], []>, transpose_lhs_hint = false} : vector<64x64xf32>, vector<64x2048xf32>, vector<64x2048xf32> -> vector<64x2048xf32>
    %get3A_477 = arith.constant 6 : index
    %get3A_478 = arith.constant 0 : index
    %get3A_479 = vector.load %arg7[%get3A_477, %get3A_478] : memref<8x64xf32, #tpu.memory_space<vmem>>, vector<1x64xf32>
    %get3A_480 = vector.shape_cast %get3A_479 : vector<1x64xf32> to vector<64xf32>
    %broadcast_in_dim3A_481 = vector.shape_cast %get3A_480 : vector<64xf32> to vector<64x1xf32>
    %add3A_482 = vector.broadcast %broadcast_in_dim3A_481 : vector<64x1xf32> to vector<64x2048xf32>
    %add3A_483 = arith.addf %dot_general3A_476, %add3A_482 : vector<64x2048xf32>
    %mul3A_484 = arith.mulf %add3A_483, %add3A_483 : vector<64x2048xf32>
    %reduce_sum3A_485 = arith.constant dense<0.000000e+00> : vector<2048xf32>
    %reduce_sum3A_486 = vector.multi_reduction <add>, %mul3A_484, %reduce_sum3A_485 [0] : vector<64x2048xf32> to vector<2048xf32>
    %broadcast_in_dim3A_487 = vector.shape_cast %reduce_sum3A_486 : vector<2048xf32> to vector<1x2048xf32>
    %sqrt3A_488 = math.sqrt %broadcast_in_dim3A_487 : vector<1x2048xf32>
    %div3A_489 = arith.constant 8.000000e+00 : f32
    %div3A_490 = vector.broadcast %div3A_489 : f32 to vector<1x2048xf32>
    %div3A_491 = arith.divf %sqrt3A_488, %div3A_490 : vector<1x2048xf32>
    %get3A_492 = arith.constant 6 : index
    %get3A_493 = arith.constant 0 : index
    %get3A_494 = vector.load %arg8[%get3A_492, %get3A_493] : memref<8x64xf32, #tpu.memory_space<vmem>>, vector<1x64xf32>
    %get3A_495 = vector.shape_cast %get3A_494 : vector<1x64xf32> to vector<64xf32>
    %broadcast_in_dim3A_496 = vector.shape_cast %get3A_495 : vector<64xf32> to vector<64x1xf32>
    %mul3A_497 = vector.broadcast %broadcast_in_dim3A_496 : vector<64x1xf32> to vector<64x2048xf32>
    %mul3A_498 = arith.mulf %mul3A_497, %add3A_483 : vector<64x2048xf32>
    %add3A_499 = arith.constant 9.99999993E-9 : f32
    %add3A_500 = vector.broadcast %add3A_499 : f32 to vector<1x2048xf32>
    %add3A_501 = arith.addf %div3A_491, %add3A_500 : vector<1x2048xf32>
    %div3A_502 = vector.broadcast %add3A_501 : vector<1x2048xf32> to vector<64x2048xf32>
    %div3A_503 = arith.divf %mul3A_498, %div3A_502 : vector<64x2048xf32>
    %get3A_504 = arith.constant 6 : index
    %get3A_505 = arith.constant 0 : index
    %get3A_506 = arith.constant 0 : index
    %get3A_507 = vector.load %arg9[%get3A_504, %get3A_505, %get3A_506] : memref<8x8x64xf32, #tpu.memory_space<vmem>>, vector<1x8x64xf32>
    %get3A_508 = vector.shape_cast %get3A_507 : vector<1x8x64xf32> to vector<8x64xf32>
    %dot_general3A_509 = arith.constant dense<0.000000e+00> : vector<8x2048xf32>
    %dot_general3A_510 = tpu.matmul %get3A_508, %div3A_503, %dot_general3A_509 {dimension_numbers = #tpu.dot_dimension_numbers<[1], [0], [0], [1], [0, 0, 1, 1], [], []>, transpose_lhs_hint = false} : vector<8x64xf32>, vector<64x2048xf32>, vector<8x2048xf32> -> vector<8x2048xf32>
    %get3A_511 = arith.constant 6 : index
    %get3A_512 = arith.constant 0 : index
    %get3A_513 = vector.load %arg10[%get3A_511, %get3A_512] : memref<8x8xf32, #tpu.memory_space<vmem>>, vector<1x8xf32>
    %get3A_514 = vector.shape_cast %get3A_513 : vector<1x8xf32> to vector<8xf32>
    %broadcast_in_dim3A_515 = vector.shape_cast %get3A_514 : vector<8xf32> to vector<8x1xf32>
    %add3A_516 = vector.broadcast %broadcast_in_dim3A_515 : vector<8x1xf32> to vector<8x2048xf32>
    %add3A_517 = arith.addf %dot_general3A_510, %add3A_516 : vector<8x2048xf32>
    %slice3A_518 = vector.extract_strided_slice %get3A_33 {offsets = [6, 0], sizes = [1, 2048], strides = [1, 1]} : vector<8x2048xf32> to vector<1x2048xf32>
    %mul3A_519 = vector.broadcast %slice3A_518 : vector<1x2048xf32> to vector<8x2048xf32>
    %mul3A_520 = arith.mulf %mul3A_519, %add3A_517 : vector<8x2048xf32>
    %add3A_521 = arith.addf %add3A_452, %mul3A_520 : vector<8x2048xf32>
    %slice3A_522 = vector.extract_strided_slice %sin3A {offsets = [112, 0], sizes = [16, 2048], strides = [1, 1]} : vector<128x2048xf32> to vector<16x2048xf32>
    %slice3A_523 = vector.extract_strided_slice %cos3A {offsets = [112, 0], sizes = [16, 2048], strides = [1, 1]} : vector<128x2048xf32> to vector<16x2048xf32>
    %logistic3A_524 = arith.negf %slice3A_522 : vector<16x2048xf32>
    %logistic3A_525 = math.exp %logistic3A_524 : vector<16x2048xf32>
    %logistic3A_526 = arith.constant 1.000000e+00 : f32
    %logistic3A_527 = vector.broadcast %logistic3A_526 : f32 to vector<16x2048xf32>
    %logistic3A_528 = arith.addf %logistic3A_527, %logistic3A_525 : vector<16x2048xf32>
    %logistic3A_529 = arith.divf %logistic3A_527, %logistic3A_528 : vector<16x2048xf32>
    %mul3A_530 = arith.mulf %slice3A_522, %logistic3A_529 : vector<16x2048xf32>
    %logistic3A_531 = arith.negf %slice3A_523 : vector<16x2048xf32>
    %logistic3A_532 = math.exp %logistic3A_531 : vector<16x2048xf32>
    %logistic3A_533 = arith.constant 1.000000e+00 : f32
    %logistic3A_534 = vector.broadcast %logistic3A_533 : f32 to vector<16x2048xf32>
    %logistic3A_535 = arith.addf %logistic3A_534, %logistic3A_532 : vector<16x2048xf32>
    %logistic3A_536 = arith.divf %logistic3A_534, %logistic3A_535 : vector<16x2048xf32>
    %mul3A_537 = arith.mulf %slice3A_523, %logistic3A_536 : vector<16x2048xf32>
    %concatenate3A_538 = tpu.concatenate %slice3A_522, %mul3A_530, %slice3A_523, %mul3A_537 in 0 : vector<16x2048xf32>, vector<16x2048xf32>, vector<16x2048xf32>, vector<16x2048xf32> -> vector<64x2048xf32>
    %get3A_539 = arith.constant 7 : index
    %get3A_540 = arith.constant 0 : index
    %get3A_541 = arith.constant 0 : index
    %get3A_542 = vector.load %arg6[%get3A_539, %get3A_540, %get3A_541] : memref<8x64x64xf32, #tpu.memory_space<vmem>>, vector<1x64x64xf32>
    %get3A_543 = vector.shape_cast %get3A_542 : vector<1x64x64xf32> to vector<64x64xf32>
    %dot_general3A_544 = arith.constant dense<0.000000e+00> : vector<64x2048xf32>
    %dot_general3A_545 = tpu.matmul %get3A_543, %concatenate3A_538, %dot_general3A_544 {dimension_numbers = #tpu.dot_dimension_numbers<[1], [0], [0], [1], [0, 0, 1, 1], [], []>, transpose_lhs_hint = false} : vector<64x64xf32>, vector<64x2048xf32>, vector<64x2048xf32> -> vector<64x2048xf32>
    %get3A_546 = arith.constant 7 : index
    %get3A_547 = arith.constant 0 : index
    %get3A_548 = vector.load %arg7[%get3A_546, %get3A_547] : memref<8x64xf32, #tpu.memory_space<vmem>>, vector<1x64xf32>
    %get3A_549 = vector.shape_cast %get3A_548 : vector<1x64xf32> to vector<64xf32>
    %broadcast_in_dim3A_550 = vector.shape_cast %get3A_549 : vector<64xf32> to vector<64x1xf32>
    %add3A_551 = vector.broadcast %broadcast_in_dim3A_550 : vector<64x1xf32> to vector<64x2048xf32>
    %add3A_552 = arith.addf %dot_general3A_545, %add3A_551 : vector<64x2048xf32>
    %mul3A_553 = arith.mulf %add3A_552, %add3A_552 : vector<64x2048xf32>
    %reduce_sum3A_554 = arith.constant dense<0.000000e+00> : vector<2048xf32>
    %reduce_sum3A_555 = vector.multi_reduction <add>, %mul3A_553, %reduce_sum3A_554 [0] : vector<64x2048xf32> to vector<2048xf32>
    %broadcast_in_dim3A_556 = vector.shape_cast %reduce_sum3A_555 : vector<2048xf32> to vector<1x2048xf32>
    %sqrt3A_557 = math.sqrt %broadcast_in_dim3A_556 : vector<1x2048xf32>
    %div3A_558 = arith.constant 8.000000e+00 : f32
    %div3A_559 = vector.broadcast %div3A_558 : f32 to vector<1x2048xf32>
    %div3A_560 = arith.divf %sqrt3A_557, %div3A_559 : vector<1x2048xf32>
    %get3A_561 = arith.constant 7 : index
    %get3A_562 = arith.constant 0 : index
    %get3A_563 = vector.load %arg8[%get3A_561, %get3A_562] : memref<8x64xf32, #tpu.memory_space<vmem>>, vector<1x64xf32>
    %get3A_564 = vector.shape_cast %get3A_563 : vector<1x64xf32> to vector<64xf32>
    %broadcast_in_dim3A_565 = vector.shape_cast %get3A_564 : vector<64xf32> to vector<64x1xf32>
    %mul3A_566 = vector.broadcast %broadcast_in_dim3A_565 : vector<64x1xf32> to vector<64x2048xf32>
    %mul3A_567 = arith.mulf %mul3A_566, %add3A_552 : vector<64x2048xf32>
    %add3A_568 = arith.constant 9.99999993E-9 : f32
    %add3A_569 = vector.broadcast %add3A_568 : f32 to vector<1x2048xf32>
    %add3A_570 = arith.addf %div3A_560, %add3A_569 : vector<1x2048xf32>
    %div3A_571 = vector.broadcast %add3A_570 : vector<1x2048xf32> to vector<64x2048xf32>
    %div3A_572 = arith.divf %mul3A_567, %div3A_571 : vector<64x2048xf32>
    %get3A_573 = arith.constant 7 : index
    %get3A_574 = arith.constant 0 : index
    %get3A_575 = arith.constant 0 : index
    %get3A_576 = vector.load %arg9[%get3A_573, %get3A_574, %get3A_575] : memref<8x8x64xf32, #tpu.memory_space<vmem>>, vector<1x8x64xf32>
    %get3A_577 = vector.shape_cast %get3A_576 : vector<1x8x64xf32> to vector<8x64xf32>
    %dot_general3A_578 = arith.constant dense<0.000000e+00> : vector<8x2048xf32>
    %dot_general3A_579 = tpu.matmul %get3A_577, %div3A_572, %dot_general3A_578 {dimension_numbers = #tpu.dot_dimension_numbers<[1], [0], [0], [1], [0, 0, 1, 1], [], []>, transpose_lhs_hint = false} : vector<8x64xf32>, vector<64x2048xf32>, vector<8x2048xf32> -> vector<8x2048xf32>
    %get3A_580 = arith.constant 7 : index
    %get3A_581 = arith.constant 0 : index
    %get3A_582 = vector.load %arg10[%get3A_580, %get3A_581] : memref<8x8xf32, #tpu.memory_space<vmem>>, vector<1x8xf32>
    %get3A_583 = vector.shape_cast %get3A_582 : vector<1x8xf32> to vector<8xf32>
    %broadcast_in_dim3A_584 = vector.shape_cast %get3A_583 : vector<8xf32> to vector<8x1xf32>
    %add3A_585 = vector.broadcast %broadcast_in_dim3A_584 : vector<8x1xf32> to vector<8x2048xf32>
    %add3A_586 = arith.addf %dot_general3A_579, %add3A_585 : vector<8x2048xf32>
    %slice3A_587 = vector.extract_strided_slice %get3A_33 {offsets = [7, 0], sizes = [1, 2048], strides = [1, 1]} : vector<8x2048xf32> to vector<1x2048xf32>
    %mul3A_588 = vector.broadcast %slice3A_587 : vector<1x2048xf32> to vector<8x2048xf32>
    %mul3A_589 = arith.mulf %mul3A_588, %add3A_586 : vector<8x2048xf32>
    %add3A_590 = arith.addf %add3A_521, %mul3A_589 : vector<8x2048xf32>
    %swap3A = arith.constant 0 : index
    %swap3A_591 = arith.constant 0 : index
    %swap3A_592 = vector.load %arg11[%swap3A, %swap3A_591] : memref<8x2048xf32, #tpu.memory_space<vmem>>, vector<8x2048xf32>
    tpu.vector_store %arg11[%swap3A, %swap3A_591], %add3A_590 {strides = array<i32>} : memref<8x2048xf32, #tpu.memory_space<vmem>>, vector<8x2048xf32>,
    return
  }
  func.func @transform_0(%arg0: i32) -> (i32, i32, i32) {
    %c0_i32 = arith.constant 0 : i32
    %c0_i32_0 = arith.constant 0 : i32
    %c0_i32_1 = arith.constant 0 : i32
    return %c0_i32, %c0_i32_0, %arg0 : i32, i32, i32
  }
  func.func @transform_1(%arg0: i32) -> (i32, i32) {
    %c0_i32 = arith.constant 0 : i32
    %c0_i32_0 = arith.constant 0 : i32
    return %c0_i32, %arg0 : i32, i32
  }
  func.func @transform_2(%arg0: i32) -> (i32, i32) {
    %c0_i32 = arith.constant 0 : i32
    %c0_i32_0 = arith.constant 0 : i32
    return %c0_i32, %arg0 : i32, i32
  }
  func.func @transform_3(%arg0: i32) -> (i32, i32) {
    %c0_i32 = arith.constant 0 : i32
    %c0_i32_0 = arith.constant 0 : i32
    %c0_i32_1 = arith.constant 0 : i32
    return %c0_i32, %c0_i32_0 : i32, i32
  }
  func.func @transform_4(%arg0: i32) -> i32 {
    %c0_i32 = arith.constant 0 : i32
    %c0_i32_0 = arith.constant 0 : i32
    return %c0_i32 : i32
  }
  func.func @transform_5(%arg0: i32) -> (i32, i32, i32) {
    %c0_i32 = arith.constant 0 : i32
    %c0_i32_0 = arith.constant 0 : i32
    %c0_i32_1 = arith.constant 0 : i32
    %c0_i32_2 = arith.constant 0 : i32
    return %c0_i32, %c0_i32_0, %c0_i32_1 : i32, i32, i32
  }
  func.func @transform_6(%arg0: i32) -> (i32, i32) {
    %c0_i32 = arith.constant 0 : i32
    %c0_i32_0 = arith.constant 0 : i32
    %c0_i32_1 = arith.constant 0 : i32
    return %c0_i32, %c0_i32_0 : i32, i32
  }
  func.func @transform_7(%arg0: i32) -> (i32, i32) {
    %c0_i32 = arith.constant 0 : i32
    %c0_i32_0 = arith.constant 0 : i32
    %c0_i32_1 = arith.constant 0 : i32
    return %c0_i32, %c0_i32_0 : i32, i32
  }
  func.func @transform_8(%arg0: i32) -> (i32, i32, i32) {
    %c0_i32 = arith.constant 0 : i32
    %c0_i32_0 = arith.constant 0 : i32
    %c0_i32_1 = arith.constant 0 : i32
    %c0_i32_2 = arith.constant 0 : i32
    return %c0_i32, %c0_i32_0, %c0_i32_1 : i32, i32, i32
  }
  func.func @transform_9(%arg0: i32) -> (i32, i32) {
    %c0_i32 = arith.constant 0 : i32
    %c0_i32_0 = arith.constant 0 : i32
    %c0_i32_1 = arith.constant 0 : i32
    return %c0_i32, %c0_i32_0 : i32, i32
  }
  func.func @transform_10(%arg0: i32) -> (i32, i32) {
    %c0_i32 = arith.constant 0 : i32
    %c0_i32_0 = arith.constant 0 : i32
    return %c0_i32, %arg0 : i32, i32
  }
}

</mosaic_0001>

<sc_bundles>
// kernel: kernel.5.cloned.1.call-start
scs
__scs_entry_jumppad:
0x0: {  	(pc) =	sbr.rel $0x88, $3  }
0x1: {  	(tag) =	ssettag $0x0;
	lr =	simm.s32 $0x1  }
0x2: {  	[smem:$0x3EF4] =	sst lr;
	_ =	strace $0xD0000000  }
0x3: {  	_ = 	snop  }
0x4: {  	_ = 	snop  }
0x5: {  	_ = 	snop  }
0x6: {  	_ = 	snop  }
0x7: {  	_ = 	snop  }
__scs_overlays_trampoline_lowered:
0x8: {  	[smem:$0x3F03] =	sst s0  }
0x9: {  	[smem:$0x3F04] =	sst s1  }
0xa: {  	[smem:$0x3F05] =	sst s2  }
0xb: {  	[smem:$0x3F06] =	sst s3  }
0xc: {  	[smem:$0x3F07] =	sst s4  }
0xd: {  	[smem:$0x3F08] =	sst s5  }
0xe: {  	[smem:$0x3F09] =	sst s6  }
0xf: {  	[smem:$0x3F0A] =	sst s7  }
0x10: {  	[smem:$0x3F0B] =	sst s8  }
0x11: {  	[smem:$0x3F0C] =	sst s9;
	s0 =	simm.s32 @!p0 $0x0  }
0x12: {  	s1 =	sld [smem:$0x3EF2];
	s0 =	simm.s32 @p0 $0x1  }
0x13: {  	[smem:$0x3F0D] =	sst s0;
	s0 =	simm.s32 @!p1 $0x0  }
0x14: {  	s2 =	sld [smem:$0x3EF1];
	s0 =	simm.s32 @p1 $0x1  }
0x15: {  	[smem:$0x3F0E] =	sst s0;
	s0 =	simm.s32 @!p2 $0x0  }
0x16: {  	s3 =	sld [smem:$0x3FDB];
	s0 =	simm.s32 @p2 $0x1  }
0x17: {  	s4 =	simm.s32 $0x1BF5;
	[smem:$0x3F10] =	sst s0  }
0x18: {  	s0 =	sld [smem:$0x3EF3];
	_ =	swait.ge [sflag:s4], $0x0  }
0x19: {  	s7 =	sld [smem:$0x3EF4]  }
0x1a: {  	s8 =	sadd.s32 $0xFFFFE003, lr  }
0x1b: {  	s9 =	sadd.s32 $0xFFFFFEF7, lr;
	s5 =	simm.s32 $0xFFFFFFFF;
	p2 =	slt.u32 s8, $0xFFFFF086  }
0x1c: {  	p1 =	slt.u32 s9, $0xF7A;
	s5 =	simm.s32 @!p2 $0x0  }
0x1d: {  	s5 =	simm.s32 @p1 $0x1;
	p0 =	seq.s32 s7, s2  }
0x1e: {  	s7 =	smul.u32 @!p0 $0xF7A, s2;
	p2 =	seq.s32 @!p0 s5, $0x0  }
0x1f: {  	s9 =	smul.u32 $0xF7A, s1;
	s8 =	simm.s32 @!p0 $0x1BF5;
	p2 =	por !p2, p0  }
0x20: {  	[sflag:s8] =	ssyncset.s32 @!p0 $0xFFFFF086;
	s6 =	sadd.s32 @!p0 s3, s7;
	s7 =	simm.s32 @!p0 $0x108  }
0x21: {  	s3 =	sadd.s32 s3, s9;
	s6 =	sadd.s32 @!p0 $0x88, s6;
	s7 =	simm.s32 @p2 $0x1082  }
0x22: {  	[simem:s7], [sflag:s8] =	dma.local @!p0 [hbm:s6], $0xF7A  }
0x23: {  	s9 =	sor.u32 $0xD0000000, s2;
	s6 =	simm.s32 $0x108;
	_ =	swait.ge @!p0 [sflag:s8], $0x0  }
0x24: {  	s3 =	sadd.s32 $0x88, s3;
	s6 =	simm.s32 @!p1 $0x1082;
	[sflag:s4] =	ssyncset.s32 $0xFFFFF086  }
0x25: {  	[simem:s6], [sflag:s4] =	dma.local [hbm:s3], $0xF7A  }
0x26: {  	[smem:$0x3EF4] =	sst s1;
	(tag) =	ssettag s2;
	_ =	strace s9  }
0x27: {  	s1 =	sld [smem:$0x3F04]  }
0x28: {  	s2 =	sld [smem:$0x3F05]  }
0x29: {  	s4 =	sld [smem:$0x3F07]  }
0x2a: {  	p0 =	seq.s32 s5, $0x0;
	s5 =	sld [smem:$0x3F08]  }
0x2b: {  	s6 =	sld [smem:$0x3F09]  }
0x2c: {  	s7 =	sld [smem:$0x3F0A]  }
0x2d: {  	s3 =	simm.s32 $0x108;
	s8 =	sld [smem:$0x3F0B]  }
0x2e: {  	s3 =	simm.s32 @!p0 $0x1082;
	s9 =	sld [smem:$0x3F0C]  }
0x2f: {  	lr =	sadd.s32 s0, s3;
	s0 =	sld [smem:$0x3F03]  }
0x30: {  	s3 =	sld [smem:$0x3F06]  }
0x31: {  	[smem:$0x3F0F] =	sst s10  }
0x32: {  	s10 =	sld [smem:$0x3F0D];
	_ =	sdelay $0x3  }
0x33: {  	p0 =	seq.s32 s10, $0x1;
	s10 =	sld [smem:$0x3F0F];
	_ =	sdelay $0x3  }
0x34: {  	[smem:$0x3F0F] =	sst s10  }
0x35: {  	s10 =	sld [smem:$0x3F0E];
	_ =	sdelay $0x3  }
0x36: {  	p1 =	seq.s32 s10, $0x1;
	s10 =	sld [smem:$0x3F0F];
	_ =	sdelay $0x3  }
0x37: {  	[smem:$0x3F0F] =	sst s10  }
0x38: {  	s10 =	sld [smem:$0x3F10]  }
0x39: {  	_ = 	snop;
	(pc) =	sbr.ind lr, $3  }
0x3a: {  	_ = 	snop  }
0x3b: {  	_ = 	snop  }
0x3c: {  	p2 =	seq.s32 s10, $0x1;
	s10 =	sld [smem:$0x3F0F]  }
0x3d: {  	_ =	shalt  }
0x3e: {  	_ =	shalt  }
0x3f: {  	_ =	shalt  }
0x40: {  	_ =	shalt  }
0x41: {  	_ =	shalt  }
0x42: {  	_ =	shalt  }
0x43: {  	_ =	shalt  }
0x44: {  	_ =	shalt  }
0x45: {  	_ =	shalt  }
0x46: {  	_ =	shalt  }
0x47: {  	_ =	shalt  }
0x48: {  	_ =	shalt  }
0x49: {  	_ =	shalt  }
0x4a: {  	_ =	shalt  }
0x4b: {  	_ =	shalt  }
0x4c: {  	_ =	shalt  }
0x4d: {  	_ =	shalt  }
0x4e: {  	_ =	shalt  }
0x4f: {  	_ =	shalt  }
0x50: {  	_ =	shalt  }
0x51: {  	_ =	shalt  }
0x52: {  	_ =	shalt  }
0x53: {  	_ =	shalt  }
0x54: {  	_ =	shalt  }
0x55: {  	_ =	shalt  }
0x56: {  	_ =	shalt  }
0x57: {  	_ =	shalt  }
0x58: {  	_ =	shalt  }
0x59: {  	_ =	shalt  }
0x5a: {  	_ =	shalt  }
0x5b: {  	_ =	shalt  }
0x5c: {  	_ =	shalt  }
0x5d: {  	_ =	shalt  }
0x5e: {  	_ =	shalt  }
0x5f: {  	_ =	shalt  }
0x60: {  	_ =	shalt  }
0x61: {  	_ =	shalt  }
0x62: {  	_ =	shalt  }
0x63: {  	_ =	shalt  }
0x64: {  	_ =	shalt  }
0x65: {  	_ =	shalt  }
0x66: {  	_ =	shalt  }
0x67: {  	_ =	shalt  }
0x68: {  	_ =	shalt  }
0x69: {  	_ =	shalt  }
0x6a: {  	_ =	shalt  }
0x6b: {  	_ =	shalt  }
0x6c: {  	_ =	shalt  }
0x6d: {  	_ =	shalt  }
0x6e: {  	_ =	shalt  }
0x6f: {  	_ =	shalt  }
0x70: {  	_ =	shalt  }
0x71: {  	_ =	shalt  }
0x72: {  	_ =	shalt  }
0x73: {  	_ =	shalt  }
0x74: {  	_ =	shalt  }
0x75: {  	_ =	shalt  }
0x76: {  	_ =	shalt  }
0x77: {  	_ =	shalt  }
0x78: {  	_ =	shalt  }
0x79: {  	_ =	shalt  }
0x7a: {  	_ =	shalt  }
0x7b: {  	_ =	shalt  }
0x7c: {  	_ =	shalt  }
0x7d: {  	_ =	shalt  }
0x7e: {  	_ =	shalt  }
0x7f: {  	_ =	shalt  }
0x80: {  	_ =	shalt  }
0x81: {  	_ =	shalt  }
0x82: {  	_ =	shalt  }
0x83: {  	_ =	shalt  }
0x84: {  	_ =	shalt  }
0x85: {  	_ =	shalt  }
0x86: {  	_ =	shalt  }
0x87: {  	_ =	shalt  }
.Lfunc_end0:
.L_simem_size_0:
called_computation.7_lowered:
.L_overlay_start_0:
0x88: {  	s2 =	sld [smem:$0x3FD9]  }
0x89: {  	s3 =	sld [smem:$0x3FFE];
	_ =	sdelay $0x1  }
0x8a: {  	s1 =	srdreg.scid  }
0x8b: {  	s0 =	sand.u32 $0x1, s1  }
0x8c: {  	s16 =	sshll.u32 s0, $0xA;
	s2 =	sadd.s32 s3, s2  }
0x8d: {  	s2 =	sadd.s32 s2, s16  }
0x8e: {  	[smem:$0x3F1B] =	sst s2  }
0x8f: {  	_ = 	snop  }
0x90: {  	(tm) =	ssettm $0x1  }
0x91: {  	s17 =	sld [smem:$0x3FFB];
	_ =	sdelay $0x3  }
0x92: {  	_ =	strace s17  }
0x93: {  	s2 =	sld [smem:$0x3FFC];
	_ =	sdelay $0x3  }
0x94: {  	_ =	strace s2  }
0x95: {  	s2 =	sld [smem:$0x3FFD];
	_ =	sdelay $0x3  }
0x96: {  	_ =	strace s2  }
0x97: {  	_ =	strace $0x8FFFFFFF  }
0x98: {  	s18 =	sld [smem:$0x3FDB];
	_ =	sdelay $0x1  }
0x99: {  	s19 =	simm.s32 $_scs_section_size  }
0x9a: {  	s4 =	simm.s32 $_size__tile_overlayer_lowered;
	s5 =	simm.s32 $_tile_overlayer_lowered  }
0x9b: {  	s22 =	simm.s32 $0x1BFF;
	s21 =	sshll.u32 s5, $0x1;
	s2 =	sadd.s32 s19, s18  }
0x9c: {  	s6 =	simm.s32 $0x0;
	s20 =	sshll.u32 s4, $0x1;
	s4 =	sadd.s32 s21, s2  }
0x9d: {  	[timem:s6], [sflag:s22] =	dma.local [hbm:s4], s20  }
0x9e: {  	_ =	swait.ge [sflag:s22], s20  }
0x9f: {  	s3 =	ssub.s32 $0x0, s20;
	[sflag:s22] =	ssyncset.done $0x0  }
0xa0: {  	[sflag:s22] =	ssyncadd.s32 s3;
	_ =	sdelay $0x1  }
0xa1: {  	s23 =	simm.s32 $0x1B8B  }
0xa2: {  	_ =	swait.ge [sflag:s23], $0x1  }
0xa3: {  	[sflag:s23] =	ssyncset.done $0x0  }
0xa4: {  	s25 =	simm.s32 $0x1B8E;
	s24 =	sld [smem:$0x3FFE];
	[sflag:s23] =	ssyncadd.s32 $0xFFFFFFFF  }
0xa5: {  	s26 =	simm.s32 $execute0_lowered;
	[smem:$0x3FD2] =	sst s25  }
0xa6: {  	s4 =	sshll.u32 s26, $0x1;
	_ =	strace $0x80000058;
	[dreg:$0x1] =	wrdreg $0xFFFFFFFF  }
0xa7: {  	s28 =	simm.s32 $_size_execute0_lowered;
	s2 =	sadd.s32 s2, s4;
	[dreg:$0x0] =	wrdreg $0x0  }
0xa8: {  	s4 =	sshll.u32 s28, $0x1;
	[dreg:$0x2] =	wrdreg s2  }
0xa9: {  	[dreg:$0x3] =	wrdreg s4  }
0xaa: {  	[dreg:$0x4] =	wrdreg $0xC0  }
0xab: {  	_ =	task [dreg:s6], $0x5FFFF  }
0xac: {  	[dreg:$0x1] =	wrdreg $0xFFFFFFFF  }
0xad: {  	[dreg:$0x0] =	wrdreg $0x60  }
0xae: {  	[dreg:$0x2] =	wrdreg s24  }
0xaf: {  	[dreg:$0x3] =	wrdreg $0x9  }
0xb0: {  	_ =	task.clear_ibuf [dreg:s6], $0x4FFFF;
	_ =	strace $0x90000058  }
0xb1: {  	s29 =	simm.s32 $0x9;
	_ =	strace $0x8000005A  }
0xb2: {  	_ =	swait.ge [sflag:s29], $0x1  }
0xb3: {  	[sflag:s29] =	ssyncadd.s32 $0xFFFFFFFF  }
0xb4: {  	_ =	strace $0x9000005A  }
0xb5: {  	_ =	sfence  }
0xb6: {  	s30 =	sld [smem:$0x0];
	_ =	sdelay $0x2  }
0xb7: {  	s31 =	sshll.u32 s1, $0xD;
	s1 =	sshrl.u32 s1, $0x2  }
0xb8: {  	s3 =	sand.u32 $0x4000, s31;
	s1 =	sadd.s32 s1, s30  }
0xb9: {  	s0 =	sor.u32 s3, s0;
	s1 =	sshll.u32 s1, $0x11  }
0xba: {  	s0 =	sor.u32 s1, s0  }
0xbb: {  	s0 =	sadd.s32 $0x8F2B, s0  }
0xbc: {  	[sflag:s0] =	ssyncadd.remote.s32 $0x1  }
0xbd: {  	_ =	sfence.sel $0xFFFF  }
0xbe: {  	[dreg:$0x0] =	wrdreg $0xFFFFFFFF;
	(pc) =	sbr.abs _section_cstart, $3  }
0xbf: {  	[dreg:$0x1] =	wrdreg $0xFFFFFFFF  }
0xc0: {  	_ =	task.clear_ibuf [dreg:s6], $0x2FFFF;
	_ =	strace $0x9FFFFFFF  }
0xc1: {  	(tm) =	ssettm $0x7FFFFFFF  }
tec
execute0_lowered:
.L_overlay_start_1:
0x0: {  	(tag) =	ssettag $0x1  }
0x1: {  	s0 =	rddreg [dreg:$0x0];
	s1 =	simm.s32 $0x0  }
0x2: {  	s2 =	srdreg.scid;
	s11 =	stileid.u32;
	s13 =	simm.s32 $0x80  }
0x3: {  	s26 =	simm.s32 $0x100;
	s14 =	simm.s32 $0x180;
	s15 =	simm.s32 $0x7800  }
0x4: {  	s16 =	simm.s32 $0x8800;
	s17 =	simm.s32 $0x9800;
	s18 =	simm.s32 $0xA800  }
0x5: {  	s19 =	simm.s32 $0xB800;
	s20 =	simm.s32 $0xC800;
	s21 =	simm.s32 $0x4  }
0x6: {  	s22 =	simm.s32 $0x0;
	[smem:$0x7FF] =	sst s1;
	s3 =	sadd.s32 $0x6030000, s0  }
0x7: {  	s4 =	sadd.s32 $0xC000, s0;
	s5 =	sadd.s32 $0x20C000, s0;
	s2 =	sand.u32 $0x1, s2  }
0x8: {  	s6 =	sadd.s32 $0x40C000, s0;
	s9 =	sshll.u32 s11, $0xD;
	s7 =	sadd.s32 $0x60C000, s0  }
0x9: {  	s8 =	sadd.s32 $0x80C000, s0;
	s30 =	sshll.u32 s11, $0xE;
	_ =	strace $0x80000059  }
0xa: {  	s10 =	sshll.u32 s2, $0xC;
	s31 =	ssub.s32 $0x2, s2;
	s2 =	sshll.u32 s2, $0xD  }
0xb: {  	s9 =	sor.u32 s10, s9;
	s10 =	sadd.s32 s30, s0;
	s12 =	sshrl.u32 s31, $0x1  }
0xc: {  	s9 =	sshrl.u32 s9, $0x3;
	s11 =	ssub.s32 s31, s12;
	s2 =	sadd.s32 s2, s10  }
0xd: {  	s12 =	simm.s32 $0x7;
	s0 =	sadd.s32 s9, s0;
	s10 =	smax.u32 s11, $0x1  }
0xe: {  	s11 =	sadd.s32 $0xA0C000, s2;
	s2 =	simm.s32 $0xC000;
	s9 =	sadd.s32 $0x600C000, s0  }
.LBB2_1:
0xf: {  	[tilespmem:s1], [sflag:$0x7] =	stream.linear.gather [hbm4b:s9+s1], $0x1000, $0x38;
	[tilespmem:$0x13000] =	vst v63  }
0x10: {  	_ =	swait.ge [sflag:s12], $0x1000  }
0x11: {  	[sflag:s12] =	ssyncset.done $0x0  }
0x12: {  	s0 =	simm.s32 $0x1000;
	[sflag:s12] =	ssyncadd.s32 $0xFFFFF000  }
0x13: {  	[tilespmem:s0], [sflag:$0x1] =	stream.indirect.gather [hbm4b:s3+s13], $0x10, s1, s13, $0xb8;
	[tilespmem:$0x13000] =	vst v63  }
0x14: {  	s30 =	simm.s32 $0x2000  }
0x15: {  	[tilespmem:s30], [sflag:$0x1] =	stream.indirect.gather [hbm4b:s4+s13], $0x10, s1, s13, $0xb8;
	[tilespmem:$0x13000] =	vst v63  }
0x16: {  	s31 =	simm.s32 $0x3000  }
0x17: {  	[tilespmem:s31], [sflag:$0x1] =	stream.indirect.gather [hbm4b:s5+s13], $0x10, s1, s13, $0xb8;
	[tilespmem:$0x13000] =	vst v63  }
0x18: {  	s23 =	simm.s32 $0x4000  }
0x19: {  	[tilespmem:s23], [sflag:$0x1] =	stream.indirect.gather [hbm4b:s6+s13], $0x10, s1, s13, $0xb8;
	[tilespmem:$0x13000] =	vst v63  }
0x1a: {  	s24 =	simm.s32 $0x5000  }
0x1b: {  	[tilespmem:s24], [sflag:$0x1] =	stream.indirect.gather [hbm4b:s7+s13], $0x10, s1, s13, $0xb8;
	[tilespmem:$0x13000] =	vst v63  }
0x1c: {  	s25 =	simm.s32 $0x6000  }
0x1d: {  	[tilespmem:s25], [sflag:$0x1] =	stream.indirect.gather [hbm4b:s8+s13], $0x10, s1, s13, $0xb8;
	[tilespmem:$0x13000] =	vst v63  }
0x1e: {  	s28 =	simm.s32 $0x1800  }
0x1f: {  	[tilespmem:s28], [sflag:$0x1] =	stream.indirect.gather [hbm4b:s3+s13], $0x10, s13, s13, $0xb8;
	[tilespmem:$0x13000] =	vst v63  }
0x20: {  	s29 =	simm.s32 $0x2800  }
0x21: {  	[tilespmem:s29], [sflag:$0x1] =	stream.indirect.gather [hbm4b:s4+s13], $0x10, s13, s13, $0xb8;
	[tilespmem:$0x13000] =	vst v63  }
0x22: {  	s30 =	simm.s32 $0x3800  }
0x23: {  	[tilespmem:s30], [sflag:$0x1] =	stream.indirect.gather [hbm4b:s5+s13], $0x10, s13, s13, $0xb8;
	[tilespmem:$0x13000] =	vst v63  }
0x24: {  	s31 =	simm.s32 $0x4800  }
0x25: {  	[tilespmem:s31], [sflag:$0x1] =	stream.indirect.gather [hbm4b:s6+s13], $0x10, s13, s13, $0xb8;
	[tilespmem:$0x13000] =	vst v63  }
0x26: {  	s23 =	simm.s32 $0x5800  }
0x27: {  	[tilespmem:s23], [sflag:$0x1] =	stream.indirect.gather [hbm4b:s7+s13], $0x10, s13, s13, $0xb8;
	[tilespmem:$0x13000] =	vst v63  }
0x28: {  	s24 =	simm.s32 $0x6800  }
0x29: {  	[tilespmem:s24], [sflag:$0x1] =	stream.indirect.gather [hbm4b:s8+s13], $0x10, s13, s13, $0xb8;
	[tilespmem:$0x13000] =	vst v63  }
0x2a: {  	s25 =	simm.s32 $0x7000  }
0x2b: {  	[tilespmem:s25], [sflag:$0x2] =	stream.indirect.gather [hbm4b:s3+s13], $0x10, s26, s13, $0xb8;
	[tilespmem:$0x13000] =	vst v63  }
0x2c: {  	s28 =	simm.s32 $0x8000  }
0x2d: {  	[tilespmem:s28], [sflag:$0x2] =	stream.indirect.gather [hbm4b:s4+s13], $0x10, s26, s13, $0xb8;
	[tilespmem:$0x13000] =	vst v63  }
0x2e: {  	s29 =	simm.s32 $0x9000  }
0x2f: {  	[tilespmem:s29], [sflag:$0x2] =	stream.indirect.gather [hbm4b:s5+s13], $0x10, s26, s13, $0xb8;
	[tilespmem:$0x13000] =	vst v63  }
0x30: {  	s30 =	simm.s32 $0xA000  }
0x31: {  	[tilespmem:s30], [sflag:$0x2] =	stream.indirect.gather [hbm4b:s6+s13], $0x10, s26, s13, $0xb8;
	[tilespmem:$0x13000] =	vst v63  }
0x32: {  	s31 =	simm.s32 $0xB000  }
0x33: {  	[tilespmem:s31], [sflag:$0x2] =	stream.indirect.gather [hbm4b:s7+s13], $0x10, s26, s13, $0xb8;
	[tilespmem:$0x13000] =	vst v63  }
0x34: {  	_ = 	snop  }
0x35: {  	[tilespmem:s2], [sflag:$0x2] =	stream.indirect.gather [hbm4b:s8+s13], $0x10, s26, s13, $0xb8;
	[tilespmem:$0x13000] =	vst v63  }
0x36: {  	_ = 	snop  }
0x37: {  	[tilespmem:s15], [sflag:$0x2] =	stream.indirect.gather [hbm4b:s3+s13], $0x10, s14, s13, $0xb8;
	[tilespmem:$0x13000] =	vst v63  }
0x38: {  	_ = 	snop  }
0x39: {  	[tilespmem:s16], [sflag:$0x2] =	stream.indirect.gather [hbm4b:s4+s13], $0x10, s14, s13, $0xb8;
	[tilespmem:$0x13000] =	vst v63  }
0x3a: {  	_ = 	snop  }
0x3b: {  	[tilespmem:s17], [sflag:$0x2] =	stream.indirect.gather [hbm4b:s5+s13], $0x10, s14, s13, $0xb8;
	[tilespmem:$0x13000] =	vst v63  }
0x3c: {  	_ = 	snop  }
0x3d: {  	[tilespmem:s18], [sflag:$0x2] =	stream.indirect.gather [hbm4b:s6+s13], $0x10, s14, s13, $0xb8;
	[tilespmem:$0x13000] =	vst v63  }
0x3e: {  	_ = 	snop  }
0x3f: {  	[tilespmem:s19], [sflag:$0x2] =	stream.indirect.gather [hbm4b:s7+s13], $0x10, s14, s13, $0xb8;
	[tilespmem:$0x13000] =	vst v63  }
0x40: {  	s23 =	simm.s32 $0x200;
	s24 =	simm.s32 $0x0;
	s25 =	simm.s32 $0x0  }
0x41: {  	[tilespmem:s20], [sflag:$0x2] =	stream.indirect.gather [hbm4b:s8+s13], $0x10, s14, s13, $0xb8;
	[tilespmem:$0x13000] =	vst v63  }
.LBB2_2:
0x42: {  	s28 =	smul.u32 $0xAB, s25;
	_ =	sdelay $0x1  }
0x43: {  	s29 =	sadd.s32 $0x156, s28  }
0x44: {  	s29 =	sshrl.u32 s29, $0x9  }
0x45: {  	s29 =	sand.u32 $0x7F, s29  }
0x46: {  	s29 =	smul.u32 $0x3, s29;
	_ =	sdelay $0x1  }
0x47: {  	s29 =	ssub.s32 s25, s29  }
0x48: {  	s29 =	sadd.s32 $0x2, s29  }
0x49: {  	p0 =	seq.s32 s24, $0x0;
	s29 =	sand.u32 $0xFF, s29  }
0x4a: {  	s30 =	sadd.s32 @!p0 $0x4, s29  }
0x4b: {  	_ =	swait.ge @!p0 [sflag:s30], $0x1000  }
0x4c: {  	[sflag:s30] =	ssyncset.done @!p0 $0x0  }
0x4d: {  	[sflag:s30] =	ssyncadd.s32 @!p0 $0xFFFFF000  }
0x4e: {  	_ =	swait.ge @!p0 [sflag:s30], $0x1000  }
0x4f: {  	[sflag:s30] =	ssyncset.done @!p0 $0x0  }
0x50: {  	[sflag:s30] =	ssyncadd.s32 @!p0 $0xFFFFF000  }
0x51: {  	_ =	swait.ge @!p0 [sflag:s30], $0x1000  }
0x52: {  	[sflag:s30] =	ssyncset.done @!p0 $0x0  }
0x53: {  	[sflag:s30] =	ssyncadd.s32 @!p0 $0xFFFFF000  }
0x54: {  	_ =	swait.ge @!p0 [sflag:s30], $0x1000  }
0x55: {  	[sflag:s30] =	ssyncset.done @!p0 $0x0  }
0x56: {  	[sflag:s30] =	ssyncadd.s32 @!p0 $0xFFFFF000  }
0x57: {  	_ =	swait.ge @!p0 [sflag:s30], $0x1000  }
0x58: {  	[sflag:s30] =	ssyncset.done @!p0 $0x0  }
0x59: {  	[sflag:s30] =	ssyncadd.s32 @!p0 $0xFFFFF000  }
0x5a: {  	p1 =	sgt.u32 @!p0 s25, $0xD;
	_ =	swait.ge @!p0 [sflag:s30], $0x1000  }
0x5b: {  	p1 =	por p0, !p1;
	[sflag:s30] =	ssyncset.done @!p0 $0x0  }
0x5c: {  	[sflag:s30] =	ssyncadd.s32 @!p0 $0xFFFFF000;
	s30 =	smul.u32 @p1 $0x18000, s29;
	_ =	sdelay $0x1  }
0x5d: {  	s30 =	sshrl.u32 @p1 s30, $0x2  }
0x5e: {  	s29 =	sadd.s32 @p1 $0x1, s29;
	s31 =	sor.u32 @p1 $0x1000, s30  }
0x5f: {  	[tilespmem:s31], [sflag:s29] =	stream.indirect.gather @p1 [hbm4b:s3+s13], $0x10, s23, s13, $0xb8;
	[tilespmem:$0x13000] =	vst v63  }
0x60: {  	s31 =	sadd.s32 @p1 $0x2000, s30  }
0x61: {  	[tilespmem:s31], [sflag:s29] =	stream.indirect.gather @p1 [hbm4b:s4+s13], $0x10, s23, s13, $0xb8;
	[tilespmem:$0x13000] =	vst v63  }
0x62: {  	s31 =	sadd.s32 @p1 $0x3000, s30  }
0x63: {  	[tilespmem:s31], [sflag:s29] =	stream.indirect.gather @p1 [hbm4b:s5+s13], $0x10, s23, s13, $0xb8;
	[tilespmem:$0x13000] =	vst v63  }
0x64: {  	s31 =	sadd.s32 @p1 $0x4000, s30  }
0x65: {  	[tilespmem:s31], [sflag:s29] =	stream.indirect.gather @p1 [hbm4b:s6+s13], $0x10, s23, s13, $0xb8;
	[tilespmem:$0x13000] =	vst v63  }
0x66: {  	s31 =	sadd.s32 @p1 $0x5000, s30  }
0x67: {  	[tilespmem:s31], [sflag:s29] =	stream.indirect.gather @p1 [hbm4b:s7+s13], $0x10, s23, s13, $0xb8;
	[tilespmem:$0x13000] =	vst v63  }
0x68: {  	s31 =	sadd.s32 @p1 $0x6000, s30  }
0x69: {  	[tilespmem:s31], [sflag:s29] =	stream.indirect.gather @p1 [hbm4b:s8+s13], $0x10, s23, s13, $0xb8;
	[tilespmem:$0x13000] =	vst v63  }
0x6a: {  	s0 =	sadd.s32 @p1 $0x80, s23;
	s31 =	sor.u32 @p1 $0x1800, s30  }
0x6b: {  	[tilespmem:s31], [sflag:s29] =	stream.indirect.gather @p1 [hbm4b:s3+s13], $0x10, s0, s13, $0xb8;
	[tilespmem:$0x13000] =	vst v63  }
0x6c: {  	s31 =	sadd.s32 @p1 $0x2800, s30  }
0x6d: {  	[tilespmem:s31], [sflag:s29] =	stream.indirect.gather @p1 [hbm4b:s4+s13], $0x10, s0, s13, $0xb8;
	[tilespmem:$0x13000] =	vst v63  }
0x6e: {  	s31 =	sadd.s32 @p1 $0x3800, s30  }
0x6f: {  	[tilespmem:s31], [sflag:s29] =	stream.indirect.gather @p1 [hbm4b:s5+s13], $0x10, s0, s13, $0xb8;
	[tilespmem:$0x13000] =	vst v63  }
0x70: {  	s31 =	sadd.s32 @p1 $0x4800, s30  }
0x71: {  	[tilespmem:s31], [sflag:s29] =	stream.indirect.gather @p1 [hbm4b:s6+s13], $0x10, s0, s13, $0xb8;
	[tilespmem:$0x13000] =	vst v63  }
0x72: {  	s31 =	sadd.s32 @p1 $0x5800, s30  }
0x73: {  	[tilespmem:s31], [sflag:s29] =	stream.indirect.gather @p1 [hbm4b:s7+s13], $0x10, s0, s13, $0xb8;
	[tilespmem:$0x13000] =	vst v63  }
0x74: {  	s30 =	sadd.s32 @p1 $0x6800, s30  }
0x75: {  	[tilespmem:s30], [sflag:s29] =	stream.indirect.gather @p1 [hbm4b:s8+s13], $0x10, s0, s13, $0xb8;
	[tilespmem:$0x13000] =	vst v63  }
0x76: {  	s30 =	sshrl.u32 s28, $0x9  }
0x77: {  	s0 =	sand.u32 $0x7F, s30  }
0x78: {  	s0 =	smul.u32 $0x3, s0;
	_ =	sdelay $0x1  }
0x79: {  	s0 =	ssub.s32 s25, s0  }
0x7a: {  	s0 =	sand.u32 $0xFF, s0  }
0x7b: {  	s31 =	sadd.s32 $0x1, s0  }
0x7c: {  	_ =	swait.ge [sflag:s31], $0x800  }
0x7d: {  	[sflag:s31] =	ssyncset.done $0x0  }
0x7e: {  	[sflag:s31] =	ssyncadd.s32 $0xFFFFF800  }
0x7f: {  	_ =	swait.ge [sflag:s31], $0x800  }
0x80: {  	[sflag:s31] =	ssyncset.done $0x0  }
0x81: {  	[sflag:s31] =	ssyncadd.s32 $0xFFFFF800  }
0x82: {  	_ =	swait.ge [sflag:s31], $0x800  }
0x83: {  	[sflag:s31] =	ssyncset.done $0x0  }
0x84: {  	[sflag:s31] =	ssyncadd.s32 $0xFFFFF800  }
0x85: {  	_ =	swait.ge [sflag:s31], $0x800  }
0x86: {  	[sflag:s31] =	ssyncset.done $0x0  }
0x87: {  	[sflag:s31] =	ssyncadd.s32 $0xFFFFF800  }
0x88: {  	_ =	swait.ge [sflag:s31], $0x800  }
0x89: {  	[sflag:s31] =	ssyncset.done $0x0  }
0x8a: {  	[sflag:s31] =	ssyncadd.s32 $0xFFFFF800  }
0x8b: {  	_ =	swait.ge [sflag:s31], $0x800  }
0x8c: {  	[sflag:s31] =	ssyncset.done $0x0  }
0x8d: {  	[sflag:s31] =	ssyncadd.s32 $0xFFFFF800  }
0x8e: {  	_ =	swait.ge [sflag:s31], $0x800  }
0x8f: {  	[sflag:s31] =	ssyncset.done $0x0  }
0x90: {  	[sflag:s31] =	ssyncadd.s32 $0xFFFFF800  }
0x91: {  	_ =	swait.ge [sflag:s31], $0x800  }
0x92: {  	[sflag:s31] =	ssyncset.done $0x0  }
0x93: {  	[sflag:s31] =	ssyncadd.s32 $0xFFFFF800  }
0x94: {  	_ =	swait.ge [sflag:s31], $0x800  }
0x95: {  	[sflag:s31] =	ssyncset.done $0x0  }
0x96: {  	[sflag:s31] =	ssyncadd.s32 $0xFFFFF800  }
0x97: {  	_ =	swait.ge [sflag:s31], $0x800  }
0x98: {  	[sflag:s31] =	ssyncset.done $0x0  }
0x99: {  	[sflag:s31] =	ssyncadd.s32 $0xFFFFF800  }
0x9a: {  	_ =	swait.ge [sflag:s31], $0x800  }
0x9b: {  	[sflag:s31] =	ssyncset.done $0x0  }
0x9c: {  	s30 =	smul.u32 $0x18000, s0;
	[sflag:s31] =	ssyncadd.s32 $0xFFFFF800  }
0x9d: {  	_ =	swait.ge [sflag:s31], $0x800  }
0x9e: {  	s29 =	sadd.s32 s24, s11;
	s28 =	sshrl.u32 s30, $0x2;
	[sflag:s31] =	ssyncset.done $0x0  }
0x9f: {  	s0 =	sadd.s32 $0x4, s0;
	[sflag:s31] =	ssyncadd.s32 $0xFFFFF800;
	s31 =	sor.u32 $0x1000, s28  }
0xa0: {  	[hbm4b:s29+s1] =	stream.linear.scatter [tilespmem:s31], [sflag:s0], $0x1000, $0x38;
	[tilespmem:$0x13000] =	vst v63  }
0xa1: {  	s30 =	sadd.s32 $0x40000, s29;
	s31 =	sadd.s32 $0x2000, s28  }
0xa2: {  	[hbm4b:s30+s1] =	stream.linear.scatter [tilespmem:s31], [sflag:s0], $0x1000, $0x38;
	[tilespmem:$0x13000] =	vst v63  }
0xa3: {  	s24 =	sadd.s32 $0x200, s24;
	s30 =	sadd.s32 $0x80000, s29;
	s31 =	sadd.s32 $0x3000, s28  }
0xa4: {  	[hbm4b:s30+s1] =	stream.linear.scatter [tilespmem:s31], [sflag:s0], $0x1000, $0x38;
	[tilespmem:$0x13000] =	vst v63  }
0xa5: {  	p0 =	sne.s32 s24, $0x2000;
	s30 =	sadd.s32 $0xC0000, s29;
	s31 =	sadd.s32 $0x4000, s28  }
0xa6: {  	[hbm4b:s30+s1] =	stream.linear.scatter [tilespmem:s31], [sflag:s0], $0x1000, $0x38;
	[tilespmem:$0x13000] =	vst v63  }
.Ltmp0:
0xa7: {  	_ = 	snop;
	(pc) =	sbr.rel @p0 .LBB2_2-.Ltmp0, $4  }
0xa8: {  	s23 =	sadd.s32 $0x100, s23;
	s30 =	sadd.s32 $0x100000, s29;
	s31 =	sadd.s32 $0x5000, s28  }
0xa9: {  	[hbm4b:s30+s1] =	stream.linear.scatter [tilespmem:s31], [sflag:s0], $0x1000, $0x38;
	[tilespmem:$0x13000] =	vst v63  }
0xaa: {  	s25 =	sadd.s32 $0x1, s25;
	s29 =	sadd.s32 $0x140000, s29;
	s28 =	sadd.s32 $0x6000, s28  }
0xab: {  	[hbm4b:s29+s1] =	stream.linear.scatter [tilespmem:s28], [sflag:s0], $0x1000, $0x38;
	[tilespmem:$0x13000] =	vst v63  }
0xac: {  	_ =	swait.ge [sflag:s21], $0x1000  }
0xad: {  	[sflag:s21] =	ssyncset.done $0x0  }
0xae: {  	[sflag:s21] =	ssyncadd.s32 $0xFFFFF000  }
0xaf: {  	_ =	swait.ge [sflag:s21], $0x1000  }
0xb0: {  	[sflag:s21] =	ssyncset.done $0x0  }
0xb1: {  	[sflag:s21] =	ssyncadd.s32 $0xFFFFF000  }
0xb2: {  	_ =	swait.ge [sflag:s21], $0x1000  }
0xb3: {  	[sflag:s21] =	ssyncset.done $0x0  }
0xb4: {  	[sflag:s21] =	ssyncadd.s32 $0xFFFFF000  }
0xb5: {  	_ =	swait.ge [sflag:s21], $0x1000  }
0xb6: {  	[sflag:s21] =	ssyncset.done $0x0  }
0xb7: {  	s22 =	sadd.s32 $0x1, s22;
	[sflag:s21] =	ssyncadd.s32 $0xFFFFF000  }
0xb8: {  	p0 =	sne.s32 s22, s10;
	_ =	swait.ge [sflag:s21], $0x1000  }
.Ltmp1:
0xb9: {  	[sflag:s21] =	ssyncset.done $0x0;
	(pc) =	sbr.rel @p0 .LBB2_1-.Ltmp1, $4  }
0xba: {  	[sflag:s21] =	ssyncadd.s32 $0xFFFFF000  }
0xbb: {  	_ =	swait.ge [sflag:s21], $0x1000  }
0xbc: {  	[sflag:s21] =	ssyncset.done $0x0  }
0xbd: {  	[sflag:s21] =	ssyncadd.s32 $0xFFFFF000  }
0xbe: {  	_ =	sfence.sel $0x180000  }
0xbf: {  	[bflag:$0x0] =	sbarrier.arrive $0xFFFF  }
0xc0: {  	_ =	strace $0x90000059  }
0xc1: {  	s0 =	stileid.u32;
	[bflag:$0x2] =	sbarrier.arrive $0xFFFF  }
0xc2: {  	p0 =	sne.s32 s0, $0x0;
	s0 =	rddreg [dreg:$0x1]  }
0xc3: {  	s0 =	sadd.s32 @!p0 $0x100000, s0  }
0xc4: {  	[sflag:s0] =	ssyncadd.tile.s32 @!p0 $0x1;
	_ =	shalt  }
.Lfunc_end2:
_tile_overlayer_lowered:
.L_overlay_start_2:
0xc5: {  	(tag) =	ssettag $0x2  }
0xc6: {  	s0 =	rddreg [dreg:$0x0];
	s2 =	stileid.u32  }
0xc7: {  	s1 =	rddreg [dreg:$0x1];
	p0 =	sne.s32 s2, $0x0  }
0xc8: {  	s3 =	rddreg [dreg:$0x2];
	[bflag:$0x3] =	sbarrier.arrive $0xFFFF;
	s2 =	simm.s32 @!p0 $0x1C07  }
0xc9: {  	[timem:s3], [sflag:s2] =	dma.local @!p0 [hbm:s0], s1  }
0xca: {  	s0 =	simm.s32 @!p0 $0x7  }
0xcb: {  	_ =	swait.ge @!p0 [sflag:s0], s1  }
0xcc: {  	s1 =	ssub.s32 @!p0 $0x0, s1;
	[sflag:s0] =	ssyncset.done @!p0 $0x0  }
0xcd: {  	[sflag:s0] =	ssyncadd.s32 @!p0 s1  }
0xce: {  	[bflag:$0x3] =	sbarrier.arrive $0xFFFF  }
0xcf: {  	_ =	shalt  }

// kernel: sparse-core-data-format-call.1.cloned.1.call-start
scs
called_computation.1_lowered:
.L_overlay_start_0:
0x0: {  	s2 =	sld [smem:$0x3FD9]  }
0x1: {  	s3 =	sld [smem:$0x3FFE];
	_ =	sdelay $0x1  }
0x2: {  	s1 =	srdreg.scid  }
0x3: {  	s0 =	sand.u32 $0x1, s1  }
0x4: {  	s18 =	sshll.u32 s0, $0xA;
	s2 =	sadd.s32 s3, s2  }
0x5: {  	s2 =	sadd.s32 s2, s18  }
0x6: {  	[smem:$0x3F1B] =	sst s2  }
0x7: {  	_ = 	snop  }
0x8: {  	s19 =	sld [smem:$0x3F1D];
	(tm) =	ssettm $0x1  }
0x9: {  	s20 =	sld [smem:$0x3FFB];
	_ =	sdelay $0x3  }
0xa: {  	_ =	strace s20  }
0xb: {  	s2 =	sld [smem:$0x3FFC];
	_ =	sdelay $0x3  }
0xc: {  	_ =	strace s2  }
0xd: {  	s2 =	sld [smem:$0x3FFD];
	_ =	sdelay $0x3  }
0xe: {  	_ =	strace s2  }
0xf: {  	_ =	strace $0x8FFFFFFF  }
0x10: {  	s21 =	sld [smem:$0x3FDB];
	_ =	sdelay $0x1  }
0x11: {  	s4 =	simm.s32 $_scs_section_size  }
0x12: {  	s5 =	simm.s32 $_size__tile_overlayer_lowered;
	s6 =	simm.s32 $_tile_overlayer_lowered  }
0x13: {  	s7 =	simm.s32 $0x1BFF;
	s22 =	sshll.u32 s6, $0x1;
	s4 =	sadd.s32 s4, s21  }
0x14: {  	s23 =	simm.s32 $0x0;
	s5 =	sshll.u32 s5, $0x1;
	s6 =	sadd.s32 s22, s4  }
0x15: {  	[timem:s23], [sflag:s7] =	dma.local [hbm:s6], s5  }
0x16: {  	_ =	swait.ge [sflag:s7], s5  }
0x17: {  	s5 =	ssub.s32 $0x0, s5;
	[sflag:s7] =	ssyncset.done $0x0  }
0x18: {  	[sflag:s7] =	ssyncadd.s32 s5;
	_ =	sdelay $0x1  }
0x19: {  	s24 =	simm.s32 $0x1B8B  }
0x1a: {  	_ =	swait.ge [sflag:s24], $0x1  }
0x1b: {  	[sflag:s24] =	ssyncset.done $0x0  }
0x1c: {  	[sflag:s24] =	ssyncadd.s32 $0xFFFFFFFF  }
0x1d: {  	s5 =	sld [smem:$0x0]  }
0x1e: {  	s6 =	sand.u32 $0xFFFFFFFE, s1  }
0x1f: {  	p0 =	sne.s32 s1, s6  }
0x20: {  	s6 =	sshll.u32 @p0 s6, $0xE  }
0x21: {  	s6 =	sadd.s32 @p0 $0x11B8D, s6;
	s7 =	sshll.u32 @p0 s5, $0x11  }
0x22: {  	s6 =	sor.u32 @p0 s7, s6  }
0x23: {  	[sflag:s6] =	ssyncadd.remote.s32 @p0 $0x1;
	_ =	sdelay $0x1  }
0x24: {  	s6 =	simm.s32 @p0 $0x1B8D  }
0x25: {  	_ =	swait.eq @p0 [sflag:s6], $0x1  }
0x26: {  	[sflag:s6] =	ssyncadd.s32 @p0 $0xFFFFFFFF  }
0x27: {  	s7 =	sshll.u32 @!p0 s1, $0xE  }
0x28: {  	s7 =	sor.u32 @!p0 $0x4000, s7;
	s6 =	simm.s32 @!p0 $0x1B8D  }
0x29: {  	s5 =	sshll.u32 @!p0 s5, $0x11;
	s7 =	sadd.s32 @!p0 $0x11B8D, s7;
	_ =	swait.eq @!p0 [sflag:s6], $0x1  }
0x2a: {  	s5 =	sor.u32 @!p0 s5, s7;
	[sflag:s6] =	ssyncadd.s32 @!p0 $0xFFFFFFFF  }
0x2b: {  	s26 =	simm.s32 $0x1B8E;
	s25 =	sld [smem:$0x3FFE];
	[sflag:s5] =	ssyncadd.remote.s32 @!p0 $0x1  }
0x2c: {  	s27 =	simm.s32 $execute0_lowered;
	[smem:$0x3FD2] =	sst s26  }
0x2d: {  	s6 =	sshll.u32 s27, $0x1;
	_ =	strace $0x80000055;
	[dreg:$0x1] =	wrdreg $0xFFFFFFFF  }
0x2e: {  	s28 =	simm.s32 $_size_execute0_lowered;
	s4 =	sadd.s32 s4, s6;
	[dreg:$0x0] =	wrdreg $0x0  }
0x2f: {  	s6 =	sshll.u32 s28, $0x1;
	[dreg:$0x2] =	wrdreg s4  }
0x30: {  	[dreg:$0x3] =	wrdreg s6  }
0x31: {  	[dreg:$0x4] =	wrdreg $0xC0  }
0x32: {  	_ =	task [dreg:s23], $0x5FFFF  }
0x33: {  	[dreg:$0x1] =	wrdreg $0xFFFFFFFF  }
0x34: {  	[dreg:$0x0] =	wrdreg $0x60  }
0x35: {  	[dreg:$0x2] =	wrdreg s19  }
0x36: {  	[dreg:$0x3] =	wrdreg s25  }
0x37: {  	[dreg:$0x4] =	wrdreg $0x9  }
0x38: {  	_ =	task.clear_ibuf [dreg:s23], $0x5FFFF;
	_ =	strace $0x90000055  }
0x39: {  	s29 =	simm.s32 $0x9;
	_ =	strace $0x80000057  }
0x3a: {  	_ =	swait.ge [sflag:s29], $0x1  }
0x3b: {  	[sflag:s29] =	ssyncadd.s32 $0xFFFFFFFF  }
0x3c: {  	_ =	strace $0x90000057  }
0x3d: {  	_ =	sfence  }
0x3e: {  	s30 =	sld [smem:$0x0];
	_ =	sdelay $0x2  }
0x3f: {  	s31 =	sshll.u32 s1, $0xD;
	s1 =	sshrl.u32 s1, $0x2  }
0x40: {  	s4 =	sand.u32 $0x4000, s31;
	s1 =	sadd.s32 s1, s30  }
0x41: {  	s0 =	sor.u32 s4, s0;
	s1 =	sshll.u32 s1, $0x11  }
0x42: {  	s0 =	sor.u32 s1, s0  }
0x43: {  	s0 =	sadd.s32 $0x8F2B, s0  }
0x44: {  	[sflag:s0] =	ssyncadd.remote.s32 $0x1  }
0x45: {  	_ =	sfence.sel $0xFFFF  }
0x46: {  	[dreg:$0x0] =	wrdreg $0xFFFFFFFF;
	(pc) =	sbr.abs _section_cstart, $3  }
0x47: {  	[dreg:$0x1] =	wrdreg $0xFFFFFFFF  }
0x48: {  	_ =	task.clear_ibuf [dreg:s23], $0x2FFFF;
	_ =	strace $0x9FFFFFFF  }
0x49: {  	(tm) =	ssettm $0x7FFFFFFF  }
tec
execute0_lowered:
.L_overlay_start_1:
0x0: {  	(tag) =	ssettag $0x1  }
0x1: {  	s2 =	rddreg [dreg:$0x0]  }
0x2: {  	s1 =	rddreg [dreg:$0x1]  }
0x3: {  	s0 =	rddreg [dreg:$0x2];
	_ =	strace $0x80000056;
	s4 =	srdreg.scid  }
0x4: {  	s6 =	simm.s32 $0x2;
	s11 =	simm.s32 $0x0;
	p0 =	por $0x0, $0x0  }
.Ltmp0:
0x5: {  	s7 =	simm.s32 $0x80;
	s12 =	simm.s32 $0x0;
	(pc) =	sbr.rel .LBB1_1-.Ltmp0, $4  }
0x6: {  	s9 =	simm.s32 $0x0;
	s3 =	sadd.s32 $0x500C000, s1;
	s5 =	sshll.u32 s4, $0x4  }
0x7: {  	s1 =	stileid.u32;
	s4 =	simm.s32 $0x1;
	s5 =	sand.u32 $0x10, s5  }
0x8: {  	s8 =	simm.s32 $0x0;
	[sflag:s4] =	ssyncpa.u1 $0x0;
	s5 =	sor.u32 s1, s5  }
0x9: {  	[sflag:s6] =	ssyncpa.u1 $0x0;
	s6 =	simm.s32 $0x10;
	s10 =	smov.u32 s5  }
.LBB1_7:
0xa: {  	s13 =	sadd.s32 $0x1, s9  }
0xb: {  	s11 =	sadd.s32 $0x20, s10;
	s15 =	smov.u32 s10;
	p2 =	sgt.s32 s13, $0x1F  }
0xc: {  	p1 =	slt.u32 s8, $0x2;
	s15 =	smov.u32 @p2 s11  }
0xd: {  	s8 =	sadd.s32 $0x1, s8;
	s13 =	simm.s32 @p2 $0x0;
	p2 =	sgt.s32 s15, $0x1F  }
0xe: {  	s15 =	smov.u32 @p2 s5;
	p2 =	sne.s32 s8, $0x22  }
.Ltmp1:
0xf: {  	_ = 	snop;
	(pc) =	sbr.rel @!p2 .LBB1_8-.Ltmp1, $4  }
0x10: {  	s14 =	simm.s32 @!p1 $0x2  }
0x11: {  	s12 =	smov.u32 s10;
	_ =	swait.ge @!p1 [sflag:s14], $0x4000  }
0x12: {  	p0 =	por !p0, !p0;
	s11 =	smov.u32 s9;
	[sflag:s14] =	ssyncset.done @!p1 $0x0  }
0x13: {  	s9 =	smov.u32 s13;
	[sflag:s14] =	ssyncadd.s32 @!p1 $0xFFFFC000;
	s10 =	smov.u32 s15  }
.LBB1_1:
0x14: {  	p1 =	sgt.u32 s8, $0x1F  }
0x15: {  	s13 =	sxor.u32 @!p1 $0xFFFFFFFF, s8;
	s14 =	sshll.u32 @!p1 s10, $0x12;
	s15 =	sshll.u32 @!p1 s9, $0xD  }
0x16: {  	s16 =	simm.s32 @!p1 $0x80;
	s13 =	sshll.u32 @!p1 s13, $0xE;
	s14 =	sadd.s32 @!p1 s2, s14  }
0x17: {  	s13 =	sand.u32 @!p1 $0x4000, s13;
	s14 =	sadd.s32 @!p1 s15, s14;
	s15 =	simm.s32 @!p1 $0x20  }
0x18: {  	[tilespmem:s13], [sflag:$0x1] =	stream.strided.gather @!p1 [hbm4b:s14+s15], $0x4000, s16, s15, $0x38;
	[tilespmem:$0x10800] =	vst v63  }
0x19: {  	p1 =	seq.s32 s8, $0x0  }
0x1a: {  	p2 =	seq.s32 @!p1 s8, $0x21  }
0x1b: {  	p1 =	por p1, p2  }
.Ltmp2:
0x1c: {  	_ = 	snop;
	(pc) =	sbr.rel @p1 .LBB1_7-.Ltmp2, $1  }
0x1d: {  	_ =	sdelay $0x3  }
0x1e: {  	s14 =	simm.s32 $0x1;
	s15 =	sand.u32 $0x1, s8  }
0x1f: {  	_ =	swait.ge [sflag:s4], $0x4000;
	s14 =	simm.s32 @!p0 $0x0;
	s16 =	smul.u32 $0x11000, s15  }
0x20: {  	[sflag:s4] =	ssyncset.done $0x0;
	s13 =	smul.u32 $0x11000, s14  }
0x21: {  	s14 =	sshll.u32 s14, $0xE;
	[sflag:s4] =	ssyncadd.s32 $0xFFFFC000  }
0x22: {  	s15 =	sor.u32 $0x10, s14;
	s31 =	sshrl.u32 s16, $0x2;
	s13 =	sshrl.u32 s13, $0x2  }
0x23: {  	s16 =	simm.s32 $0x0;
	s14 =	sor.u32 $0x8000, s31;
	s13 =	sor.u32 $0x8000, s13  }
.LBB1_3:
0x24: {  	v1 =	vld [tilespmem:s15+$0x0]  }
0x25: {  	v0 =	vld [tilespmem:s15+$0xFFFFFFF0];
	_ =	sdelay $0x2  }
0x26: {  	s19 =	sadd.s32 $0x0, s13  }
0x27: {  	s17 =	simm.s32 $0x4;
	s18 =	sadd.s32 $0x20, s15;
	[tilespmem:s19+$0x110 ss:$0x11] =	vst.msk $0xffff, v1  }
.LBB1_4:
0x28: {  	v1 =	vld [tilespmem:s18+$0x0];
	p1 =	sne.s32 s17, $0x3C;
	[tilespmem:s19+$0x0 ss:$0x11] =	vst.msk $0xffff, v0;
	s19 =	smov.u32 s17;
	s17 =	sadd.s32 $0x4, s17  }
.Ltmp3:
0x29: {  	v0 =	vld [tilespmem:s18+$0xFFFFFFF0];
	(pc) =	sbr.rel @p1 .LBB1_4-.Ltmp3, $4  }
0x2a: {  	_ = 	snop  }
0x2b: {  	s19 =	sshra.s32 s19, $0x2  }
0x2c: {  	s19 =	sadd.s32 s19, s13  }
0x2d: {  	s18 =	sadd.s32 $0x20, s18;
	[tilespmem:s19+$0x110 ss:$0x11] =	vst.msk $0xffff, v1  }
0x2e: {  	s16 =	sadd.s32 $0x1, s16  }
0x2f: {  	p1 =	sne.s32 s16, $0x20  }
.Ltmp4:
0x30: {  	_ = 	snop;
	(pc) =	sbr.rel @p1 .LBB1_3-.Ltmp4, $2  }
0x31: {  	_ =	sdelay $0x2  }
0x32: {  	[tilespmem:s19+$0x0 ss:$0x11] =	vst.msk $0xffff, v0;
	s13 =	sadd.s32 $0x220, s13;
	s15 =	sadd.s32 $0x200, s15  }
.Ltmp5:
0x33: {  	(pc) =	sbr.rel .LBB1_7-.Ltmp5, $4  }
0x34: {  	s12 =	sshll.u32 s12, $0x13  }
0x35: {  	s11 =	sshll.u32 s11, $0xE;
	s12 =	sadd.s32 s3, s12  }
0x36: {  	s11 =	sadd.s32 s11, s12  }
0x37: {  	[hbm4b:s11+s6] =	stream.strided.scatter [tilespmem:s14], [sflag:$0x2], $0x4000, s7, s6, $0x8;
	[tilespmem:$0x10800] =	vst v63  }
.LBB1_8:
0x38: {  	_ =	sfence.sel $0x180000  }
0x39: {  	s2 =	simm.s32 $0x1;
	[bflag:$0x0] =	sbarrier.arrive $0xFFFF  }
0x3a: {  	s31 =	simm.s32 $0x2;
	[sflag:s2] =	ssyncpa.u1 $0x1  }
0x3b: {  	[sflag:s31] =	ssyncpa.u1 $0x1  }
0x3c: {  	p0 =	sne.s32 s1, $0x0;
	_ =	strace $0x90000056  }
0x3d: {  	s0 =	sadd.s32 @!p0 $0x100000, s0;
	[bflag:$0x2] =	sbarrier.arrive $0xFFFF  }
0x3e: {  	[sflag:s0] =	ssyncadd.tile.s32 @!p0 $0x1;
	_ =	shalt  }
.Lfunc_end1:
_tile_overlayer_lowered:
.L_overlay_start_2:
0x3f: {  	(tag) =	ssettag $0x2  }
0x40: {  	s0 =	rddreg [dreg:$0x0];
	s2 =	stileid.u32  }
0x41: {  	s1 =	rddreg [dreg:$0x1];
	p0 =	sne.s32 s2, $0x0  }
0x42: {  	s3 =	rddreg [dreg:$0x2];
	[bflag:$0x3] =	sbarrier.arrive $0xFFFF;
	s2 =	simm.s32 @!p0 $0x1C01  }
0x43: {  	[timem:s3], [sflag:s2] =	dma.local @!p0 [hbm:s0], s1  }
0x44: {  	s0 =	simm.s32 @!p0 $0x1  }
0x45: {  	_ =	swait.ge @!p0 [sflag:s0], s1  }
0x46: {  	s1 =	ssub.s32 @!p0 $0x0, s1;
	[sflag:s0] =	ssyncset.done @!p0 $0x0  }
0x47: {  	[sflag:s0] =	ssyncadd.s32 @!p0 s1  }
0x48: {  	[bflag:$0x3] =	sbarrier.arrive $0xFFFF  }
0x49: {  	_ =	shalt  }

// kernel: sparse-core-data-format-call.2.cloned.1.call-start
scs
called_computation.2_lowered:
.L_overlay_start_0:
0x0: {  	s2 =	sld [smem:$0x3FD9]  }
0x1: {  	s3 =	sld [smem:$0x3FFE];
	_ =	sdelay $0x1  }
0x2: {  	s1 =	srdreg.scid  }
0x3: {  	s0 =	sand.u32 $0x1, s1  }
0x4: {  	s18 =	sshll.u32 s0, $0xA;
	s2 =	sadd.s32 s3, s2  }
0x5: {  	s2 =	sadd.s32 s2, s18  }
0x6: {  	[smem:$0x3F1B] =	sst s2  }
0x7: {  	_ = 	snop  }
0x8: {  	s19 =	sld [smem:$0x3F1E];
	(tm) =	ssettm $0x1  }
0x9: {  	s20 =	sld [smem:$0x3FFB];
	_ =	sdelay $0x3  }
0xa: {  	_ =	strace s20  }
0xb: {  	s2 =	sld [smem:$0x3FFC];
	_ =	sdelay $0x3  }
0xc: {  	_ =	strace s2  }
0xd: {  	s2 =	sld [smem:$0x3FFD];
	_ =	sdelay $0x3  }
0xe: {  	_ =	strace s2  }
0xf: {  	_ =	strace $0x8FFFFFFF  }
0x10: {  	s21 =	sld [smem:$0x3FDB];
	_ =	sdelay $0x1  }
0x11: {  	s4 =	simm.s32 $_scs_section_size  }
0x12: {  	s5 =	simm.s32 $_size__tile_overlayer_lowered;
	s6 =	simm.s32 $_tile_overlayer_lowered  }
0x13: {  	s7 =	simm.s32 $0x1BFF;
	s22 =	sshll.u32 s6, $0x1;
	s4 =	sadd.s32 s4, s21  }
0x14: {  	s23 =	simm.s32 $0x0;
	s5 =	sshll.u32 s5, $0x1;
	s6 =	sadd.s32 s22, s4  }
0x15: {  	[timem:s23], [sflag:s7] =	dma.local [hbm:s6], s5  }
0x16: {  	_ =	swait.ge [sflag:s7], s5  }
0x17: {  	s5 =	ssub.s32 $0x0, s5;
	[sflag:s7] =	ssyncset.done $0x0  }
0x18: {  	[sflag:s7] =	ssyncadd.s32 s5;
	_ =	sdelay $0x1  }
0x19: {  	s24 =	simm.s32 $0x1B8B  }
0x1a: {  	_ =	swait.ge [sflag:s24], $0x1  }
0x1b: {  	[sflag:s24] =	ssyncset.done $0x0  }
0x1c: {  	[sflag:s24] =	ssyncadd.s32 $0xFFFFFFFF  }
0x1d: {  	s5 =	sld [smem:$0x0]  }
0x1e: {  	s6 =	sand.u32 $0xFFFFFFFE, s1  }
0x1f: {  	p0 =	sne.s32 s1, s6  }
0x20: {  	s6 =	sshll.u32 @p0 s6, $0xE  }
0x21: {  	s6 =	sadd.s32 @p0 $0x11B8D, s6;
	s7 =	sshll.u32 @p0 s5, $0x11  }
0x22: {  	s6 =	sor.u32 @p0 s7, s6  }
0x23: {  	[sflag:s6] =	ssyncadd.remote.s32 @p0 $0x1;
	_ =	sdelay $0x1  }
0x24: {  	s6 =	simm.s32 @p0 $0x1B8D  }
0x25: {  	_ =	swait.eq @p0 [sflag:s6], $0x1  }
0x26: {  	[sflag:s6] =	ssyncadd.s32 @p0 $0xFFFFFFFF  }
0x27: {  	s7 =	sshll.u32 @!p0 s1, $0xE  }
0x28: {  	s7 =	sor.u32 @!p0 $0x4000, s7;
	s6 =	simm.s32 @!p0 $0x1B8D  }
0x29: {  	s5 =	sshll.u32 @!p0 s5, $0x11;
	s7 =	sadd.s32 @!p0 $0x11B8D, s7;
	_ =	swait.eq @!p0 [sflag:s6], $0x1  }
0x2a: {  	s5 =	sor.u32 @!p0 s5, s7;
	[sflag:s6] =	ssyncadd.s32 @!p0 $0xFFFFFFFF  }
0x2b: {  	s26 =	simm.s32 $0x1B8E;
	s25 =	sld [smem:$0x3FFE];
	[sflag:s5] =	ssyncadd.remote.s32 @!p0 $0x1  }
0x2c: {  	s27 =	simm.s32 $execute0_lowered;
	[smem:$0x3FD2] =	sst s26  }
0x2d: {  	s6 =	sshll.u32 s27, $0x1;
	_ =	strace $0x80000052;
	[dreg:$0x1] =	wrdreg $0xFFFFFFFF  }
0x2e: {  	s28 =	simm.s32 $_size_execute0_lowered;
	s4 =	sadd.s32 s4, s6;
	[dreg:$0x0] =	wrdreg $0x0  }
0x2f: {  	s6 =	sshll.u32 s28, $0x1;
	[dreg:$0x2] =	wrdreg s4  }
0x30: {  	[dreg:$0x3] =	wrdreg s6  }
0x31: {  	[dreg:$0x4] =	wrdreg $0xC0  }
0x32: {  	_ =	task [dreg:s23], $0x5FFFF  }
0x33: {  	[dreg:$0x1] =	wrdreg $0xFFFFFFFF  }
0x34: {  	[dreg:$0x0] =	wrdreg $0x60  }
0x35: {  	[dreg:$0x2] =	wrdreg s19  }
0x36: {  	[dreg:$0x3] =	wrdreg s25  }
0x37: {  	[dreg:$0x4] =	wrdreg $0xA  }
0x38: {  	_ =	task.clear_ibuf [dreg:s23], $0x5FFFF;
	_ =	strace $0x90000052  }
0x39: {  	s29 =	simm.s32 $0xA;
	_ =	strace $0x80000054  }
0x3a: {  	_ =	swait.ge [sflag:s29], $0x1  }
0x3b: {  	[sflag:s29] =	ssyncadd.s32 $0xFFFFFFFF  }
0x3c: {  	_ =	strace $0x90000054  }
0x3d: {  	_ =	sfence  }
0x3e: {  	s30 =	sld [smem:$0x0];
	_ =	sdelay $0x2  }
0x3f: {  	s31 =	sshll.u32 s1, $0xD;
	s1 =	sshrl.u32 s1, $0x2  }
0x40: {  	s4 =	sand.u32 $0x4000, s31;
	s1 =	sadd.s32 s1, s30  }
0x41: {  	s0 =	sor.u32 s4, s0;
	s1 =	sshll.u32 s1, $0x11  }
0x42: {  	s0 =	sor.u32 s1, s0  }
0x43: {  	s0 =	sadd.s32 $0x8F2B, s0  }
0x44: {  	[sflag:s0] =	ssyncadd.remote.s32 $0x1  }
0x45: {  	_ =	sfence.sel $0xFFFF  }
0x46: {  	[dreg:$0x0] =	wrdreg $0xFFFFFFFF;
	(pc) =	sbr.abs _section_cstart, $3  }
0x47: {  	[dreg:$0x1] =	wrdreg $0xFFFFFFFF  }
0x48: {  	_ =	task.clear_ibuf [dreg:s23], $0x2FFFF;
	_ =	strace $0x9FFFFFFF  }
0x49: {  	(tm) =	ssettm $0x7FFFFFFF  }
tec
execute0_lowered:
.L_overlay_start_1:
0x0: {  	(tag) =	ssettag $0x1  }
0x1: {  	s2 =	rddreg [dreg:$0x0]  }
0x2: {  	s1 =	rddreg [dreg:$0x1]  }
0x3: {  	s0 =	rddreg [dreg:$0x2];
	_ =	strace $0x80000053;
	s4 =	srdreg.scid  }
0x4: {  	s6 =	simm.s32 $0x2;
	s11 =	simm.s32 $0x0;
	p0 =	por $0x0, $0x0  }
.Ltmp0:
0x5: {  	s7 =	simm.s32 $0x80;
	s12 =	simm.s32 $0x0;
	(pc) =	sbr.rel .LBB1_1-.Ltmp0, $4  }
0x6: {  	s9 =	simm.s32 $0x0;
	s3 =	sadd.s32 $0x400C000, s1;
	s5 =	sshll.u32 s4, $0x4  }
0x7: {  	s1 =	stileid.u32;
	s4 =	simm.s32 $0x1;
	s5 =	sand.u32 $0x10, s5  }
0x8: {  	s8 =	simm.s32 $0x0;
	[sflag:s4] =	ssyncpa.u1 $0x0;
	s5 =	sor.u32 s1, s5  }
0x9: {  	[sflag:s6] =	ssyncpa.u1 $0x0;
	s6 =	simm.s32 $0x10;
	s10 =	smov.u32 s5  }
.LBB1_7:
0xa: {  	s13 =	sadd.s32 $0x1, s9  }
0xb: {  	s11 =	sadd.s32 $0x20, s10;
	s15 =	smov.u32 s10;
	p2 =	sgt.s32 s13, $0x1F  }
0xc: {  	p1 =	slt.u32 s8, $0x2;
	s15 =	smov.u32 @p2 s11  }
0xd: {  	s8 =	sadd.s32 $0x1, s8;
	s13 =	simm.s32 @p2 $0x0;
	p2 =	sgt.s32 s15, $0x1F  }
0xe: {  	s15 =	smov.u32 @p2 s5;
	p2 =	sne.s32 s8, $0x22  }
.Ltmp1:
0xf: {  	_ = 	snop;
	(pc) =	sbr.rel @!p2 .LBB1_8-.Ltmp1, $4  }
0x10: {  	s14 =	simm.s32 @!p1 $0x2  }
0x11: {  	s12 =	smov.u32 s10;
	_ =	swait.ge @!p1 [sflag:s14], $0x4000  }
0x12: {  	p0 =	por !p0, !p0;
	s11 =	smov.u32 s9;
	[sflag:s14] =	ssyncset.done @!p1 $0x0  }
0x13: {  	s9 =	smov.u32 s13;
	[sflag:s14] =	ssyncadd.s32 @!p1 $0xFFFFC000;
	s10 =	smov.u32 s15  }
.LBB1_1:
0x14: {  	p1 =	sgt.u32 s8, $0x1F  }
0x15: {  	s13 =	sxor.u32 @!p1 $0xFFFFFFFF, s8;
	s14 =	sshll.u32 @!p1 s10, $0x12;
	s15 =	sshll.u32 @!p1 s9, $0xD  }
0x16: {  	s16 =	simm.s32 @!p1 $0x80;
	s13 =	sshll.u32 @!p1 s13, $0xE;
	s14 =	sadd.s32 @!p1 s2, s14  }
0x17: {  	s13 =	sand.u32 @!p1 $0x4000, s13;
	s14 =	sadd.s32 @!p1 s15, s14;
	s15 =	simm.s32 @!p1 $0x20  }
0x18: {  	[tilespmem:s13], [sflag:$0x1] =	stream.strided.gather @!p1 [hbm4b:s14+s15], $0x4000, s16, s15, $0x38;
	[tilespmem:$0x10800] =	vst v63  }
0x19: {  	p1 =	seq.s32 s8, $0x0  }
0x1a: {  	p2 =	seq.s32 @!p1 s8, $0x21  }
0x1b: {  	p1 =	por p1, p2  }
.Ltmp2:
0x1c: {  	_ = 	snop;
	(pc) =	sbr.rel @p1 .LBB1_7-.Ltmp2, $1  }
0x1d: {  	_ =	sdelay $0x3  }
0x1e: {  	s14 =	simm.s32 $0x1;
	s15 =	sand.u32 $0x1, s8  }
0x1f: {  	_ =	swait.ge [sflag:s4], $0x4000;
	s14 =	simm.s32 @!p0 $0x0;
	s16 =	smul.u32 $0x11000, s15  }
0x20: {  	[sflag:s4] =	ssyncset.done $0x0;
	s13 =	smul.u32 $0x11000, s14  }
0x21: {  	s14 =	sshll.u32 s14, $0xE;
	[sflag:s4] =	ssyncadd.s32 $0xFFFFC000  }
0x22: {  	s15 =	sor.u32 $0x10, s14;
	s31 =	sshrl.u32 s16, $0x2;
	s13 =	sshrl.u32 s13, $0x2  }
0x23: {  	s16 =	simm.s32 $0x0;
	s14 =	sor.u32 $0x8000, s31;
	s13 =	sor.u32 $0x8000, s13  }
.LBB1_3:
0x24: {  	v1 =	vld [tilespmem:s15+$0x0]  }
0x25: {  	v0 =	vld [tilespmem:s15+$0xFFFFFFF0];
	_ =	sdelay $0x2  }
0x26: {  	s19 =	sadd.s32 $0x0, s13  }
0x27: {  	s17 =	simm.s32 $0x4;
	s18 =	sadd.s32 $0x20, s15;
	[tilespmem:s19+$0x110 ss:$0x11] =	vst.msk $0xffff, v1  }
.LBB1_4:
0x28: {  	v1 =	vld [tilespmem:s18+$0x0];
	p1 =	sne.s32 s17, $0x3C;
	[tilespmem:s19+$0x0 ss:$0x11] =	vst.msk $0xffff, v0;
	s19 =	smov.u32 s17;
	s17 =	sadd.s32 $0x4, s17  }
.Ltmp3:
0x29: {  	v0 =	vld [tilespmem:s18+$0xFFFFFFF0];
	(pc) =	sbr.rel @p1 .LBB1_4-.Ltmp3, $4  }
0x2a: {  	_ = 	snop  }
0x2b: {  	s19 =	sshra.s32 s19, $0x2  }
0x2c: {  	s19 =	sadd.s32 s19, s13  }
0x2d: {  	s18 =	sadd.s32 $0x20, s18;
	[tilespmem:s19+$0x110 ss:$0x11] =	vst.msk $0xffff, v1  }
0x2e: {  	s16 =	sadd.s32 $0x1, s16  }
0x2f: {  	p1 =	sne.s32 s16, $0x20  }
.Ltmp4:
0x30: {  	_ = 	snop;
	(pc) =	sbr.rel @p1 .LBB1_3-.Ltmp4, $2  }
0x31: {  	_ =	sdelay $0x2  }
0x32: {  	[tilespmem:s19+$0x0 ss:$0x11] =	vst.msk $0xffff, v0;
	s13 =	sadd.s32 $0x220, s13;
	s15 =	sadd.s32 $0x200, s15  }
.Ltmp5:
0x33: {  	(pc) =	sbr.rel .LBB1_7-.Ltmp5, $4  }
0x34: {  	s12 =	sshll.u32 s12, $0x13  }
0x35: {  	s11 =	sshll.u32 s11, $0xE;
	s12 =	sadd.s32 s3, s12  }
0x36: {  	s11 =	sadd.s32 s11, s12  }
0x37: {  	[hbm4b:s11+s6] =	stream.strided.scatter [tilespmem:s14], [sflag:$0x2], $0x4000, s7, s6, $0x8;
	[tilespmem:$0x10800] =	vst v63  }
.LBB1_8:
0x38: {  	_ =	sfence.sel $0x180000  }
0x39: {  	s2 =	simm.s32 $0x1;
	[bflag:$0x0] =	sbarrier.arrive $0xFFFF  }
0x3a: {  	s31 =	simm.s32 $0x2;
	[sflag:s2] =	ssyncpa.u1 $0x1  }
0x3b: {  	[sflag:s31] =	ssyncpa.u1 $0x1  }
0x3c: {  	p0 =	sne.s32 s1, $0x0;
	_ =	strace $0x90000053  }
0x3d: {  	s0 =	sadd.s32 @!p0 $0x100000, s0;
	[bflag:$0x2] =	sbarrier.arrive $0xFFFF  }
0x3e: {  	[sflag:s0] =	ssyncadd.tile.s32 @!p0 $0x1;
	_ =	shalt  }
.Lfunc_end1:
_tile_overlayer_lowered:
.L_overlay_start_2:
0x3f: {  	(tag) =	ssettag $0x2  }
0x40: {  	s0 =	rddreg [dreg:$0x0];
	s2 =	stileid.u32  }
0x41: {  	s1 =	rddreg [dreg:$0x1];
	p0 =	sne.s32 s2, $0x0  }
0x42: {  	s3 =	rddreg [dreg:$0x2];
	[bflag:$0x3] =	sbarrier.arrive $0xFFFF;
	s2 =	simm.s32 @!p0 $0x1C01  }
0x43: {  	[timem:s3], [sflag:s2] =	dma.local @!p0 [hbm:s0], s1  }
0x44: {  	s0 =	simm.s32 @!p0 $0x1  }
0x45: {  	_ =	swait.ge @!p0 [sflag:s0], s1  }
0x46: {  	s1 =	ssub.s32 @!p0 $0x0, s1;
	[sflag:s0] =	ssyncset.done @!p0 $0x0  }
0x47: {  	[sflag:s0] =	ssyncadd.s32 @!p0 s1  }
0x48: {  	[bflag:$0x3] =	sbarrier.arrive $0xFFFF  }
0x49: {  	_ =	shalt  }

// kernel: sparse-core-data-format-call.3.cloned.1.call-start
scs
called_computation.3_lowered:
.L_overlay_start_0:
0x0: {  	s2 =	sld [smem:$0x3FD9]  }
0x1: {  	s3 =	sld [smem:$0x3FFE];
	_ =	sdelay $0x1  }
0x2: {  	s1 =	srdreg.scid  }
0x3: {  	s0 =	sand.u32 $0x1, s1  }
0x4: {  	s18 =	sshll.u32 s0, $0xA;
	s2 =	sadd.s32 s3, s2  }
0x5: {  	s2 =	sadd.s32 s2, s18  }
0x6: {  	[smem:$0x3F1B] =	sst s2  }
0x7: {  	_ = 	snop  }
0x8: {  	s19 =	sld [smem:$0x3F1F];
	(tm) =	ssettm $0x1  }
0x9: {  	s20 =	sld [smem:$0x3FFB];
	_ =	sdelay $0x3  }
0xa: {  	_ =	strace s20  }
0xb: {  	s2 =	sld [smem:$0x3FFC];
	_ =	sdelay $0x3  }
0xc: {  	_ =	strace s2  }
0xd: {  	s2 =	sld [smem:$0x3FFD];
	_ =	sdelay $0x3  }
0xe: {  	_ =	strace s2  }
0xf: {  	_ =	strace $0x8FFFFFFF  }
0x10: {  	s21 =	sld [smem:$0x3FDB];
	_ =	sdelay $0x1  }
0x11: {  	s4 =	simm.s32 $_scs_section_size  }
0x12: {  	s5 =	simm.s32 $_size__tile_overlayer_lowered;
	s6 =	simm.s32 $_tile_overlayer_lowered  }
0x13: {  	s7 =	simm.s32 $0x1BFF;
	s22 =	sshll.u32 s6, $0x1;
	s4 =	sadd.s32 s4, s21  }
0x14: {  	s23 =	simm.s32 $0x0;
	s5 =	sshll.u32 s5, $0x1;
	s6 =	sadd.s32 s22, s4  }
0x15: {  	[timem:s23], [sflag:s7] =	dma.local [hbm:s6], s5  }
0x16: {  	_ =	swait.ge [sflag:s7], s5  }
0x17: {  	s5 =	ssub.s32 $0x0, s5;
	[sflag:s7] =	ssyncset.done $0x0  }
0x18: {  	[sflag:s7] =	ssyncadd.s32 s5;
	_ =	sdelay $0x1  }
0x19: {  	s24 =	simm.s32 $0x1B8B  }
0x1a: {  	_ =	swait.ge [sflag:s24], $0x1  }
0x1b: {  	[sflag:s24] =	ssyncset.done $0x0  }
0x1c: {  	[sflag:s24] =	ssyncadd.s32 $0xFFFFFFFF  }
0x1d: {  	s5 =	sld [smem:$0x0]  }
0x1e: {  	s6 =	sand.u32 $0xFFFFFFFE, s1  }
0x1f: {  	p0 =	sne.s32 s1, s6  }
0x20: {  	s6 =	sshll.u32 @p0 s6, $0xE  }
0x21: {  	s6 =	sadd.s32 @p0 $0x11B8D, s6;
	s7 =	sshll.u32 @p0 s5, $0x11  }
0x22: {  	s6 =	sor.u32 @p0 s7, s6  }
0x23: {  	[sflag:s6] =	ssyncadd.remote.s32 @p0 $0x1;
	_ =	sdelay $0x1  }
0x24: {  	s6 =	simm.s32 @p0 $0x1B8D  }
0x25: {  	_ =	swait.eq @p0 [sflag:s6], $0x1  }
0x26: {  	[sflag:s6] =	ssyncadd.s32 @p0 $0xFFFFFFFF  }
0x27: {  	s7 =	sshll.u32 @!p0 s1, $0xE  }
0x28: {  	s7 =	sor.u32 @!p0 $0x4000, s7;
	s6 =	simm.s32 @!p0 $0x1B8D  }
0x29: {  	s5 =	sshll.u32 @!p0 s5, $0x11;
	s7 =	sadd.s32 @!p0 $0x11B8D, s7;
	_ =	swait.eq @!p0 [sflag:s6], $0x1  }
0x2a: {  	s5 =	sor.u32 @!p0 s5, s7;
	[sflag:s6] =	ssyncadd.s32 @!p0 $0xFFFFFFFF  }
0x2b: {  	s26 =	simm.s32 $0x1B8E;
	s25 =	sld [smem:$0x3FFE];
	[sflag:s5] =	ssyncadd.remote.s32 @!p0 $0x1  }
0x2c: {  	s27 =	simm.s32 $execute0_lowered;
	[smem:$0x3FD2] =	sst s26  }
0x2d: {  	s6 =	sshll.u32 s27, $0x1;
	_ =	strace $0x8000004F;
	[dreg:$0x1] =	wrdreg $0xFFFFFFFF  }
0x2e: {  	s28 =	simm.s32 $_size_execute0_lowered;
	s4 =	sadd.s32 s4, s6;
	[dreg:$0x0] =	wrdreg $0x0  }
0x2f: {  	s6 =	sshll.u32 s28, $0x1;
	[dreg:$0x2] =	wrdreg s4  }
0x30: {  	[dreg:$0x3] =	wrdreg s6  }
0x31: {  	[dreg:$0x4] =	wrdreg $0xC0  }
0x32: {  	_ =	task [dreg:s23], $0x5FFFF  }
0x33: {  	[dreg:$0x1] =	wrdreg $0xFFFFFFFF  }
0x34: {  	[dreg:$0x0] =	wrdreg $0x60  }
0x35: {  	[dreg:$0x2] =	wrdreg s19  }
0x36: {  	[dreg:$0x3] =	wrdreg s25  }
0x37: {  	[dreg:$0x4] =	wrdreg $0xB  }
0x38: {  	_ =	task.clear_ibuf [dreg:s23], $0x5FFFF;
	_ =	strace $0x9000004F  }
0x39: {  	s29 =	simm.s32 $0xB;
	_ =	strace $0x80000051  }
0x3a: {  	_ =	swait.ge [sflag:s29], $0x1  }
0x3b: {  	[sflag:s29] =	ssyncadd.s32 $0xFFFFFFFF  }
0x3c: {  	_ =	strace $0x90000051  }
0x3d: {  	_ =	sfence  }
0x3e: {  	s30 =	sld [smem:$0x0];
	_ =	sdelay $0x2  }
0x3f: {  	s31 =	sshll.u32 s1, $0xD;
	s1 =	sshrl.u32 s1, $0x2  }
0x40: {  	s4 =	sand.u32 $0x4000, s31;
	s1 =	sadd.s32 s1, s30  }
0x41: {  	s0 =	sor.u32 s4, s0;
	s1 =	sshll.u32 s1, $0x11  }
0x42: {  	s0 =	sor.u32 s1, s0  }
0x43: {  	s0 =	sadd.s32 $0x8F2B, s0  }
0x44: {  	[sflag:s0] =	ssyncadd.remote.s32 $0x1  }
0x45: {  	_ =	sfence.sel $0xFFFF  }
0x46: {  	[dreg:$0x0] =	wrdreg $0xFFFFFFFF;
	(pc) =	sbr.abs _section_cstart, $3  }
0x47: {  	[dreg:$0x1] =	wrdreg $0xFFFFFFFF  }
0x48: {  	_ =	task.clear_ibuf [dreg:s23], $0x2FFFF;
	_ =	strace $0x9FFFFFFF  }
0x49: {  	(tm) =	ssettm $0x7FFFFFFF  }
tec
execute0_lowered:
.L_overlay_start_1:
0x0: {  	(tag) =	ssettag $0x1  }
0x1: {  	s2 =	rddreg [dreg:$0x0]  }
0x2: {  	s1 =	rddreg [dreg:$0x1]  }
0x3: {  	s0 =	rddreg [dreg:$0x2];
	_ =	strace $0x80000050;
	s4 =	srdreg.scid  }
0x4: {  	s6 =	simm.s32 $0x2;
	s11 =	simm.s32 $0x0;
	p0 =	por $0x0, $0x0  }
.Ltmp0:
0x5: {  	s7 =	simm.s32 $0x80;
	s12 =	simm.s32 $0x0;
	(pc) =	sbr.rel .LBB1_1-.Ltmp0, $4  }
0x6: {  	s9 =	simm.s32 $0x0;
	s3 =	sadd.s32 $0x300C000, s1;
	s5 =	sshll.u32 s4, $0x4  }
0x7: {  	s1 =	stileid.u32;
	s4 =	simm.s32 $0x1;
	s5 =	sand.u32 $0x10, s5  }
0x8: {  	s8 =	simm.s32 $0x0;
	[sflag:s4] =	ssyncpa.u1 $0x0;
	s5 =	sor.u32 s1, s5  }
0x9: {  	[sflag:s6] =	ssyncpa.u1 $0x0;
	s6 =	simm.s32 $0x10;
	s10 =	smov.u32 s5  }
.LBB1_7:
0xa: {  	s13 =	sadd.s32 $0x1, s9  }
0xb: {  	s11 =	sadd.s32 $0x20, s10;
	s15 =	smov.u32 s10;
	p2 =	sgt.s32 s13, $0x1F  }
0xc: {  	p1 =	slt.u32 s8, $0x2;
	s15 =	smov.u32 @p2 s11  }
0xd: {  	s8 =	sadd.s32 $0x1, s8;
	s13 =	simm.s32 @p2 $0x0;
	p2 =	sgt.s32 s15, $0x1F  }
0xe: {  	s15 =	smov.u32 @p2 s5;
	p2 =	sne.s32 s8, $0x22  }
.Ltmp1:
0xf: {  	_ = 	snop;
	(pc) =	sbr.rel @!p2 .LBB1_8-.Ltmp1, $4  }
0x10: {  	s14 =	simm.s32 @!p1 $0x2  }
0x11: {  	s12 =	smov.u32 s10;
	_ =	swait.ge @!p1 [sflag:s14], $0x4000  }
0x12: {  	p0 =	por !p0, !p0;
	s11 =	smov.u32 s9;
	[sflag:s14] =	ssyncset.done @!p1 $0x0  }
0x13: {  	s9 =	smov.u32 s13;
	[sflag:s14] =	ssyncadd.s32 @!p1 $0xFFFFC000;
	s10 =	smov.u32 s15  }
.LBB1_1:
0x14: {  	p1 =	sgt.u32 s8, $0x1F  }
0x15: {  	s13 =	sxor.u32 @!p1 $0xFFFFFFFF, s8;
	s14 =	sshll.u32 @!p1 s10, $0x12;
	s15 =	sshll.u32 @!p1 s9, $0xD  }
0x16: {  	s16 =	simm.s32 @!p1 $0x80;
	s13 =	sshll.u32 @!p1 s13, $0xE;
	s14 =	sadd.s32 @!p1 s2, s14  }
0x17: {  	s13 =	sand.u32 @!p1 $0x4000, s13;
	s14 =	sadd.s32 @!p1 s15, s14;
	s15 =	simm.s32 @!p1 $0x20  }
0x18: {  	[tilespmem:s13], [sflag:$0x1] =	stream.strided.gather @!p1 [hbm4b:s14+s15], $0x4000, s16, s15, $0x38;
	[tilespmem:$0x10800] =	vst v63  }
0x19: {  	p1 =	seq.s32 s8, $0x0  }
0x1a: {  	p2 =	seq.s32 @!p1 s8, $0x21  }
0x1b: {  	p1 =	por p1, p2  }
.Ltmp2:
0x1c: {  	_ = 	snop;
	(pc) =	sbr.rel @p1 .LBB1_7-.Ltmp2, $1  }
0x1d: {  	_ =	sdelay $0x3  }
0x1e: {  	s14 =	simm.s32 $0x1;
	s15 =	sand.u32 $0x1, s8  }
0x1f: {  	_ =	swait.ge [sflag:s4], $0x4000;
	s14 =	simm.s32 @!p0 $0x0;
	s16 =	smul.u32 $0x11000, s15  }
0x20: {  	[sflag:s4] =	ssyncset.done $0x0;
	s13 =	smul.u32 $0x11000, s14  }
0x21: {  	s14 =	sshll.u32 s14, $0xE;
	[sflag:s4] =	ssyncadd.s32 $0xFFFFC000  }
0x22: {  	s15 =	sor.u32 $0x10, s14;
	s31 =	sshrl.u32 s16, $0x2;
	s13 =	sshrl.u32 s13, $0x2  }
0x23: {  	s16 =	simm.s32 $0x0;
	s14 =	sor.u32 $0x8000, s31;
	s13 =	sor.u32 $0x8000, s13  }
.LBB1_3:
0x24: {  	v1 =	vld [tilespmem:s15+$0x0]  }
0x25: {  	v0 =	vld [tilespmem:s15+$0xFFFFFFF0];
	_ =	sdelay $0x2  }
0x26: {  	s19 =	sadd.s32 $0x0, s13  }
0x27: {  	s17 =	simm.s32 $0x4;
	s18 =	sadd.s32 $0x20, s15;
	[tilespmem:s19+$0x110 ss:$0x11] =	vst.msk $0xffff, v1  }
.LBB1_4:
0x28: {  	v1 =	vld [tilespmem:s18+$0x0];
	p1 =	sne.s32 s17, $0x3C;
	[tilespmem:s19+$0x0 ss:$0x11] =	vst.msk $0xffff, v0;
	s19 =	smov.u32 s17;
	s17 =	sadd.s32 $0x4, s17  }
.Ltmp3:
0x29: {  	v0 =	vld [tilespmem:s18+$0xFFFFFFF0];
	(pc) =	sbr.rel @p1 .LBB1_4-.Ltmp3, $4  }
0x2a: {  	_ = 	snop  }
0x2b: {  	s19 =	sshra.s32 s19, $0x2  }
0x2c: {  	s19 =	sadd.s32 s19, s13  }
0x2d: {  	s18 =	sadd.s32 $0x20, s18;
	[tilespmem:s19+$0x110 ss:$0x11] =	vst.msk $0xffff, v1  }
0x2e: {  	s16 =	sadd.s32 $0x1, s16  }
0x2f: {  	p1 =	sne.s32 s16, $0x20  }
.Ltmp4:
0x30: {  	_ = 	snop;
	(pc) =	sbr.rel @p1 .LBB1_3-.Ltmp4, $2  }
0x31: {  	_ =	sdelay $0x2  }
0x32: {  	[tilespmem:s19+$0x0 ss:$0x11] =	vst.msk $0xffff, v0;
	s13 =	sadd.s32 $0x220, s13;
	s15 =	sadd.s32 $0x200, s15  }
.Ltmp5:
0x33: {  	(pc) =	sbr.rel .LBB1_7-.Ltmp5, $4  }
0x34: {  	s12 =	sshll.u32 s12, $0x13  }
0x35: {  	s11 =	sshll.u32 s11, $0xE;
	s12 =	sadd.s32 s3, s12  }
0x36: {  	s11 =	sadd.s32 s11, s12  }
0x37: {  	[hbm4b:s11+s6] =	stream.strided.scatter [tilespmem:s14], [sflag:$0x2], $0x4000, s7, s6, $0x8;
	[tilespmem:$0x10800] =	vst v63  }
.LBB1_8:
0x38: {  	_ =	sfence.sel $0x180000  }
0x39: {  	s2 =	simm.s32 $0x1;
	[bflag:$0x0] =	sbarrier.arrive $0xFFFF  }
0x3a: {  	s31 =	simm.s32 $0x2;
	[sflag:s2] =	ssyncpa.u1 $0x1  }
0x3b: {  	[sflag:s31] =	ssyncpa.u1 $0x1  }
0x3c: {  	p0 =	sne.s32 s1, $0x0;
	_ =	strace $0x90000050  }
0x3d: {  	s0 =	sadd.s32 @!p0 $0x100000, s0;
	[bflag:$0x2] =	sbarrier.arrive $0xFFFF  }
0x3e: {  	[sflag:s0] =	ssyncadd.tile.s32 @!p0 $0x1;
	_ =	shalt  }
.Lfunc_end1:
_tile_overlayer_lowered:
.L_overlay_start_2:
0x3f: {  	(tag) =	ssettag $0x2  }
0x40: {  	s0 =	rddreg [dreg:$0x0];
	s2 =	stileid.u32  }
0x41: {  	s1 =	rddreg [dreg:$0x1];
	p0 =	sne.s32 s2, $0x0  }
0x42: {  	s3 =	rddreg [dreg:$0x2];
	[bflag:$0x3] =	sbarrier.arrive $0xFFFF;
	s2 =	simm.s32 @!p0 $0x1C01  }
0x43: {  	[timem:s3], [sflag:s2] =	dma.local @!p0 [hbm:s0], s1  }
0x44: {  	s0 =	simm.s32 @!p0 $0x1  }
0x45: {  	_ =	swait.ge @!p0 [sflag:s0], s1  }
0x46: {  	s1 =	ssub.s32 @!p0 $0x0, s1;
	[sflag:s0] =	ssyncset.done @!p0 $0x0  }
0x47: {  	[sflag:s0] =	ssyncadd.s32 @!p0 s1  }
0x48: {  	[bflag:$0x3] =	sbarrier.arrive $0xFFFF  }
0x49: {  	_ =	shalt  }

// kernel: sparse-core-data-format-call.4.cloned.1.call-start
scs
called_computation.4_lowered:
.L_overlay_start_0:
0x0: {  	s2 =	sld [smem:$0x3FD9]  }
0x1: {  	s3 =	sld [smem:$0x3FFE];
	_ =	sdelay $0x1  }
0x2: {  	s1 =	srdreg.scid  }
0x3: {  	s0 =	sand.u32 $0x1, s1  }
0x4: {  	s18 =	sshll.u32 s0, $0xA;
	s2 =	sadd.s32 s3, s2  }
0x5: {  	s2 =	sadd.s32 s2, s18  }
0x6: {  	[smem:$0x3F1B] =	sst s2  }
0x7: {  	_ = 	snop  }
0x8: {  	s19 =	sld [smem:$0x3F20];
	(tm) =	ssettm $0x1  }
0x9: {  	s20 =	sld [smem:$0x3FFB];
	_ =	sdelay $0x3  }
0xa: {  	_ =	strace s20  }
0xb: {  	s2 =	sld [smem:$0x3FFC];
	_ =	sdelay $0x3  }
0xc: {  	_ =	strace s2  }
0xd: {  	s2 =	sld [smem:$0x3FFD];
	_ =	sdelay $0x3  }
0xe: {  	_ =	strace s2  }
0xf: {  	_ =	strace $0x8FFFFFFF  }
0x10: {  	s21 =	sld [smem:$0x3FDB];
	_ =	sdelay $0x1  }
0x11: {  	s4 =	simm.s32 $_scs_section_size  }
0x12: {  	s5 =	simm.s32 $_size__tile_overlayer_lowered;
	s6 =	simm.s32 $_tile_overlayer_lowered  }
0x13: {  	s7 =	simm.s32 $0x1BFF;
	s22 =	sshll.u32 s6, $0x1;
	s4 =	sadd.s32 s4, s21  }
0x14: {  	s23 =	simm.s32 $0x0;
	s5 =	sshll.u32 s5, $0x1;
	s6 =	sadd.s32 s22, s4  }
0x15: {  	[timem:s23], [sflag:s7] =	dma.local [hbm:s6], s5  }
0x16: {  	_ =	swait.ge [sflag:s7], s5  }
0x17: {  	s5 =	ssub.s32 $0x0, s5;
	[sflag:s7] =	ssyncset.done $0x0  }
0x18: {  	[sflag:s7] =	ssyncadd.s32 s5;
	_ =	sdelay $0x1  }
0x19: {  	s24 =	simm.s32 $0x1B8B  }
0x1a: {  	_ =	swait.ge [sflag:s24], $0x1  }
0x1b: {  	[sflag:s24] =	ssyncset.done $0x0  }
0x1c: {  	[sflag:s24] =	ssyncadd.s32 $0xFFFFFFFF  }
0x1d: {  	s5 =	sld [smem:$0x0]  }
0x1e: {  	s6 =	sand.u32 $0xFFFFFFFE, s1  }
0x1f: {  	p0 =	sne.s32 s1, s6  }
0x20: {  	s6 =	sshll.u32 @p0 s6, $0xE  }
0x21: {  	s6 =	sadd.s32 @p0 $0x11B8D, s6;
	s7 =	sshll.u32 @p0 s5, $0x11  }
0x22: {  	s6 =	sor.u32 @p0 s7, s6  }
0x23: {  	[sflag:s6] =	ssyncadd.remote.s32 @p0 $0x1;
	_ =	sdelay $0x1  }
0x24: {  	s6 =	simm.s32 @p0 $0x1B8D  }
0x25: {  	_ =	swait.eq @p0 [sflag:s6], $0x1  }
0x26: {  	[sflag:s6] =	ssyncadd.s32 @p0 $0xFFFFFFFF  }
0x27: {  	s7 =	sshll.u32 @!p0 s1, $0xE  }
0x28: {  	s7 =	sor.u32 @!p0 $0x4000, s7;
	s6 =	simm.s32 @!p0 $0x1B8D  }
0x29: {  	s5 =	sshll.u32 @!p0 s5, $0x11;
	s7 =	sadd.s32 @!p0 $0x11B8D, s7;
	_ =	swait.eq @!p0 [sflag:s6], $0x1  }
0x2a: {  	s5 =	sor.u32 @!p0 s5, s7;
	[sflag:s6] =	ssyncadd.s32 @!p0 $0xFFFFFFFF  }
0x2b: {  	s26 =	simm.s32 $0x1B8E;
	s25 =	sld [smem:$0x3FFE];
	[sflag:s5] =	ssyncadd.remote.s32 @!p0 $0x1  }
0x2c: {  	s27 =	simm.s32 $execute0_lowered;
	[smem:$0x3FD2] =	sst s26  }
0x2d: {  	s6 =	sshll.u32 s27, $0x1;
	_ =	strace $0x8000004C;
	[dreg:$0x1] =	wrdreg $0xFFFFFFFF  }
0x2e: {  	s28 =	simm.s32 $_size_execute0_lowered;
	s4 =	sadd.s32 s4, s6;
	[dreg:$0x0] =	wrdreg $0x0  }
0x2f: {  	s6 =	sshll.u32 s28, $0x1;
	[dreg:$0x2] =	wrdreg s4  }
0x30: {  	[dreg:$0x3] =	wrdreg s6  }
0x31: {  	[dreg:$0x4] =	wrdreg $0xC0  }
0x32: {  	_ =	task [dreg:s23], $0x5FFFF  }
0x33: {  	[dreg:$0x1] =	wrdreg $0xFFFFFFFF  }
0x34: {  	[dreg:$0x0] =	wrdreg $0x60  }
0x35: {  	[dreg:$0x2] =	wrdreg s19  }
0x36: {  	[dreg:$0x3] =	wrdreg s25  }
0x37: {  	[dreg:$0x4] =	wrdreg $0xC  }
0x38: {  	_ =	task.clear_ibuf [dreg:s23], $0x5FFFF;
	_ =	strace $0x9000004C  }
0x39: {  	s29 =	simm.s32 $0xC;
	_ =	strace $0x8000004E  }
0x3a: {  	_ =	swait.ge [sflag:s29], $0x1  }
0x3b: {  	[sflag:s29] =	ssyncadd.s32 $0xFFFFFFFF  }
0x3c: {  	_ =	strace $0x9000004E  }
0x3d: {  	_ =	sfence  }
0x3e: {  	s30 =	sld [smem:$0x0];
	_ =	sdelay $0x2  }
0x3f: {  	s31 =	sshll.u32 s1, $0xD;
	s1 =	sshrl.u32 s1, $0x2  }
0x40: {  	s4 =	sand.u32 $0x4000, s31;
	s1 =	sadd.s32 s1, s30  }
0x41: {  	s0 =	sor.u32 s4, s0;
	s1 =	sshll.u32 s1, $0x11  }
0x42: {  	s0 =	sor.u32 s1, s0  }
0x43: {  	s0 =	sadd.s32 $0x8F2B, s0  }
0x44: {  	[sflag:s0] =	ssyncadd.remote.s32 $0x1  }
0x45: {  	_ =	sfence.sel $0xFFFF  }
0x46: {  	[dreg:$0x0] =	wrdreg $0xFFFFFFFF;
	(pc) =	sbr.abs _section_cstart, $3  }
0x47: {  	[dreg:$0x1] =	wrdreg $0xFFFFFFFF  }
0x48: {  	_ =	task.clear_ibuf [dreg:s23], $0x2FFFF;
	_ =	strace $0x9FFFFFFF  }
0x49: {  	(tm) =	ssettm $0x7FFFFFFF  }
tec
execute0_lowered:
.L_overlay_start_1:
0x0: {  	(tag) =	ssettag $0x1  }
0x1: {  	s2 =	rddreg [dreg:$0x0]  }
0x2: {  	s1 =	rddreg [dreg:$0x1]  }
0x3: {  	s0 =	rddreg [dreg:$0x2];
	_ =	strace $0x8000004D;
	s4 =	srdreg.scid  }
0x4: {  	s6 =	simm.s32 $0x2;
	s11 =	simm.s32 $0x0;
	p0 =	por $0x0, $0x0  }
.Ltmp0:
0x5: {  	s7 =	simm.s32 $0x80;
	s12 =	simm.s32 $0x0;
	(pc) =	sbr.rel .LBB1_1-.Ltmp0, $4  }
0x6: {  	s9 =	simm.s32 $0x0;
	s3 =	sadd.s32 $0x200C000, s1;
	s5 =	sshll.u32 s4, $0x4  }
0x7: {  	s1 =	stileid.u32;
	s4 =	simm.s32 $0x1;
	s5 =	sand.u32 $0x10, s5  }
0x8: {  	s8 =	simm.s32 $0x0;
	[sflag:s4] =	ssyncpa.u1 $0x0;
	s5 =	sor.u32 s1, s5  }
0x9: {  	[sflag:s6] =	ssyncpa.u1 $0x0;
	s6 =	simm.s32 $0x10;
	s10 =	smov.u32 s5  }
.LBB1_7:
0xa: {  	s13 =	sadd.s32 $0x1, s9  }
0xb: {  	s11 =	sadd.s32 $0x20, s10;
	s15 =	smov.u32 s10;
	p2 =	sgt.s32 s13, $0x1F  }
0xc: {  	p1 =	slt.u32 s8, $0x2;
	s15 =	smov.u32 @p2 s11  }
0xd: {  	s8 =	sadd.s32 $0x1, s8;
	s13 =	simm.s32 @p2 $0x0;
	p2 =	sgt.s32 s15, $0x1F  }
0xe: {  	s15 =	smov.u32 @p2 s5;
	p2 =	sne.s32 s8, $0x22  }
.Ltmp1:
0xf: {  	_ = 	snop;
	(pc) =	sbr.rel @!p2 .LBB1_8-.Ltmp1, $4  }
0x10: {  	s14 =	simm.s32 @!p1 $0x2  }
0x11: {  	s12 =	smov.u32 s10;
	_ =	swait.ge @!p1 [sflag:s14], $0x4000  }
0x12: {  	p0 =	por !p0, !p0;
	s11 =	smov.u32 s9;
	[sflag:s14] =	ssyncset.done @!p1 $0x0  }
0x13: {  	s9 =	smov.u32 s13;
	[sflag:s14] =	ssyncadd.s32 @!p1 $0xFFFFC000;
	s10 =	smov.u32 s15  }
.LBB1_1:
0x14: {  	p1 =	sgt.u32 s8, $0x1F  }
0x15: {  	s13 =	sxor.u32 @!p1 $0xFFFFFFFF, s8;
	s14 =	sshll.u32 @!p1 s10, $0x12;
	s15 =	sshll.u32 @!p1 s9, $0xD  }
0x16: {  	s16 =	simm.s32 @!p1 $0x80;
	s13 =	sshll.u32 @!p1 s13, $0xE;
	s14 =	sadd.s32 @!p1 s2, s14  }
0x17: {  	s13 =	sand.u32 @!p1 $0x4000, s13;
	s14 =	sadd.s32 @!p1 s15, s14;
	s15 =	simm.s32 @!p1 $0x20  }
0x18: {  	[tilespmem:s13], [sflag:$0x1] =	stream.strided.gather @!p1 [hbm4b:s14+s15], $0x4000, s16, s15, $0x38;
	[tilespmem:$0x10800] =	vst v63  }
0x19: {  	p1 =	seq.s32 s8, $0x0  }
0x1a: {  	p2 =	seq.s32 @!p1 s8, $0x21  }
0x1b: {  	p1 =	por p1, p2  }
.Ltmp2:
0x1c: {  	_ = 	snop;
	(pc) =	sbr.rel @p1 .LBB1_7-.Ltmp2, $1  }
0x1d: {  	_ =	sdelay $0x3  }
0x1e: {  	s14 =	simm.s32 $0x1;
	s15 =	sand.u32 $0x1, s8  }
0x1f: {  	_ =	swait.ge [sflag:s4], $0x4000;
	s14 =	simm.s32 @!p0 $0x0;
	s16 =	smul.u32 $0x11000, s15  }
0x20: {  	[sflag:s4] =	ssyncset.done $0x0;
	s13 =	smul.u32 $0x11000, s14  }
0x21: {  	s14 =	sshll.u32 s14, $0xE;
	[sflag:s4] =	ssyncadd.s32 $0xFFFFC000  }
0x22: {  	s15 =	sor.u32 $0x10, s14;
	s31 =	sshrl.u32 s16, $0x2;
	s13 =	sshrl.u32 s13, $0x2  }
0x23: {  	s16 =	simm.s32 $0x0;
	s14 =	sor.u32 $0x8000, s31;
	s13 =	sor.u32 $0x8000, s13  }
.LBB1_3:
0x24: {  	v1 =	vld [tilespmem:s15+$0x0]  }
0x25: {  	v0 =	vld [tilespmem:s15+$0xFFFFFFF0];
	_ =	sdelay $0x2  }
0x26: {  	s19 =	sadd.s32 $0x0, s13  }
0x27: {  	s17 =	simm.s32 $0x4;
	s18 =	sadd.s32 $0x20, s15;
	[tilespmem:s19+$0x110 ss:$0x11] =	vst.msk $0xffff, v1  }
.LBB1_4:
0x28: {  	v1 =	vld [tilespmem:s18+$0x0];
	p1 =	sne.s32 s17, $0x3C;
	[tilespmem:s19+$0x0 ss:$0x11] =	vst.msk $0xffff, v0;
	s19 =	smov.u32 s17;
	s17 =	sadd.s32 $0x4, s17  }
.Ltmp3:
0x29: {  	v0 =	vld [tilespmem:s18+$0xFFFFFFF0];
	(pc) =	sbr.rel @p1 .LBB1_4-.Ltmp3, $4  }
0x2a: {  	_ = 	snop  }
0x2b: {  	s19 =	sshra.s32 s19, $0x2  }
0x2c: {  	s19 =	sadd.s32 s19, s13  }
0x2d: {  	s18 =	sadd.s32 $0x20, s18;
	[tilespmem:s19+$0x110 ss:$0x11] =	vst.msk $0xffff, v1  }
0x2e: {  	s16 =	sadd.s32 $0x1, s16  }
0x2f: {  	p1 =	sne.s32 s16, $0x20  }
.Ltmp4:
0x30: {  	_ = 	snop;
	(pc) =	sbr.rel @p1 .LBB1_3-.Ltmp4, $2  }
0x31: {  	_ =	sdelay $0x2  }
0x32: {  	[tilespmem:s19+$0x0 ss:$0x11] =	vst.msk $0xffff, v0;
	s13 =	sadd.s32 $0x220, s13;
	s15 =	sadd.s32 $0x200, s15  }
.Ltmp5:
0x33: {  	(pc) =	sbr.rel .LBB1_7-.Ltmp5, $4  }
0x34: {  	s12 =	sshll.u32 s12, $0x13  }
0x35: {  	s11 =	sshll.u32 s11, $0xE;
	s12 =	sadd.s32 s3, s12  }
0x36: {  	s11 =	sadd.s32 s11, s12  }
0x37: {  	[hbm4b:s11+s6] =	stream.strided.scatter [tilespmem:s14], [sflag:$0x2], $0x4000, s7, s6, $0x8;
	[tilespmem:$0x10800] =	vst v63  }
.LBB1_8:
0x38: {  	_ =	sfence.sel $0x180000  }
0x39: {  	s2 =	simm.s32 $0x1;
	[bflag:$0x0] =	sbarrier.arrive $0xFFFF  }
0x3a: {  	s31 =	simm.s32 $0x2;
	[sflag:s2] =	ssyncpa.u1 $0x1  }
0x3b: {  	[sflag:s31] =	ssyncpa.u1 $0x1  }
0x3c: {  	p0 =	sne.s32 s1, $0x0;
	_ =	strace $0x9000004D  }
0x3d: {  	s0 =	sadd.s32 @!p0 $0x100000, s0;
	[bflag:$0x2] =	sbarrier.arrive $0xFFFF  }
0x3e: {  	[sflag:s0] =	ssyncadd.tile.s32 @!p0 $0x1;
	_ =	shalt  }
.Lfunc_end1:
_tile_overlayer_lowered:
.L_overlay_start_2:
0x3f: {  	(tag) =	ssettag $0x2  }
0x40: {  	s0 =	rddreg [dreg:$0x0];
	s2 =	stileid.u32  }
0x41: {  	s1 =	rddreg [dreg:$0x1];
	p0 =	sne.s32 s2, $0x0  }
0x42: {  	s3 =	rddreg [dreg:$0x2];
	[bflag:$0x3] =	sbarrier.arrive $0xFFFF;
	s2 =	simm.s32 @!p0 $0x1C01  }
0x43: {  	[timem:s3], [sflag:s2] =	dma.local @!p0 [hbm:s0], s1  }
0x44: {  	s0 =	simm.s32 @!p0 $0x1  }
0x45: {  	_ =	swait.ge @!p0 [sflag:s0], s1  }
0x46: {  	s1 =	ssub.s32 @!p0 $0x0, s1;
	[sflag:s0] =	ssyncset.done @!p0 $0x0  }
0x47: {  	[sflag:s0] =	ssyncadd.s32 @!p0 s1  }
0x48: {  	[bflag:$0x3] =	sbarrier.arrive $0xFFFF  }
0x49: {  	_ =	shalt  }

// kernel: sparse-core-data-format-call.5.cloned.1.call-start
scs
called_computation.5_lowered:
.L_overlay_start_0:
0x0: {  	s2 =	sld [smem:$0x3FD9]  }
0x1: {  	s3 =	sld [smem:$0x3FFE];
	_ =	sdelay $0x1  }
0x2: {  	s1 =	srdreg.scid  }
0x3: {  	s0 =	sand.u32 $0x1, s1  }
0x4: {  	s18 =	sshll.u32 s0, $0xA;
	s2 =	sadd.s32 s3, s2  }
0x5: {  	s2 =	sadd.s32 s2, s18  }
0x6: {  	[smem:$0x3F1B] =	sst s2  }
0x7: {  	_ = 	snop  }
0x8: {  	s19 =	sld [smem:$0x3F21];
	(tm) =	ssettm $0x1  }
0x9: {  	s20 =	sld [smem:$0x3FFB];
	_ =	sdelay $0x3  }
0xa: {  	_ =	strace s20  }
0xb: {  	s2 =	sld [smem:$0x3FFC];
	_ =	sdelay $0x3  }
0xc: {  	_ =	strace s2  }
0xd: {  	s2 =	sld [smem:$0x3FFD];
	_ =	sdelay $0x3  }
0xe: {  	_ =	strace s2  }
0xf: {  	_ =	strace $0x8FFFFFFF  }
0x10: {  	s21 =	sld [smem:$0x3FDB];
	_ =	sdelay $0x1  }
0x11: {  	s4 =	simm.s32 $_scs_section_size  }
0x12: {  	s5 =	simm.s32 $_size__tile_overlayer_lowered;
	s6 =	simm.s32 $_tile_overlayer_lowered  }
0x13: {  	s7 =	simm.s32 $0x1BFF;
	s22 =	sshll.u32 s6, $0x1;
	s4 =	sadd.s32 s4, s21  }
0x14: {  	s23 =	simm.s32 $0x0;
	s5 =	sshll.u32 s5, $0x1;
	s6 =	sadd.s32 s22, s4  }
0x15: {  	[timem:s23], [sflag:s7] =	dma.local [hbm:s6], s5  }
0x16: {  	_ =	swait.ge [sflag:s7], s5  }
0x17: {  	s5 =	ssub.s32 $0x0, s5;
	[sflag:s7] =	ssyncset.done $0x0  }
0x18: {  	[sflag:s7] =	ssyncadd.s32 s5;
	_ =	sdelay $0x1  }
0x19: {  	s24 =	simm.s32 $0x1B8B  }
0x1a: {  	_ =	swait.ge [sflag:s24], $0x1  }
0x1b: {  	[sflag:s24] =	ssyncset.done $0x0  }
0x1c: {  	[sflag:s24] =	ssyncadd.s32 $0xFFFFFFFF  }
0x1d: {  	s5 =	sld [smem:$0x0]  }
0x1e: {  	s6 =	sand.u32 $0xFFFFFFFE, s1  }
0x1f: {  	p0 =	sne.s32 s1, s6  }
0x20: {  	s6 =	sshll.u32 @p0 s6, $0xE  }
0x21: {  	s6 =	sadd.s32 @p0 $0x11B8D, s6;
	s7 =	sshll.u32 @p0 s5, $0x11  }
0x22: {  	s6 =	sor.u32 @p0 s7, s6  }
0x23: {  	[sflag:s6] =	ssyncadd.remote.s32 @p0 $0x1;
	_ =	sdelay $0x1  }
0x24: {  	s6 =	simm.s32 @p0 $0x1B8D  }
0x25: {  	_ =	swait.eq @p0 [sflag:s6], $0x1  }
0x26: {  	[sflag:s6] =	ssyncadd.s32 @p0 $0xFFFFFFFF  }
0x27: {  	s7 =	sshll.u32 @!p0 s1, $0xE  }
0x28: {  	s7 =	sor.u32 @!p0 $0x4000, s7;
	s6 =	simm.s32 @!p0 $0x1B8D  }
0x29: {  	s5 =	sshll.u32 @!p0 s5, $0x11;
	s7 =	sadd.s32 @!p0 $0x11B8D, s7;
	_ =	swait.eq @!p0 [sflag:s6], $0x1  }
0x2a: {  	s5 =	sor.u32 @!p0 s5, s7;
	[sflag:s6] =	ssyncadd.s32 @!p0 $0xFFFFFFFF  }
0x2b: {  	s26 =	simm.s32 $0x1B8E;
	s25 =	sld [smem:$0x3FFE];
	[sflag:s5] =	ssyncadd.remote.s32 @!p0 $0x1  }
0x2c: {  	s27 =	simm.s32 $execute0_lowered;
	[smem:$0x3FD2] =	sst s26  }
0x2d: {  	s6 =	sshll.u32 s27, $0x1;
	_ =	strace $0x80000049;
	[dreg:$0x1] =	wrdreg $0xFFFFFFFF  }
0x2e: {  	s28 =	simm.s32 $_size_execute0_lowered;
	s4 =	sadd.s32 s4, s6;
	[dreg:$0x0] =	wrdreg $0x0  }
0x2f: {  	s6 =	sshll.u32 s28, $0x1;
	[dreg:$0x2] =	wrdreg s4  }
0x30: {  	[dreg:$0x3] =	wrdreg s6  }
0x31: {  	[dreg:$0x4] =	wrdreg $0xC0  }
0x32: {  	_ =	task [dreg:s23], $0x5FFFF  }
0x33: {  	[dreg:$0x1] =	wrdreg $0xFFFFFFFF  }
0x34: {  	[dreg:$0x0] =	wrdreg $0x60  }
0x35: {  	[dreg:$0x2] =	wrdreg s19  }
0x36: {  	[dreg:$0x3] =	wrdreg s25  }
0x37: {  	[dreg:$0x4] =	wrdreg $0xD  }
0x38: {  	_ =	task.clear_ibuf [dreg:s23], $0x5FFFF;
	_ =	strace $0x90000049  }
0x39: {  	s29 =	simm.s32 $0xD;
	_ =	strace $0x8000004B  }
0x3a: {  	_ =	swait.ge [sflag:s29], $0x1  }
0x3b: {  	[sflag:s29] =	ssyncadd.s32 $0xFFFFFFFF  }
0x3c: {  	_ =	strace $0x9000004B  }
0x3d: {  	_ =	sfence  }
0x3e: {  	s30 =	sld [smem:$0x0];
	_ =	sdelay $0x2  }
0x3f: {  	s31 =	sshll.u32 s1, $0xD;
	s1 =	sshrl.u32 s1, $0x2  }
0x40: {  	s4 =	sand.u32 $0x4000, s31;
	s1 =	sadd.s32 s1, s30  }
0x41: {  	s0 =	sor.u32 s4, s0;
	s1 =	sshll.u32 s1, $0x11  }
0x42: {  	s0 =	sor.u32 s1, s0  }
0x43: {  	s0 =	sadd.s32 $0x8F2B, s0  }
0x44: {  	[sflag:s0] =	ssyncadd.remote.s32 $0x1  }
0x45: {  	_ =	sfence.sel $0xFFFF  }
0x46: {  	[dreg:$0x0] =	wrdreg $0xFFFFFFFF;
	(pc) =	sbr.abs _section_cstart, $3  }
0x47: {  	[dreg:$0x1] =	wrdreg $0xFFFFFFFF  }
0x48: {  	_ =	task.clear_ibuf [dreg:s23], $0x2FFFF;
	_ =	strace $0x9FFFFFFF  }
0x49: {  	(tm) =	ssettm $0x7FFFFFFF  }
tec
execute0_lowered:
.L_overlay_start_1:
0x0: {  	(tag) =	ssettag $0x1  }
0x1: {  	s2 =	rddreg [dreg:$0x0]  }
0x2: {  	s1 =	rddreg [dreg:$0x1]  }
0x3: {  	s0 =	rddreg [dreg:$0x2];
	_ =	strace $0x8000004A;
	s4 =	srdreg.scid  }
0x4: {  	s6 =	simm.s32 $0x2;
	s11 =	simm.s32 $0x0;
	p0 =	por $0x0, $0x0  }
.Ltmp0:
0x5: {  	s7 =	simm.s32 $0x80;
	s12 =	simm.s32 $0x0;
	(pc) =	sbr.rel .LBB1_1-.Ltmp0, $4  }
0x6: {  	s9 =	simm.s32 $0x0;
	s3 =	sadd.s32 $0x100C000, s1;
	s5 =	sshll.u32 s4, $0x4  }
0x7: {  	s1 =	stileid.u32;
	s4 =	simm.s32 $0x1;
	s5 =	sand.u32 $0x10, s5  }
0x8: {  	s8 =	simm.s32 $0x0;
	[sflag:s4] =	ssyncpa.u1 $0x0;
	s5 =	sor.u32 s1, s5  }
0x9: {  	[sflag:s6] =	ssyncpa.u1 $0x0;
	s6 =	simm.s32 $0x10;
	s10 =	smov.u32 s5  }
.LBB1_7:
0xa: {  	s13 =	sadd.s32 $0x1, s9  }
0xb: {  	s11 =	sadd.s32 $0x20, s10;
	s15 =	smov.u32 s10;
	p2 =	sgt.s32 s13, $0x1F  }
0xc: {  	p1 =	slt.u32 s8, $0x2;
	s15 =	smov.u32 @p2 s11  }
0xd: {  	s8 =	sadd.s32 $0x1, s8;
	s13 =	simm.s32 @p2 $0x0;
	p2 =	sgt.s32 s15, $0x1F  }
0xe: {  	s15 =	smov.u32 @p2 s5;
	p2 =	sne.s32 s8, $0x22  }
.Ltmp1:
0xf: {  	_ = 	snop;
	(pc) =	sbr.rel @!p2 .LBB1_8-.Ltmp1, $4  }
0x10: {  	s14 =	simm.s32 @!p1 $0x2  }
0x11: {  	s12 =	smov.u32 s10;
	_ =	swait.ge @!p1 [sflag:s14], $0x4000  }
0x12: {  	p0 =	por !p0, !p0;
	s11 =	smov.u32 s9;
	[sflag:s14] =	ssyncset.done @!p1 $0x0  }
0x13: {  	s9 =	smov.u32 s13;
	[sflag:s14] =	ssyncadd.s32 @!p1 $0xFFFFC000;
	s10 =	smov.u32 s15  }
.LBB1_1:
0x14: {  	p1 =	sgt.u32 s8, $0x1F  }
0x15: {  	s13 =	sxor.u32 @!p1 $0xFFFFFFFF, s8;
	s14 =	sshll.u32 @!p1 s10, $0x12;
	s15 =	sshll.u32 @!p1 s9, $0xD  }
0x16: {  	s16 =	simm.s32 @!p1 $0x80;
	s13 =	sshll.u32 @!p1 s13, $0xE;
	s14 =	sadd.s32 @!p1 s2, s14  }
0x17: {  	s13 =	sand.u32 @!p1 $0x4000, s13;
	s14 =	sadd.s32 @!p1 s15, s14;
	s15 =	simm.s32 @!p1 $0x20  }
0x18: {  	[tilespmem:s13], [sflag:$0x1] =	stream.strided.gather @!p1 [hbm4b:s14+s15], $0x4000, s16, s15, $0x38;
	[tilespmem:$0x10800] =	vst v63  }
0x19: {  	p1 =	seq.s32 s8, $0x0  }
0x1a: {  	p2 =	seq.s32 @!p1 s8, $0x21  }
0x1b: {  	p1 =	por p1, p2  }
.Ltmp2:
0x1c: {  	_ = 	snop;
	(pc) =	sbr.rel @p1 .LBB1_7-.Ltmp2, $1  }
0x1d: {  	_ =	sdelay $0x3  }
0x1e: {  	s14 =	simm.s32 $0x1;
	s15 =	sand.u32 $0x1, s8  }
0x1f: {  	_ =	swait.ge [sflag:s4], $0x4000;
	s14 =	simm.s32 @!p0 $0x0;
	s16 =	smul.u32 $0x11000, s15  }
0x20: {  	[sflag:s4] =	ssyncset.done $0x0;
	s13 =	smul.u32 $0x11000, s14  }
0x21: {  	s14 =	sshll.u32 s14, $0xE;
	[sflag:s4] =	ssyncadd.s32 $0xFFFFC000  }
0x22: {  	s15 =	sor.u32 $0x10, s14;
	s31 =	sshrl.u32 s16, $0x2;
	s13 =	sshrl.u32 s13, $0x2  }
0x23: {  	s16 =	simm.s32 $0x0;
	s14 =	sor.u32 $0x8000, s31;
	s13 =	sor.u32 $0x8000, s13  }
.LBB1_3:
0x24: {  	v1 =	vld [tilespmem:s15+$0x0]  }
0x25: {  	v0 =	vld [tilespmem:s15+$0xFFFFFFF0];
	_ =	sdelay $0x2  }
0x26: {  	s19 =	sadd.s32 $0x0, s13  }
0x27: {  	s17 =	simm.s32 $0x4;
	s18 =	sadd.s32 $0x20, s15;
	[tilespmem:s19+$0x110 ss:$0x11] =	vst.msk $0xffff, v1  }
.LBB1_4:
0x28: {  	v1 =	vld [tilespmem:s18+$0x0];
	p1 =	sne.s32 s17, $0x3C;
	[tilespmem:s19+$0x0 ss:$0x11] =	vst.msk $0xffff, v0;
	s19 =	smov.u32 s17;
	s17 =	sadd.s32 $0x4, s17  }
.Ltmp3:
0x29: {  	v0 =	vld [tilespmem:s18+$0xFFFFFFF0];
	(pc) =	sbr.rel @p1 .LBB1_4-.Ltmp3, $4  }
0x2a: {  	_ = 	snop  }
0x2b: {  	s19 =	sshra.s32 s19, $0x2  }
0x2c: {  	s19 =	sadd.s32 s19, s13  }
0x2d: {  	s18 =	sadd.s32 $0x20, s18;
	[tilespmem:s19+$0x110 ss:$0x11] =	vst.msk $0xffff, v1  }
0x2e: {  	s16 =	sadd.s32 $0x1, s16  }
0x2f: {  	p1 =	sne.s32 s16, $0x20  }
.Ltmp4:
0x30: {  	_ = 	snop;
	(pc) =	sbr.rel @p1 .LBB1_3-.Ltmp4, $2  }
0x31: {  	_ =	sdelay $0x2  }
0x32: {  	[tilespmem:s19+$0x0 ss:$0x11] =	vst.msk $0xffff, v0;
	s13 =	sadd.s32 $0x220, s13;
	s15 =	sadd.s32 $0x200, s15  }
.Ltmp5:
0x33: {  	(pc) =	sbr.rel .LBB1_7-.Ltmp5, $4  }
0x34: {  	s12 =	sshll.u32 s12, $0x13  }
0x35: {  	s11 =	sshll.u32 s11, $0xE;
	s12 =	sadd.s32 s3, s12  }
0x36: {  	s11 =	sadd.s32 s11, s12  }
0x37: {  	[hbm4b:s11+s6] =	stream.strided.scatter [tilespmem:s14], [sflag:$0x2], $0x4000, s7, s6, $0x8;
	[tilespmem:$0x10800] =	vst v63  }
.LBB1_8:
0x38: {  	_ =	sfence.sel $0x180000  }
0x39: {  	s2 =	simm.s32 $0x1;
	[bflag:$0x0] =	sbarrier.arrive $0xFFFF  }
0x3a: {  	s31 =	simm.s32 $0x2;
	[sflag:s2] =	ssyncpa.u1 $0x1  }
0x3b: {  	[sflag:s31] =	ssyncpa.u1 $0x1  }
0x3c: {  	p0 =	sne.s32 s1, $0x0;
	_ =	strace $0x9000004A  }
0x3d: {  	s0 =	sadd.s32 @!p0 $0x100000, s0;
	[bflag:$0x2] =	sbarrier.arrive $0xFFFF  }
0x3e: {  	[sflag:s0] =	ssyncadd.tile.s32 @!p0 $0x1;
	_ =	shalt  }
.Lfunc_end1:
_tile_overlayer_lowered:
.L_overlay_start_2:
0x3f: {  	(tag) =	ssettag $0x2  }
0x40: {  	s0 =	rddreg [dreg:$0x0];
	s2 =	stileid.u32  }
0x41: {  	s1 =	rddreg [dreg:$0x1];
	p0 =	sne.s32 s2, $0x0  }
0x42: {  	s3 =	rddreg [dreg:$0x2];
	[bflag:$0x3] =	sbarrier.arrive $0xFFFF;
	s2 =	simm.s32 @!p0 $0x1C01  }
0x43: {  	[timem:s3], [sflag:s2] =	dma.local @!p0 [hbm:s0], s1  }
0x44: {  	s0 =	simm.s32 @!p0 $0x1  }
0x45: {  	_ =	swait.ge @!p0 [sflag:s0], s1  }
0x46: {  	s1 =	ssub.s32 @!p0 $0x0, s1;
	[sflag:s0] =	ssyncset.done @!p0 $0x0  }
0x47: {  	[sflag:s0] =	ssyncadd.s32 @!p0 s1  }
0x48: {  	[bflag:$0x3] =	sbarrier.arrive $0xFFFF  }
0x49: {  	_ =	shalt  }

// kernel: sparse-core-data-format-call.6.cloned.1.call-start
scs
called_computation.6_lowered:
.L_overlay_start_0:
0x0: {  	s2 =	sld [smem:$0x3FD9]  }
0x1: {  	s3 =	sld [smem:$0x3FFE];
	_ =	sdelay $0x1  }
0x2: {  	s1 =	srdreg.scid  }
0x3: {  	s0 =	sand.u32 $0x1, s1  }
0x4: {  	s18 =	sshll.u32 s0, $0xA;
	s2 =	sadd.s32 s3, s2  }
0x5: {  	s2 =	sadd.s32 s2, s18  }
0x6: {  	[smem:$0x3F1B] =	sst s2  }
0x7: {  	_ = 	snop  }
0x8: {  	s2 =	sld [smem:$0x3F22];
	(tm) =	ssettm $0x1  }
0x9: {  	s19 =	sld [smem:$0x3FFB];
	_ =	sdelay $0x3  }
0xa: {  	_ =	strace s19  }
0xb: {  	s3 =	sld [smem:$0x3FFC];
	_ =	sdelay $0x3  }
0xc: {  	_ =	strace s3  }
0xd: {  	s3 =	sld [smem:$0x3FFD];
	_ =	sdelay $0x3  }
0xe: {  	_ =	strace s3  }
0xf: {  	_ =	strace $0x8FFFFFFF  }
0x10: {  	s20 =	sld [smem:$0x3FDB];
	_ =	sdelay $0x1  }
0x11: {  	s4 =	simm.s32 $_scs_section_size  }
0x12: {  	s5 =	simm.s32 $_size__tile_overlayer_lowered;
	s6 =	simm.s32 $_tile_overlayer_lowered  }
0x13: {  	s23 =	simm.s32 $0x1BFF;
	s22 =	sshll.u32 s6, $0x1;
	s3 =	sadd.s32 s4, s20  }
0x14: {  	s7 =	simm.s32 $0x0;
	s21 =	sshll.u32 s5, $0x1;
	s5 =	sadd.s32 s22, s3  }
0x15: {  	[timem:s7], [sflag:s23] =	dma.local [hbm:s5], s21  }
0x16: {  	_ =	swait.ge [sflag:s23], s21  }
0x17: {  	s4 =	ssub.s32 $0x0, s21;
	[sflag:s23] =	ssyncset.done $0x0  }
0x18: {  	[sflag:s23] =	ssyncadd.s32 s4;
	_ =	sdelay $0x1  }
0x19: {  	s24 =	simm.s32 $0x1B8B  }
0x1a: {  	_ =	swait.ge [sflag:s24], $0x1  }
0x1b: {  	[sflag:s24] =	ssyncset.done $0x0  }
0x1c: {  	s26 =	simm.s32 $0x1B8E;
	s25 =	sld [smem:$0x3FFE];
	[sflag:s24] =	ssyncadd.s32 $0xFFFFFFFF  }
0x1d: {  	s27 =	simm.s32 $execute0_lowered;
	[smem:$0x3FD2] =	sst s26  }
0x1e: {  	s5 =	sshll.u32 s27, $0x1;
	_ =	strace $0x80000046;
	[dreg:$0x1] =	wrdreg $0xFFFFFFFF  }
0x1f: {  	s28 =	simm.s32 $_size_execute0_lowered;
	s3 =	sadd.s32 s3, s5;
	[dreg:$0x0] =	wrdreg $0x0  }
0x20: {  	s5 =	sshll.u32 s28, $0x1;
	[dreg:$0x2] =	wrdreg s3  }
0x21: {  	[dreg:$0x3] =	wrdreg s5  }
0x22: {  	[dreg:$0x4] =	wrdreg $0xC0  }
0x23: {  	_ =	task [dreg:s7], $0x5FFFF  }
0x24: {  	[dreg:$0x1] =	wrdreg $0xFFFFFFFF  }
0x25: {  	[dreg:$0x0] =	wrdreg $0x60  }
0x26: {  	[dreg:$0x2] =	wrdreg s2  }
0x27: {  	[dreg:$0x3] =	wrdreg s25  }
0x28: {  	[dreg:$0x4] =	wrdreg $0xE  }
0x29: {  	_ =	task.clear_ibuf [dreg:s7], $0x5FFFF;
	_ =	strace $0x90000046  }
0x2a: {  	s29 =	simm.s32 $0xE;
	_ =	strace $0x80000048  }
0x2b: {  	_ =	swait.ge [sflag:s29], $0x1  }
0x2c: {  	[sflag:s29] =	ssyncadd.s32 $0xFFFFFFFF  }
0x2d: {  	_ =	strace $0x90000048  }
0x2e: {  	_ =	sfence  }
0x2f: {  	s30 =	sld [smem:$0x0];
	_ =	sdelay $0x2  }
0x30: {  	s31 =	sshll.u32 s1, $0xD;
	s1 =	sshrl.u32 s1, $0x2  }
0x31: {  	s3 =	sand.u32 $0x4000, s31;
	s1 =	sadd.s32 s1, s30  }
0x32: {  	s0 =	sor.u32 s3, s0;
	s1 =	sshll.u32 s1, $0x11  }
0x33: {  	s0 =	sor.u32 s1, s0  }
0x34: {  	s0 =	sadd.s32 $0x8F2B, s0  }
0x35: {  	[sflag:s0] =	ssyncadd.remote.s32 $0x1  }
0x36: {  	_ =	sfence.sel $0xFFFF  }
0x37: {  	[dreg:$0x0] =	wrdreg $0xFFFFFFFF;
	(pc) =	sbr.abs _section_cstart, $3  }
0x38: {  	[dreg:$0x1] =	wrdreg $0xFFFFFFFF  }
0x39: {  	_ =	task.clear_ibuf [dreg:s7], $0x2FFFF;
	_ =	strace $0x9FFFFFFF  }
0x3a: {  	(tm) =	ssettm $0x7FFFFFFF  }
0x3b: {  	_ =	shalt  }
tec
execute0_lowered:
.L_overlay_start_1:
0x0: {  	(tag) =	ssettag $0x1  }
0x1: {  	s2 =	rddreg [dreg:$0x0]  }
0x2: {  	s1 =	rddreg [dreg:$0x1]  }
0x3: {  	s0 =	rddreg [dreg:$0x2];
	_ =	strace $0x80000047;
	s4 =	srdreg.scid  }
0x4: {  	s6 =	simm.s32 $0x2;
	s11 =	simm.s32 $0x0;
	p0 =	por $0x0, $0x0  }
.Ltmp0:
0x5: {  	s7 =	simm.s32 $0x80;
	s12 =	simm.s32 $0x0;
	(pc) =	sbr.rel .LBB1_1-.Ltmp0, $4  }
0x6: {  	s9 =	simm.s32 $0x0;
	s3 =	sadd.s32 $0xC000, s1;
	s5 =	sshll.u32 s4, $0x4  }
0x7: {  	s1 =	stileid.u32;
	s4 =	simm.s32 $0x1;
	s5 =	sand.u32 $0x10, s5  }
0x8: {  	s8 =	simm.s32 $0x0;
	[sflag:s4] =	ssyncpa.u1 $0x0;
	s5 =	sor.u32 s1, s5  }
0x9: {  	[sflag:s6] =	ssyncpa.u1 $0x0;
	s6 =	simm.s32 $0x10;
	s10 =	smov.u32 s5  }
.LBB1_7:
0xa: {  	s13 =	sadd.s32 $0x1, s9  }
0xb: {  	s11 =	sadd.s32 $0x20, s10;
	s15 =	smov.u32 s10;
	p2 =	sgt.s32 s13, $0x1F  }
0xc: {  	p1 =	slt.u32 s8, $0x2;
	s15 =	smov.u32 @p2 s11  }
0xd: {  	s8 =	sadd.s32 $0x1, s8;
	s13 =	simm.s32 @p2 $0x0;
	p2 =	sgt.s32 s15, $0x1F  }
0xe: {  	s15 =	smov.u32 @p2 s5;
	p2 =	sne.s32 s8, $0x22  }
.Ltmp1:
0xf: {  	_ = 	snop;
	(pc) =	sbr.rel @!p2 .LBB1_8-.Ltmp1, $4  }
0x10: {  	s14 =	simm.s32 @!p1 $0x2  }
0x11: {  	s12 =	smov.u32 s10;
	_ =	swait.ge @!p1 [sflag:s14], $0x4000  }
0x12: {  	p0 =	por !p0, !p0;
	s11 =	smov.u32 s9;
	[sflag:s14] =	ssyncset.done @!p1 $0x0  }
0x13: {  	s9 =	smov.u32 s13;
	[sflag:s14] =	ssyncadd.s32 @!p1 $0xFFFFC000;
	s10 =	smov.u32 s15  }
.LBB1_1:
0x14: {  	p1 =	sgt.u32 s8, $0x1F  }
0x15: {  	s13 =	sxor.u32 @!p1 $0xFFFFFFFF, s8;
	s14 =	sshll.u32 @!p1 s10, $0x12;
	s15 =	sshll.u32 @!p1 s9, $0xD  }
0x16: {  	s16 =	simm.s32 @!p1 $0x80;
	s13 =	sshll.u32 @!p1 s13, $0xE;
	s14 =	sadd.s32 @!p1 s2, s14  }
0x17: {  	s13 =	sand.u32 @!p1 $0x4000, s13;
	s14 =	sadd.s32 @!p1 s15, s14;
	s15 =	simm.s32 @!p1 $0x20  }
0x18: {  	[tilespmem:s13], [sflag:$0x1] =	stream.strided.gather @!p1 [hbm4b:s14+s15], $0x4000, s16, s15, $0x38;
	[tilespmem:$0x10800] =	vst v63  }
0x19: {  	p1 =	seq.s32 s8, $0x0  }
0x1a: {  	p2 =	seq.s32 @!p1 s8, $0x21  }
0x1b: {  	p1 =	por p1, p2  }
.Ltmp2:
0x1c: {  	_ = 	snop;
	(pc) =	sbr.rel @p1 .LBB1_7-.Ltmp2, $1  }
0x1d: {  	_ =	sdelay $0x3  }
0x1e: {  	s14 =	simm.s32 $0x1;
	s15 =	sand.u32 $0x1, s8  }
0x1f: {  	_ =	swait.ge [sflag:s4], $0x4000;
	s14 =	simm.s32 @!p0 $0x0;
	s16 =	smul.u32 $0x11000, s15  }
0x20: {  	[sflag:s4] =	ssyncset.done $0x0;
	s13 =	smul.u32 $0x11000, s14  }
0x21: {  	s14 =	sshll.u32 s14, $0xE;
	[sflag:s4] =	ssyncadd.s32 $0xFFFFC000  }
0x22: {  	s15 =	sor.u32 $0x10, s14;
	s31 =	sshrl.u32 s16, $0x2;
	s13 =	sshrl.u32 s13, $0x2  }
0x23: {  	s16 =	simm.s32 $0x0;
	s14 =	sor.u32 $0x8000, s31;
	s13 =	sor.u32 $0x8000, s13  }
.LBB1_3:
0x24: {  	v1 =	vld [tilespmem:s15+$0x0]  }
0x25: {  	v0 =	vld [tilespmem:s15+$0xFFFFFFF0];
	_ =	sdelay $0x2  }
0x26: {  	s19 =	sadd.s32 $0x0, s13  }
0x27: {  	s17 =	simm.s32 $0x4;
	s18 =	sadd.s32 $0x20, s15;
	[tilespmem:s19+$0x110 ss:$0x11] =	vst.msk $0xffff, v1  }
.LBB1_4:
0x28: {  	v1 =	vld [tilespmem:s18+$0x0];
	p1 =	sne.s32 s17, $0x3C;
	[tilespmem:s19+$0x0 ss:$0x11] =	vst.msk $0xffff, v0;
	s19 =	smov.u32 s17;
	s17 =	sadd.s32 $0x4, s17  }
.Ltmp3:
0x29: {  	v0 =	vld [tilespmem:s18+$0xFFFFFFF0];
	(pc) =	sbr.rel @p1 .LBB1_4-.Ltmp3, $4  }
0x2a: {  	_ = 	snop  }
0x2b: {  	s19 =	sshra.s32 s19, $0x2  }
0x2c: {  	s19 =	sadd.s32 s19, s13  }
0x2d: {  	s18 =	sadd.s32 $0x20, s18;
	[tilespmem:s19+$0x110 ss:$0x11] =	vst.msk $0xffff, v1  }
0x2e: {  	s16 =	sadd.s32 $0x1, s16  }
0x2f: {  	p1 =	sne.s32 s16, $0x20  }
.Ltmp4:
0x30: {  	_ = 	snop;
	(pc) =	sbr.rel @p1 .LBB1_3-.Ltmp4, $2  }
0x31: {  	_ =	sdelay $0x2  }
0x32: {  	[tilespmem:s19+$0x0 ss:$0x11] =	vst.msk $0xffff, v0;
	s13 =	sadd.s32 $0x220, s13;
	s15 =	sadd.s32 $0x200, s15  }
.Ltmp5:
0x33: {  	(pc) =	sbr.rel .LBB1_7-.Ltmp5, $4  }
0x34: {  	s12 =	sshll.u32 s12, $0x13  }
0x35: {  	s11 =	sshll.u32 s11, $0xE;
	s12 =	sadd.s32 s3, s12  }
0x36: {  	s11 =	sadd.s32 s11, s12  }
0x37: {  	[hbm4b:s11+s6] =	stream.strided.scatter [tilespmem:s14], [sflag:$0x2], $0x4000, s7, s6, $0x8;
	[tilespmem:$0x10800] =	vst v63  }
.LBB1_8:
0x38: {  	_ =	sfence.sel $0x180000  }
0x39: {  	s2 =	simm.s32 $0x1;
	[bflag:$0x0] =	sbarrier.arrive $0xFFFF  }
0x3a: {  	s31 =	simm.s32 $0x2;
	[sflag:s2] =	ssyncpa.u1 $0x1  }
0x3b: {  	[sflag:s31] =	ssyncpa.u1 $0x1  }
0x3c: {  	p0 =	sne.s32 s1, $0x0;
	_ =	strace $0x90000047  }
0x3d: {  	s0 =	sadd.s32 @!p0 $0x100000, s0;
	[bflag:$0x2] =	sbarrier.arrive $0xFFFF  }
0x3e: {  	[sflag:s0] =	ssyncadd.tile.s32 @!p0 $0x1;
	_ =	shalt  }
.Lfunc_end1:
_tile_overlayer_lowered:
.L_overlay_start_2:
0x3f: {  	(tag) =	ssettag $0x2  }
0x40: {  	s0 =	rddreg [dreg:$0x0];
	s2 =	stileid.u32  }
0x41: {  	s1 =	rddreg [dreg:$0x1];
	p0 =	sne.s32 s2, $0x0  }
0x42: {  	s3 =	rddreg [dreg:$0x2];
	[bflag:$0x3] =	sbarrier.arrive $0xFFFF;
	s2 =	simm.s32 @!p0 $0x1C01  }
0x43: {  	[timem:s3], [sflag:s2] =	dma.local @!p0 [hbm:s0], s1  }
0x44: {  	s0 =	simm.s32 @!p0 $0x1  }
0x45: {  	_ =	swait.ge @!p0 [sflag:s0], s1  }
0x46: {  	s1 =	ssub.s32 @!p0 $0x0, s1;
	[sflag:s0] =	ssyncset.done @!p0 $0x0  }
0x47: {  	[sflag:s0] =	ssyncadd.s32 @!p0 s1  }
0x48: {  	[bflag:$0x3] =	sbarrier.arrive $0xFFFF  }
0x49: {  	_ =	shalt  }

// kernel: sparse-core-data-format-call.cloned.1.call-start
scs
called_computation_lowered:
.L_overlay_start_0:
0x0: {  	s1 =	sld [smem:$0x3FD9]  }
0x1: {  	s2 =	sld [smem:$0x3FFE];
	_ =	sdelay $0x1  }
0x2: {  	s3 =	srdreg.scid  }
0x3: {  	s0 =	sand.u32 $0x1, s3  }
0x4: {  	s17 =	sshll.u32 s0, $0xA;
	s1 =	sadd.s32 s2, s1  }
0x5: {  	s1 =	sadd.s32 s1, s17  }
0x6: {  	[smem:$0x3F1B] =	sst s1  }
0x7: {  	_ = 	snop  }
0x8: {  	(tm) =	ssettm $0x1  }
0x9: {  	s18 =	sld [smem:$0x3FFB];
	_ =	sdelay $0x3  }
0xa: {  	_ =	strace s18  }
0xb: {  	s1 =	sld [smem:$0x3FFC];
	_ =	sdelay $0x3  }
0xc: {  	_ =	strace s1  }
0xd: {  	s1 =	sld [smem:$0x3FFD];
	_ =	sdelay $0x3  }
0xe: {  	_ =	strace s1  }
0xf: {  	_ =	strace $0x8FFFFFFF  }
0x10: {  	s19 =	sld [smem:$0x3FDB];
	_ =	sdelay $0x1  }
0x11: {  	s20 =	simm.s32 $_scs_section_size  }
0x12: {  	s4 =	simm.s32 $_size__tile_overlayer_lowered;
	s5 =	simm.s32 $_tile_overlayer_lowered  }
0x13: {  	s23 =	simm.s32 $0x1BFF;
	s22 =	sshll.u32 s5, $0x1;
	s1 =	sadd.s32 s20, s19  }
0x14: {  	s6 =	simm.s32 $0x0;
	s21 =	sshll.u32 s4, $0x1;
	s4 =	sadd.s32 s22, s1  }
0x15: {  	[timem:s6], [sflag:s23] =	dma.local [hbm:s4], s21  }
0x16: {  	_ =	swait.ge [sflag:s23], s21  }
0x17: {  	s2 =	ssub.s32 $0x0, s21;
	[sflag:s23] =	ssyncset.done $0x0  }
0x18: {  	[sflag:s23] =	ssyncadd.s32 s2;
	_ =	sdelay $0x1  }
0x19: {  	s24 =	simm.s32 $0x1B8B  }
0x1a: {  	_ =	swait.ge [sflag:s24], $0x1  }
0x1b: {  	[sflag:s24] =	ssyncset.done $0x0  }
0x1c: {  	s26 =	simm.s32 $0x1B8E;
	s25 =	sld [smem:$0x3FFE];
	[sflag:s24] =	ssyncadd.s32 $0xFFFFFFFF  }
0x1d: {  	s27 =	simm.s32 $execute0_lowered;
	[smem:$0x3FD2] =	sst s26  }
0x1e: {  	s4 =	sshll.u32 s27, $0x1;
	_ =	strace $0x8000005B;
	[dreg:$0x1] =	wrdreg $0xFFFFFFFF  }
0x1f: {  	s28 =	simm.s32 $_size_execute0_lowered;
	s1 =	sadd.s32 s1, s4;
	[dreg:$0x0] =	wrdreg $0x0  }
0x20: {  	s4 =	sshll.u32 s28, $0x1;
	[dreg:$0x2] =	wrdreg s1  }
0x21: {  	[dreg:$0x3] =	wrdreg s4  }
0x22: {  	[dreg:$0x4] =	wrdreg $0xC0  }
0x23: {  	_ =	task [dreg:s6], $0x5FFFF  }
0x24: {  	[dreg:$0x1] =	wrdreg $0xFFFFFFFF  }
0x25: {  	[dreg:$0x0] =	wrdreg $0x60  }
0x26: {  	[dreg:$0x2] =	wrdreg s25  }
0x27: {  	[dreg:$0x3] =	wrdreg $0x9  }
0x28: {  	_ =	task.clear_ibuf [dreg:s6], $0x4FFFF;
	_ =	strace $0x9000005B  }
0x29: {  	s29 =	simm.s32 $0x9;
	_ =	strace $0x8000005D  }
0x2a: {  	_ =	swait.ge [sflag:s29], $0x1  }
0x2b: {  	[sflag:s29] =	ssyncadd.s32 $0xFFFFFFFF  }
0x2c: {  	_ =	strace $0x9000005D  }
0x2d: {  	_ =	sfence  }
0x2e: {  	s30 =	sld [smem:$0x0];
	_ =	sdelay $0x2  }
0x2f: {  	s31 =	sshll.u32 s3, $0xD;
	s3 =	sshrl.u32 s3, $0x2  }
0x30: {  	s2 =	sand.u32 $0x4000, s31;
	s1 =	sadd.s32 s3, s30  }
0x31: {  	s0 =	sor.u32 s2, s0;
	s1 =	sshll.u32 s1, $0x11  }
0x32: {  	s0 =	sor.u32 s1, s0  }
0x33: {  	s0 =	sadd.s32 $0x8F2B, s0  }
0x34: {  	[sflag:s0] =	ssyncadd.remote.s32 $0x1  }
0x35: {  	_ =	sfence.sel $0xFFFF  }
0x36: {  	[dreg:$0x0] =	wrdreg $0xFFFFFFFF;
	(pc) =	sbr.abs _section_cstart, $3  }
0x37: {  	[dreg:$0x1] =	wrdreg $0xFFFFFFFF  }
0x38: {  	_ =	task.clear_ibuf [dreg:s6], $0x2FFFF;
	_ =	strace $0x9FFFFFFF  }
0x39: {  	(tm) =	ssettm $0x7FFFFFFF  }
tec
execute0_lowered:
.L_overlay_start_1:
0x0: {  	(tag) =	ssettag $0x1  }
0x1: {  	s0 =	srdreg.scid  }
0x2: {  	s1 =	sshll.u32 s0, $0x4  }
0x3: {  	s0 =	stileid.u32;
	s1 =	sand.u32 $0x10, s1  }
0x4: {  	s7 =	rddreg [dreg:$0x0];
	s1 =	sor.u32 s0, s1  }
0x5: {  	s4 =	simm.s32 $0x1;
	s8 =	simm.s32 $0x2;
	s2 =	sshll.u32 s1, $0x7  }
0x6: {  	s13 =	simm.s32 $0x0;
	s9 =	simm.s32 $0x100000;
	s3 =	ssub.s32 $0x20000, s2  }
0x7: {  	s14 =	simm.s32 $0x0;
	s11 =	simm.s32 $0x0;
	s31 =	sand.u32 $0xF80, s3  }
0x8: {  	s12 =	simm.s32 $0x0;
	s6 =	sadd.s32 $0xC000, s7;
	p0 =	sne.s32 s31, $0x0  }
.Ltmp0:
0x9: {  	s3 =	sshrl.u32 s3, $0xC;
	s4 =	simm.s32 @!p0 $0x0;
	(pc) =	sbr.rel .LBB1_1-.Ltmp0, $4  }
0xa: {  	s1 =	rddreg [dreg:$0x1];
	_ =	strace $0x8000005C;
	s5 =	sadd.s32 s4, s3  }
0xb: {  	s10 =	smov.u32 s2;
	s4 =	simm.s32 $0x1;
	s5 =	smul.u32 $0x3, s5  }
0xc: {  	p0 =	por $0x0, $0x0;
	s3 =	sadd.s32 $0xB8F600, s7;
	[sflag:s4] =	ssyncpa.u1 $0x0  }
0xd: {  	s7 =	sadd.s32 $0xD8F600, s7;
	[sflag:s8] =	ssyncpa.u1 $0x0;
	s8 =	sadd.s32 $0x1, s5  }
.LBB1_7:
0xe: {  	s15 =	sadd.s32 $0x1000, s10  }
0xf: {  	s13 =	sadd.s32 $0x2, s11;
	s17 =	smov.u32 s11;
	p2 =	sgt.s32 s15, $0x1FFFF  }
0x10: {  	s17 =	smov.u32 @p2 s13  }
0x11: {  	s15 =	smov.u32 @p2 s2;
	p2 =	sgt.s32 s17, $0x5  }
0x12: {  	s17 =	simm.s32 @p2 $0x0;
	p2 =	sne.s32 s12, s8  }
.Ltmp1:
0x13: {  	p1 =	slt.u32 s12, $0x2;
	(pc) =	sbr.rel @!p2 .LBB1_8-.Ltmp1, $4  }
0x14: {  	s16 =	simm.s32 @!p1 $0x2  }
0x15: {  	s14 =	smov.u32 s11;
	p0 =	por !p0, !p0;
	_ =	swait.ge @!p1 [sflag:s16], $0x1000  }
0x16: {  	s13 =	smov.u32 s10;
	[sflag:s16] =	ssyncset.done @!p1 $0x0;
	s10 =	smov.u32 s15  }
0x17: {  	s12 =	sadd.s32 $0x1, s12;
	[sflag:s16] =	ssyncadd.s32 @!p1 $0xFFFFF000;
	s11 =	smov.u32 s17  }
.LBB1_1:
0x18: {  	p1 =	sge.u32 s12, s5  }
0x19: {  	s15 =	sxor.u32 @!p1 $0xFFFFFFFF, s12;
	s16 =	sshll.u32 @!p1 s11, $0x15  }
0x1a: {  	s17 =	sshll.u32 @!p1 s10, $0x4;
	s19 =	simm.s32 @!p1 $0x10;
	s20 =	simm.s32 @!p1 $0x80  }
0x1b: {  	s15 =	sshll.u32 @!p1 s15, $0xC;
	s17 =	sand.u32 @!p1 $0x1FFFF0, s17;
	s18 =	sadd.s32 @!p1 s3, s16  }
0x1c: {  	s16 =	sadd.s32 @!p1 s16, s7;
	s15 =	sand.u32 @!p1 $0x1000, s15;
	s18 =	sadd.s32 @!p1 s17, s18  }
0x1d: {  	[tilespmem:s15], [sflag:$0x1] =	stream.strided.gather @!p1 [hbm4b:s18+s19], $0x800, s20, s19, $0x38;
	[tilespmem:$0x4040] =	vst v63  }
0x1e: {  	s31 =	sadd.s32 $0xFFFFFFFF, s12;
	s16 =	sadd.s32 @!p1 s17, s16;
	s15 =	sor.u32 @!p1 $0x800, s15  }
0x1f: {  	[tilespmem:s15], [sflag:$0x1] =	stream.strided.gather @!p1 [hbm4b:s16+s19], $0x800, s20, s19, $0x38;
	[tilespmem:$0x4040] =	vst v63  }
0x20: {  	p1 =	sge.u32 s31, s5  }
.Ltmp2:
0x21: {  	_ = 	snop;
	(pc) =	sbr.rel @p1 .LBB1_7-.Ltmp2, $1  }
0x22: {  	_ =	sdelay $0x3  }
0x23: {  	s15 =	simm.s32 $0x1;
	s17 =	sand.u32 $0x1, s12  }
0x24: {  	_ =	swait.ge [sflag:s4], $0x1000;
	s15 =	simm.s32 @!p0 $0x0;
	s17 =	smul.u32 $0x4080, s17  }
0x25: {  	p2 =	por $0x1, $0x1;
	[sflag:s4] =	ssyncset.done $0x0;
	s16 =	smul.u32 $0x4080, s15  }
0x26: {  	s18 =	sshll.u32 s15, $0xE;
	[sflag:s4] =	ssyncadd.s32 $0xFFFFF000;
	s30 =	sshrl.u32 s17, $0x2  }
0x27: {  	s31 =	sshrl.u32 s18, $0x2;
	s18 =	simm.s32 $0x0;
	s16 =	sshrl.u32 s16, $0x2  }
0x28: {  	s15 =	sor.u32 $0x2000, s30;
	s17 =	sadd.s32 $0x40, s31;
	s16 =	sadd.s32 $0x2007, s16  }
.LBB1_3:
0x29: {  	s19 =	sshll.u32 s18, $0xB  }
0x2a: {  	s19 =	sand.u32 $0x3FFFF800, s19  }
0x2b: {  	s20 =	sadd.s32 s19, s17  }
0x2c: {  	v3 =	vld [tilespmem:s20+$0x30]  }
0x2d: {  	s31 =	smul.u32 $0x2040, s18;
	v4 =	vld [tilespmem:s20+$0xFFFFFFD0]  }
0x2e: {  	v5 =	vld [tilespmem:s20+$0xFFFFFFE0]  }
0x2f: {  	s18 =	sshra.s32 s31, $0x2;
	v0 =	vld [tilespmem:s20+$0xFFFFFFF0]  }
0x30: {  	s18 =	sadd.s32 s18, s16;
	v1 =	vld [tilespmem:s20+$0x0]  }
0x31: {  	v2 =	vld [tilespmem:s20+$0x10];
	[tilespmem:s18+$0x0 ss:$0x81] =	vst.msk $0xffff, v3  }
0x32: {  	[tilespmem:s18+$0xFFFFFFFA ss:$0x81] =	vst.msk $0xffff, v4;
	v3 =	vld [tilespmem:s20+$0x20]  }
0x33: {  	p1 =	por p2, p2;
	s19 =	simm.s32 $0x0;
	v4 =	vld [tilespmem:s20+$0xFFFFFFC0];
	[tilespmem:s18+$0xFFFFFFFB ss:$0x81] =	vst.msk $0xffff, v5;
	s20 =	sadd.s32 $0x80, s20  }
.LBB1_4:
0x34: {  	v5 =	vld [tilespmem:s20+$0x30];
	s19 =	sadd.s32 $0x8, s19;
	[tilespmem:s18+$0xFFFFFFFC ss:$0x81] =	vst.msk $0xffff, v0  }
0x35: {  	v6 =	vld [tilespmem:s20+$0xFFFFFFD0];
	p2 =	slt.u32 s19, $0x78;
	[tilespmem:s18+$0xFFFFFFFD ss:$0x81] =	vst.msk $0xffff, v1  }
0x36: {  	v7 =	vld [tilespmem:s20+$0xFFFFFFE0];
	[tilespmem:s18+$0xFFFFFFFE ss:$0x81] =	vst.msk $0xffff, v2  }
.Ltmp3:
0x37: {  	v0 =	vld [tilespmem:s20+$0xFFFFFFF0];
	[tilespmem:s18+$0xFFFFFFFF ss:$0x81] =	vst.msk $0xffff, v3;
	(pc) =	sbr.rel @p2 .LBB1_4-.Ltmp3, $4  }
0x38: {  	v1 =	vld [tilespmem:s20+$0x0];
	[tilespmem:s18+$0xFFFFFFF9 ss:$0x81] =	vst.msk $0xffff, v4;
	s18 =	sadd.s32 $0x8, s18  }
0x39: {  	v2 =	vld [tilespmem:s20+$0x10];
	[tilespmem:s18+$0x0 ss:$0x81] =	vst.msk $0xffff, v5  }
0x3a: {  	[tilespmem:s18+$0xFFFFFFFA ss:$0x81] =	vst.msk $0xffff, v6;
	v3 =	vld [tilespmem:s20+$0x20]  }
0x3b: {  	v4 =	vld [tilespmem:s20+$0xFFFFFFC0];
	[tilespmem:s18+$0xFFFFFFFB ss:$0x81] =	vst.msk $0xffff, v7;
	s20 =	sadd.s32 $0x80, s20  }
.Ltmp4:
0x3c: {  	[tilespmem:s18+$0xFFFFFFFC ss:$0x81] =	vst.msk $0xffff, v0;
	(pc) =	sbr.rel @p1 .LBB1_3-.Ltmp4, $4  }
0x3d: {  	[tilespmem:s18+$0xFFFFFFFD ss:$0x81] =	vst.msk $0xffff, v1  }
0x3e: {  	[tilespmem:s18+$0xFFFFFFFE ss:$0x81] =	vst.msk $0xffff, v2  }
0x3f: {  	[tilespmem:s18+$0xFFFFFFFF ss:$0x81] =	vst.msk $0xffff, v3  }
0x40: {  	p2 =	por $0x0, $0x0;
	[tilespmem:s18+$0xFFFFFFF9 ss:$0x81] =	vst.msk $0xffff, v4;
	s18 =	simm.s32 $0x1  }
0x41: {  	s16 =	sshll.u32 s13, $0x3;
	s17 =	sand.u32 $0x78, s13;
	s14 =	sshll.u32 s14, $0x12  }
.Ltmp5:
0x42: {  	s30 =	sand.u32 $0x3C000, s13;
	s16 =	sand.u32 $0x1FC00, s16;
	(pc) =	sbr.rel .LBB1_7-.Ltmp5, $4  }
0x43: {  	s31 =	sand.u32 $0x7, s13;
	s14 =	sadd.s32 s6, s14;
	s16 =	sor.u32 s17, s16  }
0x44: {  	s13 =	sshll.u32 s31, $0x12;
	s14 =	sadd.s32 s30, s14;
	s16 =	sshrl.u32 s16, $0x3  }
0x45: {  	s13 =	sor.u32 $0x400, s13;
	s14 =	sadd.s32 s16, s14  }
0x46: {  	[hbm4b:s14+s13] =	stream.strided.scatter [tilespmem:s15], [sflag:$0x2], $0x1000, s9, s13, $0x20;
	[tilespmem:$0x4040] =	vst v63  }
.LBB1_8:
0x47: {  	_ =	sfence.sel $0x180000  }
0x48: {  	s2 =	simm.s32 $0x1;
	[bflag:$0x0] =	sbarrier.arrive $0xFFFF  }
0x49: {  	s31 =	simm.s32 $0x2;
	[sflag:s2] =	ssyncpa.u1 $0x1  }
0x4a: {  	[sflag:s31] =	ssyncpa.u1 $0x1  }
0x4b: {  	p0 =	sne.s32 s0, $0x0;
	_ =	strace $0x9000005C  }
0x4c: {  	s0 =	sadd.s32 @!p0 $0x100000, s1;
	[bflag:$0x2] =	sbarrier.arrive $0xFFFF  }
0x4d: {  	[sflag:s0] =	ssyncadd.tile.s32 @!p0 $0x1;
	_ =	shalt  }
.Lfunc_end1:
_tile_overlayer_lowered:
.L_overlay_start_2:
0x4e: {  	(tag) =	ssettag $0x2  }
0x4f: {  	s0 =	rddreg [dreg:$0x0];
	s2 =	stileid.u32  }
0x50: {  	s1 =	rddreg [dreg:$0x1];
	p0 =	sne.s32 s2, $0x0  }
0x51: {  	s3 =	rddreg [dreg:$0x2];
	[bflag:$0x3] =	sbarrier.arrive $0xFFFF;
	s2 =	simm.s32 @!p0 $0x1C01  }
0x52: {  	[timem:s3], [sflag:s2] =	dma.local @!p0 [hbm:s0], s1  }
0x53: {  	s0 =	simm.s32 @!p0 $0x1  }
0x54: {  	_ =	swait.ge @!p0 [sflag:s0], s1  }
0x55: {  	s1 =	ssub.s32 @!p0 $0x0, s1;
	[sflag:s0] =	ssyncset.done @!p0 $0x0  }
0x56: {  	[sflag:s0] =	ssyncadd.s32 @!p0 s1  }
0x57: {  	[bflag:$0x3] =	sbarrier.arrive $0xFFFF  }
0x58: {  	_ =	shalt  }

</sc_bundles>
